<compile_context>
chip_gen: v7x
topology: tpu7x:2x2x1
jax: 0.10.2.dev20260603
libtpu: 0.0.44.dev20260713+nightly
codegen_flags: <defaults>
</compile_context>

<pallas_src>
import functools

import jax
import jax.numpy as jnp
from jax import lax
from jax.experimental import pallas as pl
from jax.experimental.pallas import tpu as pltpu
from jax.experimental.pallas import tpu_sc as plsc

_N = 10000
_E = 320000
_IN_CH = 128
_HID = 64
_NUM_LAYERS = 5
_NUM_GRAPHS = 64
_NCLS = 2
_BN_EPS = 1e-5

_NC = 2
_NS = 16
_NW = _NC * _NS

_C = 256
_CH = _HID // _NC
_TCH = 80
_NBUF = 4
_NGRP = _TCH // _NBUF
_PER_TILE = _C * _TCH
_EP = _NS * _PER_TILE
_PAD = _EP - _E
_NACC = 10112
_ZROWS = _NACC // _NS

_mesh = plsc.VectorSubcoreMesh(core_axis_name="c", subcore_axis_name="s")


@functools.partial(
    pl.kernel,
    mesh=_mesh,
    compiler_params=pltpu.CompilerParams(use_tc_tiling_on_sc=False),
    out_type=jax.ShapeDtypeStruct((_NACC, _HID), jnp.float32),
    scratch_types=[
        pltpu.VMEM((_TCH, _C), jnp.int32),
        pltpu.VMEM((_TCH, _C), jnp.int32),
        [pltpu.VMEM((_C, _CH), jnp.float32) for _ in range(_NBUF)],
        [pltpu.SemaphoreType.DMA for _ in range(_NBUF)],
        pltpu.VMEM_SHARED((_NACC, _CH), jnp.float32),
        pltpu.VMEM_SHARED((_NACC, _CH), jnp.float32),
    ],
)
def _edge_agg(q_hbm, src_hbm, dst_hbm, zeros_hbm, out_hbm,
              sidx, didx, rows, sems, acc, qsh):
    c = lax.axis_index("c")
    s = lax.axis_index("s")
    col = c * _CH
    pltpu.sync_copy(zeros_hbm.at[pl.ds(s * _ZROWS, _ZROWS)],
                    acc.at[pl.ds(s * _ZROWS, _ZROWS)])
    pltpu.sync_copy(q_hbm.at[pl.ds(s * _ZROWS, _ZROWS), pl.ds(col, _CH)],
                    qsh.at[pl.ds(s * _ZROWS, _ZROWS)])
    pltpu.sync_copy(src_hbm.at[s], sidx)
    pltpu.sync_copy(dst_hbm.at[s], didx)
    plsc.subcore_barrier()

    for b in range(_NBUF):
        pltpu.async_copy(qsh.at[sidx.at[b]], rows[b], sems[b])

    def group(g, carry):
        for b in range(_NBUF):
            j = g * _NBUF + b
            pltpu.make_async_copy(qsh.at[sidx.at[j]], rows[b], sems[b]).wait()
            pltpu.sync_copy(rows[b], acc.at[didx.at[j]], add=True)
            pltpu.async_copy(qsh.at[sidx.at[j + _NBUF]], rows[b], sems[b])
        return carry

    lax.fori_loop(0, _NGRP - 1, group, 0)
    for b in range(_NBUF):
        j = (_NGRP - 1) * _NBUF + b
        pltpu.make_async_copy(qsh.at[sidx.at[j]], rows[b], sems[b]).wait()
        pltpu.sync_copy(rows[b], acc.at[didx.at[j]], add=True)
    plsc.subcore_barrier()
    pltpu.sync_copy(acc.at[pl.ds(s * _ZROWS, _ZROWS)],
                    out_hbm.at[pl.ds(s * _ZROWS, _ZROWS), pl.ds(col, _CH)])


def _tc_pre_body(x_ref, w1_ref, lin0_ref, q_ref, nout_ref):
    x = x_ref[...]
    q_ref[0:_N, :] = jnp.dot(x, w1_ref[...], preferred_element_type=jnp.float32, precision=lax.Precision.HIGHEST)
    nout_ref[...] = jnp.dot(x, lin0_ref[...], preferred_element_type=jnp.float32, precision=lax.Precision.HIGHEST)


_tc_pre = pl.pallas_call(
    _tc_pre_body,
    out_shape=[
        jax.ShapeDtypeStruct((_NACC, _HID), jnp.float32),
        jax.ShapeDtypeStruct((_N, _NCLS), jnp.float32),
    ],
)


def _layer_core(q_ref, parts_ref, b1_ref, w2_ref, b2_ref, gamma_ref, beta_ref):
    z = q_ref[0:_N, :] + parts_ref[0:_N, :] + b1_ref[...]
    z = jnp.maximum(z, 0.0)
    z = jnp.dot(z, w2_ref[...], preferred_element_type=jnp.float32, precision=lax.Precision.HIGHEST) + b2_ref[...]
    mean = jnp.mean(z, axis=0, keepdims=True)
    zc = z - mean
    var = jnp.mean(zc * zc, axis=0, keepdims=True)
    h = zc * lax.rsqrt(var + _BN_EPS) * gamma_ref[...] + beta_ref[...]
    return jnp.maximum(h, 0.0)


def _tc_layer_body(q_ref, parts_ref, b1_ref, w2_ref, b2_ref, gamma_ref,
                   beta_ref, w1n_ref, lin_ref, nin_ref, qn_ref, nout_ref):
    h = _layer_core(q_ref, parts_ref, b1_ref, w2_ref, b2_ref, gamma_ref, beta_ref)
    qn_ref[0:_N, :] = jnp.dot(h, w1n_ref[...], preferred_element_type=jnp.float32, precision=lax.Precision.HIGHEST)
    nout_ref[...] = nin_ref[...] + jnp.dot(
        h, lin_ref[...], preferred_element_type=jnp.float32, precision=lax.Precision.HIGHEST)


_tc_layer = pl.pallas_call(
    _tc_layer_body,
    out_shape=[
        jax.ShapeDtypeStruct((_NACC, _HID), jnp.float32),
        jax.ShapeDtypeStruct((_N, _NCLS), jnp.float32),
    ],
)


def _tc_last_body(q_ref, parts_ref, b1_ref, w2_ref, b2_ref, gamma_ref,
                  beta_ref, lin_ref, nin_ref, batch_ref, linb_ref, out_ref):
    h = _layer_core(q_ref, parts_ref, b1_ref, w2_ref, b2_ref, gamma_ref, beta_ref)
    nout = nin_ref[...] + jnp.dot(h, lin_ref[...], preferred_element_type=jnp.float32, precision=lax.Precision.HIGHEST)
    gids = lax.broadcasted_iota(jnp.int32, (_NUM_GRAPHS, _N), 0)
    onehot = (batch_ref[...] == gids).astype(jnp.float32)
    out_ref[...] = jnp.dot(
        onehot, nout, preferred_element_type=jnp.float32, precision=lax.Precision.HIGHEST) + linb_ref[...]


_tc_last = pl.pallas_call(
    _tc_last_body,
    out_shape=jax.ShapeDtypeStruct((_NUM_GRAPHS, _NCLS), jnp.float32),
)


def kernel(x, edge_index, batch, params):
    layers = params["layers"]
    lin_w = params["lin_w"]
    lin_b = params["lin_b"]

    src = edge_index[0].astype(jnp.int32)
    dst = edge_index[1].astype(jnp.int32)
    src_p = jnp.concatenate(
        [src, jnp.zeros((_PAD,), jnp.int32)]).reshape(_NS, _TCH, _C)
    dst_p = jnp.concatenate(
        [dst, jnp.full((_PAD,), _N, jnp.int32)]).reshape(_NS, _TCH, _C)
    zeros_acc = jnp.zeros((_NACC, _CH), jnp.float32)
    batch2d = batch.astype(jnp.int32).reshape(1, _N)

    q, nout = _tc_pre(x, layers[0]["W1"], lin_w[0:_IN_CH])
    out = None
    for i in range(_NUM_LAYERS):
        p = layers[i]
        parts = _edge_agg(q, src_p, dst_p, zeros_acc)
        lin_sl = lax.slice(lin_w, (_IN_CH + i * _HID, 0),
                           (_IN_CH + (i + 1) * _HID, _NCLS))
        common = (p["b1"].reshape(1, -1), p["W2"], p["b2"].reshape(1, -1),
                  p["gamma"].reshape(1, -1), p["beta"].reshape(1, -1))
        if i < _NUM_LAYERS - 1:
            q, nout = _tc_layer(q, parts, *common, layers[i + 1]["W1"],
                                lin_sl, nout)
        else:
            out = _tc_last(q, parts, *common, lin_sl, nout, batch2d,
                           lin_b.reshape(1, -1))
    return out

# --- scband reference (transcript-rebuilt; emitter-appended) ---
"""Pipeline reference for scband-my-gnn-80960133529604 (READ-ONLY COPY).

The authoritative reference and input builder live on the scoring server;
editing this copy changes nothing except your own understanding.
"""

import jax, jax.numpy as jnp
import numpy as np

N = 10000
E = 320000
IN_CH = 128
HID = 64
NUM_LAYERS = 5
NUM_GRAPHS = 64
NUM_CLASSES = 2
BN_EPS = 1e-5


def _make_layer_params(key, in_dim, hid_dim):
    k1, k2 = jax.random.split(key)
    return {
        "W1": jax.random.normal(k1, (in_dim, hid_dim), dtype=jnp.float32) / np.sqrt(in_dim),
        "b1": jnp.zeros((hid_dim,), dtype=jnp.float32),
        "W2": jax.random.normal(k2, (hid_dim, hid_dim), dtype=jnp.float32) / np.sqrt(hid_dim),
        "b2": jnp.zeros((hid_dim,), dtype=jnp.float32),
        "gamma": jnp.ones((hid_dim,), dtype=jnp.float32),
        "beta": jnp.zeros((hid_dim,), dtype=jnp.float32),
    }


def setup_inputs(seed: int = 0) -> dict:
    key = jax.random.key(seed)
    ks = jax.random.split(key, NUM_LAYERS + 4)
    x = jax.random.normal(ks[0], (N, IN_CH), dtype=jnp.float32)
    edge_index = jax.random.randint(ks[1], (2, E), 0, N)
    batch = jnp.sort(jax.random.randint(ks[2], (N,), 0, NUM_GRAPHS))
    layers = []
    in_dim = IN_CH
    for li in range(NUM_LAYERS):
        layers.append(_make_layer_params(ks[3 + li], in_dim, HID))
        in_dim = HID
    lin_in = IN_CH + HID * NUM_LAYERS
    lin_w = jax.random.normal(ks[3 + NUM_LAYERS], (lin_in, NUM_CLASSES), dtype=jnp.float32) / np.sqrt(lin_in)
    lin_b = jnp.zeros((NUM_CLASSES,), dtype=jnp.float32)
    params = {"layers": layers, "lin_w": lin_w, "lin_b": lin_b}
    return {"x": x, "edge_index": edge_index, "batch": batch, "params": params}


def _gin_layer(h, edge_index, p):
    src = edge_index[0]
    dst = edge_index[1]
    # message passing: sum aggregation of neighbor features (gather + scatter-add)
    agg = jax.ops.segment_sum(h[src], dst, num_segments=h.shape[0])
    z = h + agg  # GINConv with eps = 0: (1 + eps) * x + sum_j x_j
    # GIN MLP: Linear -> ReLU -> Linear
    z = jax.nn.relu(z @ p["W1"] + p["b1"])
    z = z @ p["W2"] + p["b2"]
    # BatchNorm (training-mode batch statistics over nodes)
    mean = jnp.mean(z, axis=0)
    var = jnp.var(z, axis=0)
    z = (z - mean) / jnp.sqrt(var + BN_EPS) * p["gamma"] + p["beta"]
    # activation after norm (BasicGNN ordering)
    return jax.nn.relu(z)


def reference(x, edge_index, batch, params):
    h = x
    xs = []
    for p in params["layers"]:
        h = _gin_layer(h, edge_index, p)
        xs.append(h)
    # jumping knowledge 'cat'
    node_descriptors = jnp.concatenate(xs, axis=1)
    # graph readout via scatter_add over the batch vector
    graph_descriptors = jax.ops.segment_sum(node_descriptors, batch, num_segments=NUM_GRAPHS)
    first_graph_descriptor = jax.ops.segment_sum(x, batch, num_segments=NUM_GRAPHS)
    g = jnp.concatenate([first_graph_descriptor, graph_descriptors], axis=1)
    out = g @ params["lin_w"] + params["lin_b"]
    # final dropout is identity in eval mode
    return out

if __name__ == "__main__":
    import jax
    _d = setup_inputs()
    print(jax.jit(kernel)(*tuple(_d.values())))

</pallas_src>

<mosaic_0001>
#map = affine_map<(d0, d1) -> (0, 0)>
#map1 = affine_map<(d0, d1) -> (0, 0, 0)>
module attributes {stable_mosaic.version = 14 : i64} {
  func.func @_edge_agg(%arg0: i32, %arg1: i32, %arg2: memref<10112x64xf32, #tpu.memory_space<hbm>>, %arg3: memref<16x80x256xi32, #tpu.memory_space<hbm>>, %arg4: memref<16x80x256xi32, #tpu.memory_space<hbm>>, %arg5: memref<10112x32xf32, #tpu.memory_space<hbm>>, %arg6: memref<10112x64xf32, #tpu.memory_space<hbm>>, %arg7: memref<80x256xi32, #tpu.memory_space<vmem>>, %arg8: memref<80x256xi32, #tpu.memory_space<vmem>>, %arg9: memref<256x32xf32, #tpu.memory_space<vmem>>, %arg10: memref<256x32xf32, #tpu.memory_space<vmem>>, %arg11: memref<256x32xf32, #tpu.memory_space<vmem>>, %arg12: memref<256x32xf32, #tpu.memory_space<vmem>>, %arg13: memref<!tpu.dma_semaphore, #tpu.memory_space<semaphore_mem>>, %arg14: memref<!tpu.dma_semaphore, #tpu.memory_space<semaphore_mem>>, %arg15: memref<!tpu.dma_semaphore, #tpu.memory_space<semaphore_mem>>, %arg16: memref<!tpu.dma_semaphore, #tpu.memory_space<semaphore_mem>>, %arg17: memref<10112x32xf32, #tpu.memory_space<vmem_shared>>, %arg18: memref<10112x32xf32, #tpu.memory_space<vmem_shared>>) attributes {dimension_semantics = [#tpu.dimension_semantics<core_parallel>, #tpu.dimension_semantics<subcore_parallel>], iteration_bounds = array<i64: 2, 16>, scalar_prefetch = 0 : i64, scratch_operands = 12 : i64, tpu.core_type = #tpu.core_type<sc_vector_subcore>, window_params = [{transform_indices = #map}, {transform_indices = #map1}, {transform_indices = #map1}, {transform_indices = #map}, {transform_indices = #map}]} {
    %mul3A = arith.constant 32 : i32
    %mul3A_0 = arith.muli %arg0, %mul3A : i32
    %mul3A_1 = arith.constant 632 : i32
    %mul3A_2 = arith.muli %arg1, %mul3A_1 : i32
    %mul3A_3 = arith.constant 632 : i32
    %mul3A_4 = arith.muli %arg1, %mul3A_3 : i32
    "tpu.region"() ({
      %run_scoped3A_76 = tpu.sem_alloc : memref<!tpu.dma_semaphore, #tpu.memory_space<semaphore_mem>>
      %dma_start3A_77 = arith.constant 0 : i32
      %dma_start3A_78 = tpu.memref_slice %arg17[%mul3A_4, %dma_start3A_77] : memref<10112x32xf32, #tpu.memory_space<vmem_shared>> -> memref<632x32xf32, #tpu.memory_space<vmem_shared>>
      %dma_start3A_79 = arith.constant 0 : i32
      %dma_start3A_80 = tpu.memref_slice %arg5[%mul3A_2, %dma_start3A_79] : memref<10112x32xf32, #tpu.memory_space<hbm>> -> memref<632x32xf32, #tpu.memory_space<hbm>>
      tpu.enqueue_dma source(%dma_start3A_80 : memref<632x32xf32, #tpu.memory_space<hbm>>) target(%dma_start3A_78 : memref<632x32xf32, #tpu.memory_space<vmem_shared>>) target_semaphore(%run_scoped3A_76 : memref<!tpu.dma_semaphore, #tpu.memory_space<semaphore_mem>>)
      %dma_wait3A_81 = arith.constant 0 : i32
      %dma_wait3A_82 = tpu.memref_slice %arg17[%mul3A_4, %dma_wait3A_81] : memref<10112x32xf32, #tpu.memory_space<vmem_shared>> -> memref<632x32xf32, #tpu.memory_space<vmem_shared>>
      %dma_wait3A_83 = arith.constant 0 : i32
      %dma_wait3A_84 = tpu.memref_slice %arg5[%mul3A_2, %dma_wait3A_83] : memref<10112x32xf32, #tpu.memory_space<hbm>> -> memref<632x32xf32, #tpu.memory_space<hbm>>
      tpu.wait_dma2 semaphore(%run_scoped3A_76 : memref<!tpu.dma_semaphore, #tpu.memory_space<semaphore_mem>>) src(%dma_wait3A_84 : memref<632x32xf32, #tpu.memory_space<hbm>>) dst(%dma_wait3A_82 : memref<632x32xf32, #tpu.memory_space<vmem_shared>>)
      tpu.yield
    }) : () -> ()
    %mul3A_5 = arith.constant 632 : i32
    %mul3A_6 = arith.muli %arg1, %mul3A_5 : i32
    %mul3A_7 = arith.constant 632 : i32
    %mul3A_8 = arith.muli %arg1, %mul3A_7 : i32
    "tpu.region"() ({
      %run_scoped3A_76 = tpu.sem_alloc : memref<!tpu.dma_semaphore, #tpu.memory_space<semaphore_mem>>
      %dma_start3A_77 = arith.constant 0 : i32
      %dma_start3A_78 = tpu.memref_slice %arg18[%mul3A_8, %dma_start3A_77] : memref<10112x32xf32, #tpu.memory_space<vmem_shared>> -> memref<632x32xf32, #tpu.memory_space<vmem_shared>>
      %dma_start3A_79 = tpu.memref_slice %arg2[%mul3A_6, %mul3A_0] : memref<10112x64xf32, #tpu.memory_space<hbm>> -> memref<632x32xf32, #tpu.memory_space<hbm>>
      tpu.enqueue_dma source(%dma_start3A_79 : memref<632x32xf32, #tpu.memory_space<hbm>>) target(%dma_start3A_78 : memref<632x32xf32, #tpu.memory_space<vmem_shared>>) target_semaphore(%run_scoped3A_76 : memref<!tpu.dma_semaphore, #tpu.memory_space<semaphore_mem>>)
      %dma_wait3A_80 = arith.constant 0 : i32
      %dma_wait3A_81 = tpu.memref_slice %arg18[%mul3A_8, %dma_wait3A_80] : memref<10112x32xf32, #tpu.memory_space<vmem_shared>> -> memref<632x32xf32, #tpu.memory_space<vmem_shared>>
      %dma_wait3A_82 = tpu.memref_slice %arg2[%mul3A_6, %mul3A_0] : memref<10112x64xf32, #tpu.memory_space<hbm>> -> memref<632x32xf32, #tpu.memory_space<hbm>>
      tpu.wait_dma2 semaphore(%run_scoped3A_76 : memref<!tpu.dma_semaphore, #tpu.memory_space<semaphore_mem>>) src(%dma_wait3A_82 : memref<632x32xf32, #tpu.memory_space<hbm>>) dst(%dma_wait3A_81 : memref<632x32xf32, #tpu.memory_space<vmem_shared>>)
      tpu.yield
    }) : () -> ()
    "tpu.region"() ({
      %run_scoped3A_76 = tpu.sem_alloc : memref<!tpu.dma_semaphore, #tpu.memory_space<semaphore_mem>>
      %dma_start3A_77 = arith.constant 0 : i32
      %dma_start3A_78 = arith.constant 0 : i32
      %dma_start3A_79 = tpu.memref_slice %arg3[%arg1, %dma_start3A_77, %dma_start3A_78] : memref<16x80x256xi32, #tpu.memory_space<hbm>> -> memref<1x80x256xi32, #tpu.memory_space<hbm>>
      %dma_start3A_80 = tpu.memref_squeeze %dma_start3A_79 : memref<1x80x256xi32, #tpu.memory_space<hbm>> -> memref<80x256xi32, #tpu.memory_space<hbm>>
      %dma_start3A_81 = arith.constant 0 : i32
      %dma_start3A_82 = arith.constant 0 : i32
      %dma_start3A_83 = tpu.memref_slice %arg3[%arg1, %dma_start3A_81, %dma_start3A_82] : memref<16x80x256xi32, #tpu.memory_space<hbm>> -> memref<1x80x256xi32, #tpu.memory_space<hbm>>
      %dma_start3A_84 = tpu.memref_squeeze %dma_start3A_83 : memref<1x80x256xi32, #tpu.memory_space<hbm>> -> memref<80x256xi32, #tpu.memory_space<hbm>>
      tpu.enqueue_dma source(%dma_start3A_84 : memref<80x256xi32, #tpu.memory_space<hbm>>) target(%arg7 : memref<80x256xi32, #tpu.memory_space<vmem>>) target_semaphore(%run_scoped3A_76 : memref<!tpu.dma_semaphore, #tpu.memory_space<semaphore_mem>>)
      %dma_wait3A_85 = arith.constant 0 : i32
      %dma_wait3A_86 = arith.constant 0 : i32
      %dma_wait3A_87 = tpu.memref_slice %arg3[%arg1, %dma_wait3A_85, %dma_wait3A_86] : memref<16x80x256xi32, #tpu.memory_space<hbm>> -> memref<1x80x256xi32, #tpu.memory_space<hbm>>
      %dma_wait3A_88 = tpu.memref_squeeze %dma_wait3A_87 : memref<1x80x256xi32, #tpu.memory_space<hbm>> -> memref<80x256xi32, #tpu.memory_space<hbm>>
      %dma_wait3A_89 = arith.constant 0 : i32
      %dma_wait3A_90 = arith.constant 0 : i32
      %dma_wait3A_91 = tpu.memref_slice %arg3[%arg1, %dma_wait3A_89, %dma_wait3A_90] : memref<16x80x256xi32, #tpu.memory_space<hbm>> -> memref<1x80x256xi32, #tpu.memory_space<hbm>>
      %dma_wait3A_92 = tpu.memref_squeeze %dma_wait3A_91 : memref<1x80x256xi32, #tpu.memory_space<hbm>> -> memref<80x256xi32, #tpu.memory_space<hbm>>
      tpu.wait_dma2 semaphore(%run_scoped3A_76 : memref<!tpu.dma_semaphore, #tpu.memory_space<semaphore_mem>>) src(%dma_wait3A_92 : memref<80x256xi32, #tpu.memory_space<hbm>>) dst(%arg7 : memref<80x256xi32, #tpu.memory_space<vmem>>)
      tpu.yield
    }) : () -> ()
    "tpu.region"() ({
      %run_scoped3A_76 = tpu.sem_alloc : memref<!tpu.dma_semaphore, #tpu.memory_space<semaphore_mem>>
      %dma_start3A_77 = arith.constant 0 : i32
      %dma_start3A_78 = arith.constant 0 : i32
      %dma_start3A_79 = tpu.memref_slice %arg4[%arg1, %dma_start3A_77, %dma_start3A_78] : memref<16x80x256xi32, #tpu.memory_space<hbm>> -> memref<1x80x256xi32, #tpu.memory_space<hbm>>
      %dma_start3A_80 = tpu.memref_squeeze %dma_start3A_79 : memref<1x80x256xi32, #tpu.memory_space<hbm>> -> memref<80x256xi32, #tpu.memory_space<hbm>>
      %dma_start3A_81 = arith.constant 0 : i32
      %dma_start3A_82 = arith.constant 0 : i32
      %dma_start3A_83 = tpu.memref_slice %arg4[%arg1, %dma_start3A_81, %dma_start3A_82] : memref<16x80x256xi32, #tpu.memory_space<hbm>> -> memref<1x80x256xi32, #tpu.memory_space<hbm>>
      %dma_start3A_84 = tpu.memref_squeeze %dma_start3A_83 : memref<1x80x256xi32, #tpu.memory_space<hbm>> -> memref<80x256xi32, #tpu.memory_space<hbm>>
      tpu.enqueue_dma source(%dma_start3A_84 : memref<80x256xi32, #tpu.memory_space<hbm>>) target(%arg8 : memref<80x256xi32, #tpu.memory_space<vmem>>) target_semaphore(%run_scoped3A_76 : memref<!tpu.dma_semaphore, #tpu.memory_space<semaphore_mem>>)
      %dma_wait3A_85 = arith.constant 0 : i32
      %dma_wait3A_86 = arith.constant 0 : i32
      %dma_wait3A_87 = tpu.memref_slice %arg4[%arg1, %dma_wait3A_85, %dma_wait3A_86] : memref<16x80x256xi32, #tpu.memory_space<hbm>> -> memref<1x80x256xi32, #tpu.memory_space<hbm>>
      %dma_wait3A_88 = tpu.memref_squeeze %dma_wait3A_87 : memref<1x80x256xi32, #tpu.memory_space<hbm>> -> memref<80x256xi32, #tpu.memory_space<hbm>>
      %dma_wait3A_89 = arith.constant 0 : i32
      %dma_wait3A_90 = arith.constant 0 : i32
      %dma_wait3A_91 = tpu.memref_slice %arg4[%arg1, %dma_wait3A_89, %dma_wait3A_90] : memref<16x80x256xi32, #tpu.memory_space<hbm>> -> memref<1x80x256xi32, #tpu.memory_space<hbm>>
      %dma_wait3A_92 = tpu.memref_squeeze %dma_wait3A_91 : memref<1x80x256xi32, #tpu.memory_space<hbm>> -> memref<80x256xi32, #tpu.memory_space<hbm>>
      tpu.wait_dma2 semaphore(%run_scoped3A_76 : memref<!tpu.dma_semaphore, #tpu.memory_space<semaphore_mem>>) src(%dma_wait3A_92 : memref<80x256xi32, #tpu.memory_space<hbm>>) dst(%arg8 : memref<80x256xi32, #tpu.memory_space<vmem>>)
      tpu.yield
    }) : () -> ()
    %barrier3A = arith.constant 0 : index
    tpu.barrier barrier_id(%barrier3A)
    %dma_start3A = arith.constant 0 : i32
    %dma_start3A_9 = arith.constant 0 : i32
    %dma_start3A_10 = tpu.memref_slice %arg7[%dma_start3A, %dma_start3A_9] : memref<80x256xi32, #tpu.memory_space<vmem>> -> memref<1x256xi32, #tpu.memory_space<vmem>>
    %dma_start3A_11 = tpu.memref_squeeze %dma_start3A_10 : memref<1x256xi32, #tpu.memory_space<vmem>> -> memref<256xi32, #tpu.memory_space<vmem>>
    %dma_start3A_12 = arith.constant 0 : i32
    %dma_start3A_13 = arith.constant 0 : i32
    %dma_start3A_14 = tpu.memref_slice %arg18[%dma_start3A_12, %dma_start3A_13] : memref<10112x32xf32, #tpu.memory_space<vmem_shared>> -> memref<10112x32xf32, #tpu.memory_space<vmem_shared>>
    tpu.enqueue_indirect_dma source(%dma_start3A_14 : memref<10112x32xf32, #tpu.memory_space<vmem_shared>>) target(%arg9 : memref<256x32xf32, #tpu.memory_space<vmem>>) offsets(%dma_start3A_11 : memref<256xi32, #tpu.memory_space<vmem>>) semaphore(%arg13 : memref<!tpu.dma_semaphore, #tpu.memory_space<semaphore_mem>>)
    %dma_start3A_15 = arith.constant 1 : i32
    %dma_start3A_16 = arith.constant 0 : i32
    %dma_start3A_17 = tpu.memref_slice %arg7[%dma_start3A_15, %dma_start3A_16] : memref<80x256xi32, #tpu.memory_space<vmem>> -> memref<1x256xi32, #tpu.memory_space<vmem>>
    %dma_start3A_18 = tpu.memref_squeeze %dma_start3A_17 : memref<1x256xi32, #tpu.memory_space<vmem>> -> memref<256xi32, #tpu.memory_space<vmem>>
    %dma_start3A_19 = arith.constant 0 : i32
    %dma_start3A_20 = arith.constant 0 : i32
    %dma_start3A_21 = tpu.memref_slice %arg18[%dma_start3A_19, %dma_start3A_20] : memref<10112x32xf32, #tpu.memory_space<vmem_shared>> -> memref<10112x32xf32, #tpu.memory_space<vmem_shared>>
    tpu.enqueue_indirect_dma source(%dma_start3A_21 : memref<10112x32xf32, #tpu.memory_space<vmem_shared>>) target(%arg10 : memref<256x32xf32, #tpu.memory_space<vmem>>) offsets(%dma_start3A_18 : memref<256xi32, #tpu.memory_space<vmem>>) semaphore(%arg14 : memref<!tpu.dma_semaphore, #tpu.memory_space<semaphore_mem>>)
    %dma_start3A_22 = arith.constant 2 : i32
    %dma_start3A_23 = arith.constant 0 : i32
    %dma_start3A_24 = tpu.memref_slice %arg7[%dma_start3A_22, %dma_start3A_23] : memref<80x256xi32, #tpu.memory_space<vmem>> -> memref<1x256xi32, #tpu.memory_space<vmem>>
    %dma_start3A_25 = tpu.memref_squeeze %dma_start3A_24 : memref<1x256xi32, #tpu.memory_space<vmem>> -> memref<256xi32, #tpu.memory_space<vmem>>
    %dma_start3A_26 = arith.constant 0 : i32
    %dma_start3A_27 = arith.constant 0 : i32
    %dma_start3A_28 = tpu.memref_slice %arg18[%dma_start3A_26, %dma_start3A_27] : memref<10112x32xf32, #tpu.memory_space<vmem_shared>> -> memref<10112x32xf32, #tpu.memory_space<vmem_shared>>
    tpu.enqueue_indirect_dma source(%dma_start3A_28 : memref<10112x32xf32, #tpu.memory_space<vmem_shared>>) target(%arg11 : memref<256x32xf32, #tpu.memory_space<vmem>>) offsets(%dma_start3A_25 : memref<256xi32, #tpu.memory_space<vmem>>) semaphore(%arg15 : memref<!tpu.dma_semaphore, #tpu.memory_space<semaphore_mem>>)
    %dma_start3A_29 = arith.constant 3 : i32
    %dma_start3A_30 = arith.constant 0 : i32
    %dma_start3A_31 = tpu.memref_slice %arg7[%dma_start3A_29, %dma_start3A_30] : memref<80x256xi32, #tpu.memory_space<vmem>> -> memref<1x256xi32, #tpu.memory_space<vmem>>
    %dma_start3A_32 = tpu.memref_squeeze %dma_start3A_31 : memref<1x256xi32, #tpu.memory_space<vmem>> -> memref<256xi32, #tpu.memory_space<vmem>>
    %dma_start3A_33 = arith.constant 0 : i32
    %dma_start3A_34 = arith.constant 0 : i32
    %dma_start3A_35 = tpu.memref_slice %arg18[%dma_start3A_33, %dma_start3A_34] : memref<10112x32xf32, #tpu.memory_space<vmem_shared>> -> memref<10112x32xf32, #tpu.memory_space<vmem_shared>>
    tpu.enqueue_indirect_dma source(%dma_start3A_35 : memref<10112x32xf32, #tpu.memory_space<vmem_shared>>) target(%arg12 : memref<256x32xf32, #tpu.memory_space<vmem>>) offsets(%dma_start3A_32 : memref<256xi32, #tpu.memory_space<vmem>>) semaphore(%arg16 : memref<!tpu.dma_semaphore, #tpu.memory_space<semaphore_mem>>)
    %scan3A = arith.constant 0 : i32
    %scan3A_36 = arith.constant 0 : i32
    %scan3A_37 = arith.constant 19 : i32
    %scan3A_38 = arith.addi %scan3A_36, %scan3A_37 : i32
    %scan3A_39 = arith.constant 1 : i32
    scf.for %scan3A_76 = %scan3A_36 to %scan3A_38 step %scan3A_39  : i32 {
      %mul3A_77 = arith.constant 4 : i32
      %mul3A_78 = arith.muli %scan3A_76, %mul3A_77 : i32
      %add3A = arith.constant 0 : i32
      %add3A_79 = arith.addi %mul3A_78, %add3A : i32
      %dma_wait3A_80 = arith.constant 0 : i32
      %dma_wait3A_81 = tpu.memref_slice %arg7[%add3A_79, %dma_wait3A_80] : memref<80x256xi32, #tpu.memory_space<vmem>> -> memref<1x256xi32, #tpu.memory_space<vmem>>
      %dma_wait3A_82 = tpu.memref_squeeze %dma_wait3A_81 : memref<1x256xi32, #tpu.memory_space<vmem>> -> memref<256xi32, #tpu.memory_space<vmem>>
      %dma_wait3A_83 = arith.constant 0 : i32
      %dma_wait3A_84 = arith.constant 0 : i32
      %dma_wait3A_85 = tpu.memref_slice %arg18[%dma_wait3A_83, %dma_wait3A_84] : memref<10112x32xf32, #tpu.memory_space<vmem_shared>> -> memref<10112x32xf32, #tpu.memory_space<vmem_shared>>
      tpu.wait_indirect_dma semaphore(%arg13 : memref<!tpu.dma_semaphore, #tpu.memory_space<semaphore_mem>>) src(%dma_wait3A_85 : memref<10112x32xf32, #tpu.memory_space<vmem_shared>>) dst(%arg9 : memref<256x32xf32, #tpu.memory_space<vmem>>)
      "tpu.region"() ({
        %run_scoped3A_148 = tpu.sem_alloc : memref<!tpu.dma_semaphore, #tpu.memory_space<semaphore_mem>>
        %dma_start3A_149 = arith.constant 0 : i32
        %dma_start3A_150 = tpu.memref_slice %arg8[%add3A_79, %dma_start3A_149] : memref<80x256xi32, #tpu.memory_space<vmem>> -> memref<1x256xi32, #tpu.memory_space<vmem>>
        %dma_start3A_151 = tpu.memref_squeeze %dma_start3A_150 : memref<1x256xi32, #tpu.memory_space<vmem>> -> memref<256xi32, #tpu.memory_space<vmem>>
        %dma_start3A_152 = arith.constant 0 : i32
        %dma_start3A_153 = arith.constant 0 : i32
        %dma_start3A_154 = tpu.memref_slice %arg17[%dma_start3A_152, %dma_start3A_153] : memref<10112x32xf32, #tpu.memory_space<vmem_shared>> -> memref<10112x32xf32, #tpu.memory_space<vmem_shared>>
        tpu.enqueue_indirect_dma source(%arg9 : memref<256x32xf32, #tpu.memory_space<vmem>>) target(%dma_start3A_154 : memref<10112x32xf32, #tpu.memory_space<vmem_shared>>) offsets(%dma_start3A_151 : memref<256xi32, #tpu.memory_space<vmem>>) semaphore(%run_scoped3A_148 : memref<!tpu.dma_semaphore, #tpu.memory_space<semaphore_mem>>) {add = true}
        %dma_wait3A_155 = arith.constant 0 : i32
        %dma_wait3A_156 = tpu.memref_slice %arg8[%add3A_79, %dma_wait3A_155] : memref<80x256xi32, #tpu.memory_space<vmem>> -> memref<1x256xi32, #tpu.memory_space<vmem>>
        %dma_wait3A_157 = tpu.memref_squeeze %dma_wait3A_156 : memref<1x256xi32, #tpu.memory_space<vmem>> -> memref<256xi32, #tpu.memory_space<vmem>>
        %dma_wait3A_158 = arith.constant 0 : i32
        %dma_wait3A_159 = arith.constant 0 : i32
        %dma_wait3A_160 = tpu.memref_slice %arg17[%dma_wait3A_158, %dma_wait3A_159] : memref<10112x32xf32, #tpu.memory_space<vmem_shared>> -> memref<10112x32xf32, #tpu.memory_space<vmem_shared>>
        tpu.wait_indirect_dma semaphore(%run_scoped3A_148 : memref<!tpu.dma_semaphore, #tpu.memory_space<semaphore_mem>>) src(%arg9 : memref<256x32xf32, #tpu.memory_space<vmem>>) dst(%dma_wait3A_160 : memref<10112x32xf32, #tpu.memory_space<vmem_shared>>)
        tpu.yield
      }) : () -> ()
      %add3A_86 = arith.constant 4 : i32
      %add3A_87 = arith.addi %add3A_79, %add3A_86 : i32
      %dma_start3A_88 = arith.constant 0 : i32
      %dma_start3A_89 = tpu.memref_slice %arg7[%add3A_87, %dma_start3A_88] : memref<80x256xi32, #tpu.memory_space<vmem>> -> memref<1x256xi32, #tpu.memory_space<vmem>>
      %dma_start3A_90 = tpu.memref_squeeze %dma_start3A_89 : memref<1x256xi32, #tpu.memory_space<vmem>> -> memref<256xi32, #tpu.memory_space<vmem>>
      %dma_start3A_91 = arith.constant 0 : i32
      %dma_start3A_92 = arith.constant 0 : i32
      %dma_start3A_93 = tpu.memref_slice %arg18[%dma_start3A_91, %dma_start3A_92] : memref<10112x32xf32, #tpu.memory_space<vmem_shared>> -> memref<10112x32xf32, #tpu.memory_space<vmem_shared>>
      tpu.enqueue_indirect_dma source(%dma_start3A_93 : memref<10112x32xf32, #tpu.memory_space<vmem_shared>>) target(%arg9 : memref<256x32xf32, #tpu.memory_space<vmem>>) offsets(%dma_start3A_90 : memref<256xi32, #tpu.memory_space<vmem>>) semaphore(%arg13 : memref<!tpu.dma_semaphore, #tpu.memory_space<semaphore_mem>>)
      %mul3A_94 = arith.constant 4 : i32
      %mul3A_95 = arith.muli %scan3A_76, %mul3A_94 : i32
      %add3A_96 = arith.constant 1 : i32
      %add3A_97 = arith.addi %mul3A_95, %add3A_96 : i32
      %dma_wait3A_98 = arith.constant 0 : i32
      %dma_wait3A_99 = tpu.memref_slice %arg7[%add3A_97, %dma_wait3A_98] : memref<80x256xi32, #tpu.memory_space<vmem>> -> memref<1x256xi32, #tpu.memory_space<vmem>>
      %dma_wait3A_100 = tpu.memref_squeeze %dma_wait3A_99 : memref<1x256xi32, #tpu.memory_space<vmem>> -> memref<256xi32, #tpu.memory_space<vmem>>
      %dma_wait3A_101 = arith.constant 0 : i32
      %dma_wait3A_102 = arith.constant 0 : i32
      %dma_wait3A_103 = tpu.memref_slice %arg18[%dma_wait3A_101, %dma_wait3A_102] : memref<10112x32xf32, #tpu.memory_space<vmem_shared>> -> memref<10112x32xf32, #tpu.memory_space<vmem_shared>>
      tpu.wait_indirect_dma semaphore(%arg14 : memref<!tpu.dma_semaphore, #tpu.memory_space<semaphore_mem>>) src(%dma_wait3A_103 : memref<10112x32xf32, #tpu.memory_space<vmem_shared>>) dst(%arg10 : memref<256x32xf32, #tpu.memory_space<vmem>>)
      "tpu.region"() ({
        %run_scoped3A_148 = tpu.sem_alloc : memref<!tpu.dma_semaphore, #tpu.memory_space<semaphore_mem>>
        %dma_start3A_149 = arith.constant 0 : i32
        %dma_start3A_150 = tpu.memref_slice %arg8[%add3A_97, %dma_start3A_149] : memref<80x256xi32, #tpu.memory_space<vmem>> -> memref<1x256xi32, #tpu.memory_space<vmem>>
        %dma_start3A_151 = tpu.memref_squeeze %dma_start3A_150 : memref<1x256xi32, #tpu.memory_space<vmem>> -> memref<256xi32, #tpu.memory_space<vmem>>
        %dma_start3A_152 = arith.constant 0 : i32
        %dma_start3A_153 = arith.constant 0 : i32
        %dma_start3A_154 = tpu.memref_slice %arg17[%dma_start3A_152, %dma_start3A_153] : memref<10112x32xf32, #tpu.memory_space<vmem_shared>> -> memref<10112x32xf32, #tpu.memory_space<vmem_shared>>
        tpu.enqueue_indirect_dma source(%arg10 : memref<256x32xf32, #tpu.memory_space<vmem>>) target(%dma_start3A_154 : memref<10112x32xf32, #tpu.memory_space<vmem_shared>>) offsets(%dma_start3A_151 : memref<256xi32, #tpu.memory_space<vmem>>) semaphore(%run_scoped3A_148 : memref<!tpu.dma_semaphore, #tpu.memory_space<semaphore_mem>>) {add = true}
        %dma_wait3A_155 = arith.constant 0 : i32
        %dma_wait3A_156 = tpu.memref_slice %arg8[%add3A_97, %dma_wait3A_155] : memref<80x256xi32, #tpu.memory_space<vmem>> -> memref<1x256xi32, #tpu.memory_space<vmem>>
        %dma_wait3A_157 = tpu.memref_squeeze %dma_wait3A_156 : memref<1x256xi32, #tpu.memory_space<vmem>> -> memref<256xi32, #tpu.memory_space<vmem>>
        %dma_wait3A_158 = arith.constant 0 : i32
        %dma_wait3A_159 = arith.constant 0 : i32
        %dma_wait3A_160 = tpu.memref_slice %arg17[%dma_wait3A_158, %dma_wait3A_159] : memref<10112x32xf32, #tpu.memory_space<vmem_shared>> -> memref<10112x32xf32, #tpu.memory_space<vmem_shared>>
        tpu.wait_indirect_dma semaphore(%run_scoped3A_148 : memref<!tpu.dma_semaphore, #tpu.memory_space<semaphore_mem>>) src(%arg10 : memref<256x32xf32, #tpu.memory_space<vmem>>) dst(%dma_wait3A_160 : memref<10112x32xf32, #tpu.memory_space<vmem_shared>>)
        tpu.yield
      }) : () -> ()
      %add3A_104 = arith.constant 4 : i32
      %add3A_105 = arith.addi %add3A_97, %add3A_104 : i32
      %dma_start3A_106 = arith.constant 0 : i32
      %dma_start3A_107 = tpu.memref_slice %arg7[%add3A_105, %dma_start3A_106] : memref<80x256xi32, #tpu.memory_space<vmem>> -> memref<1x256xi32, #tpu.memory_space<vmem>>
      %dma_start3A_108 = tpu.memref_squeeze %dma_start3A_107 : memref<1x256xi32, #tpu.memory_space<vmem>> -> memref<256xi32, #tpu.memory_space<vmem>>
      %dma_start3A_109 = arith.constant 0 : i32
      %dma_start3A_110 = arith.constant 0 : i32
      %dma_start3A_111 = tpu.memref_slice %arg18[%dma_start3A_109, %dma_start3A_110] : memref<10112x32xf32, #tpu.memory_space<vmem_shared>> -> memref<10112x32xf32, #tpu.memory_space<vmem_shared>>
      tpu.enqueue_indirect_dma source(%dma_start3A_111 : memref<10112x32xf32, #tpu.memory_space<vmem_shared>>) target(%arg10 : memref<256x32xf32, #tpu.memory_space<vmem>>) offsets(%dma_start3A_108 : memref<256xi32, #tpu.memory_space<vmem>>) semaphore(%arg14 : memref<!tpu.dma_semaphore, #tpu.memory_space<semaphore_mem>>)
      %mul3A_112 = arith.constant 4 : i32
      %mul3A_113 = arith.muli %scan3A_76, %mul3A_112 : i32
      %add3A_114 = arith.constant 2 : i32
      %add3A_115 = arith.addi %mul3A_113, %add3A_114 : i32
      %dma_wait3A_116 = arith.constant 0 : i32
      %dma_wait3A_117 = tpu.memref_slice %arg7[%add3A_115, %dma_wait3A_116] : memref<80x256xi32, #tpu.memory_space<vmem>> -> memref<1x256xi32, #tpu.memory_space<vmem>>
      %dma_wait3A_118 = tpu.memref_squeeze %dma_wait3A_117 : memref<1x256xi32, #tpu.memory_space<vmem>> -> memref<256xi32, #tpu.memory_space<vmem>>
      %dma_wait3A_119 = arith.constant 0 : i32
      %dma_wait3A_120 = arith.constant 0 : i32
      %dma_wait3A_121 = tpu.memref_slice %arg18[%dma_wait3A_119, %dma_wait3A_120] : memref<10112x32xf32, #tpu.memory_space<vmem_shared>> -> memref<10112x32xf32, #tpu.memory_space<vmem_shared>>
      tpu.wait_indirect_dma semaphore(%arg15 : memref<!tpu.dma_semaphore, #tpu.memory_space<semaphore_mem>>) src(%dma_wait3A_121 : memref<10112x32xf32, #tpu.memory_space<vmem_shared>>) dst(%arg11 : memref<256x32xf32, #tpu.memory_space<vmem>>)
      "tpu.region"() ({
        %run_scoped3A_148 = tpu.sem_alloc : memref<!tpu.dma_semaphore, #tpu.memory_space<semaphore_mem>>
        %dma_start3A_149 = arith.constant 0 : i32
        %dma_start3A_150 = tpu.memref_slice %arg8[%add3A_115, %dma_start3A_149] : memref<80x256xi32, #tpu.memory_space<vmem>> -> memref<1x256xi32, #tpu.memory_space<vmem>>
        %dma_start3A_151 = tpu.memref_squeeze %dma_start3A_150 : memref<1x256xi32, #tpu.memory_space<vmem>> -> memref<256xi32, #tpu.memory_space<vmem>>
        %dma_start3A_152 = arith.constant 0 : i32
        %dma_start3A_153 = arith.constant 0 : i32
        %dma_start3A_154 = tpu.memref_slice %arg17[%dma_start3A_152, %dma_start3A_153] : memref<10112x32xf32, #tpu.memory_space<vmem_shared>> -> memref<10112x32xf32, #tpu.memory_space<vmem_shared>>
        tpu.enqueue_indirect_dma source(%arg11 : memref<256x32xf32, #tpu.memory_space<vmem>>) target(%dma_start3A_154 : memref<10112x32xf32, #tpu.memory_space<vmem_shared>>) offsets(%dma_start3A_151 : memref<256xi32, #tpu.memory_space<vmem>>) semaphore(%run_scoped3A_148 : memref<!tpu.dma_semaphore, #tpu.memory_space<semaphore_mem>>) {add = true}
        %dma_wait3A_155 = arith.constant 0 : i32
        %dma_wait3A_156 = tpu.memref_slice %arg8[%add3A_115, %dma_wait3A_155] : memref<80x256xi32, #tpu.memory_space<vmem>> -> memref<1x256xi32, #tpu.memory_space<vmem>>
        %dma_wait3A_157 = tpu.memref_squeeze %dma_wait3A_156 : memref<1x256xi32, #tpu.memory_space<vmem>> -> memref<256xi32, #tpu.memory_space<vmem>>
        %dma_wait3A_158 = arith.constant 0 : i32
        %dma_wait3A_159 = arith.constant 0 : i32
        %dma_wait3A_160 = tpu.memref_slice %arg17[%dma_wait3A_158, %dma_wait3A_159] : memref<10112x32xf32, #tpu.memory_space<vmem_shared>> -> memref<10112x32xf32, #tpu.memory_space<vmem_shared>>
        tpu.wait_indirect_dma semaphore(%run_scoped3A_148 : memref<!tpu.dma_semaphore, #tpu.memory_space<semaphore_mem>>) src(%arg11 : memref<256x32xf32, #tpu.memory_space<vmem>>) dst(%dma_wait3A_160 : memref<10112x32xf32, #tpu.memory_space<vmem_shared>>)
        tpu.yield
      }) : () -> ()
      %add3A_122 = arith.constant 4 : i32
      %add3A_123 = arith.addi %add3A_115, %add3A_122 : i32
      %dma_start3A_124 = arith.constant 0 : i32
      %dma_start3A_125 = tpu.memref_slice %arg7[%add3A_123, %dma_start3A_124] : memref<80x256xi32, #tpu.memory_space<vmem>> -> memref<1x256xi32, #tpu.memory_space<vmem>>
      %dma_start3A_126 = tpu.memref_squeeze %dma_start3A_125 : memref<1x256xi32, #tpu.memory_space<vmem>> -> memref<256xi32, #tpu.memory_space<vmem>>
      %dma_start3A_127 = arith.constant 0 : i32
      %dma_start3A_128 = arith.constant 0 : i32
      %dma_start3A_129 = tpu.memref_slice %arg18[%dma_start3A_127, %dma_start3A_128] : memref<10112x32xf32, #tpu.memory_space<vmem_shared>> -> memref<10112x32xf32, #tpu.memory_space<vmem_shared>>
      tpu.enqueue_indirect_dma source(%dma_start3A_129 : memref<10112x32xf32, #tpu.memory_space<vmem_shared>>) target(%arg11 : memref<256x32xf32, #tpu.memory_space<vmem>>) offsets(%dma_start3A_126 : memref<256xi32, #tpu.memory_space<vmem>>) semaphore(%arg15 : memref<!tpu.dma_semaphore, #tpu.memory_space<semaphore_mem>>)
      %mul3A_130 = arith.constant 4 : i32
      %mul3A_131 = arith.muli %scan3A_76, %mul3A_130 : i32
      %add3A_132 = arith.constant 3 : i32
      %add3A_133 = arith.addi %mul3A_131, %add3A_132 : i32
      %dma_wait3A_134 = arith.constant 0 : i32
      %dma_wait3A_135 = tpu.memref_slice %arg7[%add3A_133, %dma_wait3A_134] : memref<80x256xi32, #tpu.memory_space<vmem>> -> memref<1x256xi32, #tpu.memory_space<vmem>>
      %dma_wait3A_136 = tpu.memref_squeeze %dma_wait3A_135 : memref<1x256xi32, #tpu.memory_space<vmem>> -> memref<256xi32, #tpu.memory_space<vmem>>
      %dma_wait3A_137 = arith.constant 0 : i32
      %dma_wait3A_138 = arith.constant 0 : i32
      %dma_wait3A_139 = tpu.memref_slice %arg18[%dma_wait3A_137, %dma_wait3A_138] : memref<10112x32xf32, #tpu.memory_space<vmem_shared>> -> memref<10112x32xf32, #tpu.memory_space<vmem_shared>>
      tpu.wait_indirect_dma semaphore(%arg16 : memref<!tpu.dma_semaphore, #tpu.memory_space<semaphore_mem>>) src(%dma_wait3A_139 : memref<10112x32xf32, #tpu.memory_space<vmem_shared>>) dst(%arg12 : memref<256x32xf32, #tpu.memory_space<vmem>>)
      "tpu.region"() ({
        %run_scoped3A_148 = tpu.sem_alloc : memref<!tpu.dma_semaphore, #tpu.memory_space<semaphore_mem>>
        %dma_start3A_149 = arith.constant 0 : i32
        %dma_start3A_150 = tpu.memref_slice %arg8[%add3A_133, %dma_start3A_149] : memref<80x256xi32, #tpu.memory_space<vmem>> -> memref<1x256xi32, #tpu.memory_space<vmem>>
        %dma_start3A_151 = tpu.memref_squeeze %dma_start3A_150 : memref<1x256xi32, #tpu.memory_space<vmem>> -> memref<256xi32, #tpu.memory_space<vmem>>
        %dma_start3A_152 = arith.constant 0 : i32
        %dma_start3A_153 = arith.constant 0 : i32
        %dma_start3A_154 = tpu.memref_slice %arg17[%dma_start3A_152, %dma_start3A_153] : memref<10112x32xf32, #tpu.memory_space<vmem_shared>> -> memref<10112x32xf32, #tpu.memory_space<vmem_shared>>
        tpu.enqueue_indirect_dma source(%arg12 : memref<256x32xf32, #tpu.memory_space<vmem>>) target(%dma_start3A_154 : memref<10112x32xf32, #tpu.memory_space<vmem_shared>>) offsets(%dma_start3A_151 : memref<256xi32, #tpu.memory_space<vmem>>) semaphore(%run_scoped3A_148 : memref<!tpu.dma_semaphore, #tpu.memory_space<semaphore_mem>>) {add = true}
        %dma_wait3A_155 = arith.constant 0 : i32
        %dma_wait3A_156 = tpu.memref_slice %arg8[%add3A_133, %dma_wait3A_155] : memref<80x256xi32, #tpu.memory_space<vmem>> -> memref<1x256xi32, #tpu.memory_space<vmem>>
        %dma_wait3A_157 = tpu.memref_squeeze %dma_wait3A_156 : memref<1x256xi32, #tpu.memory_space<vmem>> -> memref<256xi32, #tpu.memory_space<vmem>>
        %dma_wait3A_158 = arith.constant 0 : i32
        %dma_wait3A_159 = arith.constant 0 : i32
        %dma_wait3A_160 = tpu.memref_slice %arg17[%dma_wait3A_158, %dma_wait3A_159] : memref<10112x32xf32, #tpu.memory_space<vmem_shared>> -> memref<10112x32xf32, #tpu.memory_space<vmem_shared>>
        tpu.wait_indirect_dma semaphore(%run_scoped3A_148 : memref<!tpu.dma_semaphore, #tpu.memory_space<semaphore_mem>>) src(%arg12 : memref<256x32xf32, #tpu.memory_space<vmem>>) dst(%dma_wait3A_160 : memref<10112x32xf32, #tpu.memory_space<vmem_shared>>)
        tpu.yield
      }) : () -> ()
      %add3A_140 = arith.constant 4 : i32
      %add3A_141 = arith.addi %add3A_133, %add3A_140 : i32
      %dma_start3A_142 = arith.constant 0 : i32
      %dma_start3A_143 = tpu.memref_slice %arg7[%add3A_141, %dma_start3A_142] : memref<80x256xi32, #tpu.memory_space<vmem>> -> memref<1x256xi32, #tpu.memory_space<vmem>>
      %dma_start3A_144 = tpu.memref_squeeze %dma_start3A_143 : memref<1x256xi32, #tpu.memory_space<vmem>> -> memref<256xi32, #tpu.memory_space<vmem>>
      %dma_start3A_145 = arith.constant 0 : i32
      %dma_start3A_146 = arith.constant 0 : i32
      %dma_start3A_147 = tpu.memref_slice %arg18[%dma_start3A_145, %dma_start3A_146] : memref<10112x32xf32, #tpu.memory_space<vmem_shared>> -> memref<10112x32xf32, #tpu.memory_space<vmem_shared>>
      tpu.enqueue_indirect_dma source(%dma_start3A_147 : memref<10112x32xf32, #tpu.memory_space<vmem_shared>>) target(%arg12 : memref<256x32xf32, #tpu.memory_space<vmem>>) offsets(%dma_start3A_144 : memref<256xi32, #tpu.memory_space<vmem>>) semaphore(%arg16 : memref<!tpu.dma_semaphore, #tpu.memory_space<semaphore_mem>>)
    }
    %scan3A_40 = arith.constant 19 : i32
    %dma_wait3A = arith.constant 76 : i32
    %dma_wait3A_41 = arith.constant 0 : i32
    %dma_wait3A_42 = tpu.memref_slice %arg7[%dma_wait3A, %dma_wait3A_41] : memref<80x256xi32, #tpu.memory_space<vmem>> -> memref<1x256xi32, #tpu.memory_space<vmem>>
    %dma_wait3A_43 = tpu.memref_squeeze %dma_wait3A_42 : memref<1x256xi32, #tpu.memory_space<vmem>> -> memref<256xi32, #tpu.memory_space<vmem>>
    %dma_wait3A_44 = arith.constant 0 : i32
    %dma_wait3A_45 = arith.constant 0 : i32
    %dma_wait3A_46 = tpu.memref_slice %arg18[%dma_wait3A_44, %dma_wait3A_45] : memref<10112x32xf32, #tpu.memory_space<vmem_shared>> -> memref<10112x32xf32, #tpu.memory_space<vmem_shared>>
    tpu.wait_indirect_dma semaphore(%arg13 : memref<!tpu.dma_semaphore, #tpu.memory_space<semaphore_mem>>) src(%dma_wait3A_46 : memref<10112x32xf32, #tpu.memory_space<vmem_shared>>) dst(%arg9 : memref<256x32xf32, #tpu.memory_space<vmem>>)
    %run_scoped3A = arith.constant 76 : i32
    "tpu.region"() ({
      %run_scoped3A_76 = tpu.sem_alloc : memref<!tpu.dma_semaphore, #tpu.memory_space<semaphore_mem>>
      %dma_start3A_77 = arith.constant 0 : i32
      %dma_start3A_78 = tpu.memref_slice %arg8[%run_scoped3A, %dma_start3A_77] : memref<80x256xi32, #tpu.memory_space<vmem>> -> memref<1x256xi32, #tpu.memory_space<vmem>>
      %dma_start3A_79 = tpu.memref_squeeze %dma_start3A_78 : memref<1x256xi32, #tpu.memory_space<vmem>> -> memref<256xi32, #tpu.memory_space<vmem>>
      %dma_start3A_80 = arith.constant 0 : i32
      %dma_start3A_81 = arith.constant 0 : i32
      %dma_start3A_82 = tpu.memref_slice %arg17[%dma_start3A_80, %dma_start3A_81] : memref<10112x32xf32, #tpu.memory_space<vmem_shared>> -> memref<10112x32xf32, #tpu.memory_space<vmem_shared>>
      tpu.enqueue_indirect_dma source(%arg9 : memref<256x32xf32, #tpu.memory_space<vmem>>) target(%dma_start3A_82 : memref<10112x32xf32, #tpu.memory_space<vmem_shared>>) offsets(%dma_start3A_79 : memref<256xi32, #tpu.memory_space<vmem>>) semaphore(%run_scoped3A_76 : memref<!tpu.dma_semaphore, #tpu.memory_space<semaphore_mem>>) {add = true}
      %dma_wait3A_83 = arith.constant 0 : i32
      %dma_wait3A_84 = tpu.memref_slice %arg8[%run_scoped3A, %dma_wait3A_83] : memref<80x256xi32, #tpu.memory_space<vmem>> -> memref<1x256xi32, #tpu.memory_space<vmem>>
      %dma_wait3A_85 = tpu.memref_squeeze %dma_wait3A_84 : memref<1x256xi32, #tpu.memory_space<vmem>> -> memref<256xi32, #tpu.memory_space<vmem>>
      %dma_wait3A_86 = arith.constant 0 : i32
      %dma_wait3A_87 = arith.constant 0 : i32
      %dma_wait3A_88 = tpu.memref_slice %arg17[%dma_wait3A_86, %dma_wait3A_87] : memref<10112x32xf32, #tpu.memory_space<vmem_shared>> -> memref<10112x32xf32, #tpu.memory_space<vmem_shared>>
      tpu.wait_indirect_dma semaphore(%run_scoped3A_76 : memref<!tpu.dma_semaphore, #tpu.memory_space<semaphore_mem>>) src(%arg9 : memref<256x32xf32, #tpu.memory_space<vmem>>) dst(%dma_wait3A_88 : memref<10112x32xf32, #tpu.memory_space<vmem_shared>>)
      tpu.yield
    }) : () -> ()
    %dma_wait3A_47 = arith.constant 77 : i32
    %dma_wait3A_48 = arith.constant 0 : i32
    %dma_wait3A_49 = tpu.memref_slice %arg7[%dma_wait3A_47, %dma_wait3A_48] : memref<80x256xi32, #tpu.memory_space<vmem>> -> memref<1x256xi32, #tpu.memory_space<vmem>>
    %dma_wait3A_50 = tpu.memref_squeeze %dma_wait3A_49 : memref<1x256xi32, #tpu.memory_space<vmem>> -> memref<256xi32, #tpu.memory_space<vmem>>
    %dma_wait3A_51 = arith.constant 0 : i32
    %dma_wait3A_52 = arith.constant 0 : i32
    %dma_wait3A_53 = tpu.memref_slice %arg18[%dma_wait3A_51, %dma_wait3A_52] : memref<10112x32xf32, #tpu.memory_space<vmem_shared>> -> memref<10112x32xf32, #tpu.memory_space<vmem_shared>>
    tpu.wait_indirect_dma semaphore(%arg14 : memref<!tpu.dma_semaphore, #tpu.memory_space<semaphore_mem>>) src(%dma_wait3A_53 : memref<10112x32xf32, #tpu.memory_space<vmem_shared>>) dst(%arg10 : memref<256x32xf32, #tpu.memory_space<vmem>>)
    %run_scoped3A_54 = arith.constant 77 : i32
    "tpu.region"() ({
      %run_scoped3A_76 = tpu.sem_alloc : memref<!tpu.dma_semaphore, #tpu.memory_space<semaphore_mem>>
      %dma_start3A_77 = arith.constant 0 : i32
      %dma_start3A_78 = tpu.memref_slice %arg8[%run_scoped3A_54, %dma_start3A_77] : memref<80x256xi32, #tpu.memory_space<vmem>> -> memref<1x256xi32, #tpu.memory_space<vmem>>
      %dma_start3A_79 = tpu.memref_squeeze %dma_start3A_78 : memref<1x256xi32, #tpu.memory_space<vmem>> -> memref<256xi32, #tpu.memory_space<vmem>>
      %dma_start3A_80 = arith.constant 0 : i32
      %dma_start3A_81 = arith.constant 0 : i32
      %dma_start3A_82 = tpu.memref_slice %arg17[%dma_start3A_80, %dma_start3A_81] : memref<10112x32xf32, #tpu.memory_space<vmem_shared>> -> memref<10112x32xf32, #tpu.memory_space<vmem_shared>>
      tpu.enqueue_indirect_dma source(%arg10 : memref<256x32xf32, #tpu.memory_space<vmem>>) target(%dma_start3A_82 : memref<10112x32xf32, #tpu.memory_space<vmem_shared>>) offsets(%dma_start3A_79 : memref<256xi32, #tpu.memory_space<vmem>>) semaphore(%run_scoped3A_76 : memref<!tpu.dma_semaphore, #tpu.memory_space<semaphore_mem>>) {add = true}
      %dma_wait3A_83 = arith.constant 0 : i32
      %dma_wait3A_84 = tpu.memref_slice %arg8[%run_scoped3A_54, %dma_wait3A_83] : memref<80x256xi32, #tpu.memory_space<vmem>> -> memref<1x256xi32, #tpu.memory_space<vmem>>
      %dma_wait3A_85 = tpu.memref_squeeze %dma_wait3A_84 : memref<1x256xi32, #tpu.memory_space<vmem>> -> memref<256xi32, #tpu.memory_space<vmem>>
      %dma_wait3A_86 = arith.constant 0 : i32
      %dma_wait3A_87 = arith.constant 0 : i32
      %dma_wait3A_88 = tpu.memref_slice %arg17[%dma_wait3A_86, %dma_wait3A_87] : memref<10112x32xf32, #tpu.memory_space<vmem_shared>> -> memref<10112x32xf32, #tpu.memory_space<vmem_shared>>
      tpu.wait_indirect_dma semaphore(%run_scoped3A_76 : memref<!tpu.dma_semaphore, #tpu.memory_space<semaphore_mem>>) src(%arg10 : memref<256x32xf32, #tpu.memory_space<vmem>>) dst(%dma_wait3A_88 : memref<10112x32xf32, #tpu.memory_space<vmem_shared>>)
      tpu.yield
    }) : () -> ()
    %dma_wait3A_55 = arith.constant 78 : i32
    %dma_wait3A_56 = arith.constant 0 : i32
    %dma_wait3A_57 = tpu.memref_slice %arg7[%dma_wait3A_55, %dma_wait3A_56] : memref<80x256xi32, #tpu.memory_space<vmem>> -> memref<1x256xi32, #tpu.memory_space<vmem>>
    %dma_wait3A_58 = tpu.memref_squeeze %dma_wait3A_57 : memref<1x256xi32, #tpu.memory_space<vmem>> -> memref<256xi32, #tpu.memory_space<vmem>>
    %dma_wait3A_59 = arith.constant 0 : i32
    %dma_wait3A_60 = arith.constant 0 : i32
    %dma_wait3A_61 = tpu.memref_slice %arg18[%dma_wait3A_59, %dma_wait3A_60] : memref<10112x32xf32, #tpu.memory_space<vmem_shared>> -> memref<10112x32xf32, #tpu.memory_space<vmem_shared>>
    tpu.wait_indirect_dma semaphore(%arg15 : memref<!tpu.dma_semaphore, #tpu.memory_space<semaphore_mem>>) src(%dma_wait3A_61 : memref<10112x32xf32, #tpu.memory_space<vmem_shared>>) dst(%arg11 : memref<256x32xf32, #tpu.memory_space<vmem>>)
    %run_scoped3A_62 = arith.constant 78 : i32
    "tpu.region"() ({
      %run_scoped3A_76 = tpu.sem_alloc : memref<!tpu.dma_semaphore, #tpu.memory_space<semaphore_mem>>
      %dma_start3A_77 = arith.constant 0 : i32
      %dma_start3A_78 = tpu.memref_slice %arg8[%run_scoped3A_62, %dma_start3A_77] : memref<80x256xi32, #tpu.memory_space<vmem>> -> memref<1x256xi32, #tpu.memory_space<vmem>>
      %dma_start3A_79 = tpu.memref_squeeze %dma_start3A_78 : memref<1x256xi32, #tpu.memory_space<vmem>> -> memref<256xi32, #tpu.memory_space<vmem>>
      %dma_start3A_80 = arith.constant 0 : i32
      %dma_start3A_81 = arith.constant 0 : i32
      %dma_start3A_82 = tpu.memref_slice %arg17[%dma_start3A_80, %dma_start3A_81] : memref<10112x32xf32, #tpu.memory_space<vmem_shared>> -> memref<10112x32xf32, #tpu.memory_space<vmem_shared>>
      tpu.enqueue_indirect_dma source(%arg11 : memref<256x32xf32, #tpu.memory_space<vmem>>) target(%dma_start3A_82 : memref<10112x32xf32, #tpu.memory_space<vmem_shared>>) offsets(%dma_start3A_79 : memref<256xi32, #tpu.memory_space<vmem>>) semaphore(%run_scoped3A_76 : memref<!tpu.dma_semaphore, #tpu.memory_space<semaphore_mem>>) {add = true}
      %dma_wait3A_83 = arith.constant 0 : i32
      %dma_wait3A_84 = tpu.memref_slice %arg8[%run_scoped3A_62, %dma_wait3A_83] : memref<80x256xi32, #tpu.memory_space<vmem>> -> memref<1x256xi32, #tpu.memory_space<vmem>>
      %dma_wait3A_85 = tpu.memref_squeeze %dma_wait3A_84 : memref<1x256xi32, #tpu.memory_space<vmem>> -> memref<256xi32, #tpu.memory_space<vmem>>
      %dma_wait3A_86 = arith.constant 0 : i32
      %dma_wait3A_87 = arith.constant 0 : i32
      %dma_wait3A_88 = tpu.memref_slice %arg17[%dma_wait3A_86, %dma_wait3A_87] : memref<10112x32xf32, #tpu.memory_space<vmem_shared>> -> memref<10112x32xf32, #tpu.memory_space<vmem_shared>>
      tpu.wait_indirect_dma semaphore(%run_scoped3A_76 : memref<!tpu.dma_semaphore, #tpu.memory_space<semaphore_mem>>) src(%arg11 : memref<256x32xf32, #tpu.memory_space<vmem>>) dst(%dma_wait3A_88 : memref<10112x32xf32, #tpu.memory_space<vmem_shared>>)
      tpu.yield
    }) : () -> ()
    %dma_wait3A_63 = arith.constant 79 : i32
    %dma_wait3A_64 = arith.constant 0 : i32
    %dma_wait3A_65 = tpu.memref_slice %arg7[%dma_wait3A_63, %dma_wait3A_64] : memref<80x256xi32, #tpu.memory_space<vmem>> -> memref<1x256xi32, #tpu.memory_space<vmem>>
    %dma_wait3A_66 = tpu.memref_squeeze %dma_wait3A_65 : memref<1x256xi32, #tpu.memory_space<vmem>> -> memref<256xi32, #tpu.memory_space<vmem>>
    %dma_wait3A_67 = arith.constant 0 : i32
    %dma_wait3A_68 = arith.constant 0 : i32
    %dma_wait3A_69 = tpu.memref_slice %arg18[%dma_wait3A_67, %dma_wait3A_68] : memref<10112x32xf32, #tpu.memory_space<vmem_shared>> -> memref<10112x32xf32, #tpu.memory_space<vmem_shared>>
    tpu.wait_indirect_dma semaphore(%arg16 : memref<!tpu.dma_semaphore, #tpu.memory_space<semaphore_mem>>) src(%dma_wait3A_69 : memref<10112x32xf32, #tpu.memory_space<vmem_shared>>) dst(%arg12 : memref<256x32xf32, #tpu.memory_space<vmem>>)
    %run_scoped3A_70 = arith.constant 79 : i32
    "tpu.region"() ({
      %run_scoped3A_76 = tpu.sem_alloc : memref<!tpu.dma_semaphore, #tpu.memory_space<semaphore_mem>>
      %dma_start3A_77 = arith.constant 0 : i32
      %dma_start3A_78 = tpu.memref_slice %arg8[%run_scoped3A_70, %dma_start3A_77] : memref<80x256xi32, #tpu.memory_space<vmem>> -> memref<1x256xi32, #tpu.memory_space<vmem>>
      %dma_start3A_79 = tpu.memref_squeeze %dma_start3A_78 : memref<1x256xi32, #tpu.memory_space<vmem>> -> memref<256xi32, #tpu.memory_space<vmem>>
      %dma_start3A_80 = arith.constant 0 : i32
      %dma_start3A_81 = arith.constant 0 : i32
      %dma_start3A_82 = tpu.memref_slice %arg17[%dma_start3A_80, %dma_start3A_81] : memref<10112x32xf32, #tpu.memory_space<vmem_shared>> -> memref<10112x32xf32, #tpu.memory_space<vmem_shared>>
      tpu.enqueue_indirect_dma source(%arg12 : memref<256x32xf32, #tpu.memory_space<vmem>>) target(%dma_start3A_82 : memref<10112x32xf32, #tpu.memory_space<vmem_shared>>) offsets(%dma_start3A_79 : memref<256xi32, #tpu.memory_space<vmem>>) semaphore(%run_scoped3A_76 : memref<!tpu.dma_semaphore, #tpu.memory_space<semaphore_mem>>) {add = true}
      %dma_wait3A_83 = arith.constant 0 : i32
      %dma_wait3A_84 = tpu.memref_slice %arg8[%run_scoped3A_70, %dma_wait3A_83] : memref<80x256xi32, #tpu.memory_space<vmem>> -> memref<1x256xi32, #tpu.memory_space<vmem>>
      %dma_wait3A_85 = tpu.memref_squeeze %dma_wait3A_84 : memref<1x256xi32, #tpu.memory_space<vmem>> -> memref<256xi32, #tpu.memory_space<vmem>>
      %dma_wait3A_86 = arith.constant 0 : i32
      %dma_wait3A_87 = arith.constant 0 : i32
      %dma_wait3A_88 = tpu.memref_slice %arg17[%dma_wait3A_86, %dma_wait3A_87] : memref<10112x32xf32, #tpu.memory_space<vmem_shared>> -> memref<10112x32xf32, #tpu.memory_space<vmem_shared>>
      tpu.wait_indirect_dma semaphore(%run_scoped3A_76 : memref<!tpu.dma_semaphore, #tpu.memory_space<semaphore_mem>>) src(%arg12 : memref<256x32xf32, #tpu.memory_space<vmem>>) dst(%dma_wait3A_88 : memref<10112x32xf32, #tpu.memory_space<vmem_shared>>)
      tpu.yield
    }) : () -> ()
    %barrier3A_71 = arith.constant 0 : index
    tpu.barrier barrier_id(%barrier3A_71)
    %mul3A_72 = arith.constant 632 : i32
    %mul3A_73 = arith.muli %arg1, %mul3A_72 : i32
    %mul3A_74 = arith.constant 632 : i32
    %mul3A_75 = arith.muli %arg1, %mul3A_74 : i32
    "tpu.region"() ({
      %run_scoped3A_76 = tpu.sem_alloc : memref<!tpu.dma_semaphore, #tpu.memory_space<semaphore_mem>>
      %dma_start3A_77 = tpu.memref_slice %arg6[%mul3A_75, %mul3A_0] : memref<10112x64xf32, #tpu.memory_space<hbm>> -> memref<632x32xf32, #tpu.memory_space<hbm>>
      %dma_start3A_78 = arith.constant 0 : i32
      %dma_start3A_79 = tpu.memref_slice %arg17[%mul3A_73, %dma_start3A_78] : memref<10112x32xf32, #tpu.memory_space<vmem_shared>> -> memref<632x32xf32, #tpu.memory_space<vmem_shared>>
      tpu.enqueue_dma source(%dma_start3A_79 : memref<632x32xf32, #tpu.memory_space<vmem_shared>>) target(%dma_start3A_77 : memref<632x32xf32, #tpu.memory_space<hbm>>) target_semaphore(%run_scoped3A_76 : memref<!tpu.dma_semaphore, #tpu.memory_space<semaphore_mem>>)
      %dma_wait3A_80 = tpu.memref_slice %arg6[%mul3A_75, %mul3A_0] : memref<10112x64xf32, #tpu.memory_space<hbm>> -> memref<632x32xf32, #tpu.memory_space<hbm>>
      %dma_wait3A_81 = arith.constant 0 : i32
      %dma_wait3A_82 = tpu.memref_slice %arg17[%mul3A_73, %dma_wait3A_81] : memref<10112x32xf32, #tpu.memory_space<vmem_shared>> -> memref<632x32xf32, #tpu.memory_space<vmem_shared>>
      tpu.wait_dma2 semaphore(%run_scoped3A_76 : memref<!tpu.dma_semaphore, #tpu.memory_space<semaphore_mem>>) src(%dma_wait3A_82 : memref<632x32xf32, #tpu.memory_space<vmem_shared>>) dst(%dma_wait3A_80 : memref<632x32xf32, #tpu.memory_space<hbm>>)
      tpu.yield
    }) : () -> ()
    return
  }
}

#map = affine_map<(d0, d1) -> (0, 0)>
#map1 = affine_map<(d0, d1) -> (0, 0, 0)>
module attributes {stable_mosaic.version = 14 : i64} {
  func.func @_edge_agg(%arg0: i32, %arg1: i32, %arg2: memref<10112x64xf32, #tpu.memory_space<hbm>>, %arg3: memref<16x80x256xi32, #tpu.memory_space<hbm>>, %arg4: memref<16x80x256xi32, #tpu.memory_space<hbm>>, %arg5: memref<10112x32xf32, #tpu.memory_space<hbm>>, %arg6: memref<10112x64xf32, #tpu.memory_space<hbm>>, %arg7: memref<80x256xi32, #tpu.memory_space<vmem>>, %arg8: memref<80x256xi32, #tpu.memory_space<vmem>>, %arg9: memref<256x32xf32, #tpu.memory_space<vmem>>, %arg10: memref<256x32xf32, #tpu.memory_space<vmem>>, %arg11: memref<256x32xf32, #tpu.memory_space<vmem>>, %arg12: memref<256x32xf32, #tpu.memory_space<vmem>>, %arg13: memref<!tpu.dma_semaphore, #tpu.memory_space<semaphore_mem>>, %arg14: memref<!tpu.dma_semaphore, #tpu.memory_space<semaphore_mem>>, %arg15: memref<!tpu.dma_semaphore, #tpu.memory_space<semaphore_mem>>, %arg16: memref<!tpu.dma_semaphore, #tpu.memory_space<semaphore_mem>>, %arg17: memref<10112x32xf32, #tpu.memory_space<vmem_shared>>, %arg18: memref<10112x32xf32, #tpu.memory_space<vmem_shared>>) attributes {dimension_semantics = [#tpu.dimension_semantics<core_parallel>, #tpu.dimension_semantics<subcore_parallel>], iteration_bounds = array<i64: 2, 16>, scalar_prefetch = 0 : i64, scratch_operands = 12 : i64, tpu.core_type = #tpu.core_type<sc_vector_subcore>, window_params = [{transform_indices = #map}, {transform_indices = #map1}, {transform_indices = #map1}, {transform_indices = #map}, {transform_indices = #map}]} {
    %mul3A = arith.constant 32 : i32
    %mul3A_0 = arith.muli %arg0, %mul3A : i32
    %mul3A_1 = arith.constant 632 : i32
    %mul3A_2 = arith.muli %arg1, %mul3A_1 : i32
    %mul3A_3 = arith.constant 632 : i32
    %mul3A_4 = arith.muli %arg1, %mul3A_3 : i32
    "tpu.region"() ({
      %run_scoped3A_76 = tpu.sem_alloc : memref<!tpu.dma_semaphore, #tpu.memory_space<semaphore_mem>>
      %dma_start3A_77 = arith.constant 0 : i32
      %dma_start3A_78 = tpu.memref_slice %arg17[%mul3A_4, %dma_start3A_77] : memref<10112x32xf32, #tpu.memory_space<vmem_shared>> -> memref<632x32xf32, #tpu.memory_space<vmem_shared>>
      %dma_start3A_79 = arith.constant 0 : i32
      %dma_start3A_80 = tpu.memref_slice %arg5[%mul3A_2, %dma_start3A_79] : memref<10112x32xf32, #tpu.memory_space<hbm>> -> memref<632x32xf32, #tpu.memory_space<hbm>>
      tpu.enqueue_dma source(%dma_start3A_80 : memref<632x32xf32, #tpu.memory_space<hbm>>) target(%dma_start3A_78 : memref<632x32xf32, #tpu.memory_space<vmem_shared>>) target_semaphore(%run_scoped3A_76 : memref<!tpu.dma_semaphore, #tpu.memory_space<semaphore_mem>>)
      %dma_wait3A_81 = arith.constant 0 : i32
      %dma_wait3A_82 = tpu.memref_slice %arg17[%mul3A_4, %dma_wait3A_81] : memref<10112x32xf32, #tpu.memory_space<vmem_shared>> -> memref<632x32xf32, #tpu.memory_space<vmem_shared>>
      %dma_wait3A_83 = arith.constant 0 : i32
      %dma_wait3A_84 = tpu.memref_slice %arg5[%mul3A_2, %dma_wait3A_83] : memref<10112x32xf32, #tpu.memory_space<hbm>> -> memref<632x32xf32, #tpu.memory_space<hbm>>
      tpu.wait_dma2 semaphore(%run_scoped3A_76 : memref<!tpu.dma_semaphore, #tpu.memory_space<semaphore_mem>>) src(%dma_wait3A_84 : memref<632x32xf32, #tpu.memory_space<hbm>>) dst(%dma_wait3A_82 : memref<632x32xf32, #tpu.memory_space<vmem_shared>>)
      tpu.yield
    }) : () -> ()
    %mul3A_5 = arith.constant 632 : i32
    %mul3A_6 = arith.muli %arg1, %mul3A_5 : i32
    %mul3A_7 = arith.constant 632 : i32
    %mul3A_8 = arith.muli %arg1, %mul3A_7 : i32
    "tpu.region"() ({
      %run_scoped3A_76 = tpu.sem_alloc : memref<!tpu.dma_semaphore, #tpu.memory_space<semaphore_mem>>
      %dma_start3A_77 = arith.constant 0 : i32
      %dma_start3A_78 = tpu.memref_slice %arg18[%mul3A_8, %dma_start3A_77] : memref<10112x32xf32, #tpu.memory_space<vmem_shared>> -> memref<632x32xf32, #tpu.memory_space<vmem_shared>>
      %dma_start3A_79 = tpu.memref_slice %arg2[%mul3A_6, %mul3A_0] : memref<10112x64xf32, #tpu.memory_space<hbm>> -> memref<632x32xf32, #tpu.memory_space<hbm>>
      tpu.enqueue_dma source(%dma_start3A_79 : memref<632x32xf32, #tpu.memory_space<hbm>>) target(%dma_start3A_78 : memref<632x32xf32, #tpu.memory_space<vmem_shared>>) target_semaphore(%run_scoped3A_76 : memref<!tpu.dma_semaphore, #tpu.memory_space<semaphore_mem>>)
      %dma_wait3A_80 = arith.constant 0 : i32
      %dma_wait3A_81 = tpu.memref_slice %arg18[%mul3A_8, %dma_wait3A_80] : memref<10112x32xf32, #tpu.memory_space<vmem_shared>> -> memref<632x32xf32, #tpu.memory_space<vmem_shared>>
      %dma_wait3A_82 = tpu.memref_slice %arg2[%mul3A_6, %mul3A_0] : memref<10112x64xf32, #tpu.memory_space<hbm>> -> memref<632x32xf32, #tpu.memory_space<hbm>>
      tpu.wait_dma2 semaphore(%run_scoped3A_76 : memref<!tpu.dma_semaphore, #tpu.memory_space<semaphore_mem>>) src(%dma_wait3A_82 : memref<632x32xf32, #tpu.memory_space<hbm>>) dst(%dma_wait3A_81 : memref<632x32xf32, #tpu.memory_space<vmem_shared>>)
      tpu.yield
    }) : () -> ()
    "tpu.region"() ({
      %run_scoped3A_76 = tpu.sem_alloc : memref<!tpu.dma_semaphore, #tpu.memory_space<semaphore_mem>>
      %dma_start3A_77 = arith.constant 0 : i32
      %dma_start3A_78 = arith.constant 0 : i32
      %dma_start3A_79 = tpu.memref_slice %arg3[%arg1, %dma_start3A_77, %dma_start3A_78] : memref<16x80x256xi32, #tpu.memory_space<hbm>> -> memref<1x80x256xi32, #tpu.memory_space<hbm>>
      %dma_start3A_80 = tpu.memref_squeeze %dma_start3A_79 : memref<1x80x256xi32, #tpu.memory_space<hbm>> -> memref<80x256xi32, #tpu.memory_space<hbm>>
      %dma_start3A_81 = arith.constant 0 : i32
      %dma_start3A_82 = arith.constant 0 : i32
      %dma_start3A_83 = tpu.memref_slice %arg3[%arg1, %dma_start3A_81, %dma_start3A_82] : memref<16x80x256xi32, #tpu.memory_space<hbm>> -> memref<1x80x256xi32, #tpu.memory_space<hbm>>
      %dma_start3A_84 = tpu.memref_squeeze %dma_start3A_83 : memref<1x80x256xi32, #tpu.memory_space<hbm>> -> memref<80x256xi32, #tpu.memory_space<hbm>>
      tpu.enqueue_dma source(%dma_start3A_84 : memref<80x256xi32, #tpu.memory_space<hbm>>) target(%arg7 : memref<80x256xi32, #tpu.memory_space<vmem>>) target_semaphore(%run_scoped3A_76 : memref<!tpu.dma_semaphore, #tpu.memory_space<semaphore_mem>>)
      %dma_wait3A_85 = arith.constant 0 : i32
      %dma_wait3A_86 = arith.constant 0 : i32
      %dma_wait3A_87 = tpu.memref_slice %arg3[%arg1, %dma_wait3A_85, %dma_wait3A_86] : memref<16x80x256xi32, #tpu.memory_space<hbm>> -> memref<1x80x256xi32, #tpu.memory_space<hbm>>
      %dma_wait3A_88 = tpu.memref_squeeze %dma_wait3A_87 : memref<1x80x256xi32, #tpu.memory_space<hbm>> -> memref<80x256xi32, #tpu.memory_space<hbm>>
      %dma_wait3A_89 = arith.constant 0 : i32
      %dma_wait3A_90 = arith.constant 0 : i32
      %dma_wait3A_91 = tpu.memref_slice %arg3[%arg1, %dma_wait3A_89, %dma_wait3A_90] : memref<16x80x256xi32, #tpu.memory_space<hbm>> -> memref<1x80x256xi32, #tpu.memory_space<hbm>>
      %dma_wait3A_92 = tpu.memref_squeeze %dma_wait3A_91 : memref<1x80x256xi32, #tpu.memory_space<hbm>> -> memref<80x256xi32, #tpu.memory_space<hbm>>
      tpu.wait_dma2 semaphore(%run_scoped3A_76 : memref<!tpu.dma_semaphore, #tpu.memory_space<semaphore_mem>>) src(%dma_wait3A_92 : memref<80x256xi32, #tpu.memory_space<hbm>>) dst(%arg7 : memref<80x256xi32, #tpu.memory_space<vmem>>)
      tpu.yield
    }) : () -> ()
    "tpu.region"() ({
      %run_scoped3A_76 = tpu.sem_alloc : memref<!tpu.dma_semaphore, #tpu.memory_space<semaphore_mem>>
      %dma_start3A_77 = arith.constant 0 : i32
      %dma_start3A_78 = arith.constant 0 : i32
      %dma_start3A_79 = tpu.memref_slice %arg4[%arg1, %dma_start3A_77, %dma_start3A_78] : memref<16x80x256xi32, #tpu.memory_space<hbm>> -> memref<1x80x256xi32, #tpu.memory_space<hbm>>
      %dma_start3A_80 = tpu.memref_squeeze %dma_start3A_79 : memref<1x80x256xi32, #tpu.memory_space<hbm>> -> memref<80x256xi32, #tpu.memory_space<hbm>>
      %dma_start3A_81 = arith.constant 0 : i32
      %dma_start3A_82 = arith.constant 0 : i32
      %dma_start3A_83 = tpu.memref_slice %arg4[%arg1, %dma_start3A_81, %dma_start3A_82] : memref<16x80x256xi32, #tpu.memory_space<hbm>> -> memref<1x80x256xi32, #tpu.memory_space<hbm>>
      %dma_start3A_84 = tpu.memref_squeeze %dma_start3A_83 : memref<1x80x256xi32, #tpu.memory_space<hbm>> -> memref<80x256xi32, #tpu.memory_space<hbm>>
      tpu.enqueue_dma source(%dma_start3A_84 : memref<80x256xi32, #tpu.memory_space<hbm>>) target(%arg8 : memref<80x256xi32, #tpu.memory_space<vmem>>) target_semaphore(%run_scoped3A_76 : memref<!tpu.dma_semaphore, #tpu.memory_space<semaphore_mem>>)
      %dma_wait3A_85 = arith.constant 0 : i32
      %dma_wait3A_86 = arith.constant 0 : i32
      %dma_wait3A_87 = tpu.memref_slice %arg4[%arg1, %dma_wait3A_85, %dma_wait3A_86] : memref<16x80x256xi32, #tpu.memory_space<hbm>> -> memref<1x80x256xi32, #tpu.memory_space<hbm>>
      %dma_wait3A_88 = tpu.memref_squeeze %dma_wait3A_87 : memref<1x80x256xi32, #tpu.memory_space<hbm>> -> memref<80x256xi32, #tpu.memory_space<hbm>>
      %dma_wait3A_89 = arith.constant 0 : i32
      %dma_wait3A_90 = arith.constant 0 : i32
      %dma_wait3A_91 = tpu.memref_slice %arg4[%arg1, %dma_wait3A_89, %dma_wait3A_90] : memref<16x80x256xi32, #tpu.memory_space<hbm>> -> memref<1x80x256xi32, #tpu.memory_space<hbm>>
      %dma_wait3A_92 = tpu.memref_squeeze %dma_wait3A_91 : memref<1x80x256xi32, #tpu.memory_space<hbm>> -> memref<80x256xi32, #tpu.memory_space<hbm>>
      tpu.wait_dma2 semaphore(%run_scoped3A_76 : memref<!tpu.dma_semaphore, #tpu.memory_space<semaphore_mem>>) src(%dma_wait3A_92 : memref<80x256xi32, #tpu.memory_space<hbm>>) dst(%arg8 : memref<80x256xi32, #tpu.memory_space<vmem>>)
      tpu.yield
    }) : () -> ()
    %barrier3A = arith.constant 0 : index
    tpu.barrier barrier_id(%barrier3A)
    %dma_start3A = arith.constant 0 : i32
    %dma_start3A_9 = arith.constant 0 : i32
    %dma_start3A_10 = tpu.memref_slice %arg7[%dma_start3A, %dma_start3A_9] : memref<80x256xi32, #tpu.memory_space<vmem>> -> memref<1x256xi32, #tpu.memory_space<vmem>>
    %dma_start3A_11 = tpu.memref_squeeze %dma_start3A_10 : memref<1x256xi32, #tpu.memory_space<vmem>> -> memref<256xi32, #tpu.memory_space<vmem>>
    %dma_start3A_12 = arith.constant 0 : i32
    %dma_start3A_13 = arith.constant 0 : i32
    %dma_start3A_14 = tpu.memref_slice %arg18[%dma_start3A_12, %dma_start3A_13] : memref<10112x32xf32, #tpu.memory_space<vmem_shared>> -> memref<10112x32xf32, #tpu.memory_space<vmem_shared>>
    tpu.enqueue_indirect_dma source(%dma_start3A_14 : memref<10112x32xf32, #tpu.memory_space<vmem_shared>>) target(%arg9 : memref<256x32xf32, #tpu.memory_space<vmem>>) offsets(%dma_start3A_11 : memref<256xi32, #tpu.memory_space<vmem>>) semaphore(%arg13 : memref<!tpu.dma_semaphore, #tpu.memory_space<semaphore_mem>>)
    %dma_start3A_15 = arith.constant 1 : i32
    %dma_start3A_16 = arith.constant 0 : i32
    %dma_start3A_17 = tpu.memref_slice %arg7[%dma_start3A_15, %dma_start3A_16] : memref<80x256xi32, #tpu.memory_space<vmem>> -> memref<1x256xi32, #tpu.memory_space<vmem>>
    %dma_start3A_18 = tpu.memref_squeeze %dma_start3A_17 : memref<1x256xi32, #tpu.memory_space<vmem>> -> memref<256xi32, #tpu.memory_space<vmem>>
    %dma_start3A_19 = arith.constant 0 : i32
    %dma_start3A_20 = arith.constant 0 : i32
    %dma_start3A_21 = tpu.memref_slice %arg18[%dma_start3A_19, %dma_start3A_20] : memref<10112x32xf32, #tpu.memory_space<vmem_shared>> -> memref<10112x32xf32, #tpu.memory_space<vmem_shared>>
    tpu.enqueue_indirect_dma source(%dma_start3A_21 : memref<10112x32xf32, #tpu.memory_space<vmem_shared>>) target(%arg10 : memref<256x32xf32, #tpu.memory_space<vmem>>) offsets(%dma_start3A_18 : memref<256xi32, #tpu.memory_space<vmem>>) semaphore(%arg14 : memref<!tpu.dma_semaphore, #tpu.memory_space<semaphore_mem>>)
    %dma_start3A_22 = arith.constant 2 : i32
    %dma_start3A_23 = arith.constant 0 : i32
    %dma_start3A_24 = tpu.memref_slice %arg7[%dma_start3A_22, %dma_start3A_23] : memref<80x256xi32, #tpu.memory_space<vmem>> -> memref<1x256xi32, #tpu.memory_space<vmem>>
    %dma_start3A_25 = tpu.memref_squeeze %dma_start3A_24 : memref<1x256xi32, #tpu.memory_space<vmem>> -> memref<256xi32, #tpu.memory_space<vmem>>
    %dma_start3A_26 = arith.constant 0 : i32
    %dma_start3A_27 = arith.constant 0 : i32
    %dma_start3A_28 = tpu.memref_slice %arg18[%dma_start3A_26, %dma_start3A_27] : memref<10112x32xf32, #tpu.memory_space<vmem_shared>> -> memref<10112x32xf32, #tpu.memory_space<vmem_shared>>
    tpu.enqueue_indirect_dma source(%dma_start3A_28 : memref<10112x32xf32, #tpu.memory_space<vmem_shared>>) target(%arg11 : memref<256x32xf32, #tpu.memory_space<vmem>>) offsets(%dma_start3A_25 : memref<256xi32, #tpu.memory_space<vmem>>) semaphore(%arg15 : memref<!tpu.dma_semaphore, #tpu.memory_space<semaphore_mem>>)
    %dma_start3A_29 = arith.constant 3 : i32
    %dma_start3A_30 = arith.constant 0 : i32
    %dma_start3A_31 = tpu.memref_slice %arg7[%dma_start3A_29, %dma_start3A_30] : memref<80x256xi32, #tpu.memory_space<vmem>> -> memref<1x256xi32, #tpu.memory_space<vmem>>
    %dma_start3A_32 = tpu.memref_squeeze %dma_start3A_31 : memref<1x256xi32, #tpu.memory_space<vmem>> -> memref<256xi32, #tpu.memory_space<vmem>>
    %dma_start3A_33 = arith.constant 0 : i32
    %dma_start3A_34 = arith.constant 0 : i32
    %dma_start3A_35 = tpu.memref_slice %arg18[%dma_start3A_33, %dma_start3A_34] : memref<10112x32xf32, #tpu.memory_space<vmem_shared>> -> memref<10112x32xf32, #tpu.memory_space<vmem_shared>>
    tpu.enqueue_indirect_dma source(%dma_start3A_35 : memref<10112x32xf32, #tpu.memory_space<vmem_shared>>) target(%arg12 : memref<256x32xf32, #tpu.memory_space<vmem>>) offsets(%dma_start3A_32 : memref<256xi32, #tpu.memory_space<vmem>>) semaphore(%arg16 : memref<!tpu.dma_semaphore, #tpu.memory_space<semaphore_mem>>)
    %scan3A = arith.constant 0 : i32
    %scan3A_36 = arith.constant 0 : i32
    %scan3A_37 = arith.constant 19 : i32
    %scan3A_38 = arith.addi %scan3A_36, %scan3A_37 : i32
    %scan3A_39 = arith.constant 1 : i32
    scf.for %scan3A_76 = %scan3A_36 to %scan3A_38 step %scan3A_39  : i32 {
      %mul3A_77 = arith.constant 4 : i32
      %mul3A_78 = arith.muli %scan3A_76, %mul3A_77 : i32
      %add3A = arith.constant 0 : i32
      %add3A_79 = arith.addi %mul3A_78, %add3A : i32
      %dma_wait3A_80 = arith.constant 0 : i32
      %dma_wait3A_81 = tpu.memref_slice %arg7[%add3A_79, %dma_wait3A_80] : memref<80x256xi32, #tpu.memory_space<vmem>> -> memref<1x256xi32, #tpu.memory_space<vmem>>
      %dma_wait3A_82 = tpu.memref_squeeze %dma_wait3A_81 : memref<1x256xi32, #tpu.memory_space<vmem>> -> memref<256xi32, #tpu.memory_space<vmem>>
      %dma_wait3A_83 = arith.constant 0 : i32
      %dma_wait3A_84 = arith.constant 0 : i32
      %dma_wait3A_85 = tpu.memref_slice %arg18[%dma_wait3A_83, %dma_wait3A_84] : memref<10112x32xf32, #tpu.memory_space<vmem_shared>> -> memref<10112x32xf32, #tpu.memory_space<vmem_shared>>
      tpu.wait_indirect_dma semaphore(%arg13 : memref<!tpu.dma_semaphore, #tpu.memory_space<semaphore_mem>>) src(%dma_wait3A_85 : memref<10112x32xf32, #tpu.memory_space<vmem_shared>>) dst(%arg9 : memref<256x32xf32, #tpu.memory_space<vmem>>)
      "tpu.region"() ({
        %run_scoped3A_148 = tpu.sem_alloc : memref<!tpu.dma_semaphore, #tpu.memory_space<semaphore_mem>>
        %dma_start3A_149 = arith.constant 0 : i32
        %dma_start3A_150 = tpu.memref_slice %arg8[%add3A_79, %dma_start3A_149] : memref<80x256xi32, #tpu.memory_space<vmem>> -> memref<1x256xi32, #tpu.memory_space<vmem>>
        %dma_start3A_151 = tpu.memref_squeeze %dma_start3A_150 : memref<1x256xi32, #tpu.memory_space<vmem>> -> memref<256xi32, #tpu.memory_space<vmem>>
        %dma_start3A_152 = arith.constant 0 : i32
        %dma_start3A_153 = arith.constant 0 : i32
        %dma_start3A_154 = tpu.memref_slice %arg17[%dma_start3A_152, %dma_start3A_153] : memref<10112x32xf32, #tpu.memory_space<vmem_shared>> -> memref<10112x32xf32, #tpu.memory_space<vmem_shared>>
        tpu.enqueue_indirect_dma source(%arg9 : memref<256x32xf32, #tpu.memory_space<vmem>>) target(%dma_start3A_154 : memref<10112x32xf32, #tpu.memory_space<vmem_shared>>) offsets(%dma_start3A_151 : memref<256xi32, #tpu.memory_space<vmem>>) semaphore(%run_scoped3A_148 : memref<!tpu.dma_semaphore, #tpu.memory_space<semaphore_mem>>) {add = true}
        %dma_wait3A_155 = arith.constant 0 : i32
        %dma_wait3A_156 = tpu.memref_slice %arg8[%add3A_79, %dma_wait3A_155] : memref<80x256xi32, #tpu.memory_space<vmem>> -> memref<1x256xi32, #tpu.memory_space<vmem>>
        %dma_wait3A_157 = tpu.memref_squeeze %dma_wait3A_156 : memref<1x256xi32, #tpu.memory_space<vmem>> -> memref<256xi32, #tpu.memory_space<vmem>>
        %dma_wait3A_158 = arith.constant 0 : i32
        %dma_wait3A_159 = arith.constant 0 : i32
        %dma_wait3A_160 = tpu.memref_slice %arg17[%dma_wait3A_158, %dma_wait3A_159] : memref<10112x32xf32, #tpu.memory_space<vmem_shared>> -> memref<10112x32xf32, #tpu.memory_space<vmem_shared>>
        tpu.wait_indirect_dma semaphore(%run_scoped3A_148 : memref<!tpu.dma_semaphore, #tpu.memory_space<semaphore_mem>>) src(%arg9 : memref<256x32xf32, #tpu.memory_space<vmem>>) dst(%dma_wait3A_160 : memref<10112x32xf32, #tpu.memory_space<vmem_shared>>)
        tpu.yield
      }) : () -> ()
      %add3A_86 = arith.constant 4 : i32
      %add3A_87 = arith.addi %add3A_79, %add3A_86 : i32
      %dma_start3A_88 = arith.constant 0 : i32
      %dma_start3A_89 = tpu.memref_slice %arg7[%add3A_87, %dma_start3A_88] : memref<80x256xi32, #tpu.memory_space<vmem>> -> memref<1x256xi32, #tpu.memory_space<vmem>>
      %dma_start3A_90 = tpu.memref_squeeze %dma_start3A_89 : memref<1x256xi32, #tpu.memory_space<vmem>> -> memref<256xi32, #tpu.memory_space<vmem>>
      %dma_start3A_91 = arith.constant 0 : i32
      %dma_start3A_92 = arith.constant 0 : i32
      %dma_start3A_93 = tpu.memref_slice %arg18[%dma_start3A_91, %dma_start3A_92] : memref<10112x32xf32, #tpu.memory_space<vmem_shared>> -> memref<10112x32xf32, #tpu.memory_space<vmem_shared>>
      tpu.enqueue_indirect_dma source(%dma_start3A_93 : memref<10112x32xf32, #tpu.memory_space<vmem_shared>>) target(%arg9 : memref<256x32xf32, #tpu.memory_space<vmem>>) offsets(%dma_start3A_90 : memref<256xi32, #tpu.memory_space<vmem>>) semaphore(%arg13 : memref<!tpu.dma_semaphore, #tpu.memory_space<semaphore_mem>>)
      %mul3A_94 = arith.constant 4 : i32
      %mul3A_95 = arith.muli %scan3A_76, %mul3A_94 : i32
      %add3A_96 = arith.constant 1 : i32
      %add3A_97 = arith.addi %mul3A_95, %add3A_96 : i32
      %dma_wait3A_98 = arith.constant 0 : i32
      %dma_wait3A_99 = tpu.memref_slice %arg7[%add3A_97, %dma_wait3A_98] : memref<80x256xi32, #tpu.memory_space<vmem>> -> memref<1x256xi32, #tpu.memory_space<vmem>>
      %dma_wait3A_100 = tpu.memref_squeeze %dma_wait3A_99 : memref<1x256xi32, #tpu.memory_space<vmem>> -> memref<256xi32, #tpu.memory_space<vmem>>
      %dma_wait3A_101 = arith.constant 0 : i32
      %dma_wait3A_102 = arith.constant 0 : i32
      %dma_wait3A_103 = tpu.memref_slice %arg18[%dma_wait3A_101, %dma_wait3A_102] : memref<10112x32xf32, #tpu.memory_space<vmem_shared>> -> memref<10112x32xf32, #tpu.memory_space<vmem_shared>>
      tpu.wait_indirect_dma semaphore(%arg14 : memref<!tpu.dma_semaphore, #tpu.memory_space<semaphore_mem>>) src(%dma_wait3A_103 : memref<10112x32xf32, #tpu.memory_space<vmem_shared>>) dst(%arg10 : memref<256x32xf32, #tpu.memory_space<vmem>>)
      "tpu.region"() ({
        %run_scoped3A_148 = tpu.sem_alloc : memref<!tpu.dma_semaphore, #tpu.memory_space<semaphore_mem>>
        %dma_start3A_149 = arith.constant 0 : i32
        %dma_start3A_150 = tpu.memref_slice %arg8[%add3A_97, %dma_start3A_149] : memref<80x256xi32, #tpu.memory_space<vmem>> -> memref<1x256xi32, #tpu.memory_space<vmem>>
        %dma_start3A_151 = tpu.memref_squeeze %dma_start3A_150 : memref<1x256xi32, #tpu.memory_space<vmem>> -> memref<256xi32, #tpu.memory_space<vmem>>
        %dma_start3A_152 = arith.constant 0 : i32
        %dma_start3A_153 = arith.constant 0 : i32
        %dma_start3A_154 = tpu.memref_slice %arg17[%dma_start3A_152, %dma_start3A_153] : memref<10112x32xf32, #tpu.memory_space<vmem_shared>> -> memref<10112x32xf32, #tpu.memory_space<vmem_shared>>
        tpu.enqueue_indirect_dma source(%arg10 : memref<256x32xf32, #tpu.memory_space<vmem>>) target(%dma_start3A_154 : memref<10112x32xf32, #tpu.memory_space<vmem_shared>>) offsets(%dma_start3A_151 : memref<256xi32, #tpu.memory_space<vmem>>) semaphore(%run_scoped3A_148 : memref<!tpu.dma_semaphore, #tpu.memory_space<semaphore_mem>>) {add = true}
        %dma_wait3A_155 = arith.constant 0 : i32
        %dma_wait3A_156 = tpu.memref_slice %arg8[%add3A_97, %dma_wait3A_155] : memref<80x256xi32, #tpu.memory_space<vmem>> -> memref<1x256xi32, #tpu.memory_space<vmem>>
        %dma_wait3A_157 = tpu.memref_squeeze %dma_wait3A_156 : memref<1x256xi32, #tpu.memory_space<vmem>> -> memref<256xi32, #tpu.memory_space<vmem>>
        %dma_wait3A_158 = arith.constant 0 : i32
        %dma_wait3A_159 = arith.constant 0 : i32
        %dma_wait3A_160 = tpu.memref_slice %arg17[%dma_wait3A_158, %dma_wait3A_159] : memref<10112x32xf32, #tpu.memory_space<vmem_shared>> -> memref<10112x32xf32, #tpu.memory_space<vmem_shared>>
        tpu.wait_indirect_dma semaphore(%run_scoped3A_148 : memref<!tpu.dma_semaphore, #tpu.memory_space<semaphore_mem>>) src(%arg10 : memref<256x32xf32, #tpu.memory_space<vmem>>) dst(%dma_wait3A_160 : memref<10112x32xf32, #tpu.memory_space<vmem_shared>>)
        tpu.yield
      }) : () -> ()
      %add3A_104 = arith.constant 4 : i32
      %add3A_105 = arith.addi %add3A_97, %add3A_104 : i32
      %dma_start3A_106 = arith.constant 0 : i32
      %dma_start3A_107 = tpu.memref_slice %arg7[%add3A_105, %dma_start3A_106] : memref<80x256xi32, #tpu.memory_space<vmem>> -> memref<1x256xi32, #tpu.memory_space<vmem>>
      %dma_start3A_108 = tpu.memref_squeeze %dma_start3A_107 : memref<1x256xi32, #tpu.memory_space<vmem>> -> memref<256xi32, #tpu.memory_space<vmem>>
      %dma_start3A_109 = arith.constant 0 : i32
      %dma_start3A_110 = arith.constant 0 : i32
      %dma_start3A_111 = tpu.memref_slice %arg18[%dma_start3A_109, %dma_start3A_110] : memref<10112x32xf32, #tpu.memory_space<vmem_shared>> -> memref<10112x32xf32, #tpu.memory_space<vmem_shared>>
      tpu.enqueue_indirect_dma source(%dma_start3A_111 : memref<10112x32xf32, #tpu.memory_space<vmem_shared>>) target(%arg10 : memref<256x32xf32, #tpu.memory_space<vmem>>) offsets(%dma_start3A_108 : memref<256xi32, #tpu.memory_space<vmem>>) semaphore(%arg14 : memref<!tpu.dma_semaphore, #tpu.memory_space<semaphore_mem>>)
      %mul3A_112 = arith.constant 4 : i32
      %mul3A_113 = arith.muli %scan3A_76, %mul3A_112 : i32
      %add3A_114 = arith.constant 2 : i32
      %add3A_115 = arith.addi %mul3A_113, %add3A_114 : i32
      %dma_wait3A_116 = arith.constant 0 : i32
      %dma_wait3A_117 = tpu.memref_slice %arg7[%add3A_115, %dma_wait3A_116] : memref<80x256xi32, #tpu.memory_space<vmem>> -> memref<1x256xi32, #tpu.memory_space<vmem>>
      %dma_wait3A_118 = tpu.memref_squeeze %dma_wait3A_117 : memref<1x256xi32, #tpu.memory_space<vmem>> -> memref<256xi32, #tpu.memory_space<vmem>>
      %dma_wait3A_119 = arith.constant 0 : i32
      %dma_wait3A_120 = arith.constant 0 : i32
      %dma_wait3A_121 = tpu.memref_slice %arg18[%dma_wait3A_119, %dma_wait3A_120] : memref<10112x32xf32, #tpu.memory_space<vmem_shared>> -> memref<10112x32xf32, #tpu.memory_space<vmem_shared>>
      tpu.wait_indirect_dma semaphore(%arg15 : memref<!tpu.dma_semaphore, #tpu.memory_space<semaphore_mem>>) src(%dma_wait3A_121 : memref<10112x32xf32, #tpu.memory_space<vmem_shared>>) dst(%arg11 : memref<256x32xf32, #tpu.memory_space<vmem>>)
      "tpu.region"() ({
        %run_scoped3A_148 = tpu.sem_alloc : memref<!tpu.dma_semaphore, #tpu.memory_space<semaphore_mem>>
        %dma_start3A_149 = arith.constant 0 : i32
        %dma_start3A_150 = tpu.memref_slice %arg8[%add3A_115, %dma_start3A_149] : memref<80x256xi32, #tpu.memory_space<vmem>> -> memref<1x256xi32, #tpu.memory_space<vmem>>
        %dma_start3A_151 = tpu.memref_squeeze %dma_start3A_150 : memref<1x256xi32, #tpu.memory_space<vmem>> -> memref<256xi32, #tpu.memory_space<vmem>>
        %dma_start3A_152 = arith.constant 0 : i32
        %dma_start3A_153 = arith.constant 0 : i32
        %dma_start3A_154 = tpu.memref_slice %arg17[%dma_start3A_152, %dma_start3A_153] : memref<10112x32xf32, #tpu.memory_space<vmem_shared>> -> memref<10112x32xf32, #tpu.memory_space<vmem_shared>>
        tpu.enqueue_indirect_dma source(%arg11 : memref<256x32xf32, #tpu.memory_space<vmem>>) target(%dma_start3A_154 : memref<10112x32xf32, #tpu.memory_space<vmem_shared>>) offsets(%dma_start3A_151 : memref<256xi32, #tpu.memory_space<vmem>>) semaphore(%run_scoped3A_148 : memref<!tpu.dma_semaphore, #tpu.memory_space<semaphore_mem>>) {add = true}
        %dma_wait3A_155 = arith.constant 0 : i32
        %dma_wait3A_156 = tpu.memref_slice %arg8[%add3A_115, %dma_wait3A_155] : memref<80x256xi32, #tpu.memory_space<vmem>> -> memref<1x256xi32, #tpu.memory_space<vmem>>
        %dma_wait3A_157 = tpu.memref_squeeze %dma_wait3A_156 : memref<1x256xi32, #tpu.memory_space<vmem>> -> memref<256xi32, #tpu.memory_space<vmem>>
        %dma_wait3A_158 = arith.constant 0 : i32
        %dma_wait3A_159 = arith.constant 0 : i32
        %dma_wait3A_160 = tpu.memref_slice %arg17[%dma_wait3A_158, %dma_wait3A_159] : memref<10112x32xf32, #tpu.memory_space<vmem_shared>> -> memref<10112x32xf32, #tpu.memory_space<vmem_shared>>
        tpu.wait_indirect_dma semaphore(%run_scoped3A_148 : memref<!tpu.dma_semaphore, #tpu.memory_space<semaphore_mem>>) src(%arg11 : memref<256x32xf32, #tpu.memory_space<vmem>>) dst(%dma_wait3A_160 : memref<10112x32xf32, #tpu.memory_space<vmem_shared>>)
        tpu.yield
      }) : () -> ()
      %add3A_122 = arith.constant 4 : i32
      %add3A_123 = arith.addi %add3A_115, %add3A_122 : i32
      %dma_start3A_124 = arith.constant 0 : i32
      %dma_start3A_125 = tpu.memref_slice %arg7[%add3A_123, %dma_start3A_124] : memref<80x256xi32, #tpu.memory_space<vmem>> -> memref<1x256xi32, #tpu.memory_space<vmem>>
      %dma_start3A_126 = tpu.memref_squeeze %dma_start3A_125 : memref<1x256xi32, #tpu.memory_space<vmem>> -> memref<256xi32, #tpu.memory_space<vmem>>
      %dma_start3A_127 = arith.constant 0 : i32
      %dma_start3A_128 = arith.constant 0 : i32
      %dma_start3A_129 = tpu.memref_slice %arg18[%dma_start3A_127, %dma_start3A_128] : memref<10112x32xf32, #tpu.memory_space<vmem_shared>> -> memref<10112x32xf32, #tpu.memory_space<vmem_shared>>
      tpu.enqueue_indirect_dma source(%dma_start3A_129 : memref<10112x32xf32, #tpu.memory_space<vmem_shared>>) target(%arg11 : memref<256x32xf32, #tpu.memory_space<vmem>>) offsets(%dma_start3A_126 : memref<256xi32, #tpu.memory_space<vmem>>) semaphore(%arg15 : memref<!tpu.dma_semaphore, #tpu.memory_space<semaphore_mem>>)
      %mul3A_130 = arith.constant 4 : i32
      %mul3A_131 = arith.muli %scan3A_76, %mul3A_130 : i32
      %add3A_132 = arith.constant 3 : i32
      %add3A_133 = arith.addi %mul3A_131, %add3A_132 : i32
      %dma_wait3A_134 = arith.constant 0 : i32
      %dma_wait3A_135 = tpu.memref_slice %arg7[%add3A_133, %dma_wait3A_134] : memref<80x256xi32, #tpu.memory_space<vmem>> -> memref<1x256xi32, #tpu.memory_space<vmem>>
      %dma_wait3A_136 = tpu.memref_squeeze %dma_wait3A_135 : memref<1x256xi32, #tpu.memory_space<vmem>> -> memref<256xi32, #tpu.memory_space<vmem>>
      %dma_wait3A_137 = arith.constant 0 : i32
      %dma_wait3A_138 = arith.constant 0 : i32
      %dma_wait3A_139 = tpu.memref_slice %arg18[%dma_wait3A_137, %dma_wait3A_138] : memref<10112x32xf32, #tpu.memory_space<vmem_shared>> -> memref<10112x32xf32, #tpu.memory_space<vmem_shared>>
      tpu.wait_indirect_dma semaphore(%arg16 : memref<!tpu.dma_semaphore, #tpu.memory_space<semaphore_mem>>) src(%dma_wait3A_139 : memref<10112x32xf32, #tpu.memory_space<vmem_shared>>) dst(%arg12 : memref<256x32xf32, #tpu.memory_space<vmem>>)
      "tpu.region"() ({
        %run_scoped3A_148 = tpu.sem_alloc : memref<!tpu.dma_semaphore, #tpu.memory_space<semaphore_mem>>
        %dma_start3A_149 = arith.constant 0 : i32
        %dma_start3A_150 = tpu.memref_slice %arg8[%add3A_133, %dma_start3A_149] : memref<80x256xi32, #tpu.memory_space<vmem>> -> memref<1x256xi32, #tpu.memory_space<vmem>>
        %dma_start3A_151 = tpu.memref_squeeze %dma_start3A_150 : memref<1x256xi32, #tpu.memory_space<vmem>> -> memref<256xi32, #tpu.memory_space<vmem>>
        %dma_start3A_152 = arith.constant 0 : i32
        %dma_start3A_153 = arith.constant 0 : i32
        %dma_start3A_154 = tpu.memref_slice %arg17[%dma_start3A_152, %dma_start3A_153] : memref<10112x32xf32, #tpu.memory_space<vmem_shared>> -> memref<10112x32xf32, #tpu.memory_space<vmem_shared>>
        tpu.enqueue_indirect_dma source(%arg12 : memref<256x32xf32, #tpu.memory_space<vmem>>) target(%dma_start3A_154 : memref<10112x32xf32, #tpu.memory_space<vmem_shared>>) offsets(%dma_start3A_151 : memref<256xi32, #tpu.memory_space<vmem>>) semaphore(%run_scoped3A_148 : memref<!tpu.dma_semaphore, #tpu.memory_space<semaphore_mem>>) {add = true}
        %dma_wait3A_155 = arith.constant 0 : i32
        %dma_wait3A_156 = tpu.memref_slice %arg8[%add3A_133, %dma_wait3A_155] : memref<80x256xi32, #tpu.memory_space<vmem>> -> memref<1x256xi32, #tpu.memory_space<vmem>>
        %dma_wait3A_157 = tpu.memref_squeeze %dma_wait3A_156 : memref<1x256xi32, #tpu.memory_space<vmem>> -> memref<256xi32, #tpu.memory_space<vmem>>
        %dma_wait3A_158 = arith.constant 0 : i32
        %dma_wait3A_159 = arith.constant 0 : i32
        %dma_wait3A_160 = tpu.memref_slice %arg17[%dma_wait3A_158, %dma_wait3A_159] : memref<10112x32xf32, #tpu.memory_space<vmem_shared>> -> memref<10112x32xf32, #tpu.memory_space<vmem_shared>>
        tpu.wait_indirect_dma semaphore(%run_scoped3A_148 : memref<!tpu.dma_semaphore, #tpu.memory_space<semaphore_mem>>) src(%arg12 : memref<256x32xf32, #tpu.memory_space<vmem>>) dst(%dma_wait3A_160 : memref<10112x32xf32, #tpu.memory_space<vmem_shared>>)
        tpu.yield
      }) : () -> ()
      %add3A_140 = arith.constant 4 : i32
      %add3A_141 = arith.addi %add3A_133, %add3A_140 : i32
      %dma_start3A_142 = arith.constant 0 : i32
      %dma_start3A_143 = tpu.memref_slice %arg7[%add3A_141, %dma_start3A_142] : memref<80x256xi32, #tpu.memory_space<vmem>> -> memref<1x256xi32, #tpu.memory_space<vmem>>
      %dma_start3A_144 = tpu.memref_squeeze %dma_start3A_143 : memref<1x256xi32, #tpu.memory_space<vmem>> -> memref<256xi32, #tpu.memory_space<vmem>>
      %dma_start3A_145 = arith.constant 0 : i32
      %dma_start3A_146 = arith.constant 0 : i32
      %dma_start3A_147 = tpu.memref_slice %arg18[%dma_start3A_145, %dma_start3A_146] : memref<10112x32xf32, #tpu.memory_space<vmem_shared>> -> memref<10112x32xf32, #tpu.memory_space<vmem_shared>>
      tpu.enqueue_indirect_dma source(%dma_start3A_147 : memref<10112x32xf32, #tpu.memory_space<vmem_shared>>) target(%arg12 : memref<256x32xf32, #tpu.memory_space<vmem>>) offsets(%dma_start3A_144 : memref<256xi32, #tpu.memory_space<vmem>>) semaphore(%arg16 : memref<!tpu.dma_semaphore, #tpu.memory_space<semaphore_mem>>)
    }
    %scan3A_40 = arith.constant 19 : i32
    %dma_wait3A = arith.constant 76 : i32
    %dma_wait3A_41 = arith.constant 0 : i32
    %dma_wait3A_42 = tpu.memref_slice %arg7[%dma_wait3A, %dma_wait3A_41] : memref<80x256xi32, #tpu.memory_space<vmem>> -> memref<1x256xi32, #tpu.memory_space<vmem>>
    %dma_wait3A_43 = tpu.memref_squeeze %dma_wait3A_42 : memref<1x256xi32, #tpu.memory_space<vmem>> -> memref<256xi32, #tpu.memory_space<vmem>>
    %dma_wait3A_44 = arith.constant 0 : i32
    %dma_wait3A_45 = arith.constant 0 : i32
    %dma_wait3A_46 = tpu.memref_slice %arg18[%dma_wait3A_44, %dma_wait3A_45] : memref<10112x32xf32, #tpu.memory_space<vmem_shared>> -> memref<10112x32xf32, #tpu.memory_space<vmem_shared>>
    tpu.wait_indirect_dma semaphore(%arg13 : memref<!tpu.dma_semaphore, #tpu.memory_space<semaphore_mem>>) src(%dma_wait3A_46 : memref<10112x32xf32, #tpu.memory_space<vmem_shared>>) dst(%arg9 : memref<256x32xf32, #tpu.memory_space<vmem>>)
    %run_scoped3A = arith.constant 76 : i32
    "tpu.region"() ({
      %run_scoped3A_76 = tpu.sem_alloc : memref<!tpu.dma_semaphore, #tpu.memory_space<semaphore_mem>>
      %dma_start3A_77 = arith.constant 0 : i32
      %dma_start3A_78 = tpu.memref_slice %arg8[%run_scoped3A, %dma_start3A_77] : memref<80x256xi32, #tpu.memory_space<vmem>> -> memref<1x256xi32, #tpu.memory_space<vmem>>
      %dma_start3A_79 = tpu.memref_squeeze %dma_start3A_78 : memref<1x256xi32, #tpu.memory_space<vmem>> -> memref<256xi32, #tpu.memory_space<vmem>>
      %dma_start3A_80 = arith.constant 0 : i32
      %dma_start3A_81 = arith.constant 0 : i32
      %dma_start3A_82 = tpu.memref_slice %arg17[%dma_start3A_80, %dma_start3A_81] : memref<10112x32xf32, #tpu.memory_space<vmem_shared>> -> memref<10112x32xf32, #tpu.memory_space<vmem_shared>>
      tpu.enqueue_indirect_dma source(%arg9 : memref<256x32xf32, #tpu.memory_space<vmem>>) target(%dma_start3A_82 : memref<10112x32xf32, #tpu.memory_space<vmem_shared>>) offsets(%dma_start3A_79 : memref<256xi32, #tpu.memory_space<vmem>>) semaphore(%run_scoped3A_76 : memref<!tpu.dma_semaphore, #tpu.memory_space<semaphore_mem>>) {add = true}
      %dma_wait3A_83 = arith.constant 0 : i32
      %dma_wait3A_84 = tpu.memref_slice %arg8[%run_scoped3A, %dma_wait3A_83] : memref<80x256xi32, #tpu.memory_space<vmem>> -> memref<1x256xi32, #tpu.memory_space<vmem>>
      %dma_wait3A_85 = tpu.memref_squeeze %dma_wait3A_84 : memref<1x256xi32, #tpu.memory_space<vmem>> -> memref<256xi32, #tpu.memory_space<vmem>>
      %dma_wait3A_86 = arith.constant 0 : i32
      %dma_wait3A_87 = arith.constant 0 : i32
      %dma_wait3A_88 = tpu.memref_slice %arg17[%dma_wait3A_86, %dma_wait3A_87] : memref<10112x32xf32, #tpu.memory_space<vmem_shared>> -> memref<10112x32xf32, #tpu.memory_space<vmem_shared>>
      tpu.wait_indirect_dma semaphore(%run_scoped3A_76 : memref<!tpu.dma_semaphore, #tpu.memory_space<semaphore_mem>>) src(%arg9 : memref<256x32xf32, #tpu.memory_space<vmem>>) dst(%dma_wait3A_88 : memref<10112x32xf32, #tpu.memory_space<vmem_shared>>)
      tpu.yield
    }) : () -> ()
    %dma_wait3A_47 = arith.constant 77 : i32
    %dma_wait3A_48 = arith.constant 0 : i32
    %dma_wait3A_49 = tpu.memref_slice %arg7[%dma_wait3A_47, %dma_wait3A_48] : memref<80x256xi32, #tpu.memory_space<vmem>> -> memref<1x256xi32, #tpu.memory_space<vmem>>
    %dma_wait3A_50 = tpu.memref_squeeze %dma_wait3A_49 : memref<1x256xi32, #tpu.memory_space<vmem>> -> memref<256xi32, #tpu.memory_space<vmem>>
    %dma_wait3A_51 = arith.constant 0 : i32
    %dma_wait3A_52 = arith.constant 0 : i32
    %dma_wait3A_53 = tpu.memref_slice %arg18[%dma_wait3A_51, %dma_wait3A_52] : memref<10112x32xf32, #tpu.memory_space<vmem_shared>> -> memref<10112x32xf32, #tpu.memory_space<vmem_shared>>
    tpu.wait_indirect_dma semaphore(%arg14 : memref<!tpu.dma_semaphore, #tpu.memory_space<semaphore_mem>>) src(%dma_wait3A_53 : memref<10112x32xf32, #tpu.memory_space<vmem_shared>>) dst(%arg10 : memref<256x32xf32, #tpu.memory_space<vmem>>)
    %run_scoped3A_54 = arith.constant 77 : i32
    "tpu.region"() ({
      %run_scoped3A_76 = tpu.sem_alloc : memref<!tpu.dma_semaphore, #tpu.memory_space<semaphore_mem>>
      %dma_start3A_77 = arith.constant 0 : i32
      %dma_start3A_78 = tpu.memref_slice %arg8[%run_scoped3A_54, %dma_start3A_77] : memref<80x256xi32, #tpu.memory_space<vmem>> -> memref<1x256xi32, #tpu.memory_space<vmem>>
      %dma_start3A_79 = tpu.memref_squeeze %dma_start3A_78 : memref<1x256xi32, #tpu.memory_space<vmem>> -> memref<256xi32, #tpu.memory_space<vmem>>
      %dma_start3A_80 = arith.constant 0 : i32
      %dma_start3A_81 = arith.constant 0 : i32
      %dma_start3A_82 = tpu.memref_slice %arg17[%dma_start3A_80, %dma_start3A_81] : memref<10112x32xf32, #tpu.memory_space<vmem_shared>> -> memref<10112x32xf32, #tpu.memory_space<vmem_shared>>
      tpu.enqueue_indirect_dma source(%arg10 : memref<256x32xf32, #tpu.memory_space<vmem>>) target(%dma_start3A_82 : memref<10112x32xf32, #tpu.memory_space<vmem_shared>>) offsets(%dma_start3A_79 : memref<256xi32, #tpu.memory_space<vmem>>) semaphore(%run_scoped3A_76 : memref<!tpu.dma_semaphore, #tpu.memory_space<semaphore_mem>>) {add = true}
      %dma_wait3A_83 = arith.constant 0 : i32
      %dma_wait3A_84 = tpu.memref_slice %arg8[%run_scoped3A_54, %dma_wait3A_83] : memref<80x256xi32, #tpu.memory_space<vmem>> -> memref<1x256xi32, #tpu.memory_space<vmem>>
      %dma_wait3A_85 = tpu.memref_squeeze %dma_wait3A_84 : memref<1x256xi32, #tpu.memory_space<vmem>> -> memref<256xi32, #tpu.memory_space<vmem>>
      %dma_wait3A_86 = arith.constant 0 : i32
      %dma_wait3A_87 = arith.constant 0 : i32
      %dma_wait3A_88 = tpu.memref_slice %arg17[%dma_wait3A_86, %dma_wait3A_87] : memref<10112x32xf32, #tpu.memory_space<vmem_shared>> -> memref<10112x32xf32, #tpu.memory_space<vmem_shared>>
      tpu.wait_indirect_dma semaphore(%run_scoped3A_76 : memref<!tpu.dma_semaphore, #tpu.memory_space<semaphore_mem>>) src(%arg10 : memref<256x32xf32, #tpu.memory_space<vmem>>) dst(%dma_wait3A_88 : memref<10112x32xf32, #tpu.memory_space<vmem_shared>>)
      tpu.yield
    }) : () -> ()
    %dma_wait3A_55 = arith.constant 78 : i32
    %dma_wait3A_56 = arith.constant 0 : i32
    %dma_wait3A_57 = tpu.memref_slice %arg7[%dma_wait3A_55, %dma_wait3A_56] : memref<80x256xi32, #tpu.memory_space<vmem>> -> memref<1x256xi32, #tpu.memory_space<vmem>>
    %dma_wait3A_58 = tpu.memref_squeeze %dma_wait3A_57 : memref<1x256xi32, #tpu.memory_space<vmem>> -> memref<256xi32, #tpu.memory_space<vmem>>
    %dma_wait3A_59 = arith.constant 0 : i32
    %dma_wait3A_60 = arith.constant 0 : i32
    %dma_wait3A_61 = tpu.memref_slice %arg18[%dma_wait3A_59, %dma_wait3A_60] : memref<10112x32xf32, #tpu.memory_space<vmem_shared>> -> memref<10112x32xf32, #tpu.memory_space<vmem_shared>>
    tpu.wait_indirect_dma semaphore(%arg15 : memref<!tpu.dma_semaphore, #tpu.memory_space<semaphore_mem>>) src(%dma_wait3A_61 : memref<10112x32xf32, #tpu.memory_space<vmem_shared>>) dst(%arg11 : memref<256x32xf32, #tpu.memory_space<vmem>>)
    %run_scoped3A_62 = arith.constant 78 : i32
    "tpu.region"() ({
      %run_scoped3A_76 = tpu.sem_alloc : memref<!tpu.dma_semaphore, #tpu.memory_space<semaphore_mem>>
      %dma_start3A_77 = arith.constant 0 : i32
      %dma_start3A_78 = tpu.memref_slice %arg8[%run_scoped3A_62, %dma_start3A_77] : memref<80x256xi32, #tpu.memory_space<vmem>> -> memref<1x256xi32, #tpu.memory_space<vmem>>
      %dma_start3A_79 = tpu.memref_squeeze %dma_start3A_78 : memref<1x256xi32, #tpu.memory_space<vmem>> -> memref<256xi32, #tpu.memory_space<vmem>>
      %dma_start3A_80 = arith.constant 0 : i32
      %dma_start3A_81 = arith.constant 0 : i32
      %dma_start3A_82 = tpu.memref_slice %arg17[%dma_start3A_80, %dma_start3A_81] : memref<10112x32xf32, #tpu.memory_space<vmem_shared>> -> memref<10112x32xf32, #tpu.memory_space<vmem_shared>>
      tpu.enqueue_indirect_dma source(%arg11 : memref<256x32xf32, #tpu.memory_space<vmem>>) target(%dma_start3A_82 : memref<10112x32xf32, #tpu.memory_space<vmem_shared>>) offsets(%dma_start3A_79 : memref<256xi32, #tpu.memory_space<vmem>>) semaphore(%run_scoped3A_76 : memref<!tpu.dma_semaphore, #tpu.memory_space<semaphore_mem>>) {add = true}
      %dma_wait3A_83 = arith.constant 0 : i32
      %dma_wait3A_84 = tpu.memref_slice %arg8[%run_scoped3A_62, %dma_wait3A_83] : memref<80x256xi32, #tpu.memory_space<vmem>> -> memref<1x256xi32, #tpu.memory_space<vmem>>
      %dma_wait3A_85 = tpu.memref_squeeze %dma_wait3A_84 : memref<1x256xi32, #tpu.memory_space<vmem>> -> memref<256xi32, #tpu.memory_space<vmem>>
      %dma_wait3A_86 = arith.constant 0 : i32
      %dma_wait3A_87 = arith.constant 0 : i32
      %dma_wait3A_88 = tpu.memref_slice %arg17[%dma_wait3A_86, %dma_wait3A_87] : memref<10112x32xf32, #tpu.memory_space<vmem_shared>> -> memref<10112x32xf32, #tpu.memory_space<vmem_shared>>
      tpu.wait_indirect_dma semaphore(%run_scoped3A_76 : memref<!tpu.dma_semaphore, #tpu.memory_space<semaphore_mem>>) src(%arg11 : memref<256x32xf32, #tpu.memory_space<vmem>>) dst(%dma_wait3A_88 : memref<10112x32xf32, #tpu.memory_space<vmem_shared>>)
      tpu.yield
    }) : () -> ()
    %dma_wait3A_63 = arith.constant 79 : i32
    %dma_wait3A_64 = arith.constant 0 : i32
    %dma_wait3A_65 = tpu.memref_slice %arg7[%dma_wait3A_63, %dma_wait3A_64] : memref<80x256xi32, #tpu.memory_space<vmem>> -> memref<1x256xi32, #tpu.memory_space<vmem>>
    %dma_wait3A_66 = tpu.memref_squeeze %dma_wait3A_65 : memref<1x256xi32, #tpu.memory_space<vmem>> -> memref<256xi32, #tpu.memory_space<vmem>>
    %dma_wait3A_67 = arith.constant 0 : i32
    %dma_wait3A_68 = arith.constant 0 : i32
    %dma_wait3A_69 = tpu.memref_slice %arg18[%dma_wait3A_67, %dma_wait3A_68] : memref<10112x32xf32, #tpu.memory_space<vmem_shared>> -> memref<10112x32xf32, #tpu.memory_space<vmem_shared>>
    tpu.wait_indirect_dma semaphore(%arg16 : memref<!tpu.dma_semaphore, #tpu.memory_space<semaphore_mem>>) src(%dma_wait3A_69 : memref<10112x32xf32, #tpu.memory_space<vmem_shared>>) dst(%arg12 : memref<256x32xf32, #tpu.memory_space<vmem>>)
    %run_scoped3A_70 = arith.constant 79 : i32
    "tpu.region"() ({
      %run_scoped3A_76 = tpu.sem_alloc : memref<!tpu.dma_semaphore, #tpu.memory_space<semaphore_mem>>
      %dma_start3A_77 = arith.constant 0 : i32
      %dma_start3A_78 = tpu.memref_slice %arg8[%run_scoped3A_70, %dma_start3A_77] : memref<80x256xi32, #tpu.memory_space<vmem>> -> memref<1x256xi32, #tpu.memory_space<vmem>>
      %dma_start3A_79 = tpu.memref_squeeze %dma_start3A_78 : memref<1x256xi32, #tpu.memory_space<vmem>> -> memref<256xi32, #tpu.memory_space<vmem>>
      %dma_start3A_80 = arith.constant 0 : i32
      %dma_start3A_81 = arith.constant 0 : i32
      %dma_start3A_82 = tpu.memref_slice %arg17[%dma_start3A_80, %dma_start3A_81] : memref<10112x32xf32, #tpu.memory_space<vmem_shared>> -> memref<10112x32xf32, #tpu.memory_space<vmem_shared>>
      tpu.enqueue_indirect_dma source(%arg12 : memref<256x32xf32, #tpu.memory_space<vmem>>) target(%dma_start3A_82 : memref<10112x32xf32, #tpu.memory_space<vmem_shared>>) offsets(%dma_start3A_79 : memref<256xi32, #tpu.memory_space<vmem>>) semaphore(%run_scoped3A_76 : memref<!tpu.dma_semaphore, #tpu.memory_space<semaphore_mem>>) {add = true}
      %dma_wait3A_83 = arith.constant 0 : i32
      %dma_wait3A_84 = tpu.memref_slice %arg8[%run_scoped3A_70, %dma_wait3A_83] : memref<80x256xi32, #tpu.memory_space<vmem>> -> memref<1x256xi32, #tpu.memory_space<vmem>>
      %dma_wait3A_85 = tpu.memref_squeeze %dma_wait3A_84 : memref<1x256xi32, #tpu.memory_space<vmem>> -> memref<256xi32, #tpu.memory_space<vmem>>
      %dma_wait3A_86 = arith.constant 0 : i32
      %dma_wait3A_87 = arith.constant 0 : i32
      %dma_wait3A_88 = tpu.memref_slice %arg17[%dma_wait3A_86, %dma_wait3A_87] : memref<10112x32xf32, #tpu.memory_space<vmem_shared>> -> memref<10112x32xf32, #tpu.memory_space<vmem_shared>>
      tpu.wait_indirect_dma semaphore(%run_scoped3A_76 : memref<!tpu.dma_semaphore, #tpu.memory_space<semaphore_mem>>) src(%arg12 : memref<256x32xf32, #tpu.memory_space<vmem>>) dst(%dma_wait3A_88 : memref<10112x32xf32, #tpu.memory_space<vmem_shared>>)
      tpu.yield
    }) : () -> ()
    %barrier3A_71 = arith.constant 0 : index
    tpu.barrier barrier_id(%barrier3A_71)
    %mul3A_72 = arith.constant 632 : i32
    %mul3A_73 = arith.muli %arg1, %mul3A_72 : i32
    %mul3A_74 = arith.constant 632 : i32
    %mul3A_75 = arith.muli %arg1, %mul3A_74 : i32
    "tpu.region"() ({
      %run_scoped3A_76 = tpu.sem_alloc : memref<!tpu.dma_semaphore, #tpu.memory_space<semaphore_mem>>
      %dma_start3A_77 = tpu.memref_slice %arg6[%mul3A_75, %mul3A_0] : memref<10112x64xf32, #tpu.memory_space<hbm>> -> memref<632x32xf32, #tpu.memory_space<hbm>>
      %dma_start3A_78 = arith.constant 0 : i32
      %dma_start3A_79 = tpu.memref_slice %arg17[%mul3A_73, %dma_start3A_78] : memref<10112x32xf32, #tpu.memory_space<vmem_shared>> -> memref<632x32xf32, #tpu.memory_space<vmem_shared>>
      tpu.enqueue_dma source(%dma_start3A_79 : memref<632x32xf32, #tpu.memory_space<vmem_shared>>) target(%dma_start3A_77 : memref<632x32xf32, #tpu.memory_space<hbm>>) target_semaphore(%run_scoped3A_76 : memref<!tpu.dma_semaphore, #tpu.memory_space<semaphore_mem>>)
      %dma_wait3A_80 = tpu.memref_slice %arg6[%mul3A_75, %mul3A_0] : memref<10112x64xf32, #tpu.memory_space<hbm>> -> memref<632x32xf32, #tpu.memory_space<hbm>>
      %dma_wait3A_81 = arith.constant 0 : i32
      %dma_wait3A_82 = tpu.memref_slice %arg17[%mul3A_73, %dma_wait3A_81] : memref<10112x32xf32, #tpu.memory_space<vmem_shared>> -> memref<632x32xf32, #tpu.memory_space<vmem_shared>>
      tpu.wait_dma2 semaphore(%run_scoped3A_76 : memref<!tpu.dma_semaphore, #tpu.memory_space<semaphore_mem>>) src(%dma_wait3A_82 : memref<632x32xf32, #tpu.memory_space<vmem_shared>>) dst(%dma_wait3A_80 : memref<632x32xf32, #tpu.memory_space<hbm>>)
      tpu.yield
    }) : () -> ()
    return
  }
}

#map = affine_map<(d0, d1) -> (0, 0)>
#map1 = affine_map<(d0, d1) -> (0, 0, 0)>
module attributes {stable_mosaic.version = 14 : i64} {
  func.func @_edge_agg(%arg0: i32, %arg1: i32, %arg2: memref<10112x64xf32, #tpu.memory_space<hbm>>, %arg3: memref<16x80x256xi32, #tpu.memory_space<hbm>>, %arg4: memref<16x80x256xi32, #tpu.memory_space<hbm>>, %arg5: memref<10112x32xf32, #tpu.memory_space<hbm>>, %arg6: memref<10112x64xf32, #tpu.memory_space<hbm>>, %arg7: memref<80x256xi32, #tpu.memory_space<vmem>>, %arg8: memref<80x256xi32, #tpu.memory_space<vmem>>, %arg9: memref<256x32xf32, #tpu.memory_space<vmem>>, %arg10: memref<256x32xf32, #tpu.memory_space<vmem>>, %arg11: memref<256x32xf32, #tpu.memory_space<vmem>>, %arg12: memref<256x32xf32, #tpu.memory_space<vmem>>, %arg13: memref<!tpu.dma_semaphore, #tpu.memory_space<semaphore_mem>>, %arg14: memref<!tpu.dma_semaphore, #tpu.memory_space<semaphore_mem>>, %arg15: memref<!tpu.dma_semaphore, #tpu.memory_space<semaphore_mem>>, %arg16: memref<!tpu.dma_semaphore, #tpu.memory_space<semaphore_mem>>, %arg17: memref<10112x32xf32, #tpu.memory_space<vmem_shared>>, %arg18: memref<10112x32xf32, #tpu.memory_space<vmem_shared>>) attributes {dimension_semantics = [#tpu.dimension_semantics<core_parallel>, #tpu.dimension_semantics<subcore_parallel>], iteration_bounds = array<i64: 2, 16>, scalar_prefetch = 0 : i64, scratch_operands = 12 : i64, tpu.core_type = #tpu.core_type<sc_vector_subcore>, window_params = [{transform_indices = #map}, {transform_indices = #map1}, {transform_indices = #map1}, {transform_indices = #map}, {transform_indices = #map}]} {
    %mul3A = arith.constant 32 : i32
    %mul3A_0 = arith.muli %arg0, %mul3A : i32
    %mul3A_1 = arith.constant 632 : i32
    %mul3A_2 = arith.muli %arg1, %mul3A_1 : i32
    %mul3A_3 = arith.constant 632 : i32
    %mul3A_4 = arith.muli %arg1, %mul3A_3 : i32
    "tpu.region"() ({
      %run_scoped3A_76 = tpu.sem_alloc : memref<!tpu.dma_semaphore, #tpu.memory_space<semaphore_mem>>
      %dma_start3A_77 = arith.constant 0 : i32
      %dma_start3A_78 = tpu.memref_slice %arg17[%mul3A_4, %dma_start3A_77] : memref<10112x32xf32, #tpu.memory_space<vmem_shared>> -> memref<632x32xf32, #tpu.memory_space<vmem_shared>>
      %dma_start3A_79 = arith.constant 0 : i32
      %dma_start3A_80 = tpu.memref_slice %arg5[%mul3A_2, %dma_start3A_79] : memref<10112x32xf32, #tpu.memory_space<hbm>> -> memref<632x32xf32, #tpu.memory_space<hbm>>
      tpu.enqueue_dma source(%dma_start3A_80 : memref<632x32xf32, #tpu.memory_space<hbm>>) target(%dma_start3A_78 : memref<632x32xf32, #tpu.memory_space<vmem_shared>>) target_semaphore(%run_scoped3A_76 : memref<!tpu.dma_semaphore, #tpu.memory_space<semaphore_mem>>)
      %dma_wait3A_81 = arith.constant 0 : i32
      %dma_wait3A_82 = tpu.memref_slice %arg17[%mul3A_4, %dma_wait3A_81] : memref<10112x32xf32, #tpu.memory_space<vmem_shared>> -> memref<632x32xf32, #tpu.memory_space<vmem_shared>>
      %dma_wait3A_83 = arith.constant 0 : i32
      %dma_wait3A_84 = tpu.memref_slice %arg5[%mul3A_2, %dma_wait3A_83] : memref<10112x32xf32, #tpu.memory_space<hbm>> -> memref<632x32xf32, #tpu.memory_space<hbm>>
      tpu.wait_dma2 semaphore(%run_scoped3A_76 : memref<!tpu.dma_semaphore, #tpu.memory_space<semaphore_mem>>) src(%dma_wait3A_84 : memref<632x32xf32, #tpu.memory_space<hbm>>) dst(%dma_wait3A_82 : memref<632x32xf32, #tpu.memory_space<vmem_shared>>)
      tpu.yield
    }) : () -> ()
    %mul3A_5 = arith.constant 632 : i32
    %mul3A_6 = arith.muli %arg1, %mul3A_5 : i32
    %mul3A_7 = arith.constant 632 : i32
    %mul3A_8 = arith.muli %arg1, %mul3A_7 : i32
    "tpu.region"() ({
      %run_scoped3A_76 = tpu.sem_alloc : memref<!tpu.dma_semaphore, #tpu.memory_space<semaphore_mem>>
      %dma_start3A_77 = arith.constant 0 : i32
      %dma_start3A_78 = tpu.memref_slice %arg18[%mul3A_8, %dma_start3A_77] : memref<10112x32xf32, #tpu.memory_space<vmem_shared>> -> memref<632x32xf32, #tpu.memory_space<vmem_shared>>
      %dma_start3A_79 = tpu.memref_slice %arg2[%mul3A_6, %mul3A_0] : memref<10112x64xf32, #tpu.memory_space<hbm>> -> memref<632x32xf32, #tpu.memory_space<hbm>>
      tpu.enqueue_dma source(%dma_start3A_79 : memref<632x32xf32, #tpu.memory_space<hbm>>) target(%dma_start3A_78 : memref<632x32xf32, #tpu.memory_space<vmem_shared>>) target_semaphore(%run_scoped3A_76 : memref<!tpu.dma_semaphore, #tpu.memory_space<semaphore_mem>>)
      %dma_wait3A_80 = arith.constant 0 : i32
      %dma_wait3A_81 = tpu.memref_slice %arg18[%mul3A_8, %dma_wait3A_80] : memref<10112x32xf32, #tpu.memory_space<vmem_shared>> -> memref<632x32xf32, #tpu.memory_space<vmem_shared>>
      %dma_wait3A_82 = tpu.memref_slice %arg2[%mul3A_6, %mul3A_0] : memref<10112x64xf32, #tpu.memory_space<hbm>> -> memref<632x32xf32, #tpu.memory_space<hbm>>
      tpu.wait_dma2 semaphore(%run_scoped3A_76 : memref<!tpu.dma_semaphore, #tpu.memory_space<semaphore_mem>>) src(%dma_wait3A_82 : memref<632x32xf32, #tpu.memory_space<hbm>>) dst(%dma_wait3A_81 : memref<632x32xf32, #tpu.memory_space<vmem_shared>>)
      tpu.yield
    }) : () -> ()
    "tpu.region"() ({
      %run_scoped3A_76 = tpu.sem_alloc : memref<!tpu.dma_semaphore, #tpu.memory_space<semaphore_mem>>
      %dma_start3A_77 = arith.constant 0 : i32
      %dma_start3A_78 = arith.constant 0 : i32
      %dma_start3A_79 = tpu.memref_slice %arg3[%arg1, %dma_start3A_77, %dma_start3A_78] : memref<16x80x256xi32, #tpu.memory_space<hbm>> -> memref<1x80x256xi32, #tpu.memory_space<hbm>>
      %dma_start3A_80 = tpu.memref_squeeze %dma_start3A_79 : memref<1x80x256xi32, #tpu.memory_space<hbm>> -> memref<80x256xi32, #tpu.memory_space<hbm>>
      %dma_start3A_81 = arith.constant 0 : i32
      %dma_start3A_82 = arith.constant 0 : i32
      %dma_start3A_83 = tpu.memref_slice %arg3[%arg1, %dma_start3A_81, %dma_start3A_82] : memref<16x80x256xi32, #tpu.memory_space<hbm>> -> memref<1x80x256xi32, #tpu.memory_space<hbm>>
      %dma_start3A_84 = tpu.memref_squeeze %dma_start3A_83 : memref<1x80x256xi32, #tpu.memory_space<hbm>> -> memref<80x256xi32, #tpu.memory_space<hbm>>
      tpu.enqueue_dma source(%dma_start3A_84 : memref<80x256xi32, #tpu.memory_space<hbm>>) target(%arg7 : memref<80x256xi32, #tpu.memory_space<vmem>>) target_semaphore(%run_scoped3A_76 : memref<!tpu.dma_semaphore, #tpu.memory_space<semaphore_mem>>)
      %dma_wait3A_85 = arith.constant 0 : i32
      %dma_wait3A_86 = arith.constant 0 : i32
      %dma_wait3A_87 = tpu.memref_slice %arg3[%arg1, %dma_wait3A_85, %dma_wait3A_86] : memref<16x80x256xi32, #tpu.memory_space<hbm>> -> memref<1x80x256xi32, #tpu.memory_space<hbm>>
      %dma_wait3A_88 = tpu.memref_squeeze %dma_wait3A_87 : memref<1x80x256xi32, #tpu.memory_space<hbm>> -> memref<80x256xi32, #tpu.memory_space<hbm>>
      %dma_wait3A_89 = arith.constant 0 : i32
      %dma_wait3A_90 = arith.constant 0 : i32
      %dma_wait3A_91 = tpu.memref_slice %arg3[%arg1, %dma_wait3A_89, %dma_wait3A_90] : memref<16x80x256xi32, #tpu.memory_space<hbm>> -> memref<1x80x256xi32, #tpu.memory_space<hbm>>
      %dma_wait3A_92 = tpu.memref_squeeze %dma_wait3A_91 : memref<1x80x256xi32, #tpu.memory_space<hbm>> -> memref<80x256xi32, #tpu.memory_space<hbm>>
      tpu.wait_dma2 semaphore(%run_scoped3A_76 : memref<!tpu.dma_semaphore, #tpu.memory_space<semaphore_mem>>) src(%dma_wait3A_92 : memref<80x256xi32, #tpu.memory_space<hbm>>) dst(%arg7 : memref<80x256xi32, #tpu.memory_space<vmem>>)
      tpu.yield
    }) : () -> ()
    "tpu.region"() ({
      %run_scoped3A_76 = tpu.sem_alloc : memref<!tpu.dma_semaphore, #tpu.memory_space<semaphore_mem>>
      %dma_start3A_77 = arith.constant 0 : i32
      %dma_start3A_78 = arith.constant 0 : i32
      %dma_start3A_79 = tpu.memref_slice %arg4[%arg1, %dma_start3A_77, %dma_start3A_78] : memref<16x80x256xi32, #tpu.memory_space<hbm>> -> memref<1x80x256xi32, #tpu.memory_space<hbm>>
      %dma_start3A_80 = tpu.memref_squeeze %dma_start3A_79 : memref<1x80x256xi32, #tpu.memory_space<hbm>> -> memref<80x256xi32, #tpu.memory_space<hbm>>
      %dma_start3A_81 = arith.constant 0 : i32
      %dma_start3A_82 = arith.constant 0 : i32
      %dma_start3A_83 = tpu.memref_slice %arg4[%arg1, %dma_start3A_81, %dma_start3A_82] : memref<16x80x256xi32, #tpu.memory_space<hbm>> -> memref<1x80x256xi32, #tpu.memory_space<hbm>>
      %dma_start3A_84 = tpu.memref_squeeze %dma_start3A_83 : memref<1x80x256xi32, #tpu.memory_space<hbm>> -> memref<80x256xi32, #tpu.memory_space<hbm>>
      tpu.enqueue_dma source(%dma_start3A_84 : memref<80x256xi32, #tpu.memory_space<hbm>>) target(%arg8 : memref<80x256xi32, #tpu.memory_space<vmem>>) target_semaphore(%run_scoped3A_76 : memref<!tpu.dma_semaphore, #tpu.memory_space<semaphore_mem>>)
      %dma_wait3A_85 = arith.constant 0 : i32
      %dma_wait3A_86 = arith.constant 0 : i32
      %dma_wait3A_87 = tpu.memref_slice %arg4[%arg1, %dma_wait3A_85, %dma_wait3A_86] : memref<16x80x256xi32, #tpu.memory_space<hbm>> -> memref<1x80x256xi32, #tpu.memory_space<hbm>>
      %dma_wait3A_88 = tpu.memref_squeeze %dma_wait3A_87 : memref<1x80x256xi32, #tpu.memory_space<hbm>> -> memref<80x256xi32, #tpu.memory_space<hbm>>
      %dma_wait3A_89 = arith.constant 0 : i32
      %dma_wait3A_90 = arith.constant 0 : i32
      %dma_wait3A_91 = tpu.memref_slice %arg4[%arg1, %dma_wait3A_89, %dma_wait3A_90] : memref<16x80x256xi32, #tpu.memory_space<hbm>> -> memref<1x80x256xi32, #tpu.memory_space<hbm>>
      %dma_wait3A_92 = tpu.memref_squeeze %dma_wait3A_91 : memref<1x80x256xi32, #tpu.memory_space<hbm>> -> memref<80x256xi32, #tpu.memory_space<hbm>>
      tpu.wait_dma2 semaphore(%run_scoped3A_76 : memref<!tpu.dma_semaphore, #tpu.memory_space<semaphore_mem>>) src(%dma_wait3A_92 : memref<80x256xi32, #tpu.memory_space<hbm>>) dst(%arg8 : memref<80x256xi32, #tpu.memory_space<vmem>>)
      tpu.yield
    }) : () -> ()
    %barrier3A = arith.constant 0 : index
    tpu.barrier barrier_id(%barrier3A)
    %dma_start3A = arith.constant 0 : i32
    %dma_start3A_9 = arith.constant 0 : i32
    %dma_start3A_10 = tpu.memref_slice %arg7[%dma_start3A, %dma_start3A_9] : memref<80x256xi32, #tpu.memory_space<vmem>> -> memref<1x256xi32, #tpu.memory_space<vmem>>
    %dma_start3A_11 = tpu.memref_squeeze %dma_start3A_10 : memref<1x256xi32, #tpu.memory_space<vmem>> -> memref<256xi32, #tpu.memory_space<vmem>>
    %dma_start3A_12 = arith.constant 0 : i32
    %dma_start3A_13 = arith.constant 0 : i32
    %dma_start3A_14 = tpu.memref_slice %arg18[%dma_start3A_12, %dma_start3A_13] : memref<10112x32xf32, #tpu.memory_space<vmem_shared>> -> memref<10112x32xf32, #tpu.memory_space<vmem_shared>>
    tpu.enqueue_indirect_dma source(%dma_start3A_14 : memref<10112x32xf32, #tpu.memory_space<vmem_shared>>) target(%arg9 : memref<256x32xf32, #tpu.memory_space<vmem>>) offsets(%dma_start3A_11 : memref<256xi32, #tpu.memory_space<vmem>>) semaphore(%arg13 : memref<!tpu.dma_semaphore, #tpu.memory_space<semaphore_mem>>)
    %dma_start3A_15 = arith.constant 1 : i32
    %dma_start3A_16 = arith.constant 0 : i32
    %dma_start3A_17 = tpu.memref_slice %arg7[%dma_start3A_15, %dma_start3A_16] : memref<80x256xi32, #tpu.memory_space<vmem>> -> memref<1x256xi32, #tpu.memory_space<vmem>>
    %dma_start3A_18 = tpu.memref_squeeze %dma_start3A_17 : memref<1x256xi32, #tpu.memory_space<vmem>> -> memref<256xi32, #tpu.memory_space<vmem>>
    %dma_start3A_19 = arith.constant 0 : i32
    %dma_start3A_20 = arith.constant 0 : i32
    %dma_start3A_21 = tpu.memref_slice %arg18[%dma_start3A_19, %dma_start3A_20] : memref<10112x32xf32, #tpu.memory_space<vmem_shared>> -> memref<10112x32xf32, #tpu.memory_space<vmem_shared>>
    tpu.enqueue_indirect_dma source(%dma_start3A_21 : memref<10112x32xf32, #tpu.memory_space<vmem_shared>>) target(%arg10 : memref<256x32xf32, #tpu.memory_space<vmem>>) offsets(%dma_start3A_18 : memref<256xi32, #tpu.memory_space<vmem>>) semaphore(%arg14 : memref<!tpu.dma_semaphore, #tpu.memory_space<semaphore_mem>>)
    %dma_start3A_22 = arith.constant 2 : i32
    %dma_start3A_23 = arith.constant 0 : i32
    %dma_start3A_24 = tpu.memref_slice %arg7[%dma_start3A_22, %dma_start3A_23] : memref<80x256xi32, #tpu.memory_space<vmem>> -> memref<1x256xi32, #tpu.memory_space<vmem>>
    %dma_start3A_25 = tpu.memref_squeeze %dma_start3A_24 : memref<1x256xi32, #tpu.memory_space<vmem>> -> memref<256xi32, #tpu.memory_space<vmem>>
    %dma_start3A_26 = arith.constant 0 : i32
    %dma_start3A_27 = arith.constant 0 : i32
    %dma_start3A_28 = tpu.memref_slice %arg18[%dma_start3A_26, %dma_start3A_27] : memref<10112x32xf32, #tpu.memory_space<vmem_shared>> -> memref<10112x32xf32, #tpu.memory_space<vmem_shared>>
    tpu.enqueue_indirect_dma source(%dma_start3A_28 : memref<10112x32xf32, #tpu.memory_space<vmem_shared>>) target(%arg11 : memref<256x32xf32, #tpu.memory_space<vmem>>) offsets(%dma_start3A_25 : memref<256xi32, #tpu.memory_space<vmem>>) semaphore(%arg15 : memref<!tpu.dma_semaphore, #tpu.memory_space<semaphore_mem>>)
    %dma_start3A_29 = arith.constant 3 : i32
    %dma_start3A_30 = arith.constant 0 : i32
    %dma_start3A_31 = tpu.memref_slice %arg7[%dma_start3A_29, %dma_start3A_30] : memref<80x256xi32, #tpu.memory_space<vmem>> -> memref<1x256xi32, #tpu.memory_space<vmem>>
    %dma_start3A_32 = tpu.memref_squeeze %dma_start3A_31 : memref<1x256xi32, #tpu.memory_space<vmem>> -> memref<256xi32, #tpu.memory_space<vmem>>
    %dma_start3A_33 = arith.constant 0 : i32
    %dma_start3A_34 = arith.constant 0 : i32
    %dma_start3A_35 = tpu.memref_slice %arg18[%dma_start3A_33, %dma_start3A_34] : memref<10112x32xf32, #tpu.memory_space<vmem_shared>> -> memref<10112x32xf32, #tpu.memory_space<vmem_shared>>
    tpu.enqueue_indirect_dma source(%dma_start3A_35 : memref<10112x32xf32, #tpu.memory_space<vmem_shared>>) target(%arg12 : memref<256x32xf32, #tpu.memory_space<vmem>>) offsets(%dma_start3A_32 : memref<256xi32, #tpu.memory_space<vmem>>) semaphore(%arg16 : memref<!tpu.dma_semaphore, #tpu.memory_space<semaphore_mem>>)
    %scan3A = arith.constant 0 : i32
    %scan3A_36 = arith.constant 0 : i32
    %scan3A_37 = arith.constant 19 : i32
    %scan3A_38 = arith.addi %scan3A_36, %scan3A_37 : i32
    %scan3A_39 = arith.constant 1 : i32
    scf.for %scan3A_76 = %scan3A_36 to %scan3A_38 step %scan3A_39  : i32 {
      %mul3A_77 = arith.constant 4 : i32
      %mul3A_78 = arith.muli %scan3A_76, %mul3A_77 : i32
      %add3A = arith.constant 0 : i32
      %add3A_79 = arith.addi %mul3A_78, %add3A : i32
      %dma_wait3A_80 = arith.constant 0 : i32
      %dma_wait3A_81 = tpu.memref_slice %arg7[%add3A_79, %dma_wait3A_80] : memref<80x256xi32, #tpu.memory_space<vmem>> -> memref<1x256xi32, #tpu.memory_space<vmem>>
      %dma_wait3A_82 = tpu.memref_squeeze %dma_wait3A_81 : memref<1x256xi32, #tpu.memory_space<vmem>> -> memref<256xi32, #tpu.memory_space<vmem>>
      %dma_wait3A_83 = arith.constant 0 : i32
      %dma_wait3A_84 = arith.constant 0 : i32
      %dma_wait3A_85 = tpu.memref_slice %arg18[%dma_wait3A_83, %dma_wait3A_84] : memref<10112x32xf32, #tpu.memory_space<vmem_shared>> -> memref<10112x32xf32, #tpu.memory_space<vmem_shared>>
      tpu.wait_indirect_dma semaphore(%arg13 : memref<!tpu.dma_semaphore, #tpu.memory_space<semaphore_mem>>) src(%dma_wait3A_85 : memref<10112x32xf32, #tpu.memory_space<vmem_shared>>) dst(%arg9 : memref<256x32xf32, #tpu.memory_space<vmem>>)
      "tpu.region"() ({
        %run_scoped3A_148 = tpu.sem_alloc : memref<!tpu.dma_semaphore, #tpu.memory_space<semaphore_mem>>
        %dma_start3A_149 = arith.constant 0 : i32
        %dma_start3A_150 = tpu.memref_slice %arg8[%add3A_79, %dma_start3A_149] : memref<80x256xi32, #tpu.memory_space<vmem>> -> memref<1x256xi32, #tpu.memory_space<vmem>>
        %dma_start3A_151 = tpu.memref_squeeze %dma_start3A_150 : memref<1x256xi32, #tpu.memory_space<vmem>> -> memref<256xi32, #tpu.memory_space<vmem>>
        %dma_start3A_152 = arith.constant 0 : i32
        %dma_start3A_153 = arith.constant 0 : i32
        %dma_start3A_154 = tpu.memref_slice %arg17[%dma_start3A_152, %dma_start3A_153] : memref<10112x32xf32, #tpu.memory_space<vmem_shared>> -> memref<10112x32xf32, #tpu.memory_space<vmem_shared>>
        tpu.enqueue_indirect_dma source(%arg9 : memref<256x32xf32, #tpu.memory_space<vmem>>) target(%dma_start3A_154 : memref<10112x32xf32, #tpu.memory_space<vmem_shared>>) offsets(%dma_start3A_151 : memref<256xi32, #tpu.memory_space<vmem>>) semaphore(%run_scoped3A_148 : memref<!tpu.dma_semaphore, #tpu.memory_space<semaphore_mem>>) {add = true}
        %dma_wait3A_155 = arith.constant 0 : i32
        %dma_wait3A_156 = tpu.memref_slice %arg8[%add3A_79, %dma_wait3A_155] : memref<80x256xi32, #tpu.memory_space<vmem>> -> memref<1x256xi32, #tpu.memory_space<vmem>>
        %dma_wait3A_157 = tpu.memref_squeeze %dma_wait3A_156 : memref<1x256xi32, #tpu.memory_space<vmem>> -> memref<256xi32, #tpu.memory_space<vmem>>
        %dma_wait3A_158 = arith.constant 0 : i32
        %dma_wait3A_159 = arith.constant 0 : i32
        %dma_wait3A_160 = tpu.memref_slice %arg17[%dma_wait3A_158, %dma_wait3A_159] : memref<10112x32xf32, #tpu.memory_space<vmem_shared>> -> memref<10112x32xf32, #tpu.memory_space<vmem_shared>>
        tpu.wait_indirect_dma semaphore(%run_scoped3A_148 : memref<!tpu.dma_semaphore, #tpu.memory_space<semaphore_mem>>) src(%arg9 : memref<256x32xf32, #tpu.memory_space<vmem>>) dst(%dma_wait3A_160 : memref<10112x32xf32, #tpu.memory_space<vmem_shared>>)
        tpu.yield
      }) : () -> ()
      %add3A_86 = arith.constant 4 : i32
      %add3A_87 = arith.addi %add3A_79, %add3A_86 : i32
      %dma_start3A_88 = arith.constant 0 : i32
      %dma_start3A_89 = tpu.memref_slice %arg7[%add3A_87, %dma_start3A_88] : memref<80x256xi32, #tpu.memory_space<vmem>> -> memref<1x256xi32, #tpu.memory_space<vmem>>
      %dma_start3A_90 = tpu.memref_squeeze %dma_start3A_89 : memref<1x256xi32, #tpu.memory_space<vmem>> -> memref<256xi32, #tpu.memory_space<vmem>>
      %dma_start3A_91 = arith.constant 0 : i32
      %dma_start3A_92 = arith.constant 0 : i32
      %dma_start3A_93 = tpu.memref_slice %arg18[%dma_start3A_91, %dma_start3A_92] : memref<10112x32xf32, #tpu.memory_space<vmem_shared>> -> memref<10112x32xf32, #tpu.memory_space<vmem_shared>>
      tpu.enqueue_indirect_dma source(%dma_start3A_93 : memref<10112x32xf32, #tpu.memory_space<vmem_shared>>) target(%arg9 : memref<256x32xf32, #tpu.memory_space<vmem>>) offsets(%dma_start3A_90 : memref<256xi32, #tpu.memory_space<vmem>>) semaphore(%arg13 : memref<!tpu.dma_semaphore, #tpu.memory_space<semaphore_mem>>)
      %mul3A_94 = arith.constant 4 : i32
      %mul3A_95 = arith.muli %scan3A_76, %mul3A_94 : i32
      %add3A_96 = arith.constant 1 : i32
      %add3A_97 = arith.addi %mul3A_95, %add3A_96 : i32
      %dma_wait3A_98 = arith.constant 0 : i32
      %dma_wait3A_99 = tpu.memref_slice %arg7[%add3A_97, %dma_wait3A_98] : memref<80x256xi32, #tpu.memory_space<vmem>> -> memref<1x256xi32, #tpu.memory_space<vmem>>
      %dma_wait3A_100 = tpu.memref_squeeze %dma_wait3A_99 : memref<1x256xi32, #tpu.memory_space<vmem>> -> memref<256xi32, #tpu.memory_space<vmem>>
      %dma_wait3A_101 = arith.constant 0 : i32
      %dma_wait3A_102 = arith.constant 0 : i32
      %dma_wait3A_103 = tpu.memref_slice %arg18[%dma_wait3A_101, %dma_wait3A_102] : memref<10112x32xf32, #tpu.memory_space<vmem_shared>> -> memref<10112x32xf32, #tpu.memory_space<vmem_shared>>
      tpu.wait_indirect_dma semaphore(%arg14 : memref<!tpu.dma_semaphore, #tpu.memory_space<semaphore_mem>>) src(%dma_wait3A_103 : memref<10112x32xf32, #tpu.memory_space<vmem_shared>>) dst(%arg10 : memref<256x32xf32, #tpu.memory_space<vmem>>)
      "tpu.region"() ({
        %run_scoped3A_148 = tpu.sem_alloc : memref<!tpu.dma_semaphore, #tpu.memory_space<semaphore_mem>>
        %dma_start3A_149 = arith.constant 0 : i32
        %dma_start3A_150 = tpu.memref_slice %arg8[%add3A_97, %dma_start3A_149] : memref<80x256xi32, #tpu.memory_space<vmem>> -> memref<1x256xi32, #tpu.memory_space<vmem>>
        %dma_start3A_151 = tpu.memref_squeeze %dma_start3A_150 : memref<1x256xi32, #tpu.memory_space<vmem>> -> memref<256xi32, #tpu.memory_space<vmem>>
        %dma_start3A_152 = arith.constant 0 : i32
        %dma_start3A_153 = arith.constant 0 : i32
        %dma_start3A_154 = tpu.memref_slice %arg17[%dma_start3A_152, %dma_start3A_153] : memref<10112x32xf32, #tpu.memory_space<vmem_shared>> -> memref<10112x32xf32, #tpu.memory_space<vmem_shared>>
        tpu.enqueue_indirect_dma source(%arg10 : memref<256x32xf32, #tpu.memory_space<vmem>>) target(%dma_start3A_154 : memref<10112x32xf32, #tpu.memory_space<vmem_shared>>) offsets(%dma_start3A_151 : memref<256xi32, #tpu.memory_space<vmem>>) semaphore(%run_scoped3A_148 : memref<!tpu.dma_semaphore, #tpu.memory_space<semaphore_mem>>) {add = true}
        %dma_wait3A_155 = arith.constant 0 : i32
        %dma_wait3A_156 = tpu.memref_slice %arg8[%add3A_97, %dma_wait3A_155] : memref<80x256xi32, #tpu.memory_space<vmem>> -> memref<1x256xi32, #tpu.memory_space<vmem>>
        %dma_wait3A_157 = tpu.memref_squeeze %dma_wait3A_156 : memref<1x256xi32, #tpu.memory_space<vmem>> -> memref<256xi32, #tpu.memory_space<vmem>>
        %dma_wait3A_158 = arith.constant 0 : i32
        %dma_wait3A_159 = arith.constant 0 : i32
        %dma_wait3A_160 = tpu.memref_slice %arg17[%dma_wait3A_158, %dma_wait3A_159] : memref<10112x32xf32, #tpu.memory_space<vmem_shared>> -> memref<10112x32xf32, #tpu.memory_space<vmem_shared>>
        tpu.wait_indirect_dma semaphore(%run_scoped3A_148 : memref<!tpu.dma_semaphore, #tpu.memory_space<semaphore_mem>>) src(%arg10 : memref<256x32xf32, #tpu.memory_space<vmem>>) dst(%dma_wait3A_160 : memref<10112x32xf32, #tpu.memory_space<vmem_shared>>)
        tpu.yield
      }) : () -> ()
      %add3A_104 = arith.constant 4 : i32
      %add3A_105 = arith.addi %add3A_97, %add3A_104 : i32
      %dma_start3A_106 = arith.constant 0 : i32
      %dma_start3A_107 = tpu.memref_slice %arg7[%add3A_105, %dma_start3A_106] : memref<80x256xi32, #tpu.memory_space<vmem>> -> memref<1x256xi32, #tpu.memory_space<vmem>>
      %dma_start3A_108 = tpu.memref_squeeze %dma_start3A_107 : memref<1x256xi32, #tpu.memory_space<vmem>> -> memref<256xi32, #tpu.memory_space<vmem>>
      %dma_start3A_109 = arith.constant 0 : i32
      %dma_start3A_110 = arith.constant 0 : i32
      %dma_start3A_111 = tpu.memref_slice %arg18[%dma_start3A_109, %dma_start3A_110] : memref<10112x32xf32, #tpu.memory_space<vmem_shared>> -> memref<10112x32xf32, #tpu.memory_space<vmem_shared>>
      tpu.enqueue_indirect_dma source(%dma_start3A_111 : memref<10112x32xf32, #tpu.memory_space<vmem_shared>>) target(%arg10 : memref<256x32xf32, #tpu.memory_space<vmem>>) offsets(%dma_start3A_108 : memref<256xi32, #tpu.memory_space<vmem>>) semaphore(%arg14 : memref<!tpu.dma_semaphore, #tpu.memory_space<semaphore_mem>>)
      %mul3A_112 = arith.constant 4 : i32
      %mul3A_113 = arith.muli %scan3A_76, %mul3A_112 : i32
      %add3A_114 = arith.constant 2 : i32
      %add3A_115 = arith.addi %mul3A_113, %add3A_114 : i32
      %dma_wait3A_116 = arith.constant 0 : i32
      %dma_wait3A_117 = tpu.memref_slice %arg7[%add3A_115, %dma_wait3A_116] : memref<80x256xi32, #tpu.memory_space<vmem>> -> memref<1x256xi32, #tpu.memory_space<vmem>>
      %dma_wait3A_118 = tpu.memref_squeeze %dma_wait3A_117 : memref<1x256xi32, #tpu.memory_space<vmem>> -> memref<256xi32, #tpu.memory_space<vmem>>
      %dma_wait3A_119 = arith.constant 0 : i32
      %dma_wait3A_120 = arith.constant 0 : i32
      %dma_wait3A_121 = tpu.memref_slice %arg18[%dma_wait3A_119, %dma_wait3A_120] : memref<10112x32xf32, #tpu.memory_space<vmem_shared>> -> memref<10112x32xf32, #tpu.memory_space<vmem_shared>>
      tpu.wait_indirect_dma semaphore(%arg15 : memref<!tpu.dma_semaphore, #tpu.memory_space<semaphore_mem>>) src(%dma_wait3A_121 : memref<10112x32xf32, #tpu.memory_space<vmem_shared>>) dst(%arg11 : memref<256x32xf32, #tpu.memory_space<vmem>>)
      "tpu.region"() ({
        %run_scoped3A_148 = tpu.sem_alloc : memref<!tpu.dma_semaphore, #tpu.memory_space<semaphore_mem>>
        %dma_start3A_149 = arith.constant 0 : i32
        %dma_start3A_150 = tpu.memref_slice %arg8[%add3A_115, %dma_start3A_149] : memref<80x256xi32, #tpu.memory_space<vmem>> -> memref<1x256xi32, #tpu.memory_space<vmem>>
        %dma_start3A_151 = tpu.memref_squeeze %dma_start3A_150 : memref<1x256xi32, #tpu.memory_space<vmem>> -> memref<256xi32, #tpu.memory_space<vmem>>
        %dma_start3A_152 = arith.constant 0 : i32
        %dma_start3A_153 = arith.constant 0 : i32
        %dma_start3A_154 = tpu.memref_slice %arg17[%dma_start3A_152, %dma_start3A_153] : memref<10112x32xf32, #tpu.memory_space<vmem_shared>> -> memref<10112x32xf32, #tpu.memory_space<vmem_shared>>
        tpu.enqueue_indirect_dma source(%arg11 : memref<256x32xf32, #tpu.memory_space<vmem>>) target(%dma_start3A_154 : memref<10112x32xf32, #tpu.memory_space<vmem_shared>>) offsets(%dma_start3A_151 : memref<256xi32, #tpu.memory_space<vmem>>) semaphore(%run_scoped3A_148 : memref<!tpu.dma_semaphore, #tpu.memory_space<semaphore_mem>>) {add = true}
        %dma_wait3A_155 = arith.constant 0 : i32
        %dma_wait3A_156 = tpu.memref_slice %arg8[%add3A_115, %dma_wait3A_155] : memref<80x256xi32, #tpu.memory_space<vmem>> -> memref<1x256xi32, #tpu.memory_space<vmem>>
        %dma_wait3A_157 = tpu.memref_squeeze %dma_wait3A_156 : memref<1x256xi32, #tpu.memory_space<vmem>> -> memref<256xi32, #tpu.memory_space<vmem>>
        %dma_wait3A_158 = arith.constant 0 : i32
        %dma_wait3A_159 = arith.constant 0 : i32
        %dma_wait3A_160 = tpu.memref_slice %arg17[%dma_wait3A_158, %dma_wait3A_159] : memref<10112x32xf32, #tpu.memory_space<vmem_shared>> -> memref<10112x32xf32, #tpu.memory_space<vmem_shared>>
        tpu.wait_indirect_dma semaphore(%run_scoped3A_148 : memref<!tpu.dma_semaphore, #tpu.memory_space<semaphore_mem>>) src(%arg11 : memref<256x32xf32, #tpu.memory_space<vmem>>) dst(%dma_wait3A_160 : memref<10112x32xf32, #tpu.memory_space<vmem_shared>>)
        tpu.yield
      }) : () -> ()
      %add3A_122 = arith.constant 4 : i32
      %add3A_123 = arith.addi %add3A_115, %add3A_122 : i32
      %dma_start3A_124 = arith.constant 0 : i32
      %dma_start3A_125 = tpu.memref_slice %arg7[%add3A_123, %dma_start3A_124] : memref<80x256xi32, #tpu.memory_space<vmem>> -> memref<1x256xi32, #tpu.memory_space<vmem>>
      %dma_start3A_126 = tpu.memref_squeeze %dma_start3A_125 : memref<1x256xi32, #tpu.memory_space<vmem>> -> memref<256xi32, #tpu.memory_space<vmem>>
      %dma_start3A_127 = arith.constant 0 : i32
      %dma_start3A_128 = arith.constant 0 : i32
      %dma_start3A_129 = tpu.memref_slice %arg18[%dma_start3A_127, %dma_start3A_128] : memref<10112x32xf32, #tpu.memory_space<vmem_shared>> -> memref<10112x32xf32, #tpu.memory_space<vmem_shared>>
      tpu.enqueue_indirect_dma source(%dma_start3A_129 : memref<10112x32xf32, #tpu.memory_space<vmem_shared>>) target(%arg11 : memref<256x32xf32, #tpu.memory_space<vmem>>) offsets(%dma_start3A_126 : memref<256xi32, #tpu.memory_space<vmem>>) semaphore(%arg15 : memref<!tpu.dma_semaphore, #tpu.memory_space<semaphore_mem>>)
      %mul3A_130 = arith.constant 4 : i32
      %mul3A_131 = arith.muli %scan3A_76, %mul3A_130 : i32
      %add3A_132 = arith.constant 3 : i32
      %add3A_133 = arith.addi %mul3A_131, %add3A_132 : i32
      %dma_wait3A_134 = arith.constant 0 : i32
      %dma_wait3A_135 = tpu.memref_slice %arg7[%add3A_133, %dma_wait3A_134] : memref<80x256xi32, #tpu.memory_space<vmem>> -> memref<1x256xi32, #tpu.memory_space<vmem>>
      %dma_wait3A_136 = tpu.memref_squeeze %dma_wait3A_135 : memref<1x256xi32, #tpu.memory_space<vmem>> -> memref<256xi32, #tpu.memory_space<vmem>>
      %dma_wait3A_137 = arith.constant 0 : i32
      %dma_wait3A_138 = arith.constant 0 : i32
      %dma_wait3A_139 = tpu.memref_slice %arg18[%dma_wait3A_137, %dma_wait3A_138] : memref<10112x32xf32, #tpu.memory_space<vmem_shared>> -> memref<10112x32xf32, #tpu.memory_space<vmem_shared>>
      tpu.wait_indirect_dma semaphore(%arg16 : memref<!tpu.dma_semaphore, #tpu.memory_space<semaphore_mem>>) src(%dma_wait3A_139 : memref<10112x32xf32, #tpu.memory_space<vmem_shared>>) dst(%arg12 : memref<256x32xf32, #tpu.memory_space<vmem>>)
      "tpu.region"() ({
        %run_scoped3A_148 = tpu.sem_alloc : memref<!tpu.dma_semaphore, #tpu.memory_space<semaphore_mem>>
        %dma_start3A_149 = arith.constant 0 : i32
        %dma_start3A_150 = tpu.memref_slice %arg8[%add3A_133, %dma_start3A_149] : memref<80x256xi32, #tpu.memory_space<vmem>> -> memref<1x256xi32, #tpu.memory_space<vmem>>
        %dma_start3A_151 = tpu.memref_squeeze %dma_start3A_150 : memref<1x256xi32, #tpu.memory_space<vmem>> -> memref<256xi32, #tpu.memory_space<vmem>>
        %dma_start3A_152 = arith.constant 0 : i32
        %dma_start3A_153 = arith.constant 0 : i32
        %dma_start3A_154 = tpu.memref_slice %arg17[%dma_start3A_152, %dma_start3A_153] : memref<10112x32xf32, #tpu.memory_space<vmem_shared>> -> memref<10112x32xf32, #tpu.memory_space<vmem_shared>>
        tpu.enqueue_indirect_dma source(%arg12 : memref<256x32xf32, #tpu.memory_space<vmem>>) target(%dma_start3A_154 : memref<10112x32xf32, #tpu.memory_space<vmem_shared>>) offsets(%dma_start3A_151 : memref<256xi32, #tpu.memory_space<vmem>>) semaphore(%run_scoped3A_148 : memref<!tpu.dma_semaphore, #tpu.memory_space<semaphore_mem>>) {add = true}
        %dma_wait3A_155 = arith.constant 0 : i32
        %dma_wait3A_156 = tpu.memref_slice %arg8[%add3A_133, %dma_wait3A_155] : memref<80x256xi32, #tpu.memory_space<vmem>> -> memref<1x256xi32, #tpu.memory_space<vmem>>
        %dma_wait3A_157 = tpu.memref_squeeze %dma_wait3A_156 : memref<1x256xi32, #tpu.memory_space<vmem>> -> memref<256xi32, #tpu.memory_space<vmem>>
        %dma_wait3A_158 = arith.constant 0 : i32
        %dma_wait3A_159 = arith.constant 0 : i32
        %dma_wait3A_160 = tpu.memref_slice %arg17[%dma_wait3A_158, %dma_wait3A_159] : memref<10112x32xf32, #tpu.memory_space<vmem_shared>> -> memref<10112x32xf32, #tpu.memory_space<vmem_shared>>
        tpu.wait_indirect_dma semaphore(%run_scoped3A_148 : memref<!tpu.dma_semaphore, #tpu.memory_space<semaphore_mem>>) src(%arg12 : memref<256x32xf32, #tpu.memory_space<vmem>>) dst(%dma_wait3A_160 : memref<10112x32xf32, #tpu.memory_space<vmem_shared>>)
        tpu.yield
      }) : () -> ()
      %add3A_140 = arith.constant 4 : i32
      %add3A_141 = arith.addi %add3A_133, %add3A_140 : i32
      %dma_start3A_142 = arith.constant 0 : i32
      %dma_start3A_143 = tpu.memref_slice %arg7[%add3A_141, %dma_start3A_142] : memref<80x256xi32, #tpu.memory_space<vmem>> -> memref<1x256xi32, #tpu.memory_space<vmem>>
      %dma_start3A_144 = tpu.memref_squeeze %dma_start3A_143 : memref<1x256xi32, #tpu.memory_space<vmem>> -> memref<256xi32, #tpu.memory_space<vmem>>
      %dma_start3A_145 = arith.constant 0 : i32
      %dma_start3A_146 = arith.constant 0 : i32
      %dma_start3A_147 = tpu.memref_slice %arg18[%dma_start3A_145, %dma_start3A_146] : memref<10112x32xf32, #tpu.memory_space<vmem_shared>> -> memref<10112x32xf32, #tpu.memory_space<vmem_shared>>
      tpu.enqueue_indirect_dma source(%dma_start3A_147 : memref<10112x32xf32, #tpu.memory_space<vmem_shared>>) target(%arg12 : memref<256x32xf32, #tpu.memory_space<vmem>>) offsets(%dma_start3A_144 : memref<256xi32, #tpu.memory_space<vmem>>) semaphore(%arg16 : memref<!tpu.dma_semaphore, #tpu.memory_space<semaphore_mem>>)
    }
    %scan3A_40 = arith.constant 19 : i32
    %dma_wait3A = arith.constant 76 : i32
    %dma_wait3A_41 = arith.constant 0 : i32
    %dma_wait3A_42 = tpu.memref_slice %arg7[%dma_wait3A, %dma_wait3A_41] : memref<80x256xi32, #tpu.memory_space<vmem>> -> memref<1x256xi32, #tpu.memory_space<vmem>>
    %dma_wait3A_43 = tpu.memref_squeeze %dma_wait3A_42 : memref<1x256xi32, #tpu.memory_space<vmem>> -> memref<256xi32, #tpu.memory_space<vmem>>
    %dma_wait3A_44 = arith.constant 0 : i32
    %dma_wait3A_45 = arith.constant 0 : i32
    %dma_wait3A_46 = tpu.memref_slice %arg18[%dma_wait3A_44, %dma_wait3A_45] : memref<10112x32xf32, #tpu.memory_space<vmem_shared>> -> memref<10112x32xf32, #tpu.memory_space<vmem_shared>>
    tpu.wait_indirect_dma semaphore(%arg13 : memref<!tpu.dma_semaphore, #tpu.memory_space<semaphore_mem>>) src(%dma_wait3A_46 : memref<10112x32xf32, #tpu.memory_space<vmem_shared>>) dst(%arg9 : memref<256x32xf32, #tpu.memory_space<vmem>>)
    %run_scoped3A = arith.constant 76 : i32
    "tpu.region"() ({
      %run_scoped3A_76 = tpu.sem_alloc : memref<!tpu.dma_semaphore, #tpu.memory_space<semaphore_mem>>
      %dma_start3A_77 = arith.constant 0 : i32
      %dma_start3A_78 = tpu.memref_slice %arg8[%run_scoped3A, %dma_start3A_77] : memref<80x256xi32, #tpu.memory_space<vmem>> -> memref<1x256xi32, #tpu.memory_space<vmem>>
      %dma_start3A_79 = tpu.memref_squeeze %dma_start3A_78 : memref<1x256xi32, #tpu.memory_space<vmem>> -> memref<256xi32, #tpu.memory_space<vmem>>
      %dma_start3A_80 = arith.constant 0 : i32
      %dma_start3A_81 = arith.constant 0 : i32
      %dma_start3A_82 = tpu.memref_slice %arg17[%dma_start3A_80, %dma_start3A_81] : memref<10112x32xf32, #tpu.memory_space<vmem_shared>> -> memref<10112x32xf32, #tpu.memory_space<vmem_shared>>
      tpu.enqueue_indirect_dma source(%arg9 : memref<256x32xf32, #tpu.memory_space<vmem>>) target(%dma_start3A_82 : memref<10112x32xf32, #tpu.memory_space<vmem_shared>>) offsets(%dma_start3A_79 : memref<256xi32, #tpu.memory_space<vmem>>) semaphore(%run_scoped3A_76 : memref<!tpu.dma_semaphore, #tpu.memory_space<semaphore_mem>>) {add = true}
      %dma_wait3A_83 = arith.constant 0 : i32
      %dma_wait3A_84 = tpu.memref_slice %arg8[%run_scoped3A, %dma_wait3A_83] : memref<80x256xi32, #tpu.memory_space<vmem>> -> memref<1x256xi32, #tpu.memory_space<vmem>>
      %dma_wait3A_85 = tpu.memref_squeeze %dma_wait3A_84 : memref<1x256xi32, #tpu.memory_space<vmem>> -> memref<256xi32, #tpu.memory_space<vmem>>
      %dma_wait3A_86 = arith.constant 0 : i32
      %dma_wait3A_87 = arith.constant 0 : i32
      %dma_wait3A_88 = tpu.memref_slice %arg17[%dma_wait3A_86, %dma_wait3A_87] : memref<10112x32xf32, #tpu.memory_space<vmem_shared>> -> memref<10112x32xf32, #tpu.memory_space<vmem_shared>>
      tpu.wait_indirect_dma semaphore(%run_scoped3A_76 : memref<!tpu.dma_semaphore, #tpu.memory_space<semaphore_mem>>) src(%arg9 : memref<256x32xf32, #tpu.memory_space<vmem>>) dst(%dma_wait3A_88 : memref<10112x32xf32, #tpu.memory_space<vmem_shared>>)
      tpu.yield
    }) : () -> ()
    %dma_wait3A_47 = arith.constant 77 : i32
    %dma_wait3A_48 = arith.constant 0 : i32
    %dma_wait3A_49 = tpu.memref_slice %arg7[%dma_wait3A_47, %dma_wait3A_48] : memref<80x256xi32, #tpu.memory_space<vmem>> -> memref<1x256xi32, #tpu.memory_space<vmem>>
    %dma_wait3A_50 = tpu.memref_squeeze %dma_wait3A_49 : memref<1x256xi32, #tpu.memory_space<vmem>> -> memref<256xi32, #tpu.memory_space<vmem>>
    %dma_wait3A_51 = arith.constant 0 : i32
    %dma_wait3A_52 = arith.constant 0 : i32
    %dma_wait3A_53 = tpu.memref_slice %arg18[%dma_wait3A_51, %dma_wait3A_52] : memref<10112x32xf32, #tpu.memory_space<vmem_shared>> -> memref<10112x32xf32, #tpu.memory_space<vmem_shared>>
    tpu.wait_indirect_dma semaphore(%arg14 : memref<!tpu.dma_semaphore, #tpu.memory_space<semaphore_mem>>) src(%dma_wait3A_53 : memref<10112x32xf32, #tpu.memory_space<vmem_shared>>) dst(%arg10 : memref<256x32xf32, #tpu.memory_space<vmem>>)
    %run_scoped3A_54 = arith.constant 77 : i32
    "tpu.region"() ({
      %run_scoped3A_76 = tpu.sem_alloc : memref<!tpu.dma_semaphore, #tpu.memory_space<semaphore_mem>>
      %dma_start3A_77 = arith.constant 0 : i32
      %dma_start3A_78 = tpu.memref_slice %arg8[%run_scoped3A_54, %dma_start3A_77] : memref<80x256xi32, #tpu.memory_space<vmem>> -> memref<1x256xi32, #tpu.memory_space<vmem>>
      %dma_start3A_79 = tpu.memref_squeeze %dma_start3A_78 : memref<1x256xi32, #tpu.memory_space<vmem>> -> memref<256xi32, #tpu.memory_space<vmem>>
      %dma_start3A_80 = arith.constant 0 : i32
      %dma_start3A_81 = arith.constant 0 : i32
      %dma_start3A_82 = tpu.memref_slice %arg17[%dma_start3A_80, %dma_start3A_81] : memref<10112x32xf32, #tpu.memory_space<vmem_shared>> -> memref<10112x32xf32, #tpu.memory_space<vmem_shared>>
      tpu.enqueue_indirect_dma source(%arg10 : memref<256x32xf32, #tpu.memory_space<vmem>>) target(%dma_start3A_82 : memref<10112x32xf32, #tpu.memory_space<vmem_shared>>) offsets(%dma_start3A_79 : memref<256xi32, #tpu.memory_space<vmem>>) semaphore(%run_scoped3A_76 : memref<!tpu.dma_semaphore, #tpu.memory_space<semaphore_mem>>) {add = true}
      %dma_wait3A_83 = arith.constant 0 : i32
      %dma_wait3A_84 = tpu.memref_slice %arg8[%run_scoped3A_54, %dma_wait3A_83] : memref<80x256xi32, #tpu.memory_space<vmem>> -> memref<1x256xi32, #tpu.memory_space<vmem>>
      %dma_wait3A_85 = tpu.memref_squeeze %dma_wait3A_84 : memref<1x256xi32, #tpu.memory_space<vmem>> -> memref<256xi32, #tpu.memory_space<vmem>>
      %dma_wait3A_86 = arith.constant 0 : i32
      %dma_wait3A_87 = arith.constant 0 : i32
      %dma_wait3A_88 = tpu.memref_slice %arg17[%dma_wait3A_86, %dma_wait3A_87] : memref<10112x32xf32, #tpu.memory_space<vmem_shared>> -> memref<10112x32xf32, #tpu.memory_space<vmem_shared>>
      tpu.wait_indirect_dma semaphore(%run_scoped3A_76 : memref<!tpu.dma_semaphore, #tpu.memory_space<semaphore_mem>>) src(%arg10 : memref<256x32xf32, #tpu.memory_space<vmem>>) dst(%dma_wait3A_88 : memref<10112x32xf32, #tpu.memory_space<vmem_shared>>)
      tpu.yield
    }) : () -> ()
    %dma_wait3A_55 = arith.constant 78 : i32
    %dma_wait3A_56 = arith.constant 0 : i32
    %dma_wait3A_57 = tpu.memref_slice %arg7[%dma_wait3A_55, %dma_wait3A_56] : memref<80x256xi32, #tpu.memory_space<vmem>> -> memref<1x256xi32, #tpu.memory_space<vmem>>
    %dma_wait3A_58 = tpu.memref_squeeze %dma_wait3A_57 : memref<1x256xi32, #tpu.memory_space<vmem>> -> memref<256xi32, #tpu.memory_space<vmem>>
    %dma_wait3A_59 = arith.constant 0 : i32
    %dma_wait3A_60 = arith.constant 0 : i32
    %dma_wait3A_61 = tpu.memref_slice %arg18[%dma_wait3A_59, %dma_wait3A_60] : memref<10112x32xf32, #tpu.memory_space<vmem_shared>> -> memref<10112x32xf32, #tpu.memory_space<vmem_shared>>
    tpu.wait_indirect_dma semaphore(%arg15 : memref<!tpu.dma_semaphore, #tpu.memory_space<semaphore_mem>>) src(%dma_wait3A_61 : memref<10112x32xf32, #tpu.memory_space<vmem_shared>>) dst(%arg11 : memref<256x32xf32, #tpu.memory_space<vmem>>)
    %run_scoped3A_62 = arith.constant 78 : i32
    "tpu.region"() ({
      %run_scoped3A_76 = tpu.sem_alloc : memref<!tpu.dma_semaphore, #tpu.memory_space<semaphore_mem>>
      %dma_start3A_77 = arith.constant 0 : i32
      %dma_start3A_78 = tpu.memref_slice %arg8[%run_scoped3A_62, %dma_start3A_77] : memref<80x256xi32, #tpu.memory_space<vmem>> -> memref<1x256xi32, #tpu.memory_space<vmem>>
      %dma_start3A_79 = tpu.memref_squeeze %dma_start3A_78 : memref<1x256xi32, #tpu.memory_space<vmem>> -> memref<256xi32, #tpu.memory_space<vmem>>
      %dma_start3A_80 = arith.constant 0 : i32
      %dma_start3A_81 = arith.constant 0 : i32
      %dma_start3A_82 = tpu.memref_slice %arg17[%dma_start3A_80, %dma_start3A_81] : memref<10112x32xf32, #tpu.memory_space<vmem_shared>> -> memref<10112x32xf32, #tpu.memory_space<vmem_shared>>
      tpu.enqueue_indirect_dma source(%arg11 : memref<256x32xf32, #tpu.memory_space<vmem>>) target(%dma_start3A_82 : memref<10112x32xf32, #tpu.memory_space<vmem_shared>>) offsets(%dma_start3A_79 : memref<256xi32, #tpu.memory_space<vmem>>) semaphore(%run_scoped3A_76 : memref<!tpu.dma_semaphore, #tpu.memory_space<semaphore_mem>>) {add = true}
      %dma_wait3A_83 = arith.constant 0 : i32
      %dma_wait3A_84 = tpu.memref_slice %arg8[%run_scoped3A_62, %dma_wait3A_83] : memref<80x256xi32, #tpu.memory_space<vmem>> -> memref<1x256xi32, #tpu.memory_space<vmem>>
      %dma_wait3A_85 = tpu.memref_squeeze %dma_wait3A_84 : memref<1x256xi32, #tpu.memory_space<vmem>> -> memref<256xi32, #tpu.memory_space<vmem>>
      %dma_wait3A_86 = arith.constant 0 : i32
      %dma_wait3A_87 = arith.constant 0 : i32
      %dma_wait3A_88 = tpu.memref_slice %arg17[%dma_wait3A_86, %dma_wait3A_87] : memref<10112x32xf32, #tpu.memory_space<vmem_shared>> -> memref<10112x32xf32, #tpu.memory_space<vmem_shared>>
      tpu.wait_indirect_dma semaphore(%run_scoped3A_76 : memref<!tpu.dma_semaphore, #tpu.memory_space<semaphore_mem>>) src(%arg11 : memref<256x32xf32, #tpu.memory_space<vmem>>) dst(%dma_wait3A_88 : memref<10112x32xf32, #tpu.memory_space<vmem_shared>>)
      tpu.yield
    }) : () -> ()
    %dma_wait3A_63 = arith.constant 79 : i32
    %dma_wait3A_64 = arith.constant 0 : i32
    %dma_wait3A_65 = tpu.memref_slice %arg7[%dma_wait3A_63, %dma_wait3A_64] : memref<80x256xi32, #tpu.memory_space<vmem>> -> memref<1x256xi32, #tpu.memory_space<vmem>>
    %dma_wait3A_66 = tpu.memref_squeeze %dma_wait3A_65 : memref<1x256xi32, #tpu.memory_space<vmem>> -> memref<256xi32, #tpu.memory_space<vmem>>
    %dma_wait3A_67 = arith.constant 0 : i32
    %dma_wait3A_68 = arith.constant 0 : i32
    %dma_wait3A_69 = tpu.memref_slice %arg18[%dma_wait3A_67, %dma_wait3A_68] : memref<10112x32xf32, #tpu.memory_space<vmem_shared>> -> memref<10112x32xf32, #tpu.memory_space<vmem_shared>>
    tpu.wait_indirect_dma semaphore(%arg16 : memref<!tpu.dma_semaphore, #tpu.memory_space<semaphore_mem>>) src(%dma_wait3A_69 : memref<10112x32xf32, #tpu.memory_space<vmem_shared>>) dst(%arg12 : memref<256x32xf32, #tpu.memory_space<vmem>>)
    %run_scoped3A_70 = arith.constant 79 : i32
    "tpu.region"() ({
      %run_scoped3A_76 = tpu.sem_alloc : memref<!tpu.dma_semaphore, #tpu.memory_space<semaphore_mem>>
      %dma_start3A_77 = arith.constant 0 : i32
      %dma_start3A_78 = tpu.memref_slice %arg8[%run_scoped3A_70, %dma_start3A_77] : memref<80x256xi32, #tpu.memory_space<vmem>> -> memref<1x256xi32, #tpu.memory_space<vmem>>
      %dma_start3A_79 = tpu.memref_squeeze %dma_start3A_78 : memref<1x256xi32, #tpu.memory_space<vmem>> -> memref<256xi32, #tpu.memory_space<vmem>>
      %dma_start3A_80 = arith.constant 0 : i32
      %dma_start3A_81 = arith.constant 0 : i32
      %dma_start3A_82 = tpu.memref_slice %arg17[%dma_start3A_80, %dma_start3A_81] : memref<10112x32xf32, #tpu.memory_space<vmem_shared>> -> memref<10112x32xf32, #tpu.memory_space<vmem_shared>>
      tpu.enqueue_indirect_dma source(%arg12 : memref<256x32xf32, #tpu.memory_space<vmem>>) target(%dma_start3A_82 : memref<10112x32xf32, #tpu.memory_space<vmem_shared>>) offsets(%dma_start3A_79 : memref<256xi32, #tpu.memory_space<vmem>>) semaphore(%run_scoped3A_76 : memref<!tpu.dma_semaphore, #tpu.memory_space<semaphore_mem>>) {add = true}
      %dma_wait3A_83 = arith.constant 0 : i32
      %dma_wait3A_84 = tpu.memref_slice %arg8[%run_scoped3A_70, %dma_wait3A_83] : memref<80x256xi32, #tpu.memory_space<vmem>> -> memref<1x256xi32, #tpu.memory_space<vmem>>
      %dma_wait3A_85 = tpu.memref_squeeze %dma_wait3A_84 : memref<1x256xi32, #tpu.memory_space<vmem>> -> memref<256xi32, #tpu.memory_space<vmem>>
      %dma_wait3A_86 = arith.constant 0 : i32
      %dma_wait3A_87 = arith.constant 0 : i32
      %dma_wait3A_88 = tpu.memref_slice %arg17[%dma_wait3A_86, %dma_wait3A_87] : memref<10112x32xf32, #tpu.memory_space<vmem_shared>> -> memref<10112x32xf32, #tpu.memory_space<vmem_shared>>
      tpu.wait_indirect_dma semaphore(%run_scoped3A_76 : memref<!tpu.dma_semaphore, #tpu.memory_space<semaphore_mem>>) src(%arg12 : memref<256x32xf32, #tpu.memory_space<vmem>>) dst(%dma_wait3A_88 : memref<10112x32xf32, #tpu.memory_space<vmem_shared>>)
      tpu.yield
    }) : () -> ()
    %barrier3A_71 = arith.constant 0 : index
    tpu.barrier barrier_id(%barrier3A_71)
    %mul3A_72 = arith.constant 632 : i32
    %mul3A_73 = arith.muli %arg1, %mul3A_72 : i32
    %mul3A_74 = arith.constant 632 : i32
    %mul3A_75 = arith.muli %arg1, %mul3A_74 : i32
    "tpu.region"() ({
      %run_scoped3A_76 = tpu.sem_alloc : memref<!tpu.dma_semaphore, #tpu.memory_space<semaphore_mem>>
      %dma_start3A_77 = tpu.memref_slice %arg6[%mul3A_75, %mul3A_0] : memref<10112x64xf32, #tpu.memory_space<hbm>> -> memref<632x32xf32, #tpu.memory_space<hbm>>
      %dma_start3A_78 = arith.constant 0 : i32
      %dma_start3A_79 = tpu.memref_slice %arg17[%mul3A_73, %dma_start3A_78] : memref<10112x32xf32, #tpu.memory_space<vmem_shared>> -> memref<632x32xf32, #tpu.memory_space<vmem_shared>>
      tpu.enqueue_dma source(%dma_start3A_79 : memref<632x32xf32, #tpu.memory_space<vmem_shared>>) target(%dma_start3A_77 : memref<632x32xf32, #tpu.memory_space<hbm>>) target_semaphore(%run_scoped3A_76 : memref<!tpu.dma_semaphore, #tpu.memory_space<semaphore_mem>>)
      %dma_wait3A_80 = tpu.memref_slice %arg6[%mul3A_75, %mul3A_0] : memref<10112x64xf32, #tpu.memory_space<hbm>> -> memref<632x32xf32, #tpu.memory_space<hbm>>
      %dma_wait3A_81 = arith.constant 0 : i32
      %dma_wait3A_82 = tpu.memref_slice %arg17[%mul3A_73, %dma_wait3A_81] : memref<10112x32xf32, #tpu.memory_space<vmem_shared>> -> memref<632x32xf32, #tpu.memory_space<vmem_shared>>
      tpu.wait_dma2 semaphore(%run_scoped3A_76 : memref<!tpu.dma_semaphore, #tpu.memory_space<semaphore_mem>>) src(%dma_wait3A_82 : memref<632x32xf32, #tpu.memory_space<vmem_shared>>) dst(%dma_wait3A_80 : memref<632x32xf32, #tpu.memory_space<hbm>>)
      tpu.yield
    }) : () -> ()
    return
  }
}

#map = affine_map<(d0, d1) -> (0, 0)>
#map1 = affine_map<(d0, d1) -> (0, 0, 0)>
module attributes {stable_mosaic.version = 14 : i64} {
  func.func @_edge_agg(%arg0: i32, %arg1: i32, %arg2: memref<10112x64xf32, #tpu.memory_space<hbm>>, %arg3: memref<16x80x256xi32, #tpu.memory_space<hbm>>, %arg4: memref<16x80x256xi32, #tpu.memory_space<hbm>>, %arg5: memref<10112x32xf32, #tpu.memory_space<hbm>>, %arg6: memref<10112x64xf32, #tpu.memory_space<hbm>>, %arg7: memref<80x256xi32, #tpu.memory_space<vmem>>, %arg8: memref<80x256xi32, #tpu.memory_space<vmem>>, %arg9: memref<256x32xf32, #tpu.memory_space<vmem>>, %arg10: memref<256x32xf32, #tpu.memory_space<vmem>>, %arg11: memref<256x32xf32, #tpu.memory_space<vmem>>, %arg12: memref<256x32xf32, #tpu.memory_space<vmem>>, %arg13: memref<!tpu.dma_semaphore, #tpu.memory_space<semaphore_mem>>, %arg14: memref<!tpu.dma_semaphore, #tpu.memory_space<semaphore_mem>>, %arg15: memref<!tpu.dma_semaphore, #tpu.memory_space<semaphore_mem>>, %arg16: memref<!tpu.dma_semaphore, #tpu.memory_space<semaphore_mem>>, %arg17: memref<10112x32xf32, #tpu.memory_space<vmem_shared>>, %arg18: memref<10112x32xf32, #tpu.memory_space<vmem_shared>>) attributes {dimension_semantics = [#tpu.dimension_semantics<core_parallel>, #tpu.dimension_semantics<subcore_parallel>], iteration_bounds = array<i64: 2, 16>, scalar_prefetch = 0 : i64, scratch_operands = 12 : i64, tpu.core_type = #tpu.core_type<sc_vector_subcore>, window_params = [{transform_indices = #map}, {transform_indices = #map1}, {transform_indices = #map1}, {transform_indices = #map}, {transform_indices = #map}]} {
    %mul3A = arith.constant 32 : i32
    %mul3A_0 = arith.muli %arg0, %mul3A : i32
    %mul3A_1 = arith.constant 632 : i32
    %mul3A_2 = arith.muli %arg1, %mul3A_1 : i32
    %mul3A_3 = arith.constant 632 : i32
    %mul3A_4 = arith.muli %arg1, %mul3A_3 : i32
    "tpu.region"() ({
      %run_scoped3A_76 = tpu.sem_alloc : memref<!tpu.dma_semaphore, #tpu.memory_space<semaphore_mem>>
      %dma_start3A_77 = arith.constant 0 : i32
      %dma_start3A_78 = tpu.memref_slice %arg17[%mul3A_4, %dma_start3A_77] : memref<10112x32xf32, #tpu.memory_space<vmem_shared>> -> memref<632x32xf32, #tpu.memory_space<vmem_shared>>
      %dma_start3A_79 = arith.constant 0 : i32
      %dma_start3A_80 = tpu.memref_slice %arg5[%mul3A_2, %dma_start3A_79] : memref<10112x32xf32, #tpu.memory_space<hbm>> -> memref<632x32xf32, #tpu.memory_space<hbm>>
      tpu.enqueue_dma source(%dma_start3A_80 : memref<632x32xf32, #tpu.memory_space<hbm>>) target(%dma_start3A_78 : memref<632x32xf32, #tpu.memory_space<vmem_shared>>) target_semaphore(%run_scoped3A_76 : memref<!tpu.dma_semaphore, #tpu.memory_space<semaphore_mem>>)
      %dma_wait3A_81 = arith.constant 0 : i32
      %dma_wait3A_82 = tpu.memref_slice %arg17[%mul3A_4, %dma_wait3A_81] : memref<10112x32xf32, #tpu.memory_space<vmem_shared>> -> memref<632x32xf32, #tpu.memory_space<vmem_shared>>
      %dma_wait3A_83 = arith.constant 0 : i32
      %dma_wait3A_84 = tpu.memref_slice %arg5[%mul3A_2, %dma_wait3A_83] : memref<10112x32xf32, #tpu.memory_space<hbm>> -> memref<632x32xf32, #tpu.memory_space<hbm>>
      tpu.wait_dma2 semaphore(%run_scoped3A_76 : memref<!tpu.dma_semaphore, #tpu.memory_space<semaphore_mem>>) src(%dma_wait3A_84 : memref<632x32xf32, #tpu.memory_space<hbm>>) dst(%dma_wait3A_82 : memref<632x32xf32, #tpu.memory_space<vmem_shared>>)
      tpu.yield
    }) : () -> ()
    %mul3A_5 = arith.constant 632 : i32
    %mul3A_6 = arith.muli %arg1, %mul3A_5 : i32
    %mul3A_7 = arith.constant 632 : i32
    %mul3A_8 = arith.muli %arg1, %mul3A_7 : i32
    "tpu.region"() ({
      %run_scoped3A_76 = tpu.sem_alloc : memref<!tpu.dma_semaphore, #tpu.memory_space<semaphore_mem>>
      %dma_start3A_77 = arith.constant 0 : i32
      %dma_start3A_78 = tpu.memref_slice %arg18[%mul3A_8, %dma_start3A_77] : memref<10112x32xf32, #tpu.memory_space<vmem_shared>> -> memref<632x32xf32, #tpu.memory_space<vmem_shared>>
      %dma_start3A_79 = tpu.memref_slice %arg2[%mul3A_6, %mul3A_0] : memref<10112x64xf32, #tpu.memory_space<hbm>> -> memref<632x32xf32, #tpu.memory_space<hbm>>
      tpu.enqueue_dma source(%dma_start3A_79 : memref<632x32xf32, #tpu.memory_space<hbm>>) target(%dma_start3A_78 : memref<632x32xf32, #tpu.memory_space<vmem_shared>>) target_semaphore(%run_scoped3A_76 : memref<!tpu.dma_semaphore, #tpu.memory_space<semaphore_mem>>)
      %dma_wait3A_80 = arith.constant 0 : i32
      %dma_wait3A_81 = tpu.memref_slice %arg18[%mul3A_8, %dma_wait3A_80] : memref<10112x32xf32, #tpu.memory_space<vmem_shared>> -> memref<632x32xf32, #tpu.memory_space<vmem_shared>>
      %dma_wait3A_82 = tpu.memref_slice %arg2[%mul3A_6, %mul3A_0] : memref<10112x64xf32, #tpu.memory_space<hbm>> -> memref<632x32xf32, #tpu.memory_space<hbm>>
      tpu.wait_dma2 semaphore(%run_scoped3A_76 : memref<!tpu.dma_semaphore, #tpu.memory_space<semaphore_mem>>) src(%dma_wait3A_82 : memref<632x32xf32, #tpu.memory_space<hbm>>) dst(%dma_wait3A_81 : memref<632x32xf32, #tpu.memory_space<vmem_shared>>)
      tpu.yield
    }) : () -> ()
    "tpu.region"() ({
      %run_scoped3A_76 = tpu.sem_alloc : memref<!tpu.dma_semaphore, #tpu.memory_space<semaphore_mem>>
      %dma_start3A_77 = arith.constant 0 : i32
      %dma_start3A_78 = arith.constant 0 : i32
      %dma_start3A_79 = tpu.memref_slice %arg3[%arg1, %dma_start3A_77, %dma_start3A_78] : memref<16x80x256xi32, #tpu.memory_space<hbm>> -> memref<1x80x256xi32, #tpu.memory_space<hbm>>
      %dma_start3A_80 = tpu.memref_squeeze %dma_start3A_79 : memref<1x80x256xi32, #tpu.memory_space<hbm>> -> memref<80x256xi32, #tpu.memory_space<hbm>>
      %dma_start3A_81 = arith.constant 0 : i32
      %dma_start3A_82 = arith.constant 0 : i32
      %dma_start3A_83 = tpu.memref_slice %arg3[%arg1, %dma_start3A_81, %dma_start3A_82] : memref<16x80x256xi32, #tpu.memory_space<hbm>> -> memref<1x80x256xi32, #tpu.memory_space<hbm>>
      %dma_start3A_84 = tpu.memref_squeeze %dma_start3A_83 : memref<1x80x256xi32, #tpu.memory_space<hbm>> -> memref<80x256xi32, #tpu.memory_space<hbm>>
      tpu.enqueue_dma source(%dma_start3A_84 : memref<80x256xi32, #tpu.memory_space<hbm>>) target(%arg7 : memref<80x256xi32, #tpu.memory_space<vmem>>) target_semaphore(%run_scoped3A_76 : memref<!tpu.dma_semaphore, #tpu.memory_space<semaphore_mem>>)
      %dma_wait3A_85 = arith.constant 0 : i32
      %dma_wait3A_86 = arith.constant 0 : i32
      %dma_wait3A_87 = tpu.memref_slice %arg3[%arg1, %dma_wait3A_85, %dma_wait3A_86] : memref<16x80x256xi32, #tpu.memory_space<hbm>> -> memref<1x80x256xi32, #tpu.memory_space<hbm>>
      %dma_wait3A_88 = tpu.memref_squeeze %dma_wait3A_87 : memref<1x80x256xi32, #tpu.memory_space<hbm>> -> memref<80x256xi32, #tpu.memory_space<hbm>>
      %dma_wait3A_89 = arith.constant 0 : i32
      %dma_wait3A_90 = arith.constant 0 : i32
      %dma_wait3A_91 = tpu.memref_slice %arg3[%arg1, %dma_wait3A_89, %dma_wait3A_90] : memref<16x80x256xi32, #tpu.memory_space<hbm>> -> memref<1x80x256xi32, #tpu.memory_space<hbm>>
      %dma_wait3A_92 = tpu.memref_squeeze %dma_wait3A_91 : memref<1x80x256xi32, #tpu.memory_space<hbm>> -> memref<80x256xi32, #tpu.memory_space<hbm>>
      tpu.wait_dma2 semaphore(%run_scoped3A_76 : memref<!tpu.dma_semaphore, #tpu.memory_space<semaphore_mem>>) src(%dma_wait3A_92 : memref<80x256xi32, #tpu.memory_space<hbm>>) dst(%arg7 : memref<80x256xi32, #tpu.memory_space<vmem>>)
      tpu.yield
    }) : () -> ()
    "tpu.region"() ({
      %run_scoped3A_76 = tpu.sem_alloc : memref<!tpu.dma_semaphore, #tpu.memory_space<semaphore_mem>>
      %dma_start3A_77 = arith.constant 0 : i32
      %dma_start3A_78 = arith.constant 0 : i32
      %dma_start3A_79 = tpu.memref_slice %arg4[%arg1, %dma_start3A_77, %dma_start3A_78] : memref<16x80x256xi32, #tpu.memory_space<hbm>> -> memref<1x80x256xi32, #tpu.memory_space<hbm>>
      %dma_start3A_80 = tpu.memref_squeeze %dma_start3A_79 : memref<1x80x256xi32, #tpu.memory_space<hbm>> -> memref<80x256xi32, #tpu.memory_space<hbm>>
      %dma_start3A_81 = arith.constant 0 : i32
      %dma_start3A_82 = arith.constant 0 : i32
      %dma_start3A_83 = tpu.memref_slice %arg4[%arg1, %dma_start3A_81, %dma_start3A_82] : memref<16x80x256xi32, #tpu.memory_space<hbm>> -> memref<1x80x256xi32, #tpu.memory_space<hbm>>
      %dma_start3A_84 = tpu.memref_squeeze %dma_start3A_83 : memref<1x80x256xi32, #tpu.memory_space<hbm>> -> memref<80x256xi32, #tpu.memory_space<hbm>>
      tpu.enqueue_dma source(%dma_start3A_84 : memref<80x256xi32, #tpu.memory_space<hbm>>) target(%arg8 : memref<80x256xi32, #tpu.memory_space<vmem>>) target_semaphore(%run_scoped3A_76 : memref<!tpu.dma_semaphore, #tpu.memory_space<semaphore_mem>>)
      %dma_wait3A_85 = arith.constant 0 : i32
      %dma_wait3A_86 = arith.constant 0 : i32
      %dma_wait3A_87 = tpu.memref_slice %arg4[%arg1, %dma_wait3A_85, %dma_wait3A_86] : memref<16x80x256xi32, #tpu.memory_space<hbm>> -> memref<1x80x256xi32, #tpu.memory_space<hbm>>
      %dma_wait3A_88 = tpu.memref_squeeze %dma_wait3A_87 : memref<1x80x256xi32, #tpu.memory_space<hbm>> -> memref<80x256xi32, #tpu.memory_space<hbm>>
      %dma_wait3A_89 = arith.constant 0 : i32
      %dma_wait3A_90 = arith.constant 0 : i32
      %dma_wait3A_91 = tpu.memref_slice %arg4[%arg1, %dma_wait3A_89, %dma_wait3A_90] : memref<16x80x256xi32, #tpu.memory_space<hbm>> -> memref<1x80x256xi32, #tpu.memory_space<hbm>>
      %dma_wait3A_92 = tpu.memref_squeeze %dma_wait3A_91 : memref<1x80x256xi32, #tpu.memory_space<hbm>> -> memref<80x256xi32, #tpu.memory_space<hbm>>
      tpu.wait_dma2 semaphore(%run_scoped3A_76 : memref<!tpu.dma_semaphore, #tpu.memory_space<semaphore_mem>>) src(%dma_wait3A_92 : memref<80x256xi32, #tpu.memory_space<hbm>>) dst(%arg8 : memref<80x256xi32, #tpu.memory_space<vmem>>)
      tpu.yield
    }) : () -> ()
    %barrier3A = arith.constant 0 : index
    tpu.barrier barrier_id(%barrier3A)
    %dma_start3A = arith.constant 0 : i32
    %dma_start3A_9 = arith.constant 0 : i32
    %dma_start3A_10 = tpu.memref_slice %arg7[%dma_start3A, %dma_start3A_9] : memref<80x256xi32, #tpu.memory_space<vmem>> -> memref<1x256xi32, #tpu.memory_space<vmem>>
    %dma_start3A_11 = tpu.memref_squeeze %dma_start3A_10 : memref<1x256xi32, #tpu.memory_space<vmem>> -> memref<256xi32, #tpu.memory_space<vmem>>
    %dma_start3A_12 = arith.constant 0 : i32
    %dma_start3A_13 = arith.constant 0 : i32
    %dma_start3A_14 = tpu.memref_slice %arg18[%dma_start3A_12, %dma_start3A_13] : memref<10112x32xf32, #tpu.memory_space<vmem_shared>> -> memref<10112x32xf32, #tpu.memory_space<vmem_shared>>
    tpu.enqueue_indirect_dma source(%dma_start3A_14 : memref<10112x32xf32, #tpu.memory_space<vmem_shared>>) target(%arg9 : memref<256x32xf32, #tpu.memory_space<vmem>>) offsets(%dma_start3A_11 : memref<256xi32, #tpu.memory_space<vmem>>) semaphore(%arg13 : memref<!tpu.dma_semaphore, #tpu.memory_space<semaphore_mem>>)
    %dma_start3A_15 = arith.constant 1 : i32
    %dma_start3A_16 = arith.constant 0 : i32
    %dma_start3A_17 = tpu.memref_slice %arg7[%dma_start3A_15, %dma_start3A_16] : memref<80x256xi32, #tpu.memory_space<vmem>> -> memref<1x256xi32, #tpu.memory_space<vmem>>
    %dma_start3A_18 = tpu.memref_squeeze %dma_start3A_17 : memref<1x256xi32, #tpu.memory_space<vmem>> -> memref<256xi32, #tpu.memory_space<vmem>>
    %dma_start3A_19 = arith.constant 0 : i32
    %dma_start3A_20 = arith.constant 0 : i32
    %dma_start3A_21 = tpu.memref_slice %arg18[%dma_start3A_19, %dma_start3A_20] : memref<10112x32xf32, #tpu.memory_space<vmem_shared>> -> memref<10112x32xf32, #tpu.memory_space<vmem_shared>>
    tpu.enqueue_indirect_dma source(%dma_start3A_21 : memref<10112x32xf32, #tpu.memory_space<vmem_shared>>) target(%arg10 : memref<256x32xf32, #tpu.memory_space<vmem>>) offsets(%dma_start3A_18 : memref<256xi32, #tpu.memory_space<vmem>>) semaphore(%arg14 : memref<!tpu.dma_semaphore, #tpu.memory_space<semaphore_mem>>)
    %dma_start3A_22 = arith.constant 2 : i32
    %dma_start3A_23 = arith.constant 0 : i32
    %dma_start3A_24 = tpu.memref_slice %arg7[%dma_start3A_22, %dma_start3A_23] : memref<80x256xi32, #tpu.memory_space<vmem>> -> memref<1x256xi32, #tpu.memory_space<vmem>>
    %dma_start3A_25 = tpu.memref_squeeze %dma_start3A_24 : memref<1x256xi32, #tpu.memory_space<vmem>> -> memref<256xi32, #tpu.memory_space<vmem>>
    %dma_start3A_26 = arith.constant 0 : i32
    %dma_start3A_27 = arith.constant 0 : i32
    %dma_start3A_28 = tpu.memref_slice %arg18[%dma_start3A_26, %dma_start3A_27] : memref<10112x32xf32, #tpu.memory_space<vmem_shared>> -> memref<10112x32xf32, #tpu.memory_space<vmem_shared>>
    tpu.enqueue_indirect_dma source(%dma_start3A_28 : memref<10112x32xf32, #tpu.memory_space<vmem_shared>>) target(%arg11 : memref<256x32xf32, #tpu.memory_space<vmem>>) offsets(%dma_start3A_25 : memref<256xi32, #tpu.memory_space<vmem>>) semaphore(%arg15 : memref<!tpu.dma_semaphore, #tpu.memory_space<semaphore_mem>>)
    %dma_start3A_29 = arith.constant 3 : i32
    %dma_start3A_30 = arith.constant 0 : i32
    %dma_start3A_31 = tpu.memref_slice %arg7[%dma_start3A_29, %dma_start3A_30] : memref<80x256xi32, #tpu.memory_space<vmem>> -> memref<1x256xi32, #tpu.memory_space<vmem>>
    %dma_start3A_32 = tpu.memref_squeeze %dma_start3A_31 : memref<1x256xi32, #tpu.memory_space<vmem>> -> memref<256xi32, #tpu.memory_space<vmem>>
    %dma_start3A_33 = arith.constant 0 : i32
    %dma_start3A_34 = arith.constant 0 : i32
    %dma_start3A_35 = tpu.memref_slice %arg18[%dma_start3A_33, %dma_start3A_34] : memref<10112x32xf32, #tpu.memory_space<vmem_shared>> -> memref<10112x32xf32, #tpu.memory_space<vmem_shared>>
    tpu.enqueue_indirect_dma source(%dma_start3A_35 : memref<10112x32xf32, #tpu.memory_space<vmem_shared>>) target(%arg12 : memref<256x32xf32, #tpu.memory_space<vmem>>) offsets(%dma_start3A_32 : memref<256xi32, #tpu.memory_space<vmem>>) semaphore(%arg16 : memref<!tpu.dma_semaphore, #tpu.memory_space<semaphore_mem>>)
    %scan3A = arith.constant 0 : i32
    %scan3A_36 = arith.constant 0 : i32
    %scan3A_37 = arith.constant 19 : i32
    %scan3A_38 = arith.addi %scan3A_36, %scan3A_37 : i32
    %scan3A_39 = arith.constant 1 : i32
    scf.for %scan3A_76 = %scan3A_36 to %scan3A_38 step %scan3A_39  : i32 {
      %mul3A_77 = arith.constant 4 : i32
      %mul3A_78 = arith.muli %scan3A_76, %mul3A_77 : i32
      %add3A = arith.constant 0 : i32
      %add3A_79 = arith.addi %mul3A_78, %add3A : i32
      %dma_wait3A_80 = arith.constant 0 : i32
      %dma_wait3A_81 = tpu.memref_slice %arg7[%add3A_79, %dma_wait3A_80] : memref<80x256xi32, #tpu.memory_space<vmem>> -> memref<1x256xi32, #tpu.memory_space<vmem>>
      %dma_wait3A_82 = tpu.memref_squeeze %dma_wait3A_81 : memref<1x256xi32, #tpu.memory_space<vmem>> -> memref<256xi32, #tpu.memory_space<vmem>>
      %dma_wait3A_83 = arith.constant 0 : i32
      %dma_wait3A_84 = arith.constant 0 : i32
      %dma_wait3A_85 = tpu.memref_slice %arg18[%dma_wait3A_83, %dma_wait3A_84] : memref<10112x32xf32, #tpu.memory_space<vmem_shared>> -> memref<10112x32xf32, #tpu.memory_space<vmem_shared>>
      tpu.wait_indirect_dma semaphore(%arg13 : memref<!tpu.dma_semaphore, #tpu.memory_space<semaphore_mem>>) src(%dma_wait3A_85 : memref<10112x32xf32, #tpu.memory_space<vmem_shared>>) dst(%arg9 : memref<256x32xf32, #tpu.memory_space<vmem>>)
      "tpu.region"() ({
        %run_scoped3A_148 = tpu.sem_alloc : memref<!tpu.dma_semaphore, #tpu.memory_space<semaphore_mem>>
        %dma_start3A_149 = arith.constant 0 : i32
        %dma_start3A_150 = tpu.memref_slice %arg8[%add3A_79, %dma_start3A_149] : memref<80x256xi32, #tpu.memory_space<vmem>> -> memref<1x256xi32, #tpu.memory_space<vmem>>
        %dma_start3A_151 = tpu.memref_squeeze %dma_start3A_150 : memref<1x256xi32, #tpu.memory_space<vmem>> -> memref<256xi32, #tpu.memory_space<vmem>>
        %dma_start3A_152 = arith.constant 0 : i32
        %dma_start3A_153 = arith.constant 0 : i32
        %dma_start3A_154 = tpu.memref_slice %arg17[%dma_start3A_152, %dma_start3A_153] : memref<10112x32xf32, #tpu.memory_space<vmem_shared>> -> memref<10112x32xf32, #tpu.memory_space<vmem_shared>>
        tpu.enqueue_indirect_dma source(%arg9 : memref<256x32xf32, #tpu.memory_space<vmem>>) target(%dma_start3A_154 : memref<10112x32xf32, #tpu.memory_space<vmem_shared>>) offsets(%dma_start3A_151 : memref<256xi32, #tpu.memory_space<vmem>>) semaphore(%run_scoped3A_148 : memref<!tpu.dma_semaphore, #tpu.memory_space<semaphore_mem>>) {add = true}
        %dma_wait3A_155 = arith.constant 0 : i32
        %dma_wait3A_156 = tpu.memref_slice %arg8[%add3A_79, %dma_wait3A_155] : memref<80x256xi32, #tpu.memory_space<vmem>> -> memref<1x256xi32, #tpu.memory_space<vmem>>
        %dma_wait3A_157 = tpu.memref_squeeze %dma_wait3A_156 : memref<1x256xi32, #tpu.memory_space<vmem>> -> memref<256xi32, #tpu.memory_space<vmem>>
        %dma_wait3A_158 = arith.constant 0 : i32
        %dma_wait3A_159 = arith.constant 0 : i32
        %dma_wait3A_160 = tpu.memref_slice %arg17[%dma_wait3A_158, %dma_wait3A_159] : memref<10112x32xf32, #tpu.memory_space<vmem_shared>> -> memref<10112x32xf32, #tpu.memory_space<vmem_shared>>
        tpu.wait_indirect_dma semaphore(%run_scoped3A_148 : memref<!tpu.dma_semaphore, #tpu.memory_space<semaphore_mem>>) src(%arg9 : memref<256x32xf32, #tpu.memory_space<vmem>>) dst(%dma_wait3A_160 : memref<10112x32xf32, #tpu.memory_space<vmem_shared>>)
        tpu.yield
      }) : () -> ()
      %add3A_86 = arith.constant 4 : i32
      %add3A_87 = arith.addi %add3A_79, %add3A_86 : i32
      %dma_start3A_88 = arith.constant 0 : i32
      %dma_start3A_89 = tpu.memref_slice %arg7[%add3A_87, %dma_start3A_88] : memref<80x256xi32, #tpu.memory_space<vmem>> -> memref<1x256xi32, #tpu.memory_space<vmem>>
      %dma_start3A_90 = tpu.memref_squeeze %dma_start3A_89 : memref<1x256xi32, #tpu.memory_space<vmem>> -> memref<256xi32, #tpu.memory_space<vmem>>
      %dma_start3A_91 = arith.constant 0 : i32
      %dma_start3A_92 = arith.constant 0 : i32
      %dma_start3A_93 = tpu.memref_slice %arg18[%dma_start3A_91, %dma_start3A_92] : memref<10112x32xf32, #tpu.memory_space<vmem_shared>> -> memref<10112x32xf32, #tpu.memory_space<vmem_shared>>
      tpu.enqueue_indirect_dma source(%dma_start3A_93 : memref<10112x32xf32, #tpu.memory_space<vmem_shared>>) target(%arg9 : memref<256x32xf32, #tpu.memory_space<vmem>>) offsets(%dma_start3A_90 : memref<256xi32, #tpu.memory_space<vmem>>) semaphore(%arg13 : memref<!tpu.dma_semaphore, #tpu.memory_space<semaphore_mem>>)
      %mul3A_94 = arith.constant 4 : i32
      %mul3A_95 = arith.muli %scan3A_76, %mul3A_94 : i32
      %add3A_96 = arith.constant 1 : i32
      %add3A_97 = arith.addi %mul3A_95, %add3A_96 : i32
      %dma_wait3A_98 = arith.constant 0 : i32
      %dma_wait3A_99 = tpu.memref_slice %arg7[%add3A_97, %dma_wait3A_98] : memref<80x256xi32, #tpu.memory_space<vmem>> -> memref<1x256xi32, #tpu.memory_space<vmem>>
      %dma_wait3A_100 = tpu.memref_squeeze %dma_wait3A_99 : memref<1x256xi32, #tpu.memory_space<vmem>> -> memref<256xi32, #tpu.memory_space<vmem>>
      %dma_wait3A_101 = arith.constant 0 : i32
      %dma_wait3A_102 = arith.constant 0 : i32
      %dma_wait3A_103 = tpu.memref_slice %arg18[%dma_wait3A_101, %dma_wait3A_102] : memref<10112x32xf32, #tpu.memory_space<vmem_shared>> -> memref<10112x32xf32, #tpu.memory_space<vmem_shared>>
      tpu.wait_indirect_dma semaphore(%arg14 : memref<!tpu.dma_semaphore, #tpu.memory_space<semaphore_mem>>) src(%dma_wait3A_103 : memref<10112x32xf32, #tpu.memory_space<vmem_shared>>) dst(%arg10 : memref<256x32xf32, #tpu.memory_space<vmem>>)
      "tpu.region"() ({
        %run_scoped3A_148 = tpu.sem_alloc : memref<!tpu.dma_semaphore, #tpu.memory_space<semaphore_mem>>
        %dma_start3A_149 = arith.constant 0 : i32
        %dma_start3A_150 = tpu.memref_slice %arg8[%add3A_97, %dma_start3A_149] : memref<80x256xi32, #tpu.memory_space<vmem>> -> memref<1x256xi32, #tpu.memory_space<vmem>>
        %dma_start3A_151 = tpu.memref_squeeze %dma_start3A_150 : memref<1x256xi32, #tpu.memory_space<vmem>> -> memref<256xi32, #tpu.memory_space<vmem>>
        %dma_start3A_152 = arith.constant 0 : i32
        %dma_start3A_153 = arith.constant 0 : i32
        %dma_start3A_154 = tpu.memref_slice %arg17[%dma_start3A_152, %dma_start3A_153] : memref<10112x32xf32, #tpu.memory_space<vmem_shared>> -> memref<10112x32xf32, #tpu.memory_space<vmem_shared>>
        tpu.enqueue_indirect_dma source(%arg10 : memref<256x32xf32, #tpu.memory_space<vmem>>) target(%dma_start3A_154 : memref<10112x32xf32, #tpu.memory_space<vmem_shared>>) offsets(%dma_start3A_151 : memref<256xi32, #tpu.memory_space<vmem>>) semaphore(%run_scoped3A_148 : memref<!tpu.dma_semaphore, #tpu.memory_space<semaphore_mem>>) {add = true}
        %dma_wait3A_155 = arith.constant 0 : i32
        %dma_wait3A_156 = tpu.memref_slice %arg8[%add3A_97, %dma_wait3A_155] : memref<80x256xi32, #tpu.memory_space<vmem>> -> memref<1x256xi32, #tpu.memory_space<vmem>>
        %dma_wait3A_157 = tpu.memref_squeeze %dma_wait3A_156 : memref<1x256xi32, #tpu.memory_space<vmem>> -> memref<256xi32, #tpu.memory_space<vmem>>
        %dma_wait3A_158 = arith.constant 0 : i32
        %dma_wait3A_159 = arith.constant 0 : i32
        %dma_wait3A_160 = tpu.memref_slice %arg17[%dma_wait3A_158, %dma_wait3A_159] : memref<10112x32xf32, #tpu.memory_space<vmem_shared>> -> memref<10112x32xf32, #tpu.memory_space<vmem_shared>>
        tpu.wait_indirect_dma semaphore(%run_scoped3A_148 : memref<!tpu.dma_semaphore, #tpu.memory_space<semaphore_mem>>) src(%arg10 : memref<256x32xf32, #tpu.memory_space<vmem>>) dst(%dma_wait3A_160 : memref<10112x32xf32, #tpu.memory_space<vmem_shared>>)
        tpu.yield
      }) : () -> ()
      %add3A_104 = arith.constant 4 : i32
      %add3A_105 = arith.addi %add3A_97, %add3A_104 : i32
      %dma_start3A_106 = arith.constant 0 : i32
      %dma_start3A_107 = tpu.memref_slice %arg7[%add3A_105, %dma_start3A_106] : memref<80x256xi32, #tpu.memory_space<vmem>> -> memref<1x256xi32, #tpu.memory_space<vmem>>
      %dma_start3A_108 = tpu.memref_squeeze %dma_start3A_107 : memref<1x256xi32, #tpu.memory_space<vmem>> -> memref<256xi32, #tpu.memory_space<vmem>>
      %dma_start3A_109 = arith.constant 0 : i32
      %dma_start3A_110 = arith.constant 0 : i32
      %dma_start3A_111 = tpu.memref_slice %arg18[%dma_start3A_109, %dma_start3A_110] : memref<10112x32xf32, #tpu.memory_space<vmem_shared>> -> memref<10112x32xf32, #tpu.memory_space<vmem_shared>>
      tpu.enqueue_indirect_dma source(%dma_start3A_111 : memref<10112x32xf32, #tpu.memory_space<vmem_shared>>) target(%arg10 : memref<256x32xf32, #tpu.memory_space<vmem>>) offsets(%dma_start3A_108 : memref<256xi32, #tpu.memory_space<vmem>>) semaphore(%arg14 : memref<!tpu.dma_semaphore, #tpu.memory_space<semaphore_mem>>)
      %mul3A_112 = arith.constant 4 : i32
      %mul3A_113 = arith.muli %scan3A_76, %mul3A_112 : i32
      %add3A_114 = arith.constant 2 : i32
      %add3A_115 = arith.addi %mul3A_113, %add3A_114 : i32
      %dma_wait3A_116 = arith.constant 0 : i32
      %dma_wait3A_117 = tpu.memref_slice %arg7[%add3A_115, %dma_wait3A_116] : memref<80x256xi32, #tpu.memory_space<vmem>> -> memref<1x256xi32, #tpu.memory_space<vmem>>
      %dma_wait3A_118 = tpu.memref_squeeze %dma_wait3A_117 : memref<1x256xi32, #tpu.memory_space<vmem>> -> memref<256xi32, #tpu.memory_space<vmem>>
      %dma_wait3A_119 = arith.constant 0 : i32
      %dma_wait3A_120 = arith.constant 0 : i32
      %dma_wait3A_121 = tpu.memref_slice %arg18[%dma_wait3A_119, %dma_wait3A_120] : memref<10112x32xf32, #tpu.memory_space<vmem_shared>> -> memref<10112x32xf32, #tpu.memory_space<vmem_shared>>
      tpu.wait_indirect_dma semaphore(%arg15 : memref<!tpu.dma_semaphore, #tpu.memory_space<semaphore_mem>>) src(%dma_wait3A_121 : memref<10112x32xf32, #tpu.memory_space<vmem_shared>>) dst(%arg11 : memref<256x32xf32, #tpu.memory_space<vmem>>)
      "tpu.region"() ({
        %run_scoped3A_148 = tpu.sem_alloc : memref<!tpu.dma_semaphore, #tpu.memory_space<semaphore_mem>>
        %dma_start3A_149 = arith.constant 0 : i32
        %dma_start3A_150 = tpu.memref_slice %arg8[%add3A_115, %dma_start3A_149] : memref<80x256xi32, #tpu.memory_space<vmem>> -> memref<1x256xi32, #tpu.memory_space<vmem>>
        %dma_start3A_151 = tpu.memref_squeeze %dma_start3A_150 : memref<1x256xi32, #tpu.memory_space<vmem>> -> memref<256xi32, #tpu.memory_space<vmem>>
        %dma_start3A_152 = arith.constant 0 : i32
        %dma_start3A_153 = arith.constant 0 : i32
        %dma_start3A_154 = tpu.memref_slice %arg17[%dma_start3A_152, %dma_start3A_153] : memref<10112x32xf32, #tpu.memory_space<vmem_shared>> -> memref<10112x32xf32, #tpu.memory_space<vmem_shared>>
        tpu.enqueue_indirect_dma source(%arg11 : memref<256x32xf32, #tpu.memory_space<vmem>>) target(%dma_start3A_154 : memref<10112x32xf32, #tpu.memory_space<vmem_shared>>) offsets(%dma_start3A_151 : memref<256xi32, #tpu.memory_space<vmem>>) semaphore(%run_scoped3A_148 : memref<!tpu.dma_semaphore, #tpu.memory_space<semaphore_mem>>) {add = true}
        %dma_wait3A_155 = arith.constant 0 : i32
        %dma_wait3A_156 = tpu.memref_slice %arg8[%add3A_115, %dma_wait3A_155] : memref<80x256xi32, #tpu.memory_space<vmem>> -> memref<1x256xi32, #tpu.memory_space<vmem>>
        %dma_wait3A_157 = tpu.memref_squeeze %dma_wait3A_156 : memref<1x256xi32, #tpu.memory_space<vmem>> -> memref<256xi32, #tpu.memory_space<vmem>>
        %dma_wait3A_158 = arith.constant 0 : i32
        %dma_wait3A_159 = arith.constant 0 : i32
        %dma_wait3A_160 = tpu.memref_slice %arg17[%dma_wait3A_158, %dma_wait3A_159] : memref<10112x32xf32, #tpu.memory_space<vmem_shared>> -> memref<10112x32xf32, #tpu.memory_space<vmem_shared>>
        tpu.wait_indirect_dma semaphore(%run_scoped3A_148 : memref<!tpu.dma_semaphore, #tpu.memory_space<semaphore_mem>>) src(%arg11 : memref<256x32xf32, #tpu.memory_space<vmem>>) dst(%dma_wait3A_160 : memref<10112x32xf32, #tpu.memory_space<vmem_shared>>)
        tpu.yield
      }) : () -> ()
      %add3A_122 = arith.constant 4 : i32
      %add3A_123 = arith.addi %add3A_115, %add3A_122 : i32
      %dma_start3A_124 = arith.constant 0 : i32
      %dma_start3A_125 = tpu.memref_slice %arg7[%add3A_123, %dma_start3A_124] : memref<80x256xi32, #tpu.memory_space<vmem>> -> memref<1x256xi32, #tpu.memory_space<vmem>>
      %dma_start3A_126 = tpu.memref_squeeze %dma_start3A_125 : memref<1x256xi32, #tpu.memory_space<vmem>> -> memref<256xi32, #tpu.memory_space<vmem>>
      %dma_start3A_127 = arith.constant 0 : i32
      %dma_start3A_128 = arith.constant 0 : i32
      %dma_start3A_129 = tpu.memref_slice %arg18[%dma_start3A_127, %dma_start3A_128] : memref<10112x32xf32, #tpu.memory_space<vmem_shared>> -> memref<10112x32xf32, #tpu.memory_space<vmem_shared>>
      tpu.enqueue_indirect_dma source(%dma_start3A_129 : memref<10112x32xf32, #tpu.memory_space<vmem_shared>>) target(%arg11 : memref<256x32xf32, #tpu.memory_space<vmem>>) offsets(%dma_start3A_126 : memref<256xi32, #tpu.memory_space<vmem>>) semaphore(%arg15 : memref<!tpu.dma_semaphore, #tpu.memory_space<semaphore_mem>>)
      %mul3A_130 = arith.constant 4 : i32
      %mul3A_131 = arith.muli %scan3A_76, %mul3A_130 : i32
      %add3A_132 = arith.constant 3 : i32
      %add3A_133 = arith.addi %mul3A_131, %add3A_132 : i32
      %dma_wait3A_134 = arith.constant 0 : i32
      %dma_wait3A_135 = tpu.memref_slice %arg7[%add3A_133, %dma_wait3A_134] : memref<80x256xi32, #tpu.memory_space<vmem>> -> memref<1x256xi32, #tpu.memory_space<vmem>>
      %dma_wait3A_136 = tpu.memref_squeeze %dma_wait3A_135 : memref<1x256xi32, #tpu.memory_space<vmem>> -> memref<256xi32, #tpu.memory_space<vmem>>
      %dma_wait3A_137 = arith.constant 0 : i32
      %dma_wait3A_138 = arith.constant 0 : i32
      %dma_wait3A_139 = tpu.memref_slice %arg18[%dma_wait3A_137, %dma_wait3A_138] : memref<10112x32xf32, #tpu.memory_space<vmem_shared>> -> memref<10112x32xf32, #tpu.memory_space<vmem_shared>>
      tpu.wait_indirect_dma semaphore(%arg16 : memref<!tpu.dma_semaphore, #tpu.memory_space<semaphore_mem>>) src(%dma_wait3A_139 : memref<10112x32xf32, #tpu.memory_space<vmem_shared>>) dst(%arg12 : memref<256x32xf32, #tpu.memory_space<vmem>>)
      "tpu.region"() ({
        %run_scoped3A_148 = tpu.sem_alloc : memref<!tpu.dma_semaphore, #tpu.memory_space<semaphore_mem>>
        %dma_start3A_149 = arith.constant 0 : i32
        %dma_start3A_150 = tpu.memref_slice %arg8[%add3A_133, %dma_start3A_149] : memref<80x256xi32, #tpu.memory_space<vmem>> -> memref<1x256xi32, #tpu.memory_space<vmem>>
        %dma_start3A_151 = tpu.memref_squeeze %dma_start3A_150 : memref<1x256xi32, #tpu.memory_space<vmem>> -> memref<256xi32, #tpu.memory_space<vmem>>
        %dma_start3A_152 = arith.constant 0 : i32
        %dma_start3A_153 = arith.constant 0 : i32
        %dma_start3A_154 = tpu.memref_slice %arg17[%dma_start3A_152, %dma_start3A_153] : memref<10112x32xf32, #tpu.memory_space<vmem_shared>> -> memref<10112x32xf32, #tpu.memory_space<vmem_shared>>
        tpu.enqueue_indirect_dma source(%arg12 : memref<256x32xf32, #tpu.memory_space<vmem>>) target(%dma_start3A_154 : memref<10112x32xf32, #tpu.memory_space<vmem_shared>>) offsets(%dma_start3A_151 : memref<256xi32, #tpu.memory_space<vmem>>) semaphore(%run_scoped3A_148 : memref<!tpu.dma_semaphore, #tpu.memory_space<semaphore_mem>>) {add = true}
        %dma_wait3A_155 = arith.constant 0 : i32
        %dma_wait3A_156 = tpu.memref_slice %arg8[%add3A_133, %dma_wait3A_155] : memref<80x256xi32, #tpu.memory_space<vmem>> -> memref<1x256xi32, #tpu.memory_space<vmem>>
        %dma_wait3A_157 = tpu.memref_squeeze %dma_wait3A_156 : memref<1x256xi32, #tpu.memory_space<vmem>> -> memref<256xi32, #tpu.memory_space<vmem>>
        %dma_wait3A_158 = arith.constant 0 : i32
        %dma_wait3A_159 = arith.constant 0 : i32
        %dma_wait3A_160 = tpu.memref_slice %arg17[%dma_wait3A_158, %dma_wait3A_159] : memref<10112x32xf32, #tpu.memory_space<vmem_shared>> -> memref<10112x32xf32, #tpu.memory_space<vmem_shared>>
        tpu.wait_indirect_dma semaphore(%run_scoped3A_148 : memref<!tpu.dma_semaphore, #tpu.memory_space<semaphore_mem>>) src(%arg12 : memref<256x32xf32, #tpu.memory_space<vmem>>) dst(%dma_wait3A_160 : memref<10112x32xf32, #tpu.memory_space<vmem_shared>>)
        tpu.yield
      }) : () -> ()
      %add3A_140 = arith.constant 4 : i32
      %add3A_141 = arith.addi %add3A_133, %add3A_140 : i32
      %dma_start3A_142 = arith.constant 0 : i32
      %dma_start3A_143 = tpu.memref_slice %arg7[%add3A_141, %dma_start3A_142] : memref<80x256xi32, #tpu.memory_space<vmem>> -> memref<1x256xi32, #tpu.memory_space<vmem>>
      %dma_start3A_144 = tpu.memref_squeeze %dma_start3A_143 : memref<1x256xi32, #tpu.memory_space<vmem>> -> memref<256xi32, #tpu.memory_space<vmem>>
      %dma_start3A_145 = arith.constant 0 : i32
      %dma_start3A_146 = arith.constant 0 : i32
      %dma_start3A_147 = tpu.memref_slice %arg18[%dma_start3A_145, %dma_start3A_146] : memref<10112x32xf32, #tpu.memory_space<vmem_shared>> -> memref<10112x32xf32, #tpu.memory_space<vmem_shared>>
      tpu.enqueue_indirect_dma source(%dma_start3A_147 : memref<10112x32xf32, #tpu.memory_space<vmem_shared>>) target(%arg12 : memref<256x32xf32, #tpu.memory_space<vmem>>) offsets(%dma_start3A_144 : memref<256xi32, #tpu.memory_space<vmem>>) semaphore(%arg16 : memref<!tpu.dma_semaphore, #tpu.memory_space<semaphore_mem>>)
    }
    %scan3A_40 = arith.constant 19 : i32
    %dma_wait3A = arith.constant 76 : i32
    %dma_wait3A_41 = arith.constant 0 : i32
    %dma_wait3A_42 = tpu.memref_slice %arg7[%dma_wait3A, %dma_wait3A_41] : memref<80x256xi32, #tpu.memory_space<vmem>> -> memref<1x256xi32, #tpu.memory_space<vmem>>
    %dma_wait3A_43 = tpu.memref_squeeze %dma_wait3A_42 : memref<1x256xi32, #tpu.memory_space<vmem>> -> memref<256xi32, #tpu.memory_space<vmem>>
    %dma_wait3A_44 = arith.constant 0 : i32
    %dma_wait3A_45 = arith.constant 0 : i32
    %dma_wait3A_46 = tpu.memref_slice %arg18[%dma_wait3A_44, %dma_wait3A_45] : memref<10112x32xf32, #tpu.memory_space<vmem_shared>> -> memref<10112x32xf32, #tpu.memory_space<vmem_shared>>
    tpu.wait_indirect_dma semaphore(%arg13 : memref<!tpu.dma_semaphore, #tpu.memory_space<semaphore_mem>>) src(%dma_wait3A_46 : memref<10112x32xf32, #tpu.memory_space<vmem_shared>>) dst(%arg9 : memref<256x32xf32, #tpu.memory_space<vmem>>)
    %run_scoped3A = arith.constant 76 : i32
    "tpu.region"() ({
      %run_scoped3A_76 = tpu.sem_alloc : memref<!tpu.dma_semaphore, #tpu.memory_space<semaphore_mem>>
      %dma_start3A_77 = arith.constant 0 : i32
      %dma_start3A_78 = tpu.memref_slice %arg8[%run_scoped3A, %dma_start3A_77] : memref<80x256xi32, #tpu.memory_space<vmem>> -> memref<1x256xi32, #tpu.memory_space<vmem>>
      %dma_start3A_79 = tpu.memref_squeeze %dma_start3A_78 : memref<1x256xi32, #tpu.memory_space<vmem>> -> memref<256xi32, #tpu.memory_space<vmem>>
      %dma_start3A_80 = arith.constant 0 : i32
      %dma_start3A_81 = arith.constant 0 : i32
      %dma_start3A_82 = tpu.memref_slice %arg17[%dma_start3A_80, %dma_start3A_81] : memref<10112x32xf32, #tpu.memory_space<vmem_shared>> -> memref<10112x32xf32, #tpu.memory_space<vmem_shared>>
      tpu.enqueue_indirect_dma source(%arg9 : memref<256x32xf32, #tpu.memory_space<vmem>>) target(%dma_start3A_82 : memref<10112x32xf32, #tpu.memory_space<vmem_shared>>) offsets(%dma_start3A_79 : memref<256xi32, #tpu.memory_space<vmem>>) semaphore(%run_scoped3A_76 : memref<!tpu.dma_semaphore, #tpu.memory_space<semaphore_mem>>) {add = true}
      %dma_wait3A_83 = arith.constant 0 : i32
      %dma_wait3A_84 = tpu.memref_slice %arg8[%run_scoped3A, %dma_wait3A_83] : memref<80x256xi32, #tpu.memory_space<vmem>> -> memref<1x256xi32, #tpu.memory_space<vmem>>
      %dma_wait3A_85 = tpu.memref_squeeze %dma_wait3A_84 : memref<1x256xi32, #tpu.memory_space<vmem>> -> memref<256xi32, #tpu.memory_space<vmem>>
      %dma_wait3A_86 = arith.constant 0 : i32
      %dma_wait3A_87 = arith.constant 0 : i32
      %dma_wait3A_88 = tpu.memref_slice %arg17[%dma_wait3A_86, %dma_wait3A_87] : memref<10112x32xf32, #tpu.memory_space<vmem_shared>> -> memref<10112x32xf32, #tpu.memory_space<vmem_shared>>
      tpu.wait_indirect_dma semaphore(%run_scoped3A_76 : memref<!tpu.dma_semaphore, #tpu.memory_space<semaphore_mem>>) src(%arg9 : memref<256x32xf32, #tpu.memory_space<vmem>>) dst(%dma_wait3A_88 : memref<10112x32xf32, #tpu.memory_space<vmem_shared>>)
      tpu.yield
    }) : () -> ()
    %dma_wait3A_47 = arith.constant 77 : i32
    %dma_wait3A_48 = arith.constant 0 : i32
    %dma_wait3A_49 = tpu.memref_slice %arg7[%dma_wait3A_47, %dma_wait3A_48] : memref<80x256xi32, #tpu.memory_space<vmem>> -> memref<1x256xi32, #tpu.memory_space<vmem>>
    %dma_wait3A_50 = tpu.memref_squeeze %dma_wait3A_49 : memref<1x256xi32, #tpu.memory_space<vmem>> -> memref<256xi32, #tpu.memory_space<vmem>>
    %dma_wait3A_51 = arith.constant 0 : i32
    %dma_wait3A_52 = arith.constant 0 : i32
    %dma_wait3A_53 = tpu.memref_slice %arg18[%dma_wait3A_51, %dma_wait3A_52] : memref<10112x32xf32, #tpu.memory_space<vmem_shared>> -> memref<10112x32xf32, #tpu.memory_space<vmem_shared>>
    tpu.wait_indirect_dma semaphore(%arg14 : memref<!tpu.dma_semaphore, #tpu.memory_space<semaphore_mem>>) src(%dma_wait3A_53 : memref<10112x32xf32, #tpu.memory_space<vmem_shared>>) dst(%arg10 : memref<256x32xf32, #tpu.memory_space<vmem>>)
    %run_scoped3A_54 = arith.constant 77 : i32
    "tpu.region"() ({
      %run_scoped3A_76 = tpu.sem_alloc : memref<!tpu.dma_semaphore, #tpu.memory_space<semaphore_mem>>
      %dma_start3A_77 = arith.constant 0 : i32
      %dma_start3A_78 = tpu.memref_slice %arg8[%run_scoped3A_54, %dma_start3A_77] : memref<80x256xi32, #tpu.memory_space<vmem>> -> memref<1x256xi32, #tpu.memory_space<vmem>>
      %dma_start3A_79 = tpu.memref_squeeze %dma_start3A_78 : memref<1x256xi32, #tpu.memory_space<vmem>> -> memref<256xi32, #tpu.memory_space<vmem>>
      %dma_start3A_80 = arith.constant 0 : i32
      %dma_start3A_81 = arith.constant 0 : i32
      %dma_start3A_82 = tpu.memref_slice %arg17[%dma_start3A_80, %dma_start3A_81] : memref<10112x32xf32, #tpu.memory_space<vmem_shared>> -> memref<10112x32xf32, #tpu.memory_space<vmem_shared>>
      tpu.enqueue_indirect_dma source(%arg10 : memref<256x32xf32, #tpu.memory_space<vmem>>) target(%dma_start3A_82 : memref<10112x32xf32, #tpu.memory_space<vmem_shared>>) offsets(%dma_start3A_79 : memref<256xi32, #tpu.memory_space<vmem>>) semaphore(%run_scoped3A_76 : memref<!tpu.dma_semaphore, #tpu.memory_space<semaphore_mem>>) {add = true}
      %dma_wait3A_83 = arith.constant 0 : i32
      %dma_wait3A_84 = tpu.memref_slice %arg8[%run_scoped3A_54, %dma_wait3A_83] : memref<80x256xi32, #tpu.memory_space<vmem>> -> memref<1x256xi32, #tpu.memory_space<vmem>>
      %dma_wait3A_85 = tpu.memref_squeeze %dma_wait3A_84 : memref<1x256xi32, #tpu.memory_space<vmem>> -> memref<256xi32, #tpu.memory_space<vmem>>
      %dma_wait3A_86 = arith.constant 0 : i32
      %dma_wait3A_87 = arith.constant 0 : i32
      %dma_wait3A_88 = tpu.memref_slice %arg17[%dma_wait3A_86, %dma_wait3A_87] : memref<10112x32xf32, #tpu.memory_space<vmem_shared>> -> memref<10112x32xf32, #tpu.memory_space<vmem_shared>>
      tpu.wait_indirect_dma semaphore(%run_scoped3A_76 : memref<!tpu.dma_semaphore, #tpu.memory_space<semaphore_mem>>) src(%arg10 : memref<256x32xf32, #tpu.memory_space<vmem>>) dst(%dma_wait3A_88 : memref<10112x32xf32, #tpu.memory_space<vmem_shared>>)
      tpu.yield
    }) : () -> ()
    %dma_wait3A_55 = arith.constant 78 : i32
    %dma_wait3A_56 = arith.constant 0 : i32
    %dma_wait3A_57 = tpu.memref_slice %arg7[%dma_wait3A_55, %dma_wait3A_56] : memref<80x256xi32, #tpu.memory_space<vmem>> -> memref<1x256xi32, #tpu.memory_space<vmem>>
    %dma_wait3A_58 = tpu.memref_squeeze %dma_wait3A_57 : memref<1x256xi32, #tpu.memory_space<vmem>> -> memref<256xi32, #tpu.memory_space<vmem>>
    %dma_wait3A_59 = arith.constant 0 : i32
    %dma_wait3A_60 = arith.constant 0 : i32
    %dma_wait3A_61 = tpu.memref_slice %arg18[%dma_wait3A_59, %dma_wait3A_60] : memref<10112x32xf32, #tpu.memory_space<vmem_shared>> -> memref<10112x32xf32, #tpu.memory_space<vmem_shared>>
    tpu.wait_indirect_dma semaphore(%arg15 : memref<!tpu.dma_semaphore, #tpu.memory_space<semaphore_mem>>) src(%dma_wait3A_61 : memref<10112x32xf32, #tpu.memory_space<vmem_shared>>) dst(%arg11 : memref<256x32xf32, #tpu.memory_space<vmem>>)
    %run_scoped3A_62 = arith.constant 78 : i32
    "tpu.region"() ({
      %run_scoped3A_76 = tpu.sem_alloc : memref<!tpu.dma_semaphore, #tpu.memory_space<semaphore_mem>>
      %dma_start3A_77 = arith.constant 0 : i32
      %dma_start3A_78 = tpu.memref_slice %arg8[%run_scoped3A_62, %dma_start3A_77] : memref<80x256xi32, #tpu.memory_space<vmem>> -> memref<1x256xi32, #tpu.memory_space<vmem>>
      %dma_start3A_79 = tpu.memref_squeeze %dma_start3A_78 : memref<1x256xi32, #tpu.memory_space<vmem>> -> memref<256xi32, #tpu.memory_space<vmem>>
      %dma_start3A_80 = arith.constant 0 : i32
      %dma_start3A_81 = arith.constant 0 : i32
      %dma_start3A_82 = tpu.memref_slice %arg17[%dma_start3A_80, %dma_start3A_81] : memref<10112x32xf32, #tpu.memory_space<vmem_shared>> -> memref<10112x32xf32, #tpu.memory_space<vmem_shared>>
      tpu.enqueue_indirect_dma source(%arg11 : memref<256x32xf32, #tpu.memory_space<vmem>>) target(%dma_start3A_82 : memref<10112x32xf32, #tpu.memory_space<vmem_shared>>) offsets(%dma_start3A_79 : memref<256xi32, #tpu.memory_space<vmem>>) semaphore(%run_scoped3A_76 : memref<!tpu.dma_semaphore, #tpu.memory_space<semaphore_mem>>) {add = true}
      %dma_wait3A_83 = arith.constant 0 : i32
      %dma_wait3A_84 = tpu.memref_slice %arg8[%run_scoped3A_62, %dma_wait3A_83] : memref<80x256xi32, #tpu.memory_space<vmem>> -> memref<1x256xi32, #tpu.memory_space<vmem>>
      %dma_wait3A_85 = tpu.memref_squeeze %dma_wait3A_84 : memref<1x256xi32, #tpu.memory_space<vmem>> -> memref<256xi32, #tpu.memory_space<vmem>>
      %dma_wait3A_86 = arith.constant 0 : i32
      %dma_wait3A_87 = arith.constant 0 : i32
      %dma_wait3A_88 = tpu.memref_slice %arg17[%dma_wait3A_86, %dma_wait3A_87] : memref<10112x32xf32, #tpu.memory_space<vmem_shared>> -> memref<10112x32xf32, #tpu.memory_space<vmem_shared>>
      tpu.wait_indirect_dma semaphore(%run_scoped3A_76 : memref<!tpu.dma_semaphore, #tpu.memory_space<semaphore_mem>>) src(%arg11 : memref<256x32xf32, #tpu.memory_space<vmem>>) dst(%dma_wait3A_88 : memref<10112x32xf32, #tpu.memory_space<vmem_shared>>)
      tpu.yield
    }) : () -> ()
    %dma_wait3A_63 = arith.constant 79 : i32
    %dma_wait3A_64 = arith.constant 0 : i32
    %dma_wait3A_65 = tpu.memref_slice %arg7[%dma_wait3A_63, %dma_wait3A_64] : memref<80x256xi32, #tpu.memory_space<vmem>> -> memref<1x256xi32, #tpu.memory_space<vmem>>
    %dma_wait3A_66 = tpu.memref_squeeze %dma_wait3A_65 : memref<1x256xi32, #tpu.memory_space<vmem>> -> memref<256xi32, #tpu.memory_space<vmem>>
    %dma_wait3A_67 = arith.constant 0 : i32
    %dma_wait3A_68 = arith.constant 0 : i32
    %dma_wait3A_69 = tpu.memref_slice %arg18[%dma_wait3A_67, %dma_wait3A_68] : memref<10112x32xf32, #tpu.memory_space<vmem_shared>> -> memref<10112x32xf32, #tpu.memory_space<vmem_shared>>
    tpu.wait_indirect_dma semaphore(%arg16 : memref<!tpu.dma_semaphore, #tpu.memory_space<semaphore_mem>>) src(%dma_wait3A_69 : memref<10112x32xf32, #tpu.memory_space<vmem_shared>>) dst(%arg12 : memref<256x32xf32, #tpu.memory_space<vmem>>)
    %run_scoped3A_70 = arith.constant 79 : i32
    "tpu.region"() ({
      %run_scoped3A_76 = tpu.sem_alloc : memref<!tpu.dma_semaphore, #tpu.memory_space<semaphore_mem>>
      %dma_start3A_77 = arith.constant 0 : i32
      %dma_start3A_78 = tpu.memref_slice %arg8[%run_scoped3A_70, %dma_start3A_77] : memref<80x256xi32, #tpu.memory_space<vmem>> -> memref<1x256xi32, #tpu.memory_space<vmem>>
      %dma_start3A_79 = tpu.memref_squeeze %dma_start3A_78 : memref<1x256xi32, #tpu.memory_space<vmem>> -> memref<256xi32, #tpu.memory_space<vmem>>
      %dma_start3A_80 = arith.constant 0 : i32
      %dma_start3A_81 = arith.constant 0 : i32
      %dma_start3A_82 = tpu.memref_slice %arg17[%dma_start3A_80, %dma_start3A_81] : memref<10112x32xf32, #tpu.memory_space<vmem_shared>> -> memref<10112x32xf32, #tpu.memory_space<vmem_shared>>
      tpu.enqueue_indirect_dma source(%arg12 : memref<256x32xf32, #tpu.memory_space<vmem>>) target(%dma_start3A_82 : memref<10112x32xf32, #tpu.memory_space<vmem_shared>>) offsets(%dma_start3A_79 : memref<256xi32, #tpu.memory_space<vmem>>) semaphore(%run_scoped3A_76 : memref<!tpu.dma_semaphore, #tpu.memory_space<semaphore_mem>>) {add = true}
      %dma_wait3A_83 = arith.constant 0 : i32
      %dma_wait3A_84 = tpu.memref_slice %arg8[%run_scoped3A_70, %dma_wait3A_83] : memref<80x256xi32, #tpu.memory_space<vmem>> -> memref<1x256xi32, #tpu.memory_space<vmem>>
      %dma_wait3A_85 = tpu.memref_squeeze %dma_wait3A_84 : memref<1x256xi32, #tpu.memory_space<vmem>> -> memref<256xi32, #tpu.memory_space<vmem>>
      %dma_wait3A_86 = arith.constant 0 : i32
      %dma_wait3A_87 = arith.constant 0 : i32
      %dma_wait3A_88 = tpu.memref_slice %arg17[%dma_wait3A_86, %dma_wait3A_87] : memref<10112x32xf32, #tpu.memory_space<vmem_shared>> -> memref<10112x32xf32, #tpu.memory_space<vmem_shared>>
      tpu.wait_indirect_dma semaphore(%run_scoped3A_76 : memref<!tpu.dma_semaphore, #tpu.memory_space<semaphore_mem>>) src(%arg12 : memref<256x32xf32, #tpu.memory_space<vmem>>) dst(%dma_wait3A_88 : memref<10112x32xf32, #tpu.memory_space<vmem_shared>>)
      tpu.yield
    }) : () -> ()
    %barrier3A_71 = arith.constant 0 : index
    tpu.barrier barrier_id(%barrier3A_71)
    %mul3A_72 = arith.constant 632 : i32
    %mul3A_73 = arith.muli %arg1, %mul3A_72 : i32
    %mul3A_74 = arith.constant 632 : i32
    %mul3A_75 = arith.muli %arg1, %mul3A_74 : i32
    "tpu.region"() ({
      %run_scoped3A_76 = tpu.sem_alloc : memref<!tpu.dma_semaphore, #tpu.memory_space<semaphore_mem>>
      %dma_start3A_77 = tpu.memref_slice %arg6[%mul3A_75, %mul3A_0] : memref<10112x64xf32, #tpu.memory_space<hbm>> -> memref<632x32xf32, #tpu.memory_space<hbm>>
      %dma_start3A_78 = arith.constant 0 : i32
      %dma_start3A_79 = tpu.memref_slice %arg17[%mul3A_73, %dma_start3A_78] : memref<10112x32xf32, #tpu.memory_space<vmem_shared>> -> memref<632x32xf32, #tpu.memory_space<vmem_shared>>
      tpu.enqueue_dma source(%dma_start3A_79 : memref<632x32xf32, #tpu.memory_space<vmem_shared>>) target(%dma_start3A_77 : memref<632x32xf32, #tpu.memory_space<hbm>>) target_semaphore(%run_scoped3A_76 : memref<!tpu.dma_semaphore, #tpu.memory_space<semaphore_mem>>)
      %dma_wait3A_80 = tpu.memref_slice %arg6[%mul3A_75, %mul3A_0] : memref<10112x64xf32, #tpu.memory_space<hbm>> -> memref<632x32xf32, #tpu.memory_space<hbm>>
      %dma_wait3A_81 = arith.constant 0 : i32
      %dma_wait3A_82 = tpu.memref_slice %arg17[%mul3A_73, %dma_wait3A_81] : memref<10112x32xf32, #tpu.memory_space<vmem_shared>> -> memref<632x32xf32, #tpu.memory_space<vmem_shared>>
      tpu.wait_dma2 semaphore(%run_scoped3A_76 : memref<!tpu.dma_semaphore, #tpu.memory_space<semaphore_mem>>) src(%dma_wait3A_82 : memref<632x32xf32, #tpu.memory_space<vmem_shared>>) dst(%dma_wait3A_80 : memref<632x32xf32, #tpu.memory_space<hbm>>)
      tpu.yield
    }) : () -> ()
    return
  }
}

#map = affine_map<(d0, d1) -> (0, 0)>
#map1 = affine_map<(d0, d1) -> (0, 0, 0)>
module attributes {stable_mosaic.version = 14 : i64} {
  func.func @_edge_agg(%arg0: i32, %arg1: i32, %arg2: memref<10112x64xf32, #tpu.memory_space<hbm>>, %arg3: memref<16x80x256xi32, #tpu.memory_space<hbm>>, %arg4: memref<16x80x256xi32, #tpu.memory_space<hbm>>, %arg5: memref<10112x32xf32, #tpu.memory_space<hbm>>, %arg6: memref<10112x64xf32, #tpu.memory_space<hbm>>, %arg7: memref<80x256xi32, #tpu.memory_space<vmem>>, %arg8: memref<80x256xi32, #tpu.memory_space<vmem>>, %arg9: memref<256x32xf32, #tpu.memory_space<vmem>>, %arg10: memref<256x32xf32, #tpu.memory_space<vmem>>, %arg11: memref<256x32xf32, #tpu.memory_space<vmem>>, %arg12: memref<256x32xf32, #tpu.memory_space<vmem>>, %arg13: memref<!tpu.dma_semaphore, #tpu.memory_space<semaphore_mem>>, %arg14: memref<!tpu.dma_semaphore, #tpu.memory_space<semaphore_mem>>, %arg15: memref<!tpu.dma_semaphore, #tpu.memory_space<semaphore_mem>>, %arg16: memref<!tpu.dma_semaphore, #tpu.memory_space<semaphore_mem>>, %arg17: memref<10112x32xf32, #tpu.memory_space<vmem_shared>>, %arg18: memref<10112x32xf32, #tpu.memory_space<vmem_shared>>) attributes {dimension_semantics = [#tpu.dimension_semantics<core_parallel>, #tpu.dimension_semantics<subcore_parallel>], iteration_bounds = array<i64: 2, 16>, scalar_prefetch = 0 : i64, scratch_operands = 12 : i64, tpu.core_type = #tpu.core_type<sc_vector_subcore>, window_params = [{transform_indices = #map}, {transform_indices = #map1}, {transform_indices = #map1}, {transform_indices = #map}, {transform_indices = #map}]} {
    %mul3A = arith.constant 32 : i32
    %mul3A_0 = arith.muli %arg0, %mul3A : i32
    %mul3A_1 = arith.constant 632 : i32
    %mul3A_2 = arith.muli %arg1, %mul3A_1 : i32
    %mul3A_3 = arith.constant 632 : i32
    %mul3A_4 = arith.muli %arg1, %mul3A_3 : i32
    "tpu.region"() ({
      %run_scoped3A_76 = tpu.sem_alloc : memref<!tpu.dma_semaphore, #tpu.memory_space<semaphore_mem>>
      %dma_start3A_77 = arith.constant 0 : i32
      %dma_start3A_78 = tpu.memref_slice %arg17[%mul3A_4, %dma_start3A_77] : memref<10112x32xf32, #tpu.memory_space<vmem_shared>> -> memref<632x32xf32, #tpu.memory_space<vmem_shared>>
      %dma_start3A_79 = arith.constant 0 : i32
      %dma_start3A_80 = tpu.memref_slice %arg5[%mul3A_2, %dma_start3A_79] : memref<10112x32xf32, #tpu.memory_space<hbm>> -> memref<632x32xf32, #tpu.memory_space<hbm>>
      tpu.enqueue_dma source(%dma_start3A_80 : memref<632x32xf32, #tpu.memory_space<hbm>>) target(%dma_start3A_78 : memref<632x32xf32, #tpu.memory_space<vmem_shared>>) target_semaphore(%run_scoped3A_76 : memref<!tpu.dma_semaphore, #tpu.memory_space<semaphore_mem>>)
      %dma_wait3A_81 = arith.constant 0 : i32
      %dma_wait3A_82 = tpu.memref_slice %arg17[%mul3A_4, %dma_wait3A_81] : memref<10112x32xf32, #tpu.memory_space<vmem_shared>> -> memref<632x32xf32, #tpu.memory_space<vmem_shared>>
      %dma_wait3A_83 = arith.constant 0 : i32
      %dma_wait3A_84 = tpu.memref_slice %arg5[%mul3A_2, %dma_wait3A_83] : memref<10112x32xf32, #tpu.memory_space<hbm>> -> memref<632x32xf32, #tpu.memory_space<hbm>>
      tpu.wait_dma2 semaphore(%run_scoped3A_76 : memref<!tpu.dma_semaphore, #tpu.memory_space<semaphore_mem>>) src(%dma_wait3A_84 : memref<632x32xf32, #tpu.memory_space<hbm>>) dst(%dma_wait3A_82 : memref<632x32xf32, #tpu.memory_space<vmem_shared>>)
      tpu.yield
    }) : () -> ()
    %mul3A_5 = arith.constant 632 : i32
    %mul3A_6 = arith.muli %arg1, %mul3A_5 : i32
    %mul3A_7 = arith.constant 632 : i32
    %mul3A_8 = arith.muli %arg1, %mul3A_7 : i32
    "tpu.region"() ({
      %run_scoped3A_76 = tpu.sem_alloc : memref<!tpu.dma_semaphore, #tpu.memory_space<semaphore_mem>>
      %dma_start3A_77 = arith.constant 0 : i32
      %dma_start3A_78 = tpu.memref_slice %arg18[%mul3A_8, %dma_start3A_77] : memref<10112x32xf32, #tpu.memory_space<vmem_shared>> -> memref<632x32xf32, #tpu.memory_space<vmem_shared>>
      %dma_start3A_79 = tpu.memref_slice %arg2[%mul3A_6, %mul3A_0] : memref<10112x64xf32, #tpu.memory_space<hbm>> -> memref<632x32xf32, #tpu.memory_space<hbm>>
      tpu.enqueue_dma source(%dma_start3A_79 : memref<632x32xf32, #tpu.memory_space<hbm>>) target(%dma_start3A_78 : memref<632x32xf32, #tpu.memory_space<vmem_shared>>) target_semaphore(%run_scoped3A_76 : memref<!tpu.dma_semaphore, #tpu.memory_space<semaphore_mem>>)
      %dma_wait3A_80 = arith.constant 0 : i32
      %dma_wait3A_81 = tpu.memref_slice %arg18[%mul3A_8, %dma_wait3A_80] : memref<10112x32xf32, #tpu.memory_space<vmem_shared>> -> memref<632x32xf32, #tpu.memory_space<vmem_shared>>
      %dma_wait3A_82 = tpu.memref_slice %arg2[%mul3A_6, %mul3A_0] : memref<10112x64xf32, #tpu.memory_space<hbm>> -> memref<632x32xf32, #tpu.memory_space<hbm>>
      tpu.wait_dma2 semaphore(%run_scoped3A_76 : memref<!tpu.dma_semaphore, #tpu.memory_space<semaphore_mem>>) src(%dma_wait3A_82 : memref<632x32xf32, #tpu.memory_space<hbm>>) dst(%dma_wait3A_81 : memref<632x32xf32, #tpu.memory_space<vmem_shared>>)
      tpu.yield
    }) : () -> ()
    "tpu.region"() ({
      %run_scoped3A_76 = tpu.sem_alloc : memref<!tpu.dma_semaphore, #tpu.memory_space<semaphore_mem>>
      %dma_start3A_77 = arith.constant 0 : i32
      %dma_start3A_78 = arith.constant 0 : i32
      %dma_start3A_79 = tpu.memref_slice %arg3[%arg1, %dma_start3A_77, %dma_start3A_78] : memref<16x80x256xi32, #tpu.memory_space<hbm>> -> memref<1x80x256xi32, #tpu.memory_space<hbm>>
      %dma_start3A_80 = tpu.memref_squeeze %dma_start3A_79 : memref<1x80x256xi32, #tpu.memory_space<hbm>> -> memref<80x256xi32, #tpu.memory_space<hbm>>
      %dma_start3A_81 = arith.constant 0 : i32
      %dma_start3A_82 = arith.constant 0 : i32
      %dma_start3A_83 = tpu.memref_slice %arg3[%arg1, %dma_start3A_81, %dma_start3A_82] : memref<16x80x256xi32, #tpu.memory_space<hbm>> -> memref<1x80x256xi32, #tpu.memory_space<hbm>>
      %dma_start3A_84 = tpu.memref_squeeze %dma_start3A_83 : memref<1x80x256xi32, #tpu.memory_space<hbm>> -> memref<80x256xi32, #tpu.memory_space<hbm>>
      tpu.enqueue_dma source(%dma_start3A_84 : memref<80x256xi32, #tpu.memory_space<hbm>>) target(%arg7 : memref<80x256xi32, #tpu.memory_space<vmem>>) target_semaphore(%run_scoped3A_76 : memref<!tpu.dma_semaphore, #tpu.memory_space<semaphore_mem>>)
      %dma_wait3A_85 = arith.constant 0 : i32
      %dma_wait3A_86 = arith.constant 0 : i32
      %dma_wait3A_87 = tpu.memref_slice %arg3[%arg1, %dma_wait3A_85, %dma_wait3A_86] : memref<16x80x256xi32, #tpu.memory_space<hbm>> -> memref<1x80x256xi32, #tpu.memory_space<hbm>>
      %dma_wait3A_88 = tpu.memref_squeeze %dma_wait3A_87 : memref<1x80x256xi32, #tpu.memory_space<hbm>> -> memref<80x256xi32, #tpu.memory_space<hbm>>
      %dma_wait3A_89 = arith.constant 0 : i32
      %dma_wait3A_90 = arith.constant 0 : i32
      %dma_wait3A_91 = tpu.memref_slice %arg3[%arg1, %dma_wait3A_89, %dma_wait3A_90] : memref<16x80x256xi32, #tpu.memory_space<hbm>> -> memref<1x80x256xi32, #tpu.memory_space<hbm>>
      %dma_wait3A_92 = tpu.memref_squeeze %dma_wait3A_91 : memref<1x80x256xi32, #tpu.memory_space<hbm>> -> memref<80x256xi32, #tpu.memory_space<hbm>>
      tpu.wait_dma2 semaphore(%run_scoped3A_76 : memref<!tpu.dma_semaphore, #tpu.memory_space<semaphore_mem>>) src(%dma_wait3A_92 : memref<80x256xi32, #tpu.memory_space<hbm>>) dst(%arg7 : memref<80x256xi32, #tpu.memory_space<vmem>>)
      tpu.yield
    }) : () -> ()
    "tpu.region"() ({
      %run_scoped3A_76 = tpu.sem_alloc : memref<!tpu.dma_semaphore, #tpu.memory_space<semaphore_mem>>
      %dma_start3A_77 = arith.constant 0 : i32
      %dma_start3A_78 = arith.constant 0 : i32
      %dma_start3A_79 = tpu.memref_slice %arg4[%arg1, %dma_start3A_77, %dma_start3A_78] : memref<16x80x256xi32, #tpu.memory_space<hbm>> -> memref<1x80x256xi32, #tpu.memory_space<hbm>>
      %dma_start3A_80 = tpu.memref_squeeze %dma_start3A_79 : memref<1x80x256xi32, #tpu.memory_space<hbm>> -> memref<80x256xi32, #tpu.memory_space<hbm>>
      %dma_start3A_81 = arith.constant 0 : i32
      %dma_start3A_82 = arith.constant 0 : i32
      %dma_start3A_83 = tpu.memref_slice %arg4[%arg1, %dma_start3A_81, %dma_start3A_82] : memref<16x80x256xi32, #tpu.memory_space<hbm>> -> memref<1x80x256xi32, #tpu.memory_space<hbm>>
      %dma_start3A_84 = tpu.memref_squeeze %dma_start3A_83 : memref<1x80x256xi32, #tpu.memory_space<hbm>> -> memref<80x256xi32, #tpu.memory_space<hbm>>
      tpu.enqueue_dma source(%dma_start3A_84 : memref<80x256xi32, #tpu.memory_space<hbm>>) target(%arg8 : memref<80x256xi32, #tpu.memory_space<vmem>>) target_semaphore(%run_scoped3A_76 : memref<!tpu.dma_semaphore, #tpu.memory_space<semaphore_mem>>)
      %dma_wait3A_85 = arith.constant 0 : i32
      %dma_wait3A_86 = arith.constant 0 : i32
      %dma_wait3A_87 = tpu.memref_slice %arg4[%arg1, %dma_wait3A_85, %dma_wait3A_86] : memref<16x80x256xi32, #tpu.memory_space<hbm>> -> memref<1x80x256xi32, #tpu.memory_space<hbm>>
      %dma_wait3A_88 = tpu.memref_squeeze %dma_wait3A_87 : memref<1x80x256xi32, #tpu.memory_space<hbm>> -> memref<80x256xi32, #tpu.memory_space<hbm>>
      %dma_wait3A_89 = arith.constant 0 : i32
      %dma_wait3A_90 = arith.constant 0 : i32
      %dma_wait3A_91 = tpu.memref_slice %arg4[%arg1, %dma_wait3A_89, %dma_wait3A_90] : memref<16x80x256xi32, #tpu.memory_space<hbm>> -> memref<1x80x256xi32, #tpu.memory_space<hbm>>
      %dma_wait3A_92 = tpu.memref_squeeze %dma_wait3A_91 : memref<1x80x256xi32, #tpu.memory_space<hbm>> -> memref<80x256xi32, #tpu.memory_space<hbm>>
      tpu.wait_dma2 semaphore(%run_scoped3A_76 : memref<!tpu.dma_semaphore, #tpu.memory_space<semaphore_mem>>) src(%dma_wait3A_92 : memref<80x256xi32, #tpu.memory_space<hbm>>) dst(%arg8 : memref<80x256xi32, #tpu.memory_space<vmem>>)
      tpu.yield
    }) : () -> ()
    %barrier3A = arith.constant 0 : index
    tpu.barrier barrier_id(%barrier3A)
    %dma_start3A = arith.constant 0 : i32
    %dma_start3A_9 = arith.constant 0 : i32
    %dma_start3A_10 = tpu.memref_slice %arg7[%dma_start3A, %dma_start3A_9] : memref<80x256xi32, #tpu.memory_space<vmem>> -> memref<1x256xi32, #tpu.memory_space<vmem>>
    %dma_start3A_11 = tpu.memref_squeeze %dma_start3A_10 : memref<1x256xi32, #tpu.memory_space<vmem>> -> memref<256xi32, #tpu.memory_space<vmem>>
    %dma_start3A_12 = arith.constant 0 : i32
    %dma_start3A_13 = arith.constant 0 : i32
    %dma_start3A_14 = tpu.memref_slice %arg18[%dma_start3A_12, %dma_start3A_13] : memref<10112x32xf32, #tpu.memory_space<vmem_shared>> -> memref<10112x32xf32, #tpu.memory_space<vmem_shared>>
    tpu.enqueue_indirect_dma source(%dma_start3A_14 : memref<10112x32xf32, #tpu.memory_space<vmem_shared>>) target(%arg9 : memref<256x32xf32, #tpu.memory_space<vmem>>) offsets(%dma_start3A_11 : memref<256xi32, #tpu.memory_space<vmem>>) semaphore(%arg13 : memref<!tpu.dma_semaphore, #tpu.memory_space<semaphore_mem>>)
    %dma_start3A_15 = arith.constant 1 : i32
    %dma_start3A_16 = arith.constant 0 : i32
    %dma_start3A_17 = tpu.memref_slice %arg7[%dma_start3A_15, %dma_start3A_16] : memref<80x256xi32, #tpu.memory_space<vmem>> -> memref<1x256xi32, #tpu.memory_space<vmem>>
    %dma_start3A_18 = tpu.memref_squeeze %dma_start3A_17 : memref<1x256xi32, #tpu.memory_space<vmem>> -> memref<256xi32, #tpu.memory_space<vmem>>
    %dma_start3A_19 = arith.constant 0 : i32
    %dma_start3A_20 = arith.constant 0 : i32
    %dma_start3A_21 = tpu.memref_slice %arg18[%dma_start3A_19, %dma_start3A_20] : memref<10112x32xf32, #tpu.memory_space<vmem_shared>> -> memref<10112x32xf32, #tpu.memory_space<vmem_shared>>
    tpu.enqueue_indirect_dma source(%dma_start3A_21 : memref<10112x32xf32, #tpu.memory_space<vmem_shared>>) target(%arg10 : memref<256x32xf32, #tpu.memory_space<vmem>>) offsets(%dma_start3A_18 : memref<256xi32, #tpu.memory_space<vmem>>) semaphore(%arg14 : memref<!tpu.dma_semaphore, #tpu.memory_space<semaphore_mem>>)
    %dma_start3A_22 = arith.constant 2 : i32
    %dma_start3A_23 = arith.constant 0 : i32
    %dma_start3A_24 = tpu.memref_slice %arg7[%dma_start3A_22, %dma_start3A_23] : memref<80x256xi32, #tpu.memory_space<vmem>> -> memref<1x256xi32, #tpu.memory_space<vmem>>
    %dma_start3A_25 = tpu.memref_squeeze %dma_start3A_24 : memref<1x256xi32, #tpu.memory_space<vmem>> -> memref<256xi32, #tpu.memory_space<vmem>>
    %dma_start3A_26 = arith.constant 0 : i32
    %dma_start3A_27 = arith.constant 0 : i32
    %dma_start3A_28 = tpu.memref_slice %arg18[%dma_start3A_26, %dma_start3A_27] : memref<10112x32xf32, #tpu.memory_space<vmem_shared>> -> memref<10112x32xf32, #tpu.memory_space<vmem_shared>>
    tpu.enqueue_indirect_dma source(%dma_start3A_28 : memref<10112x32xf32, #tpu.memory_space<vmem_shared>>) target(%arg11 : memref<256x32xf32, #tpu.memory_space<vmem>>) offsets(%dma_start3A_25 : memref<256xi32, #tpu.memory_space<vmem>>) semaphore(%arg15 : memref<!tpu.dma_semaphore, #tpu.memory_space<semaphore_mem>>)
    %dma_start3A_29 = arith.constant 3 : i32
    %dma_start3A_30 = arith.constant 0 : i32
    %dma_start3A_31 = tpu.memref_slice %arg7[%dma_start3A_29, %dma_start3A_30] : memref<80x256xi32, #tpu.memory_space<vmem>> -> memref<1x256xi32, #tpu.memory_space<vmem>>
    %dma_start3A_32 = tpu.memref_squeeze %dma_start3A_31 : memref<1x256xi32, #tpu.memory_space<vmem>> -> memref<256xi32, #tpu.memory_space<vmem>>
    %dma_start3A_33 = arith.constant 0 : i32
    %dma_start3A_34 = arith.constant 0 : i32
    %dma_start3A_35 = tpu.memref_slice %arg18[%dma_start3A_33, %dma_start3A_34] : memref<10112x32xf32, #tpu.memory_space<vmem_shared>> -> memref<10112x32xf32, #tpu.memory_space<vmem_shared>>
    tpu.enqueue_indirect_dma source(%dma_start3A_35 : memref<10112x32xf32, #tpu.memory_space<vmem_shared>>) target(%arg12 : memref<256x32xf32, #tpu.memory_space<vmem>>) offsets(%dma_start3A_32 : memref<256xi32, #tpu.memory_space<vmem>>) semaphore(%arg16 : memref<!tpu.dma_semaphore, #tpu.memory_space<semaphore_mem>>)
    %scan3A = arith.constant 0 : i32
    %scan3A_36 = arith.constant 0 : i32
    %scan3A_37 = arith.constant 19 : i32
    %scan3A_38 = arith.addi %scan3A_36, %scan3A_37 : i32
    %scan3A_39 = arith.constant 1 : i32
    scf.for %scan3A_76 = %scan3A_36 to %scan3A_38 step %scan3A_39  : i32 {
      %mul3A_77 = arith.constant 4 : i32
      %mul3A_78 = arith.muli %scan3A_76, %mul3A_77 : i32
      %add3A = arith.constant 0 : i32
      %add3A_79 = arith.addi %mul3A_78, %add3A : i32
      %dma_wait3A_80 = arith.constant 0 : i32
      %dma_wait3A_81 = tpu.memref_slice %arg7[%add3A_79, %dma_wait3A_80] : memref<80x256xi32, #tpu.memory_space<vmem>> -> memref<1x256xi32, #tpu.memory_space<vmem>>
      %dma_wait3A_82 = tpu.memref_squeeze %dma_wait3A_81 : memref<1x256xi32, #tpu.memory_space<vmem>> -> memref<256xi32, #tpu.memory_space<vmem>>
      %dma_wait3A_83 = arith.constant 0 : i32
      %dma_wait3A_84 = arith.constant 0 : i32
      %dma_wait3A_85 = tpu.memref_slice %arg18[%dma_wait3A_83, %dma_wait3A_84] : memref<10112x32xf32, #tpu.memory_space<vmem_shared>> -> memref<10112x32xf32, #tpu.memory_space<vmem_shared>>
      tpu.wait_indirect_dma semaphore(%arg13 : memref<!tpu.dma_semaphore, #tpu.memory_space<semaphore_mem>>) src(%dma_wait3A_85 : memref<10112x32xf32, #tpu.memory_space<vmem_shared>>) dst(%arg9 : memref<256x32xf32, #tpu.memory_space<vmem>>)
      "tpu.region"() ({
        %run_scoped3A_148 = tpu.sem_alloc : memref<!tpu.dma_semaphore, #tpu.memory_space<semaphore_mem>>
        %dma_start3A_149 = arith.constant 0 : i32
        %dma_start3A_150 = tpu.memref_slice %arg8[%add3A_79, %dma_start3A_149] : memref<80x256xi32, #tpu.memory_space<vmem>> -> memref<1x256xi32, #tpu.memory_space<vmem>>
        %dma_start3A_151 = tpu.memref_squeeze %dma_start3A_150 : memref<1x256xi32, #tpu.memory_space<vmem>> -> memref<256xi32, #tpu.memory_space<vmem>>
        %dma_start3A_152 = arith.constant 0 : i32
        %dma_start3A_153 = arith.constant 0 : i32
        %dma_start3A_154 = tpu.memref_slice %arg17[%dma_start3A_152, %dma_start3A_153] : memref<10112x32xf32, #tpu.memory_space<vmem_shared>> -> memref<10112x32xf32, #tpu.memory_space<vmem_shared>>
        tpu.enqueue_indirect_dma source(%arg9 : memref<256x32xf32, #tpu.memory_space<vmem>>) target(%dma_start3A_154 : memref<10112x32xf32, #tpu.memory_space<vmem_shared>>) offsets(%dma_start3A_151 : memref<256xi32, #tpu.memory_space<vmem>>) semaphore(%run_scoped3A_148 : memref<!tpu.dma_semaphore, #tpu.memory_space<semaphore_mem>>) {add = true}
        %dma_wait3A_155 = arith.constant 0 : i32
        %dma_wait3A_156 = tpu.memref_slice %arg8[%add3A_79, %dma_wait3A_155] : memref<80x256xi32, #tpu.memory_space<vmem>> -> memref<1x256xi32, #tpu.memory_space<vmem>>
        %dma_wait3A_157 = tpu.memref_squeeze %dma_wait3A_156 : memref<1x256xi32, #tpu.memory_space<vmem>> -> memref<256xi32, #tpu.memory_space<vmem>>
        %dma_wait3A_158 = arith.constant 0 : i32
        %dma_wait3A_159 = arith.constant 0 : i32
        %dma_wait3A_160 = tpu.memref_slice %arg17[%dma_wait3A_158, %dma_wait3A_159] : memref<10112x32xf32, #tpu.memory_space<vmem_shared>> -> memref<10112x32xf32, #tpu.memory_space<vmem_shared>>
        tpu.wait_indirect_dma semaphore(%run_scoped3A_148 : memref<!tpu.dma_semaphore, #tpu.memory_space<semaphore_mem>>) src(%arg9 : memref<256x32xf32, #tpu.memory_space<vmem>>) dst(%dma_wait3A_160 : memref<10112x32xf32, #tpu.memory_space<vmem_shared>>)
        tpu.yield
      }) : () -> ()
      %add3A_86 = arith.constant 4 : i32
      %add3A_87 = arith.addi %add3A_79, %add3A_86 : i32
      %dma_start3A_88 = arith.constant 0 : i32
      %dma_start3A_89 = tpu.memref_slice %arg7[%add3A_87, %dma_start3A_88] : memref<80x256xi32, #tpu.memory_space<vmem>> -> memref<1x256xi32, #tpu.memory_space<vmem>>
      %dma_start3A_90 = tpu.memref_squeeze %dma_start3A_89 : memref<1x256xi32, #tpu.memory_space<vmem>> -> memref<256xi32, #tpu.memory_space<vmem>>
      %dma_start3A_91 = arith.constant 0 : i32
      %dma_start3A_92 = arith.constant 0 : i32
      %dma_start3A_93 = tpu.memref_slice %arg18[%dma_start3A_91, %dma_start3A_92] : memref<10112x32xf32, #tpu.memory_space<vmem_shared>> -> memref<10112x32xf32, #tpu.memory_space<vmem_shared>>
      tpu.enqueue_indirect_dma source(%dma_start3A_93 : memref<10112x32xf32, #tpu.memory_space<vmem_shared>>) target(%arg9 : memref<256x32xf32, #tpu.memory_space<vmem>>) offsets(%dma_start3A_90 : memref<256xi32, #tpu.memory_space<vmem>>) semaphore(%arg13 : memref<!tpu.dma_semaphore, #tpu.memory_space<semaphore_mem>>)
      %mul3A_94 = arith.constant 4 : i32
      %mul3A_95 = arith.muli %scan3A_76, %mul3A_94 : i32
      %add3A_96 = arith.constant 1 : i32
      %add3A_97 = arith.addi %mul3A_95, %add3A_96 : i32
      %dma_wait3A_98 = arith.constant 0 : i32
      %dma_wait3A_99 = tpu.memref_slice %arg7[%add3A_97, %dma_wait3A_98] : memref<80x256xi32, #tpu.memory_space<vmem>> -> memref<1x256xi32, #tpu.memory_space<vmem>>
      %dma_wait3A_100 = tpu.memref_squeeze %dma_wait3A_99 : memref<1x256xi32, #tpu.memory_space<vmem>> -> memref<256xi32, #tpu.memory_space<vmem>>
      %dma_wait3A_101 = arith.constant 0 : i32
      %dma_wait3A_102 = arith.constant 0 : i32
      %dma_wait3A_103 = tpu.memref_slice %arg18[%dma_wait3A_101, %dma_wait3A_102] : memref<10112x32xf32, #tpu.memory_space<vmem_shared>> -> memref<10112x32xf32, #tpu.memory_space<vmem_shared>>
      tpu.wait_indirect_dma semaphore(%arg14 : memref<!tpu.dma_semaphore, #tpu.memory_space<semaphore_mem>>) src(%dma_wait3A_103 : memref<10112x32xf32, #tpu.memory_space<vmem_shared>>) dst(%arg10 : memref<256x32xf32, #tpu.memory_space<vmem>>)
      "tpu.region"() ({
        %run_scoped3A_148 = tpu.sem_alloc : memref<!tpu.dma_semaphore, #tpu.memory_space<semaphore_mem>>
        %dma_start3A_149 = arith.constant 0 : i32
        %dma_start3A_150 = tpu.memref_slice %arg8[%add3A_97, %dma_start3A_149] : memref<80x256xi32, #tpu.memory_space<vmem>> -> memref<1x256xi32, #tpu.memory_space<vmem>>
        %dma_start3A_151 = tpu.memref_squeeze %dma_start3A_150 : memref<1x256xi32, #tpu.memory_space<vmem>> -> memref<256xi32, #tpu.memory_space<vmem>>
        %dma_start3A_152 = arith.constant 0 : i32
        %dma_start3A_153 = arith.constant 0 : i32
        %dma_start3A_154 = tpu.memref_slice %arg17[%dma_start3A_152, %dma_start3A_153] : memref<10112x32xf32, #tpu.memory_space<vmem_shared>> -> memref<10112x32xf32, #tpu.memory_space<vmem_shared>>
        tpu.enqueue_indirect_dma source(%arg10 : memref<256x32xf32, #tpu.memory_space<vmem>>) target(%dma_start3A_154 : memref<10112x32xf32, #tpu.memory_space<vmem_shared>>) offsets(%dma_start3A_151 : memref<256xi32, #tpu.memory_space<vmem>>) semaphore(%run_scoped3A_148 : memref<!tpu.dma_semaphore, #tpu.memory_space<semaphore_mem>>) {add = true}
        %dma_wait3A_155 = arith.constant 0 : i32
        %dma_wait3A_156 = tpu.memref_slice %arg8[%add3A_97, %dma_wait3A_155] : memref<80x256xi32, #tpu.memory_space<vmem>> -> memref<1x256xi32, #tpu.memory_space<vmem>>
        %dma_wait3A_157 = tpu.memref_squeeze %dma_wait3A_156 : memref<1x256xi32, #tpu.memory_space<vmem>> -> memref<256xi32, #tpu.memory_space<vmem>>
        %dma_wait3A_158 = arith.constant 0 : i32
        %dma_wait3A_159 = arith.constant 0 : i32
        %dma_wait3A_160 = tpu.memref_slice %arg17[%dma_wait3A_158, %dma_wait3A_159] : memref<10112x32xf32, #tpu.memory_space<vmem_shared>> -> memref<10112x32xf32, #tpu.memory_space<vmem_shared>>
        tpu.wait_indirect_dma semaphore(%run_scoped3A_148 : memref<!tpu.dma_semaphore, #tpu.memory_space<semaphore_mem>>) src(%arg10 : memref<256x32xf32, #tpu.memory_space<vmem>>) dst(%dma_wait3A_160 : memref<10112x32xf32, #tpu.memory_space<vmem_shared>>)
        tpu.yield
      }) : () -> ()
      %add3A_104 = arith.constant 4 : i32
      %add3A_105 = arith.addi %add3A_97, %add3A_104 : i32
      %dma_start3A_106 = arith.constant 0 : i32
      %dma_start3A_107 = tpu.memref_slice %arg7[%add3A_105, %dma_start3A_106] : memref<80x256xi32, #tpu.memory_space<vmem>> -> memref<1x256xi32, #tpu.memory_space<vmem>>
      %dma_start3A_108 = tpu.memref_squeeze %dma_start3A_107 : memref<1x256xi32, #tpu.memory_space<vmem>> -> memref<256xi32, #tpu.memory_space<vmem>>
      %dma_start3A_109 = arith.constant 0 : i32
      %dma_start3A_110 = arith.constant 0 : i32
      %dma_start3A_111 = tpu.memref_slice %arg18[%dma_start3A_109, %dma_start3A_110] : memref<10112x32xf32, #tpu.memory_space<vmem_shared>> -> memref<10112x32xf32, #tpu.memory_space<vmem_shared>>
      tpu.enqueue_indirect_dma source(%dma_start3A_111 : memref<10112x32xf32, #tpu.memory_space<vmem_shared>>) target(%arg10 : memref<256x32xf32, #tpu.memory_space<vmem>>) offsets(%dma_start3A_108 : memref<256xi32, #tpu.memory_space<vmem>>) semaphore(%arg14 : memref<!tpu.dma_semaphore, #tpu.memory_space<semaphore_mem>>)
      %mul3A_112 = arith.constant 4 : i32
      %mul3A_113 = arith.muli %scan3A_76, %mul3A_112 : i32
      %add3A_114 = arith.constant 2 : i32
      %add3A_115 = arith.addi %mul3A_113, %add3A_114 : i32
      %dma_wait3A_116 = arith.constant 0 : i32
      %dma_wait3A_117 = tpu.memref_slice %arg7[%add3A_115, %dma_wait3A_116] : memref<80x256xi32, #tpu.memory_space<vmem>> -> memref<1x256xi32, #tpu.memory_space<vmem>>
      %dma_wait3A_118 = tpu.memref_squeeze %dma_wait3A_117 : memref<1x256xi32, #tpu.memory_space<vmem>> -> memref<256xi32, #tpu.memory_space<vmem>>
      %dma_wait3A_119 = arith.constant 0 : i32
      %dma_wait3A_120 = arith.constant 0 : i32
      %dma_wait3A_121 = tpu.memref_slice %arg18[%dma_wait3A_119, %dma_wait3A_120] : memref<10112x32xf32, #tpu.memory_space<vmem_shared>> -> memref<10112x32xf32, #tpu.memory_space<vmem_shared>>
      tpu.wait_indirect_dma semaphore(%arg15 : memref<!tpu.dma_semaphore, #tpu.memory_space<semaphore_mem>>) src(%dma_wait3A_121 : memref<10112x32xf32, #tpu.memory_space<vmem_shared>>) dst(%arg11 : memref<256x32xf32, #tpu.memory_space<vmem>>)
      "tpu.region"() ({
        %run_scoped3A_148 = tpu.sem_alloc : memref<!tpu.dma_semaphore, #tpu.memory_space<semaphore_mem>>
        %dma_start3A_149 = arith.constant 0 : i32
        %dma_start3A_150 = tpu.memref_slice %arg8[%add3A_115, %dma_start3A_149] : memref<80x256xi32, #tpu.memory_space<vmem>> -> memref<1x256xi32, #tpu.memory_space<vmem>>
        %dma_start3A_151 = tpu.memref_squeeze %dma_start3A_150 : memref<1x256xi32, #tpu.memory_space<vmem>> -> memref<256xi32, #tpu.memory_space<vmem>>
        %dma_start3A_152 = arith.constant 0 : i32
        %dma_start3A_153 = arith.constant 0 : i32
        %dma_start3A_154 = tpu.memref_slice %arg17[%dma_start3A_152, %dma_start3A_153] : memref<10112x32xf32, #tpu.memory_space<vmem_shared>> -> memref<10112x32xf32, #tpu.memory_space<vmem_shared>>
        tpu.enqueue_indirect_dma source(%arg11 : memref<256x32xf32, #tpu.memory_space<vmem>>) target(%dma_start3A_154 : memref<10112x32xf32, #tpu.memory_space<vmem_shared>>) offsets(%dma_start3A_151 : memref<256xi32, #tpu.memory_space<vmem>>) semaphore(%run_scoped3A_148 : memref<!tpu.dma_semaphore, #tpu.memory_space<semaphore_mem>>) {add = true}
        %dma_wait3A_155 = arith.constant 0 : i32
        %dma_wait3A_156 = tpu.memref_slice %arg8[%add3A_115, %dma_wait3A_155] : memref<80x256xi32, #tpu.memory_space<vmem>> -> memref<1x256xi32, #tpu.memory_space<vmem>>
        %dma_wait3A_157 = tpu.memref_squeeze %dma_wait3A_156 : memref<1x256xi32, #tpu.memory_space<vmem>> -> memref<256xi32, #tpu.memory_space<vmem>>
        %dma_wait3A_158 = arith.constant 0 : i32
        %dma_wait3A_159 = arith.constant 0 : i32
        %dma_wait3A_160 = tpu.memref_slice %arg17[%dma_wait3A_158, %dma_wait3A_159] : memref<10112x32xf32, #tpu.memory_space<vmem_shared>> -> memref<10112x32xf32, #tpu.memory_space<vmem_shared>>
        tpu.wait_indirect_dma semaphore(%run_scoped3A_148 : memref<!tpu.dma_semaphore, #tpu.memory_space<semaphore_mem>>) src(%arg11 : memref<256x32xf32, #tpu.memory_space<vmem>>) dst(%dma_wait3A_160 : memref<10112x32xf32, #tpu.memory_space<vmem_shared>>)
        tpu.yield
      }) : () -> ()
      %add3A_122 = arith.constant 4 : i32
      %add3A_123 = arith.addi %add3A_115, %add3A_122 : i32
      %dma_start3A_124 = arith.constant 0 : i32
      %dma_start3A_125 = tpu.memref_slice %arg7[%add3A_123, %dma_start3A_124] : memref<80x256xi32, #tpu.memory_space<vmem>> -> memref<1x256xi32, #tpu.memory_space<vmem>>
      %dma_start3A_126 = tpu.memref_squeeze %dma_start3A_125 : memref<1x256xi32, #tpu.memory_space<vmem>> -> memref<256xi32, #tpu.memory_space<vmem>>
      %dma_start3A_127 = arith.constant 0 : i32
      %dma_start3A_128 = arith.constant 0 : i32
      %dma_start3A_129 = tpu.memref_slice %arg18[%dma_start3A_127, %dma_start3A_128] : memref<10112x32xf32, #tpu.memory_space<vmem_shared>> -> memref<10112x32xf32, #tpu.memory_space<vmem_shared>>
      tpu.enqueue_indirect_dma source(%dma_start3A_129 : memref<10112x32xf32, #tpu.memory_space<vmem_shared>>) target(%arg11 : memref<256x32xf32, #tpu.memory_space<vmem>>) offsets(%dma_start3A_126 : memref<256xi32, #tpu.memory_space<vmem>>) semaphore(%arg15 : memref<!tpu.dma_semaphore, #tpu.memory_space<semaphore_mem>>)
      %mul3A_130 = arith.constant 4 : i32
      %mul3A_131 = arith.muli %scan3A_76, %mul3A_130 : i32
      %add3A_132 = arith.constant 3 : i32
      %add3A_133 = arith.addi %mul3A_131, %add3A_132 : i32
      %dma_wait3A_134 = arith.constant 0 : i32
      %dma_wait3A_135 = tpu.memref_slice %arg7[%add3A_133, %dma_wait3A_134] : memref<80x256xi32, #tpu.memory_space<vmem>> -> memref<1x256xi32, #tpu.memory_space<vmem>>
      %dma_wait3A_136 = tpu.memref_squeeze %dma_wait3A_135 : memref<1x256xi32, #tpu.memory_space<vmem>> -> memref<256xi32, #tpu.memory_space<vmem>>
      %dma_wait3A_137 = arith.constant 0 : i32
      %dma_wait3A_138 = arith.constant 0 : i32
      %dma_wait3A_139 = tpu.memref_slice %arg18[%dma_wait3A_137, %dma_wait3A_138] : memref<10112x32xf32, #tpu.memory_space<vmem_shared>> -> memref<10112x32xf32, #tpu.memory_space<vmem_shared>>
      tpu.wait_indirect_dma semaphore(%arg16 : memref<!tpu.dma_semaphore, #tpu.memory_space<semaphore_mem>>) src(%dma_wait3A_139 : memref<10112x32xf32, #tpu.memory_space<vmem_shared>>) dst(%arg12 : memref<256x32xf32, #tpu.memory_space<vmem>>)
      "tpu.region"() ({
        %run_scoped3A_148 = tpu.sem_alloc : memref<!tpu.dma_semaphore, #tpu.memory_space<semaphore_mem>>
        %dma_start3A_149 = arith.constant 0 : i32
        %dma_start3A_150 = tpu.memref_slice %arg8[%add3A_133, %dma_start3A_149] : memref<80x256xi32, #tpu.memory_space<vmem>> -> memref<1x256xi32, #tpu.memory_space<vmem>>
        %dma_start3A_151 = tpu.memref_squeeze %dma_start3A_150 : memref<1x256xi32, #tpu.memory_space<vmem>> -> memref<256xi32, #tpu.memory_space<vmem>>
        %dma_start3A_152 = arith.constant 0 : i32
        %dma_start3A_153 = arith.constant 0 : i32
        %dma_start3A_154 = tpu.memref_slice %arg17[%dma_start3A_152, %dma_start3A_153] : memref<10112x32xf32, #tpu.memory_space<vmem_shared>> -> memref<10112x32xf32, #tpu.memory_space<vmem_shared>>
        tpu.enqueue_indirect_dma source(%arg12 : memref<256x32xf32, #tpu.memory_space<vmem>>) target(%dma_start3A_154 : memref<10112x32xf32, #tpu.memory_space<vmem_shared>>) offsets(%dma_start3A_151 : memref<256xi32, #tpu.memory_space<vmem>>) semaphore(%run_scoped3A_148 : memref<!tpu.dma_semaphore, #tpu.memory_space<semaphore_mem>>) {add = true}
        %dma_wait3A_155 = arith.constant 0 : i32
        %dma_wait3A_156 = tpu.memref_slice %arg8[%add3A_133, %dma_wait3A_155] : memref<80x256xi32, #tpu.memory_space<vmem>> -> memref<1x256xi32, #tpu.memory_space<vmem>>
        %dma_wait3A_157 = tpu.memref_squeeze %dma_wait3A_156 : memref<1x256xi32, #tpu.memory_space<vmem>> -> memref<256xi32, #tpu.memory_space<vmem>>
        %dma_wait3A_158 = arith.constant 0 : i32
        %dma_wait3A_159 = arith.constant 0 : i32
        %dma_wait3A_160 = tpu.memref_slice %arg17[%dma_wait3A_158, %dma_wait3A_159] : memref<10112x32xf32, #tpu.memory_space<vmem_shared>> -> memref<10112x32xf32, #tpu.memory_space<vmem_shared>>
        tpu.wait_indirect_dma semaphore(%run_scoped3A_148 : memref<!tpu.dma_semaphore, #tpu.memory_space<semaphore_mem>>) src(%arg12 : memref<256x32xf32, #tpu.memory_space<vmem>>) dst(%dma_wait3A_160 : memref<10112x32xf32, #tpu.memory_space<vmem_shared>>)
        tpu.yield
      }) : () -> ()
      %add3A_140 = arith.constant 4 : i32
      %add3A_141 = arith.addi %add3A_133, %add3A_140 : i32
      %dma_start3A_142 = arith.constant 0 : i32
      %dma_start3A_143 = tpu.memref_slice %arg7[%add3A_141, %dma_start3A_142] : memref<80x256xi32, #tpu.memory_space<vmem>> -> memref<1x256xi32, #tpu.memory_space<vmem>>
      %dma_start3A_144 = tpu.memref_squeeze %dma_start3A_143 : memref<1x256xi32, #tpu.memory_space<vmem>> -> memref<256xi32, #tpu.memory_space<vmem>>
      %dma_start3A_145 = arith.constant 0 : i32
      %dma_start3A_146 = arith.constant 0 : i32
      %dma_start3A_147 = tpu.memref_slice %arg18[%dma_start3A_145, %dma_start3A_146] : memref<10112x32xf32, #tpu.memory_space<vmem_shared>> -> memref<10112x32xf32, #tpu.memory_space<vmem_shared>>
      tpu.enqueue_indirect_dma source(%dma_start3A_147 : memref<10112x32xf32, #tpu.memory_space<vmem_shared>>) target(%arg12 : memref<256x32xf32, #tpu.memory_space<vmem>>) offsets(%dma_start3A_144 : memref<256xi32, #tpu.memory_space<vmem>>) semaphore(%arg16 : memref<!tpu.dma_semaphore, #tpu.memory_space<semaphore_mem>>)
    }
    %scan3A_40 = arith.constant 19 : i32
    %dma_wait3A = arith.constant 76 : i32
    %dma_wait3A_41 = arith.constant 0 : i32
    %dma_wait3A_42 = tpu.memref_slice %arg7[%dma_wait3A, %dma_wait3A_41] : memref<80x256xi32, #tpu.memory_space<vmem>> -> memref<1x256xi32, #tpu.memory_space<vmem>>
    %dma_wait3A_43 = tpu.memref_squeeze %dma_wait3A_42 : memref<1x256xi32, #tpu.memory_space<vmem>> -> memref<256xi32, #tpu.memory_space<vmem>>
    %dma_wait3A_44 = arith.constant 0 : i32
    %dma_wait3A_45 = arith.constant 0 : i32
    %dma_wait3A_46 = tpu.memref_slice %arg18[%dma_wait3A_44, %dma_wait3A_45] : memref<10112x32xf32, #tpu.memory_space<vmem_shared>> -> memref<10112x32xf32, #tpu.memory_space<vmem_shared>>
    tpu.wait_indirect_dma semaphore(%arg13 : memref<!tpu.dma_semaphore, #tpu.memory_space<semaphore_mem>>) src(%dma_wait3A_46 : memref<10112x32xf32, #tpu.memory_space<vmem_shared>>) dst(%arg9 : memref<256x32xf32, #tpu.memory_space<vmem>>)
    %run_scoped3A = arith.constant 76 : i32
    "tpu.region"() ({
      %run_scoped3A_76 = tpu.sem_alloc : memref<!tpu.dma_semaphore, #tpu.memory_space<semaphore_mem>>
      %dma_start3A_77 = arith.constant 0 : i32
      %dma_start3A_78 = tpu.memref_slice %arg8[%run_scoped3A, %dma_start3A_77] : memref<80x256xi32, #tpu.memory_space<vmem>> -> memref<1x256xi32, #tpu.memory_space<vmem>>
      %dma_start3A_79 = tpu.memref_squeeze %dma_start3A_78 : memref<1x256xi32, #tpu.memory_space<vmem>> -> memref<256xi32, #tpu.memory_space<vmem>>
      %dma_start3A_80 = arith.constant 0 : i32
      %dma_start3A_81 = arith.constant 0 : i32
      %dma_start3A_82 = tpu.memref_slice %arg17[%dma_start3A_80, %dma_start3A_81] : memref<10112x32xf32, #tpu.memory_space<vmem_shared>> -> memref<10112x32xf32, #tpu.memory_space<vmem_shared>>
      tpu.enqueue_indirect_dma source(%arg9 : memref<256x32xf32, #tpu.memory_space<vmem>>) target(%dma_start3A_82 : memref<10112x32xf32, #tpu.memory_space<vmem_shared>>) offsets(%dma_start3A_79 : memref<256xi32, #tpu.memory_space<vmem>>) semaphore(%run_scoped3A_76 : memref<!tpu.dma_semaphore, #tpu.memory_space<semaphore_mem>>) {add = true}
      %dma_wait3A_83 = arith.constant 0 : i32
      %dma_wait3A_84 = tpu.memref_slice %arg8[%run_scoped3A, %dma_wait3A_83] : memref<80x256xi32, #tpu.memory_space<vmem>> -> memref<1x256xi32, #tpu.memory_space<vmem>>
      %dma_wait3A_85 = tpu.memref_squeeze %dma_wait3A_84 : memref<1x256xi32, #tpu.memory_space<vmem>> -> memref<256xi32, #tpu.memory_space<vmem>>
      %dma_wait3A_86 = arith.constant 0 : i32
      %dma_wait3A_87 = arith.constant 0 : i32
      %dma_wait3A_88 = tpu.memref_slice %arg17[%dma_wait3A_86, %dma_wait3A_87] : memref<10112x32xf32, #tpu.memory_space<vmem_shared>> -> memref<10112x32xf32, #tpu.memory_space<vmem_shared>>
      tpu.wait_indirect_dma semaphore(%run_scoped3A_76 : memref<!tpu.dma_semaphore, #tpu.memory_space<semaphore_mem>>) src(%arg9 : memref<256x32xf32, #tpu.memory_space<vmem>>) dst(%dma_wait3A_88 : memref<10112x32xf32, #tpu.memory_space<vmem_shared>>)
      tpu.yield
    }) : () -> ()
    %dma_wait3A_47 = arith.constant 77 : i32
    %dma_wait3A_48 = arith.constant 0 : i32
    %dma_wait3A_49 = tpu.memref_slice %arg7[%dma_wait3A_47, %dma_wait3A_48] : memref<80x256xi32, #tpu.memory_space<vmem>> -> memref<1x256xi32, #tpu.memory_space<vmem>>
    %dma_wait3A_50 = tpu.memref_squeeze %dma_wait3A_49 : memref<1x256xi32, #tpu.memory_space<vmem>> -> memref<256xi32, #tpu.memory_space<vmem>>
    %dma_wait3A_51 = arith.constant 0 : i32
    %dma_wait3A_52 = arith.constant 0 : i32
    %dma_wait3A_53 = tpu.memref_slice %arg18[%dma_wait3A_51, %dma_wait3A_52] : memref<10112x32xf32, #tpu.memory_space<vmem_shared>> -> memref<10112x32xf32, #tpu.memory_space<vmem_shared>>
    tpu.wait_indirect_dma semaphore(%arg14 : memref<!tpu.dma_semaphore, #tpu.memory_space<semaphore_mem>>) src(%dma_wait3A_53 : memref<10112x32xf32, #tpu.memory_space<vmem_shared>>) dst(%arg10 : memref<256x32xf32, #tpu.memory_space<vmem>>)
    %run_scoped3A_54 = arith.constant 77 : i32
    "tpu.region"() ({
      %run_scoped3A_76 = tpu.sem_alloc : memref<!tpu.dma_semaphore, #tpu.memory_space<semaphore_mem>>
      %dma_start3A_77 = arith.constant 0 : i32
      %dma_start3A_78 = tpu.memref_slice %arg8[%run_scoped3A_54, %dma_start3A_77] : memref<80x256xi32, #tpu.memory_space<vmem>> -> memref<1x256xi32, #tpu.memory_space<vmem>>
      %dma_start3A_79 = tpu.memref_squeeze %dma_start3A_78 : memref<1x256xi32, #tpu.memory_space<vmem>> -> memref<256xi32, #tpu.memory_space<vmem>>
      %dma_start3A_80 = arith.constant 0 : i32
      %dma_start3A_81 = arith.constant 0 : i32
      %dma_start3A_82 = tpu.memref_slice %arg17[%dma_start3A_80, %dma_start3A_81] : memref<10112x32xf32, #tpu.memory_space<vmem_shared>> -> memref<10112x32xf32, #tpu.memory_space<vmem_shared>>
      tpu.enqueue_indirect_dma source(%arg10 : memref<256x32xf32, #tpu.memory_space<vmem>>) target(%dma_start3A_82 : memref<10112x32xf32, #tpu.memory_space<vmem_shared>>) offsets(%dma_start3A_79 : memref<256xi32, #tpu.memory_space<vmem>>) semaphore(%run_scoped3A_76 : memref<!tpu.dma_semaphore, #tpu.memory_space<semaphore_mem>>) {add = true}
      %dma_wait3A_83 = arith.constant 0 : i32
      %dma_wait3A_84 = tpu.memref_slice %arg8[%run_scoped3A_54, %dma_wait3A_83] : memref<80x256xi32, #tpu.memory_space<vmem>> -> memref<1x256xi32, #tpu.memory_space<vmem>>
      %dma_wait3A_85 = tpu.memref_squeeze %dma_wait3A_84 : memref<1x256xi32, #tpu.memory_space<vmem>> -> memref<256xi32, #tpu.memory_space<vmem>>
      %dma_wait3A_86 = arith.constant 0 : i32
      %dma_wait3A_87 = arith.constant 0 : i32
      %dma_wait3A_88 = tpu.memref_slice %arg17[%dma_wait3A_86, %dma_wait3A_87] : memref<10112x32xf32, #tpu.memory_space<vmem_shared>> -> memref<10112x32xf32, #tpu.memory_space<vmem_shared>>
      tpu.wait_indirect_dma semaphore(%run_scoped3A_76 : memref<!tpu.dma_semaphore, #tpu.memory_space<semaphore_mem>>) src(%arg10 : memref<256x32xf32, #tpu.memory_space<vmem>>) dst(%dma_wait3A_88 : memref<10112x32xf32, #tpu.memory_space<vmem_shared>>)
      tpu.yield
    }) : () -> ()
    %dma_wait3A_55 = arith.constant 78 : i32
    %dma_wait3A_56 = arith.constant 0 : i32
    %dma_wait3A_57 = tpu.memref_slice %arg7[%dma_wait3A_55, %dma_wait3A_56] : memref<80x256xi32, #tpu.memory_space<vmem>> -> memref<1x256xi32, #tpu.memory_space<vmem>>
    %dma_wait3A_58 = tpu.memref_squeeze %dma_wait3A_57 : memref<1x256xi32, #tpu.memory_space<vmem>> -> memref<256xi32, #tpu.memory_space<vmem>>
    %dma_wait3A_59 = arith.constant 0 : i32
    %dma_wait3A_60 = arith.constant 0 : i32
    %dma_wait3A_61 = tpu.memref_slice %arg18[%dma_wait3A_59, %dma_wait3A_60] : memref<10112x32xf32, #tpu.memory_space<vmem_shared>> -> memref<10112x32xf32, #tpu.memory_space<vmem_shared>>
    tpu.wait_indirect_dma semaphore(%arg15 : memref<!tpu.dma_semaphore, #tpu.memory_space<semaphore_mem>>) src(%dma_wait3A_61 : memref<10112x32xf32, #tpu.memory_space<vmem_shared>>) dst(%arg11 : memref<256x32xf32, #tpu.memory_space<vmem>>)
    %run_scoped3A_62 = arith.constant 78 : i32
    "tpu.region"() ({
      %run_scoped3A_76 = tpu.sem_alloc : memref<!tpu.dma_semaphore, #tpu.memory_space<semaphore_mem>>
      %dma_start3A_77 = arith.constant 0 : i32
      %dma_start3A_78 = tpu.memref_slice %arg8[%run_scoped3A_62, %dma_start3A_77] : memref<80x256xi32, #tpu.memory_space<vmem>> -> memref<1x256xi32, #tpu.memory_space<vmem>>
      %dma_start3A_79 = tpu.memref_squeeze %dma_start3A_78 : memref<1x256xi32, #tpu.memory_space<vmem>> -> memref<256xi32, #tpu.memory_space<vmem>>
      %dma_start3A_80 = arith.constant 0 : i32
      %dma_start3A_81 = arith.constant 0 : i32
      %dma_start3A_82 = tpu.memref_slice %arg17[%dma_start3A_80, %dma_start3A_81] : memref<10112x32xf32, #tpu.memory_space<vmem_shared>> -> memref<10112x32xf32, #tpu.memory_space<vmem_shared>>
      tpu.enqueue_indirect_dma source(%arg11 : memref<256x32xf32, #tpu.memory_space<vmem>>) target(%dma_start3A_82 : memref<10112x32xf32, #tpu.memory_space<vmem_shared>>) offsets(%dma_start3A_79 : memref<256xi32, #tpu.memory_space<vmem>>) semaphore(%run_scoped3A_76 : memref<!tpu.dma_semaphore, #tpu.memory_space<semaphore_mem>>) {add = true}
      %dma_wait3A_83 = arith.constant 0 : i32
      %dma_wait3A_84 = tpu.memref_slice %arg8[%run_scoped3A_62, %dma_wait3A_83] : memref<80x256xi32, #tpu.memory_space<vmem>> -> memref<1x256xi32, #tpu.memory_space<vmem>>
      %dma_wait3A_85 = tpu.memref_squeeze %dma_wait3A_84 : memref<1x256xi32, #tpu.memory_space<vmem>> -> memref<256xi32, #tpu.memory_space<vmem>>
      %dma_wait3A_86 = arith.constant 0 : i32
      %dma_wait3A_87 = arith.constant 0 : i32
      %dma_wait3A_88 = tpu.memref_slice %arg17[%dma_wait3A_86, %dma_wait3A_87] : memref<10112x32xf32, #tpu.memory_space<vmem_shared>> -> memref<10112x32xf32, #tpu.memory_space<vmem_shared>>
      tpu.wait_indirect_dma semaphore(%run_scoped3A_76 : memref<!tpu.dma_semaphore, #tpu.memory_space<semaphore_mem>>) src(%arg11 : memref<256x32xf32, #tpu.memory_space<vmem>>) dst(%dma_wait3A_88 : memref<10112x32xf32, #tpu.memory_space<vmem_shared>>)
      tpu.yield
    }) : () -> ()
    %dma_wait3A_63 = arith.constant 79 : i32
    %dma_wait3A_64 = arith.constant 0 : i32
    %dma_wait3A_65 = tpu.memref_slice %arg7[%dma_wait3A_63, %dma_wait3A_64] : memref<80x256xi32, #tpu.memory_space<vmem>> -> memref<1x256xi32, #tpu.memory_space<vmem>>
    %dma_wait3A_66 = tpu.memref_squeeze %dma_wait3A_65 : memref<1x256xi32, #tpu.memory_space<vmem>> -> memref<256xi32, #tpu.memory_space<vmem>>
    %dma_wait3A_67 = arith.constant 0 : i32
    %dma_wait3A_68 = arith.constant 0 : i32
    %dma_wait3A_69 = tpu.memref_slice %arg18[%dma_wait3A_67, %dma_wait3A_68] : memref<10112x32xf32, #tpu.memory_space<vmem_shared>> -> memref<10112x32xf32, #tpu.memory_space<vmem_shared>>
    tpu.wait_indirect_dma semaphore(%arg16 : memref<!tpu.dma_semaphore, #tpu.memory_space<semaphore_mem>>) src(%dma_wait3A_69 : memref<10112x32xf32, #tpu.memory_space<vmem_shared>>) dst(%arg12 : memref<256x32xf32, #tpu.memory_space<vmem>>)
    %run_scoped3A_70 = arith.constant 79 : i32
    "tpu.region"() ({
      %run_scoped3A_76 = tpu.sem_alloc : memref<!tpu.dma_semaphore, #tpu.memory_space<semaphore_mem>>
      %dma_start3A_77 = arith.constant 0 : i32
      %dma_start3A_78 = tpu.memref_slice %arg8[%run_scoped3A_70, %dma_start3A_77] : memref<80x256xi32, #tpu.memory_space<vmem>> -> memref<1x256xi32, #tpu.memory_space<vmem>>
      %dma_start3A_79 = tpu.memref_squeeze %dma_start3A_78 : memref<1x256xi32, #tpu.memory_space<vmem>> -> memref<256xi32, #tpu.memory_space<vmem>>
      %dma_start3A_80 = arith.constant 0 : i32
      %dma_start3A_81 = arith.constant 0 : i32
      %dma_start3A_82 = tpu.memref_slice %arg17[%dma_start3A_80, %dma_start3A_81] : memref<10112x32xf32, #tpu.memory_space<vmem_shared>> -> memref<10112x32xf32, #tpu.memory_space<vmem_shared>>
      tpu.enqueue_indirect_dma source(%arg12 : memref<256x32xf32, #tpu.memory_space<vmem>>) target(%dma_start3A_82 : memref<10112x32xf32, #tpu.memory_space<vmem_shared>>) offsets(%dma_start3A_79 : memref<256xi32, #tpu.memory_space<vmem>>) semaphore(%run_scoped3A_76 : memref<!tpu.dma_semaphore, #tpu.memory_space<semaphore_mem>>) {add = true}
      %dma_wait3A_83 = arith.constant 0 : i32
      %dma_wait3A_84 = tpu.memref_slice %arg8[%run_scoped3A_70, %dma_wait3A_83] : memref<80x256xi32, #tpu.memory_space<vmem>> -> memref<1x256xi32, #tpu.memory_space<vmem>>
      %dma_wait3A_85 = tpu.memref_squeeze %dma_wait3A_84 : memref<1x256xi32, #tpu.memory_space<vmem>> -> memref<256xi32, #tpu.memory_space<vmem>>
      %dma_wait3A_86 = arith.constant 0 : i32
      %dma_wait3A_87 = arith.constant 0 : i32
      %dma_wait3A_88 = tpu.memref_slice %arg17[%dma_wait3A_86, %dma_wait3A_87] : memref<10112x32xf32, #tpu.memory_space<vmem_shared>> -> memref<10112x32xf32, #tpu.memory_space<vmem_shared>>
      tpu.wait_indirect_dma semaphore(%run_scoped3A_76 : memref<!tpu.dma_semaphore, #tpu.memory_space<semaphore_mem>>) src(%arg12 : memref<256x32xf32, #tpu.memory_space<vmem>>) dst(%dma_wait3A_88 : memref<10112x32xf32, #tpu.memory_space<vmem_shared>>)
      tpu.yield
    }) : () -> ()
    %barrier3A_71 = arith.constant 0 : index
    tpu.barrier barrier_id(%barrier3A_71)
    %mul3A_72 = arith.constant 632 : i32
    %mul3A_73 = arith.muli %arg1, %mul3A_72 : i32
    %mul3A_74 = arith.constant 632 : i32
    %mul3A_75 = arith.muli %arg1, %mul3A_74 : i32
    "tpu.region"() ({
      %run_scoped3A_76 = tpu.sem_alloc : memref<!tpu.dma_semaphore, #tpu.memory_space<semaphore_mem>>
      %dma_start3A_77 = tpu.memref_slice %arg6[%mul3A_75, %mul3A_0] : memref<10112x64xf32, #tpu.memory_space<hbm>> -> memref<632x32xf32, #tpu.memory_space<hbm>>
      %dma_start3A_78 = arith.constant 0 : i32
      %dma_start3A_79 = tpu.memref_slice %arg17[%mul3A_73, %dma_start3A_78] : memref<10112x32xf32, #tpu.memory_space<vmem_shared>> -> memref<632x32xf32, #tpu.memory_space<vmem_shared>>
      tpu.enqueue_dma source(%dma_start3A_79 : memref<632x32xf32, #tpu.memory_space<vmem_shared>>) target(%dma_start3A_77 : memref<632x32xf32, #tpu.memory_space<hbm>>) target_semaphore(%run_scoped3A_76 : memref<!tpu.dma_semaphore, #tpu.memory_space<semaphore_mem>>)
      %dma_wait3A_80 = tpu.memref_slice %arg6[%mul3A_75, %mul3A_0] : memref<10112x64xf32, #tpu.memory_space<hbm>> -> memref<632x32xf32, #tpu.memory_space<hbm>>
      %dma_wait3A_81 = arith.constant 0 : i32
      %dma_wait3A_82 = tpu.memref_slice %arg17[%mul3A_73, %dma_wait3A_81] : memref<10112x32xf32, #tpu.memory_space<vmem_shared>> -> memref<632x32xf32, #tpu.memory_space<vmem_shared>>
      tpu.wait_dma2 semaphore(%run_scoped3A_76 : memref<!tpu.dma_semaphore, #tpu.memory_space<semaphore_mem>>) src(%dma_wait3A_82 : memref<632x32xf32, #tpu.memory_space<vmem_shared>>) dst(%dma_wait3A_80 : memref<632x32xf32, #tpu.memory_space<hbm>>)
      tpu.yield
    }) : () -> ()
    return
  }
}

module attributes {stable_mosaic.version = 14 : i64} {
  func.func @_tc_pre_body(%arg0: memref<10000x128xf32, #tpu.memory_space<vmem>>, %arg1: memref<128x64xf32, #tpu.memory_space<vmem>>, %arg2: memref<128x2xf32, #tpu.memory_space<vmem>>, %arg3: memref<10112x64xf32, #tpu.memory_space<vmem>>, %arg4: memref<10000x2xf32, #tpu.memory_space<vmem>>) attributes {dimension_semantics = [], scalar_prefetch = 0 : i64, scratch_operands = 0 : i64, tpu.core_type = #tpu.core_type<tc>} {
    %get3A = arith.constant 0 : index
    %get3A_0 = arith.constant 0 : index
    %get3A_1 = vector.load %arg0[%get3A, %get3A_0] : memref<10000x128xf32, #tpu.memory_space<vmem>>, vector<10000x128xf32>
    %get3A_2 = arith.constant 0 : index
    %get3A_3 = arith.constant 0 : index
    %get3A_4 = vector.load %arg1[%get3A_2, %get3A_3] : memref<128x64xf32, #tpu.memory_space<vmem>>, vector<128x64xf32>
    %dot_general3A = arith.constant dense<0.000000e+00> : vector<10000x64xf32>
    %dot_general3A_5 = tpu.matmul %get3A_1, %get3A_4, %dot_general3A {dimension_numbers = #tpu.dot_dimension_numbers<[1], [0], [0], [1], [0, 0, 1, 1], [], []>, precision = #tpu.contract_precision<fp32>, transpose_lhs_hint = false} : vector<10000x128xf32>, vector<128x64xf32>, vector<10000x64xf32> -> vector<10000x64xf32>
    %swap3A = arith.constant 0 : index
    %swap3A_6 = arith.constant 0 : index
    %swap3A_7 = vector.load %arg3[%swap3A, %swap3A_6] : memref<10112x64xf32, #tpu.memory_space<vmem>>, vector<10000x64xf32>
    tpu.vector_store %arg3[%swap3A, %swap3A_6], %dot_general3A_5 {strides = array<i32>} : memref<10112x64xf32, #tpu.memory_space<vmem>>, vector<10000x64xf32>,
    %get3A_8 = arith.constant 0 : index
    %get3A_9 = arith.constant 0 : index
    %get3A_10 = vector.load %arg2[%get3A_8, %get3A_9] : memref<128x2xf32, #tpu.memory_space<vmem>>, vector<128x2xf32>
    %dot_general3A_11 = arith.constant dense<0.000000e+00> : vector<10000x2xf32>
    %dot_general3A_12 = tpu.matmul %get3A_1, %get3A_10, %dot_general3A_11 {dimension_numbers = #tpu.dot_dimension_numbers<[1], [0], [0], [1], [0, 0, 1, 1], [], []>, precision = #tpu.contract_precision<fp32>, transpose_lhs_hint = false} : vector<10000x128xf32>, vector<128x2xf32>, vector<10000x2xf32> -> vector<10000x2xf32>
    %swap3A_13 = arith.constant 0 : index
    %swap3A_14 = arith.constant 0 : index
    %swap3A_15 = vector.load %arg4[%swap3A_13, %swap3A_14] : memref<10000x2xf32, #tpu.memory_space<vmem>>, vector<10000x2xf32>
    tpu.vector_store %arg4[%swap3A_13, %swap3A_14], %dot_general3A_12 {strides = array<i32>} : memref<10000x2xf32, #tpu.memory_space<vmem>>, vector<10000x2xf32>,
    return
  }
}

module attributes {stable_mosaic.version = 14 : i64} {
  func.func @_tc_layer_body(%arg0: memref<10112x64xf32, #tpu.memory_space<vmem>>, %arg1: memref<10112x64xf32, #tpu.memory_space<vmem>>, %arg2: memref<1x64xf32, #tpu.memory_space<vmem>>, %arg3: memref<64x64xf32, #tpu.memory_space<vmem>>, %arg4: memref<1x64xf32, #tpu.memory_space<vmem>>, %arg5: memref<1x64xf32, #tpu.memory_space<vmem>>, %arg6: memref<1x64xf32, #tpu.memory_space<vmem>>, %arg7: memref<64x64xf32, #tpu.memory_space<vmem>>, %arg8: memref<64x2xf32, #tpu.memory_space<vmem>>, %arg9: memref<10000x2xf32, #tpu.memory_space<vmem>>, %arg10: memref<10112x64xf32, #tpu.memory_space<vmem>>, %arg11: memref<10000x2xf32, #tpu.memory_space<vmem>>) attributes {dimension_semantics = [], scalar_prefetch = 0 : i64, scratch_operands = 0 : i64, tpu.core_type = #tpu.core_type<tc>} {
    %get3A = arith.constant 0 : index
    %get3A_0 = arith.constant 0 : index
    %get3A_1 = vector.load %arg0[%get3A, %get3A_0] : memref<10112x64xf32, #tpu.memory_space<vmem>>, vector<10000x64xf32>
    %get3A_2 = arith.constant 0 : index
    %get3A_3 = arith.constant 0 : index
    %get3A_4 = vector.load %arg1[%get3A_2, %get3A_3] : memref<10112x64xf32, #tpu.memory_space<vmem>>, vector<10000x64xf32>
    %add3A = arith.addf %get3A_1, %get3A_4 : vector<10000x64xf32>
    %get3A_5 = arith.constant 0 : index
    %get3A_6 = arith.constant 0 : index
    %get3A_7 = vector.load %arg2[%get3A_5, %get3A_6] : memref<1x64xf32, #tpu.memory_space<vmem>>, vector<1x64xf32>
    %add3A_8 = vector.broadcast %get3A_7 : vector<1x64xf32> to vector<10000x64xf32>
    %add3A_9 = arith.addf %add3A, %add3A_8 : vector<10000x64xf32>
    %max3A = arith.constant 0.000000e+00 : f32
    %max3A_10 = vector.broadcast %max3A : f32 to vector<10000x64xf32>
    %max3A_11 = arith.maximumf %add3A_9, %max3A_10 : vector<10000x64xf32>
    %get3A_12 = arith.constant 0 : index
    %get3A_13 = arith.constant 0 : index
    %get3A_14 = vector.load %arg3[%get3A_12, %get3A_13] : memref<64x64xf32, #tpu.memory_space<vmem>>, vector<64x64xf32>
    %dot_general3A = arith.constant dense<0.000000e+00> : vector<10000x64xf32>
    %dot_general3A_15 = tpu.matmul %max3A_11, %get3A_14, %dot_general3A {dimension_numbers = #tpu.dot_dimension_numbers<[1], [0], [0], [1], [0, 0, 1, 1], [], []>, precision = #tpu.contract_precision<fp32>, transpose_lhs_hint = false} : vector<10000x64xf32>, vector<64x64xf32>, vector<10000x64xf32> -> vector<10000x64xf32>
    %get3A_16 = arith.constant 0 : index
    %get3A_17 = arith.constant 0 : index
    %get3A_18 = vector.load %arg4[%get3A_16, %get3A_17] : memref<1x64xf32, #tpu.memory_space<vmem>>, vector<1x64xf32>
    %add3A_19 = vector.broadcast %get3A_18 : vector<1x64xf32> to vector<10000x64xf32>
    %add3A_20 = arith.addf %dot_general3A_15, %add3A_19 : vector<10000x64xf32>
    %reduce_sum3A = arith.constant dense<0.000000e+00> : vector<64xf32>
    %reduce_sum3A_21 = vector.multi_reduction <add>, %add3A_20, %reduce_sum3A [0] : vector<10000x64xf32> to vector<64xf32>
    %broadcast_in_dim3A = vector.shape_cast %reduce_sum3A_21 : vector<64xf32> to vector<1x64xf32>
    %div3A = arith.constant 1.000000e+04 : f32
    %div3A_22 = vector.broadcast %div3A : f32 to vector<1x64xf32>
    %div3A_23 = arith.divf %broadcast_in_dim3A, %div3A_22 : vector<1x64xf32>
    %sub3A = vector.broadcast %div3A_23 : vector<1x64xf32> to vector<10000x64xf32>
    %sub3A_24 = arith.subf %add3A_20, %sub3A : vector<10000x64xf32>
    %mul3A = arith.mulf %sub3A_24, %sub3A_24 : vector<10000x64xf32>
    %reduce_sum3A_25 = arith.constant dense<0.000000e+00> : vector<64xf32>
    %reduce_sum3A_26 = vector.multi_reduction <add>, %mul3A, %reduce_sum3A_25 [0] : vector<10000x64xf32> to vector<64xf32>
    %broadcast_in_dim3A_27 = vector.shape_cast %reduce_sum3A_26 : vector<64xf32> to vector<1x64xf32>
    %div3A_28 = arith.constant 1.000000e+04 : f32
    %div3A_29 = vector.broadcast %div3A_28 : f32 to vector<1x64xf32>
    %div3A_30 = arith.divf %broadcast_in_dim3A_27, %div3A_29 : vector<1x64xf32>
    %add3A_31 = arith.constant 9.99999974E-6 : f32
    %add3A_32 = vector.broadcast %add3A_31 : f32 to vector<1x64xf32>
    %add3A_33 = arith.addf %div3A_30, %add3A_32 : vector<1x64xf32>
    %rsqrt3A = math.rsqrt %add3A_33 : vector<1x64xf32>
    %mul3A_34 = vector.broadcast %rsqrt3A : vector<1x64xf32> to vector<10000x64xf32>
    %mul3A_35 = arith.mulf %sub3A_24, %mul3A_34 : vector<10000x64xf32>
    %get3A_36 = arith.constant 0 : index
    %get3A_37 = arith.constant 0 : index
    %get3A_38 = vector.load %arg5[%get3A_36, %get3A_37] : memref<1x64xf32, #tpu.memory_space<vmem>>, vector<1x64xf32>
    %mul3A_39 = vector.broadcast %get3A_38 : vector<1x64xf32> to vector<10000x64xf32>
    %mul3A_40 = arith.mulf %mul3A_35, %mul3A_39 : vector<10000x64xf32>
    %get3A_41 = arith.constant 0 : index
    %get3A_42 = arith.constant 0 : index
    %get3A_43 = vector.load %arg6[%get3A_41, %get3A_42] : memref<1x64xf32, #tpu.memory_space<vmem>>, vector<1x64xf32>
    %add3A_44 = vector.broadcast %get3A_43 : vector<1x64xf32> to vector<10000x64xf32>
    %add3A_45 = arith.addf %mul3A_40, %add3A_44 : vector<10000x64xf32>
    %max3A_46 = arith.constant 0.000000e+00 : f32
    %max3A_47 = vector.broadcast %max3A_46 : f32 to vector<10000x64xf32>
    %max3A_48 = arith.maximumf %add3A_45, %max3A_47 : vector<10000x64xf32>
    %get3A_49 = arith.constant 0 : index
    %get3A_50 = arith.constant 0 : index
    %get3A_51 = vector.load %arg7[%get3A_49, %get3A_50] : memref<64x64xf32, #tpu.memory_space<vmem>>, vector<64x64xf32>
    %dot_general3A_52 = arith.constant dense<0.000000e+00> : vector<10000x64xf32>
    %dot_general3A_53 = tpu.matmul %max3A_48, %get3A_51, %dot_general3A_52 {dimension_numbers = #tpu.dot_dimension_numbers<[1], [0], [0], [1], [0, 0, 1, 1], [], []>, precision = #tpu.contract_precision<fp32>, transpose_lhs_hint = false} : vector<10000x64xf32>, vector<64x64xf32>, vector<10000x64xf32> -> vector<10000x64xf32>
    %swap3A = arith.constant 0 : index
    %swap3A_54 = arith.constant 0 : index
    %swap3A_55 = vector.load %arg10[%swap3A, %swap3A_54] : memref<10112x64xf32, #tpu.memory_space<vmem>>, vector<10000x64xf32>
    tpu.vector_store %arg10[%swap3A, %swap3A_54], %dot_general3A_53 {strides = array<i32>} : memref<10112x64xf32, #tpu.memory_space<vmem>>, vector<10000x64xf32>,
    %get3A_56 = arith.constant 0 : index
    %get3A_57 = arith.constant 0 : index
    %get3A_58 = vector.load %arg9[%get3A_56, %get3A_57] : memref<10000x2xf32, #tpu.memory_space<vmem>>, vector<10000x2xf32>
    %get3A_59 = arith.constant 0 : index
    %get3A_60 = arith.constant 0 : index
    %get3A_61 = vector.load %arg8[%get3A_59, %get3A_60] : memref<64x2xf32, #tpu.memory_space<vmem>>, vector<64x2xf32>
    %dot_general3A_62 = arith.constant dense<0.000000e+00> : vector<10000x2xf32>
    %dot_general3A_63 = tpu.matmul %max3A_48, %get3A_61, %dot_general3A_62 {dimension_numbers = #tpu.dot_dimension_numbers<[1], [0], [0], [1], [0, 0, 1, 1], [], []>, precision = #tpu.contract_precision<fp32>, transpose_lhs_hint = false} : vector<10000x64xf32>, vector<64x2xf32>, vector<10000x2xf32> -> vector<10000x2xf32>
    %add3A_64 = arith.addf %get3A_58, %dot_general3A_63 : vector<10000x2xf32>
    %swap3A_65 = arith.constant 0 : index
    %swap3A_66 = arith.constant 0 : index
    %swap3A_67 = vector.load %arg11[%swap3A_65, %swap3A_66] : memref<10000x2xf32, #tpu.memory_space<vmem>>, vector<10000x2xf32>
    tpu.vector_store %arg11[%swap3A_65, %swap3A_66], %add3A_64 {strides = array<i32>} : memref<10000x2xf32, #tpu.memory_space<vmem>>, vector<10000x2xf32>,
    return
  }
}

module attributes {stable_mosaic.version = 14 : i64} {
  func.func @_tc_last_body(%arg0: memref<10112x64xf32, #tpu.memory_space<vmem>>, %arg1: memref<10112x64xf32, #tpu.memory_space<vmem>>, %arg2: memref<1x64xf32, #tpu.memory_space<vmem>>, %arg3: memref<64x64xf32, #tpu.memory_space<vmem>>, %arg4: memref<1x64xf32, #tpu.memory_space<vmem>>, %arg5: memref<1x64xf32, #tpu.memory_space<vmem>>, %arg6: memref<1x64xf32, #tpu.memory_space<vmem>>, %arg7: memref<64x2xf32, #tpu.memory_space<vmem>>, %arg8: memref<10000x2xf32, #tpu.memory_space<vmem>>, %arg9: memref<1x10000xi32, #tpu.memory_space<vmem>>, %arg10: memref<1x2xf32, #tpu.memory_space<vmem>>, %arg11: memref<64x2xf32, #tpu.memory_space<vmem>>) attributes {dimension_semantics = [], scalar_prefetch = 0 : i64, scratch_operands = 0 : i64, tpu.core_type = #tpu.core_type<tc>} {
    %get3A = arith.constant 0 : index
    %get3A_0 = arith.constant 0 : index
    %get3A_1 = vector.load %arg0[%get3A, %get3A_0] : memref<10112x64xf32, #tpu.memory_space<vmem>>, vector<10000x64xf32>
    %get3A_2 = arith.constant 0 : index
    %get3A_3 = arith.constant 0 : index
    %get3A_4 = vector.load %arg1[%get3A_2, %get3A_3] : memref<10112x64xf32, #tpu.memory_space<vmem>>, vector<10000x64xf32>
    %add3A = arith.addf %get3A_1, %get3A_4 : vector<10000x64xf32>
    %get3A_5 = arith.constant 0 : index
    %get3A_6 = arith.constant 0 : index
    %get3A_7 = vector.load %arg2[%get3A_5, %get3A_6] : memref<1x64xf32, #tpu.memory_space<vmem>>, vector<1x64xf32>
    %add3A_8 = vector.broadcast %get3A_7 : vector<1x64xf32> to vector<10000x64xf32>
    %add3A_9 = arith.addf %add3A, %add3A_8 : vector<10000x64xf32>
    %max3A = arith.constant 0.000000e+00 : f32
    %max3A_10 = vector.broadcast %max3A : f32 to vector<10000x64xf32>
    %max3A_11 = arith.maximumf %add3A_9, %max3A_10 : vector<10000x64xf32>
    %get3A_12 = arith.constant 0 : index
    %get3A_13 = arith.constant 0 : index
    %get3A_14 = vector.load %arg3[%get3A_12, %get3A_13] : memref<64x64xf32, #tpu.memory_space<vmem>>, vector<64x64xf32>
    %dot_general3A = arith.constant dense<0.000000e+00> : vector<10000x64xf32>
    %dot_general3A_15 = tpu.matmul %max3A_11, %get3A_14, %dot_general3A {dimension_numbers = #tpu.dot_dimension_numbers<[1], [0], [0], [1], [0, 0, 1, 1], [], []>, precision = #tpu.contract_precision<fp32>, transpose_lhs_hint = false} : vector<10000x64xf32>, vector<64x64xf32>, vector<10000x64xf32> -> vector<10000x64xf32>
    %get3A_16 = arith.constant 0 : index
    %get3A_17 = arith.constant 0 : index
    %get3A_18 = vector.load %arg4[%get3A_16, %get3A_17] : memref<1x64xf32, #tpu.memory_space<vmem>>, vector<1x64xf32>
    %add3A_19 = vector.broadcast %get3A_18 : vector<1x64xf32> to vector<10000x64xf32>
    %add3A_20 = arith.addf %dot_general3A_15, %add3A_19 : vector<10000x64xf32>
    %reduce_sum3A = arith.constant dense<0.000000e+00> : vector<64xf32>
    %reduce_sum3A_21 = vector.multi_reduction <add>, %add3A_20, %reduce_sum3A [0] : vector<10000x64xf32> to vector<64xf32>
    %broadcast_in_dim3A = vector.shape_cast %reduce_sum3A_21 : vector<64xf32> to vector<1x64xf32>
    %div3A = arith.constant 1.000000e+04 : f32
    %div3A_22 = vector.broadcast %div3A : f32 to vector<1x64xf32>
    %div3A_23 = arith.divf %broadcast_in_dim3A, %div3A_22 : vector<1x64xf32>
    %sub3A = vector.broadcast %div3A_23 : vector<1x64xf32> to vector<10000x64xf32>
    %sub3A_24 = arith.subf %add3A_20, %sub3A : vector<10000x64xf32>
    %mul3A = arith.mulf %sub3A_24, %sub3A_24 : vector<10000x64xf32>
    %reduce_sum3A_25 = arith.constant dense<0.000000e+00> : vector<64xf32>
    %reduce_sum3A_26 = vector.multi_reduction <add>, %mul3A, %reduce_sum3A_25 [0] : vector<10000x64xf32> to vector<64xf32>
    %broadcast_in_dim3A_27 = vector.shape_cast %reduce_sum3A_26 : vector<64xf32> to vector<1x64xf32>
    %div3A_28 = arith.constant 1.000000e+04 : f32
    %div3A_29 = vector.broadcast %div3A_28 : f32 to vector<1x64xf32>
    %div3A_30 = arith.divf %broadcast_in_dim3A_27, %div3A_29 : vector<1x64xf32>
    %add3A_31 = arith.constant 9.99999974E-6 : f32
    %add3A_32 = vector.broadcast %add3A_31 : f32 to vector<1x64xf32>
    %add3A_33 = arith.addf %div3A_30, %add3A_32 : vector<1x64xf32>
    %rsqrt3A = math.rsqrt %add3A_33 : vector<1x64xf32>
    %mul3A_34 = vector.broadcast %rsqrt3A : vector<1x64xf32> to vector<10000x64xf32>
    %mul3A_35 = arith.mulf %sub3A_24, %mul3A_34 : vector<10000x64xf32>
    %get3A_36 = arith.constant 0 : index
    %get3A_37 = arith.constant 0 : index
    %get3A_38 = vector.load %arg5[%get3A_36, %get3A_37] : memref<1x64xf32, #tpu.memory_space<vmem>>, vector<1x64xf32>
    %mul3A_39 = vector.broadcast %get3A_38 : vector<1x64xf32> to vector<10000x64xf32>
    %mul3A_40 = arith.mulf %mul3A_35, %mul3A_39 : vector<10000x64xf32>
    %get3A_41 = arith.constant 0 : index
    %get3A_42 = arith.constant 0 : index
    %get3A_43 = vector.load %arg6[%get3A_41, %get3A_42] : memref<1x64xf32, #tpu.memory_space<vmem>>, vector<1x64xf32>
    %add3A_44 = vector.broadcast %get3A_43 : vector<1x64xf32> to vector<10000x64xf32>
    %add3A_45 = arith.addf %mul3A_40, %add3A_44 : vector<10000x64xf32>
    %max3A_46 = arith.constant 0.000000e+00 : f32
    %max3A_47 = vector.broadcast %max3A_46 : f32 to vector<10000x64xf32>
    %max3A_48 = arith.maximumf %add3A_45, %max3A_47 : vector<10000x64xf32>
    %get3A_49 = arith.constant 0 : index
    %get3A_50 = arith.constant 0 : index
    %get3A_51 = vector.load %arg8[%get3A_49, %get3A_50] : memref<10000x2xf32, #tpu.memory_space<vmem>>, vector<10000x2xf32>
    %get3A_52 = arith.constant 0 : index
    %get3A_53 = arith.constant 0 : index
    %get3A_54 = vector.load %arg7[%get3A_52, %get3A_53] : memref<64x2xf32, #tpu.memory_space<vmem>>, vector<64x2xf32>
    %dot_general3A_55 = arith.constant dense<0.000000e+00> : vector<10000x2xf32>
    %dot_general3A_56 = tpu.matmul %max3A_48, %get3A_54, %dot_general3A_55 {dimension_numbers = #tpu.dot_dimension_numbers<[1], [0], [0], [1], [0, 0, 1, 1], [], []>, precision = #tpu.contract_precision<fp32>, transpose_lhs_hint = false} : vector<10000x64xf32>, vector<64x2xf32>, vector<10000x2xf32> -> vector<10000x2xf32>
    %add3A_57 = arith.addf %get3A_51, %dot_general3A_56 : vector<10000x2xf32>
    %iota3A = tpu.iota {dimensions = array<i32: 0>} : vector<64x10000xi32>
    %get3A_58 = arith.constant 0 : index
    %get3A_59 = arith.constant 0 : index
    %get3A_60 = vector.load %arg9[%get3A_58, %get3A_59] : memref<1x10000xi32, #tpu.memory_space<vmem>>, vector<1x10000xi32>
    %eq3A = vector.broadcast %get3A_60 : vector<1x10000xi32> to vector<64x10000xi32>
    %eq3A_61 = arith.cmpi eq, %eq3A, %iota3A : vector<64x10000xi32>
    %convert_element_type3A = arith.extui %eq3A_61 : vector<64x10000xi1> to vector<64x10000xi32>
    %convert_element_type3A_62 = arith.sitofp %convert_element_type3A : vector<64x10000xi32> to vector<64x10000xf32>
    %dot_general3A_63 = arith.constant dense<0.000000e+00> : vector<64x2xf32>
    %dot_general3A_64 = tpu.matmul %convert_element_type3A_62, %add3A_57, %dot_general3A_63 {dimension_numbers = #tpu.dot_dimension_numbers<[1], [0], [0], [1], [0, 0, 1, 1], [], []>, precision = #tpu.contract_precision<fp32>, transpose_lhs_hint = false} : vector<64x10000xf32>, vector<10000x2xf32>, vector<64x2xf32> -> vector<64x2xf32>
    %get3A_65 = arith.constant 0 : index
    %get3A_66 = arith.constant 0 : index
    %get3A_67 = vector.load %arg10[%get3A_65, %get3A_66] : memref<1x2xf32, #tpu.memory_space<vmem>>, vector<1x2xf32>
    %add3A_68 = vector.broadcast %get3A_67 : vector<1x2xf32> to vector<64x2xf32>
    %add3A_69 = arith.addf %dot_general3A_64, %add3A_68 : vector<64x2xf32>
    %swap3A = arith.constant 0 : index
    %swap3A_70 = arith.constant 0 : index
    %swap3A_71 = vector.load %arg11[%swap3A, %swap3A_70] : memref<64x2xf32, #tpu.memory_space<vmem>>, vector<64x2xf32>
    tpu.vector_store %arg11[%swap3A, %swap3A_70], %add3A_69 {strides = array<i32>} : memref<64x2xf32, #tpu.memory_space<vmem>>, vector<64x2xf32>,
    return
  }
}

</mosaic_0001>

<sc_bundles>
// kernel: kernel.13.cloned.1.call-start
scs
__scs_entry_jumppad:
0x0: {  	(pc) =	sbr.rel $0x88, $3  }
0x1: {  	(tag) =	ssettag $0x0;
	lr =	simm.s32 $0x1  }
0x2: {  	[smem:$0x3F7E] =	sst lr;
	_ =	strace $0xD0000000  }
0x3: {  	_ = 	snop  }
0x4: {  	_ = 	snop  }
0x5: {  	_ = 	snop  }
0x6: {  	_ = 	snop  }
0x7: {  	_ = 	snop  }
__scs_overlays_trampoline_lowered:
0x8: {  	[smem:$0x3F8D] =	sst s0  }
0x9: {  	[smem:$0x3F8E] =	sst s1  }
0xa: {  	[smem:$0x3F8F] =	sst s2  }
0xb: {  	[smem:$0x3F90] =	sst s3  }
0xc: {  	[smem:$0x3F91] =	sst s4  }
0xd: {  	[smem:$0x3F92] =	sst s5  }
0xe: {  	[smem:$0x3F93] =	sst s6  }
0xf: {  	[smem:$0x3F94] =	sst s7  }
0x10: {  	[smem:$0x3F95] =	sst s8  }
0x11: {  	[smem:$0x3F96] =	sst s9;
	s0 =	simm.s32 @!p0 $0x0  }
0x12: {  	s1 =	sld [smem:$0x3F7C];
	s0 =	simm.s32 @p0 $0x1  }
0x13: {  	[smem:$0x3F97] =	sst s0;
	s0 =	simm.s32 @!p1 $0x0  }
0x14: {  	s2 =	sld [smem:$0x3F7B];
	s0 =	simm.s32 @p1 $0x1  }
0x15: {  	[smem:$0x3F98] =	sst s0;
	s0 =	simm.s32 @!p2 $0x0  }
0x16: {  	s3 =	sld [smem:$0x3FDB];
	s0 =	simm.s32 @p2 $0x1  }
0x17: {  	s4 =	simm.s32 $0x1BF5;
	[smem:$0x3F9A] =	sst s0  }
0x18: {  	s0 =	sld [smem:$0x3F7D];
	_ =	swait.ge [sflag:s4], $0x0  }
0x19: {  	s7 =	sld [smem:$0x3F7E]  }
0x1a: {  	s8 =	sadd.s32 $0xFFFFE003, lr  }
0x1b: {  	s9 =	sadd.s32 $0xFFFFFEF7, lr;
	s5 =	simm.s32 $0xFFFFFFFF;
	p2 =	slt.u32 s8, $0xFFFFF086  }
0x1c: {  	p1 =	slt.u32 s9, $0xF7A;
	s5 =	simm.s32 @!p2 $0x0  }
0x1d: {  	s5 =	simm.s32 @p1 $0x1;
	p0 =	seq.s32 s7, s2  }
0x1e: {  	s7 =	smul.u32 @!p0 $0xF7A, s2;
	p2 =	seq.s32 @!p0 s5, $0x0  }
0x1f: {  	s9 =	smul.u32 $0xF7A, s1;
	s8 =	simm.s32 @!p0 $0x1BF5;
	p2 =	por !p2, p0  }
0x20: {  	[sflag:s8] =	ssyncset.s32 @!p0 $0xFFFFF086;
	s6 =	sadd.s32 @!p0 s3, s7;
	s7 =	simm.s32 @!p0 $0x108  }
0x21: {  	s3 =	sadd.s32 s3, s9;
	s6 =	sadd.s32 @!p0 $0x88, s6;
	s7 =	simm.s32 @p2 $0x1082  }
0x22: {  	[simem:s7], [sflag:s8] =	dma.local @!p0 [hbm:s6], $0xF7A  }
0x23: {  	s9 =	sor.u32 $0xD0000000, s2;
	s6 =	simm.s32 $0x108;
	_ =	swait.ge @!p0 [sflag:s8], $0x0  }
0x24: {  	s3 =	sadd.s32 $0x88, s3;
	s6 =	simm.s32 @!p1 $0x1082;
	[sflag:s4] =	ssyncset.s32 $0xFFFFF086  }
0x25: {  	[simem:s6], [sflag:s4] =	dma.local [hbm:s3], $0xF7A  }
0x26: {  	[smem:$0x3F7E] =	sst s1;
	(tag) =	ssettag s2;
	_ =	strace s9  }
0x27: {  	s1 =	sld [smem:$0x3F8E]  }
0x28: {  	s2 =	sld [smem:$0x3F8F]  }
0x29: {  	s4 =	sld [smem:$0x3F91]  }
0x2a: {  	p0 =	seq.s32 s5, $0x0;
	s5 =	sld [smem:$0x3F92]  }
0x2b: {  	s6 =	sld [smem:$0x3F93]  }
0x2c: {  	s7 =	sld [smem:$0x3F94]  }
0x2d: {  	s3 =	simm.s32 $0x108;
	s8 =	sld [smem:$0x3F95]  }
0x2e: {  	s3 =	simm.s32 @!p0 $0x1082;
	s9 =	sld [smem:$0x3F96]  }
0x2f: {  	lr =	sadd.s32 s0, s3;
	s0 =	sld [smem:$0x3F8D]  }
0x30: {  	s3 =	sld [smem:$0x3F90]  }
0x31: {  	[smem:$0x3F99] =	sst s10  }
0x32: {  	s10 =	sld [smem:$0x3F97];
	_ =	sdelay $0x3  }
0x33: {  	p0 =	seq.s32 s10, $0x1;
	s10 =	sld [smem:$0x3F99];
	_ =	sdelay $0x3  }
0x34: {  	[smem:$0x3F99] =	sst s10  }
0x35: {  	s10 =	sld [smem:$0x3F98];
	_ =	sdelay $0x3  }
0x36: {  	p1 =	seq.s32 s10, $0x1;
	s10 =	sld [smem:$0x3F99];
	_ =	sdelay $0x3  }
0x37: {  	[smem:$0x3F99] =	sst s10  }
0x38: {  	s10 =	sld [smem:$0x3F9A]  }
0x39: {  	_ = 	snop;
	(pc) =	sbr.ind lr, $3  }
0x3a: {  	_ = 	snop  }
0x3b: {  	_ = 	snop  }
0x3c: {  	p2 =	seq.s32 s10, $0x1;
	s10 =	sld [smem:$0x3F99]  }
0x3d: {  	_ =	shalt  }
0x3e: {  	_ =	shalt  }
0x3f: {  	_ =	shalt  }
0x40: {  	_ =	shalt  }
0x41: {  	_ =	shalt  }
0x42: {  	_ =	shalt  }
0x43: {  	_ =	shalt  }
0x44: {  	_ =	shalt  }
0x45: {  	_ =	shalt  }
0x46: {  	_ =	shalt  }
0x47: {  	_ =	shalt  }
0x48: {  	_ =	shalt  }
0x49: {  	_ =	shalt  }
0x4a: {  	_ =	shalt  }
0x4b: {  	_ =	shalt  }
0x4c: {  	_ =	shalt  }
0x4d: {  	_ =	shalt  }
0x4e: {  	_ =	shalt  }
0x4f: {  	_ =	shalt  }
0x50: {  	_ =	shalt  }
0x51: {  	_ =	shalt  }
0x52: {  	_ =	shalt  }
0x53: {  	_ =	shalt  }
0x54: {  	_ =	shalt  }
0x55: {  	_ =	shalt  }
0x56: {  	_ =	shalt  }
0x57: {  	_ =	shalt  }
0x58: {  	_ =	shalt  }
0x59: {  	_ =	shalt  }
0x5a: {  	_ =	shalt  }
0x5b: {  	_ =	shalt  }
0x5c: {  	_ =	shalt  }
0x5d: {  	_ =	shalt  }
0x5e: {  	_ =	shalt  }
0x5f: {  	_ =	shalt  }
0x60: {  	_ =	shalt  }
0x61: {  	_ =	shalt  }
0x62: {  	_ =	shalt  }
0x63: {  	_ =	shalt  }
0x64: {  	_ =	shalt  }
0x65: {  	_ =	shalt  }
0x66: {  	_ =	shalt  }
0x67: {  	_ =	shalt  }
0x68: {  	_ =	shalt  }
0x69: {  	_ =	shalt  }
0x6a: {  	_ =	shalt  }
0x6b: {  	_ =	shalt  }
0x6c: {  	_ =	shalt  }
0x6d: {  	_ =	shalt  }
0x6e: {  	_ =	shalt  }
0x6f: {  	_ =	shalt  }
0x70: {  	_ =	shalt  }
0x71: {  	_ =	shalt  }
0x72: {  	_ =	shalt  }
0x73: {  	_ =	shalt  }
0x74: {  	_ =	shalt  }
0x75: {  	_ =	shalt  }
0x76: {  	_ =	shalt  }
0x77: {  	_ =	shalt  }
0x78: {  	_ =	shalt  }
0x79: {  	_ =	shalt  }
0x7a: {  	_ =	shalt  }
0x7b: {  	_ =	shalt  }
0x7c: {  	_ =	shalt  }
0x7d: {  	_ =	shalt  }
0x7e: {  	_ =	shalt  }
0x7f: {  	_ =	shalt  }
0x80: {  	_ =	shalt  }
0x81: {  	_ =	shalt  }
0x82: {  	_ =	shalt  }
0x83: {  	_ =	shalt  }
0x84: {  	_ =	shalt  }
0x85: {  	_ =	shalt  }
0x86: {  	_ =	shalt  }
0x87: {  	_ =	shalt  }
.Lfunc_end0:
.L_simem_size_0:
called_computation_lowered:
.L_overlay_start_0:
0x88: {  	s2 =	sld [smem:$0x3FD9]  }
0x89: {  	s3 =	sld [smem:$0x3FFE];
	_ =	sdelay $0x1  }
0x8a: {  	s1 =	srdreg.scid  }
0x8b: {  	s0 =	sand.u32 $0x1, s1  }
0x8c: {  	s16 =	sshll.u32 s0, $0xA;
	s2 =	sadd.s32 s3, s2  }
0x8d: {  	s2 =	sadd.s32 s2, s16  }
0x8e: {  	[smem:$0x3FA5] =	sst s2  }
0x8f: {  	_ = 	snop  }
0x90: {  	(tm) =	ssettm $0x1  }
0x91: {  	s17 =	sld [smem:$0x3FFB];
	_ =	sdelay $0x3  }
0x92: {  	_ =	strace s17  }
0x93: {  	s2 =	sld [smem:$0x3FFC];
	_ =	sdelay $0x3  }
0x94: {  	_ =	strace s2  }
0x95: {  	s2 =	sld [smem:$0x3FFD];
	_ =	sdelay $0x3  }
0x96: {  	_ =	strace s2  }
0x97: {  	_ =	strace $0x8FFFFFFF  }
0x98: {  	s18 =	sld [smem:$0x3FDB];
	_ =	sdelay $0x1  }
0x99: {  	s19 =	simm.s32 $_scs_section_size  }
0x9a: {  	s4 =	simm.s32 $_size__tile_overlayer_lowered;
	s5 =	simm.s32 $_tile_overlayer_lowered  }
0x9b: {  	s22 =	simm.s32 $0x1BFF;
	s21 =	sshll.u32 s5, $0x1;
	s2 =	sadd.s32 s19, s18  }
0x9c: {  	s6 =	simm.s32 $0x0;
	s20 =	sshll.u32 s4, $0x1;
	s4 =	sadd.s32 s21, s2  }
0x9d: {  	[timem:s6], [sflag:s22] =	dma.local [hbm:s4], s20  }
0x9e: {  	_ =	swait.ge [sflag:s22], s20  }
0x9f: {  	s3 =	ssub.s32 $0x0, s20;
	[sflag:s22] =	ssyncset.done $0x0  }
0xa0: {  	[sflag:s22] =	ssyncadd.s32 s3;
	_ =	sdelay $0x1  }
0xa1: {  	s23 =	simm.s32 $0x1B8B  }
0xa2: {  	_ =	swait.ge [sflag:s23], $0x1  }
0xa3: {  	[sflag:s23] =	ssyncset.done $0x0  }
0xa4: {  	s25 =	simm.s32 $0x1B8E;
	s24 =	sld [smem:$0x3FFE];
	[sflag:s23] =	ssyncadd.s32 $0xFFFFFFFF  }
0xa5: {  	s26 =	simm.s32 $execute0_lowered;
	[smem:$0x3FD2] =	sst s25  }
0xa6: {  	s4 =	sshll.u32 s26, $0x1;
	_ =	strace $0x80000046;
	[dreg:$0x1] =	wrdreg $0xFFFFFFFF  }
0xa7: {  	s28 =	simm.s32 $_size_execute0_lowered;
	s2 =	sadd.s32 s2, s4;
	[dreg:$0x0] =	wrdreg $0x0  }
0xa8: {  	s4 =	sshll.u32 s28, $0x1;
	[dreg:$0x2] =	wrdreg s2  }
0xa9: {  	[dreg:$0x3] =	wrdreg s4  }
0xaa: {  	[dreg:$0x4] =	wrdreg $0xC0  }
0xab: {  	_ =	task [dreg:s6], $0x5FFFF  }
0xac: {  	[dreg:$0x1] =	wrdreg $0xFFFFFFFF  }
0xad: {  	[dreg:$0x0] =	wrdreg $0x60  }
0xae: {  	[dreg:$0x2] =	wrdreg s24  }
0xaf: {  	[dreg:$0x3] =	wrdreg $0x120000  }
0xb0: {  	[dreg:$0x4] =	wrdreg $0x16F000  }
0xb1: {  	[dreg:$0x5] =	wrdreg $0x9  }
0xb2: {  	_ =	task.clear_ibuf [dreg:s6], $0x6FFFF;
	_ =	strace $0x90000046  }
0xb3: {  	s29 =	simm.s32 $0x9;
	_ =	strace $0x80000048  }
0xb4: {  	_ =	swait.ge [sflag:s29], $0x1  }
0xb5: {  	[sflag:s29] =	ssyncadd.s32 $0xFFFFFFFF  }
0xb6: {  	_ =	strace $0x90000048  }
0xb7: {  	_ =	sfence  }
0xb8: {  	s30 =	sld [smem:$0x0];
	_ =	sdelay $0x2  }
0xb9: {  	s31 =	sshll.u32 s1, $0xD;
	s1 =	sshrl.u32 s1, $0x2  }
0xba: {  	s3 =	sand.u32 $0x4000, s31;
	s1 =	sadd.s32 s1, s30  }
0xbb: {  	s0 =	sor.u32 s3, s0;
	s1 =	sshll.u32 s1, $0x11  }
0xbc: {  	s0 =	sor.u32 s1, s0  }
0xbd: {  	s0 =	sadd.s32 $0x8F2B, s0  }
0xbe: {  	[sflag:s0] =	ssyncadd.remote.s32 $0x1  }
0xbf: {  	_ =	sfence.sel $0xFFFF  }
0xc0: {  	[dreg:$0x0] =	wrdreg $0xFFFFFFFF;
	(pc) =	sbr.abs _section_cstart, $3  }
0xc1: {  	[dreg:$0x1] =	wrdreg $0xFFFFFFFF  }
0xc2: {  	_ =	task.clear_ibuf [dreg:s6], $0x2FFFF;
	_ =	strace $0x9FFFFFFF  }
0xc3: {  	(tm) =	ssettm $0x7FFFFFFF  }
tec
execute0_lowered:
.L_overlay_start_1:
0x0: {  	(tag) =	ssettag $0x1  }
0x1: {  	s0 =	rddreg [dreg:$0x0]  }
0x2: {  	s2 =	rddreg [dreg:$0x1]  }
0x3: {  	s3 =	rddreg [dreg:$0x2];
	s10 =	stileid.u32;
	s4 =	simm.s32 $0x0  }
0x4: {  	s5 =	srdreg.scid;
	s13 =	simm.s32 $0x5;
	s15 =	simm.s32 $0x1  }
0x5: {  	s16 =	simm.s32 $0x4;
	s17 =	simm.s32 $0x8;
	s19 =	simm.s32 $0x100  }
0x6: {  	s20 =	simm.s32 $0xA000;
	s21 =	simm.s32 $0xC000;
	s23 =	simm.s32 $0xE000  }
0x7: {  	s28 =	simm.s32 $0x3;
	s29 =	simm.s32 $0x9C00;
	s1 =	smul.u32 $0xA00, s10  }
0x8: {  	s30 =	simm.s32 $0x9D00;
	s31 =	simm.s32 $0x9E00;
	s7 =	smul.u32 $0x4F00, s10  }
0x9: {  	[smem:$0x7FF] =	sst s4;
	s5 =	sand.u32 $0x1, s5;
	s6 =	smul.u32 $0x9E00, s10  }
0xa: {  	s26 =	sshll.u32 s10, $0x6;
	_ =	strace $0x80000047;
	s8 =	sshll.u32 s5, $0x5  }
0xb: {  	s5 =	ssub.s32 $0x2, s5;
	s1 =	sadd.s32 s1, s0;
	s9 =	sshrl.u32 s7, $0x3  }
0xc: {  	s6 =	sor.u32 s8, s6;
	s25 =	sshrl.u32 s5, $0x1;
	s12 =	sadd.s32 s7, s2  }
0xd: {  	s14 =	sadd.s32 s7, s3;
	s24 =	sadd.s32 s9, s0;
	s6 =	sshrl.u32 s6, $0x3  }
0xe: {  	s11 =	ssub.s32 s5, s25;
	s8 =	sadd.s32 $0x23C00, s1;
	s9 =	sadd.s32 $0x19C00, s1  }
0xf: {  	s12 =	sshrl.u32 s12, $0x3;
	s14 =	sshrl.u32 s14, $0x3;
	s25 =	simm.s32 $0x10000  }
0x10: {  	s1 =	simm.s32 $0x0;
	s0 =	sadd.s32 s6, s0;
	s5 =	sadd.s32 $0x2DC00, s24  }
0x11: {  	s6 =	sor.u32 $0x1C05, s26;
	s11 =	smax.u32 s11, $0x1;
	s26 =	simm.s32 $0x2  }
0x12: {  	s7 =	sadd.s32 $0x6000, s0;
	s10 =	sadd.s32 $0x37A00, s0;
	s0 =	simm.s32 $0x9F00  }
.LBB2_1:
0x13: {  	[spmem:s12], [sflag:s6] =	dma.local [hbm:s5], $0x9E0  }
0x14: {  	_ =	swait.ge [sflag:s13], $0x9E0  }
0x15: {  	[sflag:s13] =	ssyncset.done $0x0  }
0x16: {  	[sflag:s13] =	ssyncadd.s32 $0xFFFFF620  }
0x17: {  	[spmem:s14@s16], [sflag:s6] =	dma.strided [hbm:s7@s17], $0x9E0, s15, $0x4   }
0x18: {  	_ =	swait.ge [sflag:s13], $0x9E0  }
0x19: {  	[sflag:s13] =	ssyncset.done $0x0  }
0x1a: {  	[sflag:s13] =	ssyncadd.s32 $0xFFFFF620  }
0x1b: {  	[tilespmem:s4], [sflag:$0x5] =	stream.linear.gather [hbm4b:s8+s4], $0x5000, $0x38;
	[tilespmem:$0x1BE00] =	vst v63  }
0x1c: {  	_ =	swait.ge [sflag:s13], $0x5000  }
0x1d: {  	[sflag:s13] =	ssyncset.done $0x0  }
0x1e: {  	s18 =	simm.s32 $0x5000;
	[sflag:s13] =	ssyncadd.s32 $0xFFFFB000  }
0x1f: {  	[tilespmem:s18], [sflag:$0x5] =	stream.linear.gather [hbm4b:s9+s4], $0x5000, $0x38;
	[tilespmem:$0x1BE00] =	vst v63  }
0x20: {  	_ =	swait.ge [sflag:s13], $0x5000  }
0x21: {  	[sflag:s13] =	ssyncset.done $0x0  }
0x22: {  	[sflag:s13] =	ssyncadd.s32 $0xFFFFB000  }
0x23: {  	[bflag:$0x0] =	sbarrier.arrive $0xFFFF  }
0x24: {  	[tilespmem:s20], [sflag:$0x1] =	stream.indirect.gather [spmem:s3], $0x20, s4, s19, $0xb8;
	[tilespmem:$0x1BE00] =	vst v63  }
0x25: {  	_ = 	snop  }
0x26: {  	[tilespmem:s21], [sflag:$0x2] =	stream.indirect.gather [spmem:s3], $0x20, s19, s19, $0xb8;
	[tilespmem:$0x1BE00] =	vst v63  }
0x27: {  	s24 =	simm.s32 $0x200  }
0x28: {  	[tilespmem:s23], [sflag:$0x3] =	stream.indirect.gather [spmem:s3], $0x20, s24, s19, $0xb8;
	[tilespmem:$0x1BE00] =	vst v63  }
0x29: {  	s22 =	simm.s32 $0x300  }
0x2a: {  	[tilespmem:s25], [sflag:$0x4] =	stream.indirect.gather [spmem:s3], $0x20, s22, s19, $0xb8;
	[tilespmem:$0x1BE00] =	vst v63  }
0x2b: {  	_ =	swait.ge [sflag:s15], $0x2000  }
0x2c: {  	[sflag:s15] =	ssyncset.done $0x0  }
0x2d: {  	s24 =	simm.s32 $0x5000;
	[sflag:s15] =	ssyncadd.s32 $0xFFFFE000  }
0x2e: {  	[spmem:s2] =	stream.indirect.scatter.add.f32 [tilespmem:s20], [sflag:$0x5], $0x20, s24, s19, $0xb8;
	[tilespmem:$0x1BE00] =	vst v63  }
0x2f: {  	_ =	swait.ge [sflag:s13], $0x2000  }
0x30: {  	[sflag:s13] =	ssyncset.done $0x0  }
0x31: {  	s22 =	simm.s32 $0x400;
	[sflag:s13] =	ssyncadd.s32 $0xFFFFE000  }
0x32: {  	[tilespmem:s20], [sflag:$0x1] =	stream.indirect.gather [spmem:s3], $0x20, s22, s19, $0xb8;
	[tilespmem:$0x1BE00] =	vst v63  }
0x33: {  	_ =	swait.ge [sflag:s26], $0x2000  }
0x34: {  	[sflag:s26] =	ssyncset.done $0x0  }
0x35: {  	s24 =	simm.s32 $0x5100;
	[sflag:s26] =	ssyncadd.s32 $0xFFFFE000  }
0x36: {  	[spmem:s2] =	stream.indirect.scatter.add.f32 [tilespmem:s21], [sflag:$0x5], $0x20, s24, s19, $0xb8;
	[tilespmem:$0x1BE00] =	vst v63  }
0x37: {  	_ =	swait.ge [sflag:s13], $0x2000  }
0x38: {  	[sflag:s13] =	ssyncset.done $0x0  }
0x39: {  	s22 =	simm.s32 $0x500;
	[sflag:s13] =	ssyncadd.s32 $0xFFFFE000  }
0x3a: {  	[tilespmem:s21], [sflag:$0x2] =	stream.indirect.gather [spmem:s3], $0x20, s22, s19, $0xb8;
	[tilespmem:$0x1BE00] =	vst v63  }
0x3b: {  	_ =	swait.ge [sflag:s28], $0x2000  }
0x3c: {  	[sflag:s28] =	ssyncset.done $0x0  }
0x3d: {  	s24 =	simm.s32 $0x5200;
	[sflag:s28] =	ssyncadd.s32 $0xFFFFE000  }
0x3e: {  	[spmem:s2] =	stream.indirect.scatter.add.f32 [tilespmem:s23], [sflag:$0x5], $0x20, s24, s19, $0xb8;
	[tilespmem:$0x1BE00] =	vst v63  }
0x3f: {  	_ =	swait.ge [sflag:s13], $0x2000  }
0x40: {  	[sflag:s13] =	ssyncset.done $0x0  }
0x41: {  	s22 =	simm.s32 $0x600;
	[sflag:s13] =	ssyncadd.s32 $0xFFFFE000  }
0x42: {  	[tilespmem:s23], [sflag:$0x3] =	stream.indirect.gather [spmem:s3], $0x20, s22, s19, $0xb8;
	[tilespmem:$0x1BE00] =	vst v63  }
0x43: {  	_ =	swait.ge [sflag:s16], $0x2000  }
0x44: {  	[sflag:s16] =	ssyncset.done $0x0  }
0x45: {  	s24 =	simm.s32 $0x5300;
	[sflag:s16] =	ssyncadd.s32 $0xFFFFE000  }
0x46: {  	[spmem:s2] =	stream.indirect.scatter.add.f32 [tilespmem:s25], [sflag:$0x5], $0x20, s24, s19, $0xb8;
	[tilespmem:$0x1BE00] =	vst v63  }
0x47: {  	_ =	swait.ge [sflag:s13], $0x2000  }
0x48: {  	[sflag:s13] =	ssyncset.done $0x0  }
0x49: {  	s18 =	simm.s32 $0x1000;
	s22 =	simm.s32 $0x700;
	[sflag:s13] =	ssyncadd.s32 $0xFFFFE000  }
.LBB2_2:
0x4a: {  	[tilespmem:s25], [sflag:$0x4] =	stream.indirect.gather [spmem:s3], $0x20, s22, s19, $0xb8;
	[tilespmem:$0x1BE00] =	vst v63  }
0x4b: {  	s22 =	smov.u32 s18  }
0x4c: {  	p0 =	sne.s32 s18, $0x12000;
	s18 =	sadd.s32 $0x1000, s18;
	_ =	swait.ge [sflag:s15], $0x2000  }
0x4d: {  	s22 =	sshra.s32 s22, $0x2;
	[sflag:s15] =	ssyncset.done $0x0  }
0x4e: {  	s24 =	sadd.s32 $0x5000, s22;
	[sflag:s15] =	ssyncadd.s32 $0xFFFFE000  }
0x4f: {  	[spmem:s2] =	stream.indirect.scatter.add.f32 [tilespmem:s20], [sflag:$0x5], $0x20, s24, s19, $0xb8;
	[tilespmem:$0x1BE00] =	vst v63  }
0x50: {  	_ =	swait.ge [sflag:s13], $0x2000  }
0x51: {  	[sflag:s13] =	ssyncset.done $0x0  }
0x52: {  	s24 =	sadd.s32 $0x400, s22;
	[sflag:s13] =	ssyncadd.s32 $0xFFFFE000  }
0x53: {  	[tilespmem:s20], [sflag:$0x1] =	stream.indirect.gather [spmem:s3], $0x20, s24, s19, $0xb8;
	[tilespmem:$0x1BE00] =	vst v63  }
0x54: {  	_ =	swait.ge [sflag:s26], $0x2000  }
0x55: {  	[sflag:s26] =	ssyncset.done $0x0  }
0x56: {  	s24 =	sadd.s32 $0x5100, s22;
	[sflag:s26] =	ssyncadd.s32 $0xFFFFE000  }
0x57: {  	[spmem:s2] =	stream.indirect.scatter.add.f32 [tilespmem:s21], [sflag:$0x5], $0x20, s24, s19, $0xb8;
	[tilespmem:$0x1BE00] =	vst v63  }
0x58: {  	_ =	swait.ge [sflag:s13], $0x2000  }
0x59: {  	[sflag:s13] =	ssyncset.done $0x0  }
0x5a: {  	s24 =	sadd.s32 $0x500, s22;
	[sflag:s13] =	ssyncadd.s32 $0xFFFFE000  }
0x5b: {  	[tilespmem:s21], [sflag:$0x2] =	stream.indirect.gather [spmem:s3], $0x20, s24, s19, $0xb8;
	[tilespmem:$0x1BE00] =	vst v63  }
0x5c: {  	_ =	swait.ge [sflag:s28], $0x2000  }
0x5d: {  	[sflag:s28] =	ssyncset.done $0x0  }
0x5e: {  	s24 =	sadd.s32 $0x5200, s22;
	[sflag:s28] =	ssyncadd.s32 $0xFFFFE000  }
0x5f: {  	[spmem:s2] =	stream.indirect.scatter.add.f32 [tilespmem:s23], [sflag:$0x5], $0x20, s24, s19, $0xb8;
	[tilespmem:$0x1BE00] =	vst v63  }
0x60: {  	_ =	swait.ge [sflag:s13], $0x2000  }
0x61: {  	[sflag:s13] =	ssyncset.done $0x0  }
0x62: {  	s24 =	sadd.s32 $0x600, s22;
	[sflag:s13] =	ssyncadd.s32 $0xFFFFE000  }
0x63: {  	[tilespmem:s23], [sflag:$0x3] =	stream.indirect.gather [spmem:s3], $0x20, s24, s19, $0xb8;
	[tilespmem:$0x1BE00] =	vst v63  }
0x64: {  	_ =	swait.ge [sflag:s16], $0x2000  }
0x65: {  	[sflag:s16] =	ssyncset.done $0x0  }
.Ltmp0:
0x66: {  	s24 =	sadd.s32 $0x5300, s22;
	[sflag:s16] =	ssyncadd.s32 $0xFFFFE000;
	(pc) =	sbr.rel @p0 .LBB2_2-.Ltmp0, $4  }
0x67: {  	[spmem:s2] =	stream.indirect.scatter.add.f32 [tilespmem:s25], [sflag:$0x5], $0x20, s24, s19, $0xb8;
	[tilespmem:$0x1BE00] =	vst v63  }
0x68: {  	_ =	swait.ge [sflag:s13], $0x2000  }
0x69: {  	[sflag:s13] =	ssyncset.done $0x0  }
0x6a: {  	s22 =	sadd.s32 $0x700, s22;
	[sflag:s13] =	ssyncadd.s32 $0xFFFFE000  }
0x6b: {  	[tilespmem:s25], [sflag:$0x4] =	stream.indirect.gather [spmem:s3], $0x20, s22, s19, $0xb8;
	[tilespmem:$0x1BE00] =	vst v63  }
0x6c: {  	_ =	swait.ge [sflag:s15], $0x2000  }
0x6d: {  	[sflag:s15] =	ssyncset.done $0x0  }
0x6e: {  	[sflag:s15] =	ssyncadd.s32 $0xFFFFE000  }
0x6f: {  	[spmem:s2] =	stream.indirect.scatter.add.f32 [tilespmem:s20], [sflag:$0x5], $0x20, s29, s19, $0xb8;
	[tilespmem:$0x1BE00] =	vst v63  }
0x70: {  	_ =	swait.ge [sflag:s13], $0x2000  }
0x71: {  	[sflag:s13] =	ssyncset.done $0x0  }
0x72: {  	[sflag:s13] =	ssyncadd.s32 $0xFFFFE000  }
0x73: {  	_ =	swait.ge [sflag:s26], $0x2000  }
0x74: {  	[sflag:s26] =	ssyncset.done $0x0  }
0x75: {  	[sflag:s26] =	ssyncadd.s32 $0xFFFFE000  }
0x76: {  	[spmem:s2] =	stream.indirect.scatter.add.f32 [tilespmem:s21], [sflag:$0x5], $0x20, s30, s19, $0xb8;
	[tilespmem:$0x1BE00] =	vst v63  }
0x77: {  	_ =	swait.ge [sflag:s13], $0x2000  }
0x78: {  	[sflag:s13] =	ssyncset.done $0x0  }
0x79: {  	[sflag:s13] =	ssyncadd.s32 $0xFFFFE000  }
0x7a: {  	_ =	swait.ge [sflag:s28], $0x2000  }
0x7b: {  	[sflag:s28] =	ssyncset.done $0x0  }
0x7c: {  	[sflag:s28] =	ssyncadd.s32 $0xFFFFE000  }
0x7d: {  	[spmem:s2] =	stream.indirect.scatter.add.f32 [tilespmem:s23], [sflag:$0x5], $0x20, s31, s19, $0xb8;
	[tilespmem:$0x1BE00] =	vst v63  }
0x7e: {  	_ =	swait.ge [sflag:s13], $0x2000  }
0x7f: {  	[sflag:s13] =	ssyncset.done $0x0  }
0x80: {  	[sflag:s13] =	ssyncadd.s32 $0xFFFFE000  }
0x81: {  	_ =	swait.ge [sflag:s16], $0x2000  }
0x82: {  	[sflag:s16] =	ssyncset.done $0x0  }
0x83: {  	[sflag:s16] =	ssyncadd.s32 $0xFFFFE000  }
0x84: {  	[spmem:s2] =	stream.indirect.scatter.add.f32 [tilespmem:s25], [sflag:$0x5], $0x20, s0, s19, $0xb8;
	[tilespmem:$0x1BE00] =	vst v63  }
0x85: {  	_ =	swait.ge [sflag:s13], $0x2000  }
0x86: {  	s1 =	sadd.s32 $0x1, s1;
	[sflag:s13] =	ssyncset.done $0x0  }
0x87: {  	p0 =	sne.s32 s1, s11;
	[sflag:s13] =	ssyncadd.s32 $0xFFFFE000  }
.Ltmp1:
0x88: {  	[bflag:$0x0] =	sbarrier.arrive $0xFFFF;
	(pc) =	sbr.rel @p0 .LBB2_1-.Ltmp1, $4  }
0x89: {  	[hbm:s10@s17], [sflag:s6] =	dma.strided [spmem:s12@s16], $0x9E0, s15, $0x4   }
0x8a: {  	_ =	swait.ge [sflag:s13], $0x9E0  }
0x8b: {  	[sflag:s13] =	ssyncset.done $0x0  }
0x8c: {  	[sflag:s13] =	ssyncadd.s32 $0xFFFFF620  }
0x8d: {  	_ =	sfence.sel $0x180000  }
0x8e: {  	[bflag:$0x0] =	sbarrier.arrive $0xFFFF  }
0x8f: {  	_ =	strace $0x90000047  }
0x90: {  	s0 =	stileid.u32;
	[bflag:$0x2] =	sbarrier.arrive $0xFFFF  }
0x91: {  	p0 =	sne.s32 s0, $0x0;
	s0 =	rddreg [dreg:$0x3]  }
0x92: {  	s0 =	sadd.s32 @!p0 $0x100000, s0  }
0x93: {  	[sflag:s0] =	ssyncadd.tile.s32 @!p0 $0x1;
	_ =	shalt  }
.Lfunc_end2:
_tile_overlayer_lowered:
.L_overlay_start_2:
0x94: {  	(tag) =	ssettag $0x2  }
0x95: {  	s0 =	rddreg [dreg:$0x0];
	s2 =	stileid.u32  }
0x96: {  	s1 =	rddreg [dreg:$0x1];
	p0 =	sne.s32 s2, $0x0  }
0x97: {  	s3 =	rddreg [dreg:$0x2];
	[bflag:$0x3] =	sbarrier.arrive $0xFFFF;
	s2 =	simm.s32 @!p0 $0x1C05  }
0x98: {  	[timem:s3], [sflag:s2] =	dma.local @!p0 [hbm:s0], s1  }
0x99: {  	s0 =	simm.s32 @!p0 $0x5  }
0x9a: {  	_ =	swait.ge @!p0 [sflag:s0], s1  }
0x9b: {  	s1 =	ssub.s32 @!p0 $0x0, s1;
	[sflag:s0] =	ssyncset.done @!p0 $0x0  }
0x9c: {  	[sflag:s0] =	ssyncadd.s32 @!p0 s1  }
0x9d: {  	[bflag:$0x3] =	sbarrier.arrive $0xFFFF  }
0x9e: {  	_ =	shalt  }

// kernel: kernel.16.cloned.1.call-start
scs
__scs_entry_jumppad:
0x0: {  	(pc) =	sbr.rel $0x88, $3  }
0x1: {  	(tag) =	ssettag $0x0;
	lr =	simm.s32 $0x1  }
0x2: {  	[smem:$0x3F7E] =	sst lr;
	_ =	strace $0xD0000000  }
0x3: {  	_ = 	snop  }
0x4: {  	_ = 	snop  }
0x5: {  	_ = 	snop  }
0x6: {  	_ = 	snop  }
0x7: {  	_ = 	snop  }
__scs_overlays_trampoline_lowered:
0x8: {  	[smem:$0x3F8D] =	sst s0  }
0x9: {  	[smem:$0x3F8E] =	sst s1  }
0xa: {  	[smem:$0x3F8F] =	sst s2  }
0xb: {  	[smem:$0x3F90] =	sst s3  }
0xc: {  	[smem:$0x3F91] =	sst s4  }
0xd: {  	[smem:$0x3F92] =	sst s5  }
0xe: {  	[smem:$0x3F93] =	sst s6  }
0xf: {  	[smem:$0x3F94] =	sst s7  }
0x10: {  	[smem:$0x3F95] =	sst s8  }
0x11: {  	[smem:$0x3F96] =	sst s9;
	s0 =	simm.s32 @!p0 $0x0  }
0x12: {  	s1 =	sld [smem:$0x3F7C];
	s0 =	simm.s32 @p0 $0x1  }
0x13: {  	[smem:$0x3F97] =	sst s0;
	s0 =	simm.s32 @!p1 $0x0  }
0x14: {  	s2 =	sld [smem:$0x3F7B];
	s0 =	simm.s32 @p1 $0x1  }
0x15: {  	[smem:$0x3F98] =	sst s0;
	s0 =	simm.s32 @!p2 $0x0  }
0x16: {  	s3 =	sld [smem:$0x3FDB];
	s0 =	simm.s32 @p2 $0x1  }
0x17: {  	s4 =	simm.s32 $0x1BF5;
	[smem:$0x3F9A] =	sst s0  }
0x18: {  	s0 =	sld [smem:$0x3F7D];
	_ =	swait.ge [sflag:s4], $0x0  }
0x19: {  	s7 =	sld [smem:$0x3F7E]  }
0x1a: {  	s8 =	sadd.s32 $0xFFFFE003, lr  }
0x1b: {  	s9 =	sadd.s32 $0xFFFFFEF7, lr;
	s5 =	simm.s32 $0xFFFFFFFF;
	p2 =	slt.u32 s8, $0xFFFFF086  }
0x1c: {  	p1 =	slt.u32 s9, $0xF7A;
	s5 =	simm.s32 @!p2 $0x0  }
0x1d: {  	s5 =	simm.s32 @p1 $0x1;
	p0 =	seq.s32 s7, s2  }
0x1e: {  	s7 =	smul.u32 @!p0 $0xF7A, s2;
	p2 =	seq.s32 @!p0 s5, $0x0  }
0x1f: {  	s9 =	smul.u32 $0xF7A, s1;
	s8 =	simm.s32 @!p0 $0x1BF5;
	p2 =	por !p2, p0  }
0x20: {  	[sflag:s8] =	ssyncset.s32 @!p0 $0xFFFFF086;
	s6 =	sadd.s32 @!p0 s3, s7;
	s7 =	simm.s32 @!p0 $0x108  }
0x21: {  	s3 =	sadd.s32 s3, s9;
	s6 =	sadd.s32 @!p0 $0x88, s6;
	s7 =	simm.s32 @p2 $0x1082  }
0x22: {  	[simem:s7], [sflag:s8] =	dma.local @!p0 [hbm:s6], $0xF7A  }
0x23: {  	s9 =	sor.u32 $0xD0000000, s2;
	s6 =	simm.s32 $0x108;
	_ =	swait.ge @!p0 [sflag:s8], $0x0  }
0x24: {  	s3 =	sadd.s32 $0x88, s3;
	s6 =	simm.s32 @!p1 $0x1082;
	[sflag:s4] =	ssyncset.s32 $0xFFFFF086  }
0x25: {  	[simem:s6], [sflag:s4] =	dma.local [hbm:s3], $0xF7A  }
0x26: {  	[smem:$0x3F7E] =	sst s1;
	(tag) =	ssettag s2;
	_ =	strace s9  }
0x27: {  	s1 =	sld [smem:$0x3F8E]  }
0x28: {  	s2 =	sld [smem:$0x3F8F]  }
0x29: {  	s4 =	sld [smem:$0x3F91]  }
0x2a: {  	p0 =	seq.s32 s5, $0x0;
	s5 =	sld [smem:$0x3F92]  }
0x2b: {  	s6 =	sld [smem:$0x3F93]  }
0x2c: {  	s7 =	sld [smem:$0x3F94]  }
0x2d: {  	s3 =	simm.s32 $0x108;
	s8 =	sld [smem:$0x3F95]  }
0x2e: {  	s3 =	simm.s32 @!p0 $0x1082;
	s9 =	sld [smem:$0x3F96]  }
0x2f: {  	lr =	sadd.s32 s0, s3;
	s0 =	sld [smem:$0x3F8D]  }
0x30: {  	s3 =	sld [smem:$0x3F90]  }
0x31: {  	[smem:$0x3F99] =	sst s10  }
0x32: {  	s10 =	sld [smem:$0x3F97];
	_ =	sdelay $0x3  }
0x33: {  	p0 =	seq.s32 s10, $0x1;
	s10 =	sld [smem:$0x3F99];
	_ =	sdelay $0x3  }
0x34: {  	[smem:$0x3F99] =	sst s10  }
0x35: {  	s10 =	sld [smem:$0x3F98];
	_ =	sdelay $0x3  }
0x36: {  	p1 =	seq.s32 s10, $0x1;
	s10 =	sld [smem:$0x3F99];
	_ =	sdelay $0x3  }
0x37: {  	[smem:$0x3F99] =	sst s10  }
0x38: {  	s10 =	sld [smem:$0x3F9A]  }
0x39: {  	_ = 	snop;
	(pc) =	sbr.ind lr, $3  }
0x3a: {  	_ = 	snop  }
0x3b: {  	_ = 	snop  }
0x3c: {  	p2 =	seq.s32 s10, $0x1;
	s10 =	sld [smem:$0x3F99]  }
0x3d: {  	_ =	shalt  }
0x3e: {  	_ =	shalt  }
0x3f: {  	_ =	shalt  }
0x40: {  	_ =	shalt  }
0x41: {  	_ =	shalt  }
0x42: {  	_ =	shalt  }
0x43: {  	_ =	shalt  }
0x44: {  	_ =	shalt  }
0x45: {  	_ =	shalt  }
0x46: {  	_ =	shalt  }
0x47: {  	_ =	shalt  }
0x48: {  	_ =	shalt  }
0x49: {  	_ =	shalt  }
0x4a: {  	_ =	shalt  }
0x4b: {  	_ =	shalt  }
0x4c: {  	_ =	shalt  }
0x4d: {  	_ =	shalt  }
0x4e: {  	_ =	shalt  }
0x4f: {  	_ =	shalt  }
0x50: {  	_ =	shalt  }
0x51: {  	_ =	shalt  }
0x52: {  	_ =	shalt  }
0x53: {  	_ =	shalt  }
0x54: {  	_ =	shalt  }
0x55: {  	_ =	shalt  }
0x56: {  	_ =	shalt  }
0x57: {  	_ =	shalt  }
0x58: {  	_ =	shalt  }
0x59: {  	_ =	shalt  }
0x5a: {  	_ =	shalt  }
0x5b: {  	_ =	shalt  }
0x5c: {  	_ =	shalt  }
0x5d: {  	_ =	shalt  }
0x5e: {  	_ =	shalt  }
0x5f: {  	_ =	shalt  }
0x60: {  	_ =	shalt  }
0x61: {  	_ =	shalt  }
0x62: {  	_ =	shalt  }
0x63: {  	_ =	shalt  }
0x64: {  	_ =	shalt  }
0x65: {  	_ =	shalt  }
0x66: {  	_ =	shalt  }
0x67: {  	_ =	shalt  }
0x68: {  	_ =	shalt  }
0x69: {  	_ =	shalt  }
0x6a: {  	_ =	shalt  }
0x6b: {  	_ =	shalt  }
0x6c: {  	_ =	shalt  }
0x6d: {  	_ =	shalt  }
0x6e: {  	_ =	shalt  }
0x6f: {  	_ =	shalt  }
0x70: {  	_ =	shalt  }
0x71: {  	_ =	shalt  }
0x72: {  	_ =	shalt  }
0x73: {  	_ =	shalt  }
0x74: {  	_ =	shalt  }
0x75: {  	_ =	shalt  }
0x76: {  	_ =	shalt  }
0x77: {  	_ =	shalt  }
0x78: {  	_ =	shalt  }
0x79: {  	_ =	shalt  }
0x7a: {  	_ =	shalt  }
0x7b: {  	_ =	shalt  }
0x7c: {  	_ =	shalt  }
0x7d: {  	_ =	shalt  }
0x7e: {  	_ =	shalt  }
0x7f: {  	_ =	shalt  }
0x80: {  	_ =	shalt  }
0x81: {  	_ =	shalt  }
0x82: {  	_ =	shalt  }
0x83: {  	_ =	shalt  }
0x84: {  	_ =	shalt  }
0x85: {  	_ =	shalt  }
0x86: {  	_ =	shalt  }
0x87: {  	_ =	shalt  }
.Lfunc_end0:
.L_simem_size_0:
called_computation.1_lowered:
.L_overlay_start_0:
0x88: {  	s2 =	sld [smem:$0x3FD9]  }
0x89: {  	s3 =	sld [smem:$0x3FFE];
	_ =	sdelay $0x1  }
0x8a: {  	s1 =	srdreg.scid  }
0x8b: {  	s0 =	sand.u32 $0x1, s1  }
0x8c: {  	s16 =	sshll.u32 s0, $0xA;
	s2 =	sadd.s32 s3, s2  }
0x8d: {  	s2 =	sadd.s32 s2, s16  }
0x8e: {  	[smem:$0x3FA5] =	sst s2  }
0x8f: {  	_ = 	snop  }
0x90: {  	(tm) =	ssettm $0x1  }
0x91: {  	s17 =	sld [smem:$0x3FFB];
	_ =	sdelay $0x3  }
0x92: {  	_ =	strace s17  }
0x93: {  	s2 =	sld [smem:$0x3FFC];
	_ =	sdelay $0x3  }
0x94: {  	_ =	strace s2  }
0x95: {  	s2 =	sld [smem:$0x3FFD];
	_ =	sdelay $0x3  }
0x96: {  	_ =	strace s2  }
0x97: {  	_ =	strace $0x8FFFFFFF  }
0x98: {  	s18 =	sld [smem:$0x3FDB];
	_ =	sdelay $0x1  }
0x99: {  	s19 =	simm.s32 $_scs_section_size  }
0x9a: {  	s4 =	simm.s32 $_size__tile_overlayer_lowered;
	s5 =	simm.s32 $_tile_overlayer_lowered  }
0x9b: {  	s22 =	simm.s32 $0x1BFF;
	s21 =	sshll.u32 s5, $0x1;
	s2 =	sadd.s32 s19, s18  }
0x9c: {  	s6 =	simm.s32 $0x0;
	s20 =	sshll.u32 s4, $0x1;
	s4 =	sadd.s32 s21, s2  }
0x9d: {  	[timem:s6], [sflag:s22] =	dma.local [hbm:s4], s20  }
0x9e: {  	_ =	swait.ge [sflag:s22], s20  }
0x9f: {  	s3 =	ssub.s32 $0x0, s20;
	[sflag:s22] =	ssyncset.done $0x0  }
0xa0: {  	[sflag:s22] =	ssyncadd.s32 s3;
	_ =	sdelay $0x1  }
0xa1: {  	s23 =	simm.s32 $0x1B8B  }
0xa2: {  	_ =	swait.ge [sflag:s23], $0x1  }
0xa3: {  	[sflag:s23] =	ssyncset.done $0x0  }
0xa4: {  	s25 =	simm.s32 $0x1B8E;
	s24 =	sld [smem:$0x3FFE];
	[sflag:s23] =	ssyncadd.s32 $0xFFFFFFFF  }
0xa5: {  	s26 =	simm.s32 $execute0_lowered;
	[smem:$0x3FD2] =	sst s25  }
0xa6: {  	s4 =	sshll.u32 s26, $0x1;
	_ =	strace $0x80000049;
	[dreg:$0x1] =	wrdreg $0xFFFFFFFF  }
0xa7: {  	s28 =	simm.s32 $_size_execute0_lowered;
	s2 =	sadd.s32 s2, s4;
	[dreg:$0x0] =	wrdreg $0x0  }
0xa8: {  	s4 =	sshll.u32 s28, $0x1;
	[dreg:$0x2] =	wrdreg s2  }
0xa9: {  	[dreg:$0x3] =	wrdreg s4  }
0xaa: {  	[dreg:$0x4] =	wrdreg $0xC0  }
0xab: {  	_ =	task [dreg:s6], $0x5FFFF  }
0xac: {  	[dreg:$0x1] =	wrdreg $0xFFFFFFFF  }
0xad: {  	[dreg:$0x0] =	wrdreg $0x60  }
0xae: {  	[dreg:$0x2] =	wrdreg s24  }
0xaf: {  	[dreg:$0x3] =	wrdreg $0x120000  }
0xb0: {  	[dreg:$0x4] =	wrdreg $0x16F000  }
0xb1: {  	[dreg:$0x5] =	wrdreg $0x9  }
0xb2: {  	_ =	task.clear_ibuf [dreg:s6], $0x6FFFF;
	_ =	strace $0x90000049  }
0xb3: {  	s29 =	simm.s32 $0x9;
	_ =	strace $0x8000004B  }
0xb4: {  	_ =	swait.ge [sflag:s29], $0x1  }
0xb5: {  	[sflag:s29] =	ssyncadd.s32 $0xFFFFFFFF  }
0xb6: {  	_ =	strace $0x9000004B  }
0xb7: {  	_ =	sfence  }
0xb8: {  	s30 =	sld [smem:$0x0];
	_ =	sdelay $0x2  }
0xb9: {  	s31 =	sshll.u32 s1, $0xD;
	s1 =	sshrl.u32 s1, $0x2  }
0xba: {  	s3 =	sand.u32 $0x4000, s31;
	s1 =	sadd.s32 s1, s30  }
0xbb: {  	s0 =	sor.u32 s3, s0;
	s1 =	sshll.u32 s1, $0x11  }
0xbc: {  	s0 =	sor.u32 s1, s0  }
0xbd: {  	s0 =	sadd.s32 $0x8F2B, s0  }
0xbe: {  	[sflag:s0] =	ssyncadd.remote.s32 $0x1  }
0xbf: {  	_ =	sfence.sel $0xFFFF  }
0xc0: {  	[dreg:$0x0] =	wrdreg $0xFFFFFFFF;
	(pc) =	sbr.abs _section_cstart, $3  }
0xc1: {  	[dreg:$0x1] =	wrdreg $0xFFFFFFFF  }
0xc2: {  	_ =	task.clear_ibuf [dreg:s6], $0x2FFFF;
	_ =	strace $0x9FFFFFFF  }
0xc3: {  	(tm) =	ssettm $0x7FFFFFFF  }
tec
execute0_lowered:
.L_overlay_start_1:
0x0: {  	(tag) =	ssettag $0x1  }
0x1: {  	s0 =	rddreg [dreg:$0x0]  }
0x2: {  	s2 =	rddreg [dreg:$0x1]  }
0x3: {  	s3 =	rddreg [dreg:$0x2];
	s10 =	stileid.u32;
	s4 =	simm.s32 $0x0  }
0x4: {  	s5 =	srdreg.scid;
	s13 =	simm.s32 $0x5;
	s15 =	simm.s32 $0x1  }
0x5: {  	s16 =	simm.s32 $0x4;
	s17 =	simm.s32 $0x8;
	s19 =	simm.s32 $0x100  }
0x6: {  	s20 =	simm.s32 $0xA000;
	s21 =	simm.s32 $0xC000;
	s23 =	simm.s32 $0xE000  }
0x7: {  	s28 =	simm.s32 $0x3;
	s29 =	simm.s32 $0x9C00;
	s1 =	smul.u32 $0xA00, s10  }
0x8: {  	s30 =	simm.s32 $0x9D00;
	s31 =	simm.s32 $0x9E00;
	s7 =	smul.u32 $0x4F00, s10  }
0x9: {  	[smem:$0x7FF] =	sst s4;
	s5 =	sand.u32 $0x1, s5;
	s6 =	smul.u32 $0x9E00, s10  }
0xa: {  	s26 =	sshll.u32 s10, $0x6;
	_ =	strace $0x8000004A;
	s8 =	sshll.u32 s5, $0x5  }
0xb: {  	s5 =	ssub.s32 $0x2, s5;
	s1 =	sadd.s32 s1, s0;
	s9 =	sshrl.u32 s7, $0x3  }
0xc: {  	s6 =	sor.u32 s8, s6;
	s25 =	sshrl.u32 s5, $0x1;
	s12 =	sadd.s32 s7, s2  }
0xd: {  	s14 =	sadd.s32 s7, s3;
	s24 =	sadd.s32 s9, s0;
	s6 =	sshrl.u32 s6, $0x3  }
0xe: {  	s11 =	ssub.s32 s5, s25;
	s8 =	sadd.s32 $0x23C00, s1;
	s9 =	sadd.s32 $0x19C00, s1  }
0xf: {  	s12 =	sshrl.u32 s12, $0x3;
	s14 =	sshrl.u32 s14, $0x3;
	s25 =	simm.s32 $0x10000  }
0x10: {  	s1 =	simm.s32 $0x0;
	s0 =	sadd.s32 s6, s0;
	s5 =	sadd.s32 $0x2DC00, s24  }
0x11: {  	s6 =	sor.u32 $0x1C05, s26;
	s11 =	smax.u32 s11, $0x1;
	s26 =	simm.s32 $0x2  }
0x12: {  	s7 =	sadd.s32 $0x6000, s0;
	s10 =	sadd.s32 $0x37A00, s0;
	s0 =	simm.s32 $0x9F00  }
.LBB2_1:
0x13: {  	[spmem:s12], [sflag:s6] =	dma.local [hbm:s5], $0x9E0  }
0x14: {  	_ =	swait.ge [sflag:s13], $0x9E0  }
0x15: {  	[sflag:s13] =	ssyncset.done $0x0  }
0x16: {  	[sflag:s13] =	ssyncadd.s32 $0xFFFFF620  }
0x17: {  	[spmem:s14@s16], [sflag:s6] =	dma.strided [hbm:s7@s17], $0x9E0, s15, $0x4   }
0x18: {  	_ =	swait.ge [sflag:s13], $0x9E0  }
0x19: {  	[sflag:s13] =	ssyncset.done $0x0  }
0x1a: {  	[sflag:s13] =	ssyncadd.s32 $0xFFFFF620  }
0x1b: {  	[tilespmem:s4], [sflag:$0x5] =	stream.linear.gather [hbm4b:s8+s4], $0x5000, $0x38;
	[tilespmem:$0x1BE00] =	vst v63  }
0x1c: {  	_ =	swait.ge [sflag:s13], $0x5000  }
0x1d: {  	[sflag:s13] =	ssyncset.done $0x0  }
0x1e: {  	s18 =	simm.s32 $0x5000;
	[sflag:s13] =	ssyncadd.s32 $0xFFFFB000  }
0x1f: {  	[tilespmem:s18], [sflag:$0x5] =	stream.linear.gather [hbm4b:s9+s4], $0x5000, $0x38;
	[tilespmem:$0x1BE00] =	vst v63  }
0x20: {  	_ =	swait.ge [sflag:s13], $0x5000  }
0x21: {  	[sflag:s13] =	ssyncset.done $0x0  }
0x22: {  	[sflag:s13] =	ssyncadd.s32 $0xFFFFB000  }
0x23: {  	[bflag:$0x0] =	sbarrier.arrive $0xFFFF  }
0x24: {  	[tilespmem:s20], [sflag:$0x1] =	stream.indirect.gather [spmem:s3], $0x20, s4, s19, $0xb8;
	[tilespmem:$0x1BE00] =	vst v63  }
0x25: {  	_ = 	snop  }
0x26: {  	[tilespmem:s21], [sflag:$0x2] =	stream.indirect.gather [spmem:s3], $0x20, s19, s19, $0xb8;
	[tilespmem:$0x1BE00] =	vst v63  }
0x27: {  	s24 =	simm.s32 $0x200  }
0x28: {  	[tilespmem:s23], [sflag:$0x3] =	stream.indirect.gather [spmem:s3], $0x20, s24, s19, $0xb8;
	[tilespmem:$0x1BE00] =	vst v63  }
0x29: {  	s22 =	simm.s32 $0x300  }
0x2a: {  	[tilespmem:s25], [sflag:$0x4] =	stream.indirect.gather [spmem:s3], $0x20, s22, s19, $0xb8;
	[tilespmem:$0x1BE00] =	vst v63  }
0x2b: {  	_ =	swait.ge [sflag:s15], $0x2000  }
0x2c: {  	[sflag:s15] =	ssyncset.done $0x0  }
0x2d: {  	s24 =	simm.s32 $0x5000;
	[sflag:s15] =	ssyncadd.s32 $0xFFFFE000  }
0x2e: {  	[spmem:s2] =	stream.indirect.scatter.add.f32 [tilespmem:s20], [sflag:$0x5], $0x20, s24, s19, $0xb8;
	[tilespmem:$0x1BE00] =	vst v63  }
0x2f: {  	_ =	swait.ge [sflag:s13], $0x2000  }
0x30: {  	[sflag:s13] =	ssyncset.done $0x0  }
0x31: {  	s22 =	simm.s32 $0x400;
	[sflag:s13] =	ssyncadd.s32 $0xFFFFE000  }
0x32: {  	[tilespmem:s20], [sflag:$0x1] =	stream.indirect.gather [spmem:s3], $0x20, s22, s19, $0xb8;
	[tilespmem:$0x1BE00] =	vst v63  }
0x33: {  	_ =	swait.ge [sflag:s26], $0x2000  }
0x34: {  	[sflag:s26] =	ssyncset.done $0x0  }
0x35: {  	s24 =	simm.s32 $0x5100;
	[sflag:s26] =	ssyncadd.s32 $0xFFFFE000  }
0x36: {  	[spmem:s2] =	stream.indirect.scatter.add.f32 [tilespmem:s21], [sflag:$0x5], $0x20, s24, s19, $0xb8;
	[tilespmem:$0x1BE00] =	vst v63  }
0x37: {  	_ =	swait.ge [sflag:s13], $0x2000  }
0x38: {  	[sflag:s13] =	ssyncset.done $0x0  }
0x39: {  	s22 =	simm.s32 $0x500;
	[sflag:s13] =	ssyncadd.s32 $0xFFFFE000  }
0x3a: {  	[tilespmem:s21], [sflag:$0x2] =	stream.indirect.gather [spmem:s3], $0x20, s22, s19, $0xb8;
	[tilespmem:$0x1BE00] =	vst v63  }
0x3b: {  	_ =	swait.ge [sflag:s28], $0x2000  }
0x3c: {  	[sflag:s28] =	ssyncset.done $0x0  }
0x3d: {  	s24 =	simm.s32 $0x5200;
	[sflag:s28] =	ssyncadd.s32 $0xFFFFE000  }
0x3e: {  	[spmem:s2] =	stream.indirect.scatter.add.f32 [tilespmem:s23], [sflag:$0x5], $0x20, s24, s19, $0xb8;
	[tilespmem:$0x1BE00] =	vst v63  }
0x3f: {  	_ =	swait.ge [sflag:s13], $0x2000  }
0x40: {  	[sflag:s13] =	ssyncset.done $0x0  }
0x41: {  	s22 =	simm.s32 $0x600;
	[sflag:s13] =	ssyncadd.s32 $0xFFFFE000  }
0x42: {  	[tilespmem:s23], [sflag:$0x3] =	stream.indirect.gather [spmem:s3], $0x20, s22, s19, $0xb8;
	[tilespmem:$0x1BE00] =	vst v63  }
0x43: {  	_ =	swait.ge [sflag:s16], $0x2000  }
0x44: {  	[sflag:s16] =	ssyncset.done $0x0  }
0x45: {  	s24 =	simm.s32 $0x5300;
	[sflag:s16] =	ssyncadd.s32 $0xFFFFE000  }
0x46: {  	[spmem:s2] =	stream.indirect.scatter.add.f32 [tilespmem:s25], [sflag:$0x5], $0x20, s24, s19, $0xb8;
	[tilespmem:$0x1BE00] =	vst v63  }
0x47: {  	_ =	swait.ge [sflag:s13], $0x2000  }
0x48: {  	[sflag:s13] =	ssyncset.done $0x0  }
0x49: {  	s18 =	simm.s32 $0x1000;
	s22 =	simm.s32 $0x700;
	[sflag:s13] =	ssyncadd.s32 $0xFFFFE000  }
.LBB2_2:
0x4a: {  	[tilespmem:s25], [sflag:$0x4] =	stream.indirect.gather [spmem:s3], $0x20, s22, s19, $0xb8;
	[tilespmem:$0x1BE00] =	vst v63  }
0x4b: {  	s22 =	smov.u32 s18  }
0x4c: {  	p0 =	sne.s32 s18, $0x12000;
	s18 =	sadd.s32 $0x1000, s18;
	_ =	swait.ge [sflag:s15], $0x2000  }
0x4d: {  	s22 =	sshra.s32 s22, $0x2;
	[sflag:s15] =	ssyncset.done $0x0  }
0x4e: {  	s24 =	sadd.s32 $0x5000, s22;
	[sflag:s15] =	ssyncadd.s32 $0xFFFFE000  }
0x4f: {  	[spmem:s2] =	stream.indirect.scatter.add.f32 [tilespmem:s20], [sflag:$0x5], $0x20, s24, s19, $0xb8;
	[tilespmem:$0x1BE00] =	vst v63  }
0x50: {  	_ =	swait.ge [sflag:s13], $0x2000  }
0x51: {  	[sflag:s13] =	ssyncset.done $0x0  }
0x52: {  	s24 =	sadd.s32 $0x400, s22;
	[sflag:s13] =	ssyncadd.s32 $0xFFFFE000  }
0x53: {  	[tilespmem:s20], [sflag:$0x1] =	stream.indirect.gather [spmem:s3], $0x20, s24, s19, $0xb8;
	[tilespmem:$0x1BE00] =	vst v63  }
0x54: {  	_ =	swait.ge [sflag:s26], $0x2000  }
0x55: {  	[sflag:s26] =	ssyncset.done $0x0  }
0x56: {  	s24 =	sadd.s32 $0x5100, s22;
	[sflag:s26] =	ssyncadd.s32 $0xFFFFE000  }
0x57: {  	[spmem:s2] =	stream.indirect.scatter.add.f32 [tilespmem:s21], [sflag:$0x5], $0x20, s24, s19, $0xb8;
	[tilespmem:$0x1BE00] =	vst v63  }
0x58: {  	_ =	swait.ge [sflag:s13], $0x2000  }
0x59: {  	[sflag:s13] =	ssyncset.done $0x0  }
0x5a: {  	s24 =	sadd.s32 $0x500, s22;
	[sflag:s13] =	ssyncadd.s32 $0xFFFFE000  }
0x5b: {  	[tilespmem:s21], [sflag:$0x2] =	stream.indirect.gather [spmem:s3], $0x20, s24, s19, $0xb8;
	[tilespmem:$0x1BE00] =	vst v63  }
0x5c: {  	_ =	swait.ge [sflag:s28], $0x2000  }
0x5d: {  	[sflag:s28] =	ssyncset.done $0x0  }
0x5e: {  	s24 =	sadd.s32 $0x5200, s22;
	[sflag:s28] =	ssyncadd.s32 $0xFFFFE000  }
0x5f: {  	[spmem:s2] =	stream.indirect.scatter.add.f32 [tilespmem:s23], [sflag:$0x5], $0x20, s24, s19, $0xb8;
	[tilespmem:$0x1BE00] =	vst v63  }
0x60: {  	_ =	swait.ge [sflag:s13], $0x2000  }
0x61: {  	[sflag:s13] =	ssyncset.done $0x0  }
0x62: {  	s24 =	sadd.s32 $0x600, s22;
	[sflag:s13] =	ssyncadd.s32 $0xFFFFE000  }
0x63: {  	[tilespmem:s23], [sflag:$0x3] =	stream.indirect.gather [spmem:s3], $0x20, s24, s19, $0xb8;
	[tilespmem:$0x1BE00] =	vst v63  }
0x64: {  	_ =	swait.ge [sflag:s16], $0x2000  }
0x65: {  	[sflag:s16] =	ssyncset.done $0x0  }
.Ltmp0:
0x66: {  	s24 =	sadd.s32 $0x5300, s22;
	[sflag:s16] =	ssyncadd.s32 $0xFFFFE000;
	(pc) =	sbr.rel @p0 .LBB2_2-.Ltmp0, $4  }
0x67: {  	[spmem:s2] =	stream.indirect.scatter.add.f32 [tilespmem:s25], [sflag:$0x5], $0x20, s24, s19, $0xb8;
	[tilespmem:$0x1BE00] =	vst v63  }
0x68: {  	_ =	swait.ge [sflag:s13], $0x2000  }
0x69: {  	[sflag:s13] =	ssyncset.done $0x0  }
0x6a: {  	s22 =	sadd.s32 $0x700, s22;
	[sflag:s13] =	ssyncadd.s32 $0xFFFFE000  }
0x6b: {  	[tilespmem:s25], [sflag:$0x4] =	stream.indirect.gather [spmem:s3], $0x20, s22, s19, $0xb8;
	[tilespmem:$0x1BE00] =	vst v63  }
0x6c: {  	_ =	swait.ge [sflag:s15], $0x2000  }
0x6d: {  	[sflag:s15] =	ssyncset.done $0x0  }
0x6e: {  	[sflag:s15] =	ssyncadd.s32 $0xFFFFE000  }
0x6f: {  	[spmem:s2] =	stream.indirect.scatter.add.f32 [tilespmem:s20], [sflag:$0x5], $0x20, s29, s19, $0xb8;
	[tilespmem:$0x1BE00] =	vst v63  }
0x70: {  	_ =	swait.ge [sflag:s13], $0x2000  }
0x71: {  	[sflag:s13] =	ssyncset.done $0x0  }
0x72: {  	[sflag:s13] =	ssyncadd.s32 $0xFFFFE000  }
0x73: {  	_ =	swait.ge [sflag:s26], $0x2000  }
0x74: {  	[sflag:s26] =	ssyncset.done $0x0  }
0x75: {  	[sflag:s26] =	ssyncadd.s32 $0xFFFFE000  }
0x76: {  	[spmem:s2] =	stream.indirect.scatter.add.f32 [tilespmem:s21], [sflag:$0x5], $0x20, s30, s19, $0xb8;
	[tilespmem:$0x1BE00] =	vst v63  }
0x77: {  	_ =	swait.ge [sflag:s13], $0x2000  }
0x78: {  	[sflag:s13] =	ssyncset.done $0x0  }
0x79: {  	[sflag:s13] =	ssyncadd.s32 $0xFFFFE000  }
0x7a: {  	_ =	swait.ge [sflag:s28], $0x2000  }
0x7b: {  	[sflag:s28] =	ssyncset.done $0x0  }
0x7c: {  	[sflag:s28] =	ssyncadd.s32 $0xFFFFE000  }
0x7d: {  	[spmem:s2] =	stream.indirect.scatter.add.f32 [tilespmem:s23], [sflag:$0x5], $0x20, s31, s19, $0xb8;
	[tilespmem:$0x1BE00] =	vst v63  }
0x7e: {  	_ =	swait.ge [sflag:s13], $0x2000  }
0x7f: {  	[sflag:s13] =	ssyncset.done $0x0  }
0x80: {  	[sflag:s13] =	ssyncadd.s32 $0xFFFFE000  }
0x81: {  	_ =	swait.ge [sflag:s16], $0x2000  }
0x82: {  	[sflag:s16] =	ssyncset.done $0x0  }
0x83: {  	[sflag:s16] =	ssyncadd.s32 $0xFFFFE000  }
0x84: {  	[spmem:s2] =	stream.indirect.scatter.add.f32 [tilespmem:s25], [sflag:$0x5], $0x20, s0, s19, $0xb8;
	[tilespmem:$0x1BE00] =	vst v63  }
0x85: {  	_ =	swait.ge [sflag:s13], $0x2000  }
0x86: {  	s1 =	sadd.s32 $0x1, s1;
	[sflag:s13] =	ssyncset.done $0x0  }
0x87: {  	p0 =	sne.s32 s1, s11;
	[sflag:s13] =	ssyncadd.s32 $0xFFFFE000  }
.Ltmp1:
0x88: {  	[bflag:$0x0] =	sbarrier.arrive $0xFFFF;
	(pc) =	sbr.rel @p0 .LBB2_1-.Ltmp1, $4  }
0x89: {  	[hbm:s10@s17], [sflag:s6] =	dma.strided [spmem:s12@s16], $0x9E0, s15, $0x4   }
0x8a: {  	_ =	swait.ge [sflag:s13], $0x9E0  }
0x8b: {  	[sflag:s13] =	ssyncset.done $0x0  }
0x8c: {  	[sflag:s13] =	ssyncadd.s32 $0xFFFFF620  }
0x8d: {  	_ =	sfence.sel $0x180000  }
0x8e: {  	[bflag:$0x0] =	sbarrier.arrive $0xFFFF  }
0x8f: {  	_ =	strace $0x9000004A  }
0x90: {  	s0 =	stileid.u32;
	[bflag:$0x2] =	sbarrier.arrive $0xFFFF  }
0x91: {  	p0 =	sne.s32 s0, $0x0;
	s0 =	rddreg [dreg:$0x3]  }
0x92: {  	s0 =	sadd.s32 @!p0 $0x100000, s0  }
0x93: {  	[sflag:s0] =	ssyncadd.tile.s32 @!p0 $0x1;
	_ =	shalt  }
.Lfunc_end2:
_tile_overlayer_lowered:
.L_overlay_start_2:
0x94: {  	(tag) =	ssettag $0x2  }
0x95: {  	s0 =	rddreg [dreg:$0x0];
	s2 =	stileid.u32  }
0x96: {  	s1 =	rddreg [dreg:$0x1];
	p0 =	sne.s32 s2, $0x0  }
0x97: {  	s3 =	rddreg [dreg:$0x2];
	[bflag:$0x3] =	sbarrier.arrive $0xFFFF;
	s2 =	simm.s32 @!p0 $0x1C05  }
0x98: {  	[timem:s3], [sflag:s2] =	dma.local @!p0 [hbm:s0], s1  }
0x99: {  	s0 =	simm.s32 @!p0 $0x5  }
0x9a: {  	_ =	swait.ge @!p0 [sflag:s0], s1  }
0x9b: {  	s1 =	ssub.s32 @!p0 $0x0, s1;
	[sflag:s0] =	ssyncset.done @!p0 $0x0  }
0x9c: {  	[sflag:s0] =	ssyncadd.s32 @!p0 s1  }
0x9d: {  	[bflag:$0x3] =	sbarrier.arrive $0xFFFF  }
0x9e: {  	_ =	shalt  }

// kernel: kernel.19.cloned.1.call-start
scs
__scs_entry_jumppad:
0x0: {  	(pc) =	sbr.rel $0x88, $3  }
0x1: {  	(tag) =	ssettag $0x0;
	lr =	simm.s32 $0x1  }
0x2: {  	[smem:$0x3F7E] =	sst lr;
	_ =	strace $0xD0000000  }
0x3: {  	_ = 	snop  }
0x4: {  	_ = 	snop  }
0x5: {  	_ = 	snop  }
0x6: {  	_ = 	snop  }
0x7: {  	_ = 	snop  }
__scs_overlays_trampoline_lowered:
0x8: {  	[smem:$0x3F8D] =	sst s0  }
0x9: {  	[smem:$0x3F8E] =	sst s1  }
0xa: {  	[smem:$0x3F8F] =	sst s2  }
0xb: {  	[smem:$0x3F90] =	sst s3  }
0xc: {  	[smem:$0x3F91] =	sst s4  }
0xd: {  	[smem:$0x3F92] =	sst s5  }
0xe: {  	[smem:$0x3F93] =	sst s6  }
0xf: {  	[smem:$0x3F94] =	sst s7  }
0x10: {  	[smem:$0x3F95] =	sst s8  }
0x11: {  	[smem:$0x3F96] =	sst s9;
	s0 =	simm.s32 @!p0 $0x0  }
0x12: {  	s1 =	sld [smem:$0x3F7C];
	s0 =	simm.s32 @p0 $0x1  }
0x13: {  	[smem:$0x3F97] =	sst s0;
	s0 =	simm.s32 @!p1 $0x0  }
0x14: {  	s2 =	sld [smem:$0x3F7B];
	s0 =	simm.s32 @p1 $0x1  }
0x15: {  	[smem:$0x3F98] =	sst s0;
	s0 =	simm.s32 @!p2 $0x0  }
0x16: {  	s3 =	sld [smem:$0x3FDB];
	s0 =	simm.s32 @p2 $0x1  }
0x17: {  	s4 =	simm.s32 $0x1BF5;
	[smem:$0x3F9A] =	sst s0  }
0x18: {  	s0 =	sld [smem:$0x3F7D];
	_ =	swait.ge [sflag:s4], $0x0  }
0x19: {  	s7 =	sld [smem:$0x3F7E]  }
0x1a: {  	s8 =	sadd.s32 $0xFFFFE003, lr  }
0x1b: {  	s9 =	sadd.s32 $0xFFFFFEF7, lr;
	s5 =	simm.s32 $0xFFFFFFFF;
	p2 =	slt.u32 s8, $0xFFFFF086  }
0x1c: {  	p1 =	slt.u32 s9, $0xF7A;
	s5 =	simm.s32 @!p2 $0x0  }
0x1d: {  	s5 =	simm.s32 @p1 $0x1;
	p0 =	seq.s32 s7, s2  }
0x1e: {  	s7 =	smul.u32 @!p0 $0xF7A, s2;
	p2 =	seq.s32 @!p0 s5, $0x0  }
0x1f: {  	s9 =	smul.u32 $0xF7A, s1;
	s8 =	simm.s32 @!p0 $0x1BF5;
	p2 =	por !p2, p0  }
0x20: {  	[sflag:s8] =	ssyncset.s32 @!p0 $0xFFFFF086;
	s6 =	sadd.s32 @!p0 s3, s7;
	s7 =	simm.s32 @!p0 $0x108  }
0x21: {  	s3 =	sadd.s32 s3, s9;
	s6 =	sadd.s32 @!p0 $0x88, s6;
	s7 =	simm.s32 @p2 $0x1082  }
0x22: {  	[simem:s7], [sflag:s8] =	dma.local @!p0 [hbm:s6], $0xF7A  }
0x23: {  	s9 =	sor.u32 $0xD0000000, s2;
	s6 =	simm.s32 $0x108;
	_ =	swait.ge @!p0 [sflag:s8], $0x0  }
0x24: {  	s3 =	sadd.s32 $0x88, s3;
	s6 =	simm.s32 @!p1 $0x1082;
	[sflag:s4] =	ssyncset.s32 $0xFFFFF086  }
0x25: {  	[simem:s6], [sflag:s4] =	dma.local [hbm:s3], $0xF7A  }
0x26: {  	[smem:$0x3F7E] =	sst s1;
	(tag) =	ssettag s2;
	_ =	strace s9  }
0x27: {  	s1 =	sld [smem:$0x3F8E]  }
0x28: {  	s2 =	sld [smem:$0x3F8F]  }
0x29: {  	s4 =	sld [smem:$0x3F91]  }
0x2a: {  	p0 =	seq.s32 s5, $0x0;
	s5 =	sld [smem:$0x3F92]  }
0x2b: {  	s6 =	sld [smem:$0x3F93]  }
0x2c: {  	s7 =	sld [smem:$0x3F94]  }
0x2d: {  	s3 =	simm.s32 $0x108;
	s8 =	sld [smem:$0x3F95]  }
0x2e: {  	s3 =	simm.s32 @!p0 $0x1082;
	s9 =	sld [smem:$0x3F96]  }
0x2f: {  	lr =	sadd.s32 s0, s3;
	s0 =	sld [smem:$0x3F8D]  }
0x30: {  	s3 =	sld [smem:$0x3F90]  }
0x31: {  	[smem:$0x3F99] =	sst s10  }
0x32: {  	s10 =	sld [smem:$0x3F97];
	_ =	sdelay $0x3  }
0x33: {  	p0 =	seq.s32 s10, $0x1;
	s10 =	sld [smem:$0x3F99];
	_ =	sdelay $0x3  }
0x34: {  	[smem:$0x3F99] =	sst s10  }
0x35: {  	s10 =	sld [smem:$0x3F98];
	_ =	sdelay $0x3  }
0x36: {  	p1 =	seq.s32 s10, $0x1;
	s10 =	sld [smem:$0x3F99];
	_ =	sdelay $0x3  }
0x37: {  	[smem:$0x3F99] =	sst s10  }
0x38: {  	s10 =	sld [smem:$0x3F9A]  }
0x39: {  	_ = 	snop;
	(pc) =	sbr.ind lr, $3  }
0x3a: {  	_ = 	snop  }
0x3b: {  	_ = 	snop  }
0x3c: {  	p2 =	seq.s32 s10, $0x1;
	s10 =	sld [smem:$0x3F99]  }
0x3d: {  	_ =	shalt  }
0x3e: {  	_ =	shalt  }
0x3f: {  	_ =	shalt  }
0x40: {  	_ =	shalt  }
0x41: {  	_ =	shalt  }
0x42: {  	_ =	shalt  }
0x43: {  	_ =	shalt  }
0x44: {  	_ =	shalt  }
0x45: {  	_ =	shalt  }
0x46: {  	_ =	shalt  }
0x47: {  	_ =	shalt  }
0x48: {  	_ =	shalt  }
0x49: {  	_ =	shalt  }
0x4a: {  	_ =	shalt  }
0x4b: {  	_ =	shalt  }
0x4c: {  	_ =	shalt  }
0x4d: {  	_ =	shalt  }
0x4e: {  	_ =	shalt  }
0x4f: {  	_ =	shalt  }
0x50: {  	_ =	shalt  }
0x51: {  	_ =	shalt  }
0x52: {  	_ =	shalt  }
0x53: {  	_ =	shalt  }
0x54: {  	_ =	shalt  }
0x55: {  	_ =	shalt  }
0x56: {  	_ =	shalt  }
0x57: {  	_ =	shalt  }
0x58: {  	_ =	shalt  }
0x59: {  	_ =	shalt  }
0x5a: {  	_ =	shalt  }
0x5b: {  	_ =	shalt  }
0x5c: {  	_ =	shalt  }
0x5d: {  	_ =	shalt  }
0x5e: {  	_ =	shalt  }
0x5f: {  	_ =	shalt  }
0x60: {  	_ =	shalt  }
0x61: {  	_ =	shalt  }
0x62: {  	_ =	shalt  }
0x63: {  	_ =	shalt  }
0x64: {  	_ =	shalt  }
0x65: {  	_ =	shalt  }
0x66: {  	_ =	shalt  }
0x67: {  	_ =	shalt  }
0x68: {  	_ =	shalt  }
0x69: {  	_ =	shalt  }
0x6a: {  	_ =	shalt  }
0x6b: {  	_ =	shalt  }
0x6c: {  	_ =	shalt  }
0x6d: {  	_ =	shalt  }
0x6e: {  	_ =	shalt  }
0x6f: {  	_ =	shalt  }
0x70: {  	_ =	shalt  }
0x71: {  	_ =	shalt  }
0x72: {  	_ =	shalt  }
0x73: {  	_ =	shalt  }
0x74: {  	_ =	shalt  }
0x75: {  	_ =	shalt  }
0x76: {  	_ =	shalt  }
0x77: {  	_ =	shalt  }
0x78: {  	_ =	shalt  }
0x79: {  	_ =	shalt  }
0x7a: {  	_ =	shalt  }
0x7b: {  	_ =	shalt  }
0x7c: {  	_ =	shalt  }
0x7d: {  	_ =	shalt  }
0x7e: {  	_ =	shalt  }
0x7f: {  	_ =	shalt  }
0x80: {  	_ =	shalt  }
0x81: {  	_ =	shalt  }
0x82: {  	_ =	shalt  }
0x83: {  	_ =	shalt  }
0x84: {  	_ =	shalt  }
0x85: {  	_ =	shalt  }
0x86: {  	_ =	shalt  }
0x87: {  	_ =	shalt  }
.Lfunc_end0:
.L_simem_size_0:
called_computation.2_lowered:
.L_overlay_start_0:
0x88: {  	s2 =	sld [smem:$0x3FD9]  }
0x89: {  	s3 =	sld [smem:$0x3FFE];
	_ =	sdelay $0x1  }
0x8a: {  	s1 =	srdreg.scid  }
0x8b: {  	s0 =	sand.u32 $0x1, s1  }
0x8c: {  	s16 =	sshll.u32 s0, $0xA;
	s2 =	sadd.s32 s3, s2  }
0x8d: {  	s2 =	sadd.s32 s2, s16  }
0x8e: {  	[smem:$0x3FA5] =	sst s2  }
0x8f: {  	_ = 	snop  }
0x90: {  	(tm) =	ssettm $0x1  }
0x91: {  	s17 =	sld [smem:$0x3FFB];
	_ =	sdelay $0x3  }
0x92: {  	_ =	strace s17  }
0x93: {  	s2 =	sld [smem:$0x3FFC];
	_ =	sdelay $0x3  }
0x94: {  	_ =	strace s2  }
0x95: {  	s2 =	sld [smem:$0x3FFD];
	_ =	sdelay $0x3  }
0x96: {  	_ =	strace s2  }
0x97: {  	_ =	strace $0x8FFFFFFF  }
0x98: {  	s18 =	sld [smem:$0x3FDB];
	_ =	sdelay $0x1  }
0x99: {  	s19 =	simm.s32 $_scs_section_size  }
0x9a: {  	s4 =	simm.s32 $_size__tile_overlayer_lowered;
	s5 =	simm.s32 $_tile_overlayer_lowered  }
0x9b: {  	s22 =	simm.s32 $0x1BFF;
	s21 =	sshll.u32 s5, $0x1;
	s2 =	sadd.s32 s19, s18  }
0x9c: {  	s6 =	simm.s32 $0x0;
	s20 =	sshll.u32 s4, $0x1;
	s4 =	sadd.s32 s21, s2  }
0x9d: {  	[timem:s6], [sflag:s22] =	dma.local [hbm:s4], s20  }
0x9e: {  	_ =	swait.ge [sflag:s22], s20  }
0x9f: {  	s3 =	ssub.s32 $0x0, s20;
	[sflag:s22] =	ssyncset.done $0x0  }
0xa0: {  	[sflag:s22] =	ssyncadd.s32 s3;
	_ =	sdelay $0x1  }
0xa1: {  	s23 =	simm.s32 $0x1B8B  }
0xa2: {  	_ =	swait.ge [sflag:s23], $0x1  }
0xa3: {  	[sflag:s23] =	ssyncset.done $0x0  }
0xa4: {  	s25 =	simm.s32 $0x1B8E;
	s24 =	sld [smem:$0x3FFE];
	[sflag:s23] =	ssyncadd.s32 $0xFFFFFFFF  }
0xa5: {  	s26 =	simm.s32 $execute0_lowered;
	[smem:$0x3FD2] =	sst s25  }
0xa6: {  	s4 =	sshll.u32 s26, $0x1;
	_ =	strace $0x8000004C;
	[dreg:$0x1] =	wrdreg $0xFFFFFFFF  }
0xa7: {  	s28 =	simm.s32 $_size_execute0_lowered;
	s2 =	sadd.s32 s2, s4;
	[dreg:$0x0] =	wrdreg $0x0  }
0xa8: {  	s4 =	sshll.u32 s28, $0x1;
	[dreg:$0x2] =	wrdreg s2  }
0xa9: {  	[dreg:$0x3] =	wrdreg s4  }
0xaa: {  	[dreg:$0x4] =	wrdreg $0xC0  }
0xab: {  	_ =	task [dreg:s6], $0x5FFFF  }
0xac: {  	[dreg:$0x1] =	wrdreg $0xFFFFFFFF  }
0xad: {  	[dreg:$0x0] =	wrdreg $0x60  }
0xae: {  	[dreg:$0x2] =	wrdreg s24  }
0xaf: {  	[dreg:$0x3] =	wrdreg $0x120000  }
0xb0: {  	[dreg:$0x4] =	wrdreg $0x16F000  }
0xb1: {  	[dreg:$0x5] =	wrdreg $0x9  }
0xb2: {  	_ =	task.clear_ibuf [dreg:s6], $0x6FFFF;
	_ =	strace $0x9000004C  }
0xb3: {  	s29 =	simm.s32 $0x9;
	_ =	strace $0x8000004E  }
0xb4: {  	_ =	swait.ge [sflag:s29], $0x1  }
0xb5: {  	[sflag:s29] =	ssyncadd.s32 $0xFFFFFFFF  }
0xb6: {  	_ =	strace $0x9000004E  }
0xb7: {  	_ =	sfence  }
0xb8: {  	s30 =	sld [smem:$0x0];
	_ =	sdelay $0x2  }
0xb9: {  	s31 =	sshll.u32 s1, $0xD;
	s1 =	sshrl.u32 s1, $0x2  }
0xba: {  	s3 =	sand.u32 $0x4000, s31;
	s1 =	sadd.s32 s1, s30  }
0xbb: {  	s0 =	sor.u32 s3, s0;
	s1 =	sshll.u32 s1, $0x11  }
0xbc: {  	s0 =	sor.u32 s1, s0  }
0xbd: {  	s0 =	sadd.s32 $0x8F2B, s0  }
0xbe: {  	[sflag:s0] =	ssyncadd.remote.s32 $0x1  }
0xbf: {  	_ =	sfence.sel $0xFFFF  }
0xc0: {  	[dreg:$0x0] =	wrdreg $0xFFFFFFFF;
	(pc) =	sbr.abs _section_cstart, $3  }
0xc1: {  	[dreg:$0x1] =	wrdreg $0xFFFFFFFF  }
0xc2: {  	_ =	task.clear_ibuf [dreg:s6], $0x2FFFF;
	_ =	strace $0x9FFFFFFF  }
0xc3: {  	(tm) =	ssettm $0x7FFFFFFF  }
tec
execute0_lowered:
.L_overlay_start_1:
0x0: {  	(tag) =	ssettag $0x1  }
0x1: {  	s0 =	rddreg [dreg:$0x0]  }
0x2: {  	s2 =	rddreg [dreg:$0x1]  }
0x3: {  	s3 =	rddreg [dreg:$0x2];
	s10 =	stileid.u32;
	s4 =	simm.s32 $0x0  }
0x4: {  	s5 =	srdreg.scid;
	s13 =	simm.s32 $0x5;
	s15 =	simm.s32 $0x1  }
0x5: {  	s16 =	simm.s32 $0x4;
	s17 =	simm.s32 $0x8;
	s19 =	simm.s32 $0x100  }
0x6: {  	s20 =	simm.s32 $0xA000;
	s21 =	simm.s32 $0xC000;
	s23 =	simm.s32 $0xE000  }
0x7: {  	s28 =	simm.s32 $0x3;
	s29 =	simm.s32 $0x9C00;
	s1 =	smul.u32 $0xA00, s10  }
0x8: {  	s30 =	simm.s32 $0x9D00;
	s31 =	simm.s32 $0x9E00;
	s7 =	smul.u32 $0x4F00, s10  }
0x9: {  	[smem:$0x7FF] =	sst s4;
	s5 =	sand.u32 $0x1, s5;
	s6 =	smul.u32 $0x9E00, s10  }
0xa: {  	s26 =	sshll.u32 s10, $0x6;
	_ =	strace $0x8000004D;
	s8 =	sshll.u32 s5, $0x5  }
0xb: {  	s5 =	ssub.s32 $0x2, s5;
	s1 =	sadd.s32 s1, s0;
	s9 =	sshrl.u32 s7, $0x3  }
0xc: {  	s6 =	sor.u32 s8, s6;
	s25 =	sshrl.u32 s5, $0x1;
	s12 =	sadd.s32 s7, s2  }
0xd: {  	s14 =	sadd.s32 s7, s3;
	s24 =	sadd.s32 s9, s0;
	s6 =	sshrl.u32 s6, $0x3  }
0xe: {  	s11 =	ssub.s32 s5, s25;
	s8 =	sadd.s32 $0x23C00, s1;
	s9 =	sadd.s32 $0x19C00, s1  }
0xf: {  	s12 =	sshrl.u32 s12, $0x3;
	s14 =	sshrl.u32 s14, $0x3;
	s25 =	simm.s32 $0x10000  }
0x10: {  	s1 =	simm.s32 $0x0;
	s0 =	sadd.s32 s6, s0;
	s5 =	sadd.s32 $0x2DC00, s24  }
0x11: {  	s6 =	sor.u32 $0x1C05, s26;
	s11 =	smax.u32 s11, $0x1;
	s26 =	simm.s32 $0x2  }
0x12: {  	s7 =	sadd.s32 $0x6000, s0;
	s10 =	sadd.s32 $0x37A00, s0;
	s0 =	simm.s32 $0x9F00  }
.LBB2_1:
0x13: {  	[spmem:s12], [sflag:s6] =	dma.local [hbm:s5], $0x9E0  }
0x14: {  	_ =	swait.ge [sflag:s13], $0x9E0  }
0x15: {  	[sflag:s13] =	ssyncset.done $0x0  }
0x16: {  	[sflag:s13] =	ssyncadd.s32 $0xFFFFF620  }
0x17: {  	[spmem:s14@s16], [sflag:s6] =	dma.strided [hbm:s7@s17], $0x9E0, s15, $0x4   }
0x18: {  	_ =	swait.ge [sflag:s13], $0x9E0  }
0x19: {  	[sflag:s13] =	ssyncset.done $0x0  }
0x1a: {  	[sflag:s13] =	ssyncadd.s32 $0xFFFFF620  }
0x1b: {  	[tilespmem:s4], [sflag:$0x5] =	stream.linear.gather [hbm4b:s8+s4], $0x5000, $0x38;
	[tilespmem:$0x1BE00] =	vst v63  }
0x1c: {  	_ =	swait.ge [sflag:s13], $0x5000  }
0x1d: {  	[sflag:s13] =	ssyncset.done $0x0  }
0x1e: {  	s18 =	simm.s32 $0x5000;
	[sflag:s13] =	ssyncadd.s32 $0xFFFFB000  }
0x1f: {  	[tilespmem:s18], [sflag:$0x5] =	stream.linear.gather [hbm4b:s9+s4], $0x5000, $0x38;
	[tilespmem:$0x1BE00] =	vst v63  }
0x20: {  	_ =	swait.ge [sflag:s13], $0x5000  }
0x21: {  	[sflag:s13] =	ssyncset.done $0x0  }
0x22: {  	[sflag:s13] =	ssyncadd.s32 $0xFFFFB000  }
0x23: {  	[bflag:$0x0] =	sbarrier.arrive $0xFFFF  }
0x24: {  	[tilespmem:s20], [sflag:$0x1] =	stream.indirect.gather [spmem:s3], $0x20, s4, s19, $0xb8;
	[tilespmem:$0x1BE00] =	vst v63  }
0x25: {  	_ = 	snop  }
0x26: {  	[tilespmem:s21], [sflag:$0x2] =	stream.indirect.gather [spmem:s3], $0x20, s19, s19, $0xb8;
	[tilespmem:$0x1BE00] =	vst v63  }
0x27: {  	s24 =	simm.s32 $0x200  }
0x28: {  	[tilespmem:s23], [sflag:$0x3] =	stream.indirect.gather [spmem:s3], $0x20, s24, s19, $0xb8;
	[tilespmem:$0x1BE00] =	vst v63  }
0x29: {  	s22 =	simm.s32 $0x300  }
0x2a: {  	[tilespmem:s25], [sflag:$0x4] =	stream.indirect.gather [spmem:s3], $0x20, s22, s19, $0xb8;
	[tilespmem:$0x1BE00] =	vst v63  }
0x2b: {  	_ =	swait.ge [sflag:s15], $0x2000  }
0x2c: {  	[sflag:s15] =	ssyncset.done $0x0  }
0x2d: {  	s24 =	simm.s32 $0x5000;
	[sflag:s15] =	ssyncadd.s32 $0xFFFFE000  }
0x2e: {  	[spmem:s2] =	stream.indirect.scatter.add.f32 [tilespmem:s20], [sflag:$0x5], $0x20, s24, s19, $0xb8;
	[tilespmem:$0x1BE00] =	vst v63  }
0x2f: {  	_ =	swait.ge [sflag:s13], $0x2000  }
0x30: {  	[sflag:s13] =	ssyncset.done $0x0  }
0x31: {  	s22 =	simm.s32 $0x400;
	[sflag:s13] =	ssyncadd.s32 $0xFFFFE000  }
0x32: {  	[tilespmem:s20], [sflag:$0x1] =	stream.indirect.gather [spmem:s3], $0x20, s22, s19, $0xb8;
	[tilespmem:$0x1BE00] =	vst v63  }
0x33: {  	_ =	swait.ge [sflag:s26], $0x2000  }
0x34: {  	[sflag:s26] =	ssyncset.done $0x0  }
0x35: {  	s24 =	simm.s32 $0x5100;
	[sflag:s26] =	ssyncadd.s32 $0xFFFFE000  }
0x36: {  	[spmem:s2] =	stream.indirect.scatter.add.f32 [tilespmem:s21], [sflag:$0x5], $0x20, s24, s19, $0xb8;
	[tilespmem:$0x1BE00] =	vst v63  }
0x37: {  	_ =	swait.ge [sflag:s13], $0x2000  }
0x38: {  	[sflag:s13] =	ssyncset.done $0x0  }
0x39: {  	s22 =	simm.s32 $0x500;
	[sflag:s13] =	ssyncadd.s32 $0xFFFFE000  }
0x3a: {  	[tilespmem:s21], [sflag:$0x2] =	stream.indirect.gather [spmem:s3], $0x20, s22, s19, $0xb8;
	[tilespmem:$0x1BE00] =	vst v63  }
0x3b: {  	_ =	swait.ge [sflag:s28], $0x2000  }
0x3c: {  	[sflag:s28] =	ssyncset.done $0x0  }
0x3d: {  	s24 =	simm.s32 $0x5200;
	[sflag:s28] =	ssyncadd.s32 $0xFFFFE000  }
0x3e: {  	[spmem:s2] =	stream.indirect.scatter.add.f32 [tilespmem:s23], [sflag:$0x5], $0x20, s24, s19, $0xb8;
	[tilespmem:$0x1BE00] =	vst v63  }
0x3f: {  	_ =	swait.ge [sflag:s13], $0x2000  }
0x40: {  	[sflag:s13] =	ssyncset.done $0x0  }
0x41: {  	s22 =	simm.s32 $0x600;
	[sflag:s13] =	ssyncadd.s32 $0xFFFFE000  }
0x42: {  	[tilespmem:s23], [sflag:$0x3] =	stream.indirect.gather [spmem:s3], $0x20, s22, s19, $0xb8;
	[tilespmem:$0x1BE00] =	vst v63  }
0x43: {  	_ =	swait.ge [sflag:s16], $0x2000  }
0x44: {  	[sflag:s16] =	ssyncset.done $0x0  }
0x45: {  	s24 =	simm.s32 $0x5300;
	[sflag:s16] =	ssyncadd.s32 $0xFFFFE000  }
0x46: {  	[spmem:s2] =	stream.indirect.scatter.add.f32 [tilespmem:s25], [sflag:$0x5], $0x20, s24, s19, $0xb8;
	[tilespmem:$0x1BE00] =	vst v63  }
0x47: {  	_ =	swait.ge [sflag:s13], $0x2000  }
0x48: {  	[sflag:s13] =	ssyncset.done $0x0  }
0x49: {  	s18 =	simm.s32 $0x1000;
	s22 =	simm.s32 $0x700;
	[sflag:s13] =	ssyncadd.s32 $0xFFFFE000  }
.LBB2_2:
0x4a: {  	[tilespmem:s25], [sflag:$0x4] =	stream.indirect.gather [spmem:s3], $0x20, s22, s19, $0xb8;
	[tilespmem:$0x1BE00] =	vst v63  }
0x4b: {  	s22 =	smov.u32 s18  }
0x4c: {  	p0 =	sne.s32 s18, $0x12000;
	s18 =	sadd.s32 $0x1000, s18;
	_ =	swait.ge [sflag:s15], $0x2000  }
0x4d: {  	s22 =	sshra.s32 s22, $0x2;
	[sflag:s15] =	ssyncset.done $0x0  }
0x4e: {  	s24 =	sadd.s32 $0x5000, s22;
	[sflag:s15] =	ssyncadd.s32 $0xFFFFE000  }
0x4f: {  	[spmem:s2] =	stream.indirect.scatter.add.f32 [tilespmem:s20], [sflag:$0x5], $0x20, s24, s19, $0xb8;
	[tilespmem:$0x1BE00] =	vst v63  }
0x50: {  	_ =	swait.ge [sflag:s13], $0x2000  }
0x51: {  	[sflag:s13] =	ssyncset.done $0x0  }
0x52: {  	s24 =	sadd.s32 $0x400, s22;
	[sflag:s13] =	ssyncadd.s32 $0xFFFFE000  }
0x53: {  	[tilespmem:s20], [sflag:$0x1] =	stream.indirect.gather [spmem:s3], $0x20, s24, s19, $0xb8;
	[tilespmem:$0x1BE00] =	vst v63  }
0x54: {  	_ =	swait.ge [sflag:s26], $0x2000  }
0x55: {  	[sflag:s26] =	ssyncset.done $0x0  }
0x56: {  	s24 =	sadd.s32 $0x5100, s22;
	[sflag:s26] =	ssyncadd.s32 $0xFFFFE000  }
0x57: {  	[spmem:s2] =	stream.indirect.scatter.add.f32 [tilespmem:s21], [sflag:$0x5], $0x20, s24, s19, $0xb8;
	[tilespmem:$0x1BE00] =	vst v63  }
0x58: {  	_ =	swait.ge [sflag:s13], $0x2000  }
0x59: {  	[sflag:s13] =	ssyncset.done $0x0  }
0x5a: {  	s24 =	sadd.s32 $0x500, s22;
	[sflag:s13] =	ssyncadd.s32 $0xFFFFE000  }
0x5b: {  	[tilespmem:s21], [sflag:$0x2] =	stream.indirect.gather [spmem:s3], $0x20, s24, s19, $0xb8;
	[tilespmem:$0x1BE00] =	vst v63  }
0x5c: {  	_ =	swait.ge [sflag:s28], $0x2000  }
0x5d: {  	[sflag:s28] =	ssyncset.done $0x0  }
0x5e: {  	s24 =	sadd.s32 $0x5200, s22;
	[sflag:s28] =	ssyncadd.s32 $0xFFFFE000  }
0x5f: {  	[spmem:s2] =	stream.indirect.scatter.add.f32 [tilespmem:s23], [sflag:$0x5], $0x20, s24, s19, $0xb8;
	[tilespmem:$0x1BE00] =	vst v63  }
0x60: {  	_ =	swait.ge [sflag:s13], $0x2000  }
0x61: {  	[sflag:s13] =	ssyncset.done $0x0  }
0x62: {  	s24 =	sadd.s32 $0x600, s22;
	[sflag:s13] =	ssyncadd.s32 $0xFFFFE000  }
0x63: {  	[tilespmem:s23], [sflag:$0x3] =	stream.indirect.gather [spmem:s3], $0x20, s24, s19, $0xb8;
	[tilespmem:$0x1BE00] =	vst v63  }
0x64: {  	_ =	swait.ge [sflag:s16], $0x2000  }
0x65: {  	[sflag:s16] =	ssyncset.done $0x0  }
.Ltmp0:
0x66: {  	s24 =	sadd.s32 $0x5300, s22;
	[sflag:s16] =	ssyncadd.s32 $0xFFFFE000;
	(pc) =	sbr.rel @p0 .LBB2_2-.Ltmp0, $4  }
0x67: {  	[spmem:s2] =	stream.indirect.scatter.add.f32 [tilespmem:s25], [sflag:$0x5], $0x20, s24, s19, $0xb8;
	[tilespmem:$0x1BE00] =	vst v63  }
0x68: {  	_ =	swait.ge [sflag:s13], $0x2000  }
0x69: {  	[sflag:s13] =	ssyncset.done $0x0  }
0x6a: {  	s22 =	sadd.s32 $0x700, s22;
	[sflag:s13] =	ssyncadd.s32 $0xFFFFE000  }
0x6b: {  	[tilespmem:s25], [sflag:$0x4] =	stream.indirect.gather [spmem:s3], $0x20, s22, s19, $0xb8;
	[tilespmem:$0x1BE00] =	vst v63  }
0x6c: {  	_ =	swait.ge [sflag:s15], $0x2000  }
0x6d: {  	[sflag:s15] =	ssyncset.done $0x0  }
0x6e: {  	[sflag:s15] =	ssyncadd.s32 $0xFFFFE000  }
0x6f: {  	[spmem:s2] =	stream.indirect.scatter.add.f32 [tilespmem:s20], [sflag:$0x5], $0x20, s29, s19, $0xb8;
	[tilespmem:$0x1BE00] =	vst v63  }
0x70: {  	_ =	swait.ge [sflag:s13], $0x2000  }
0x71: {  	[sflag:s13] =	ssyncset.done $0x0  }
0x72: {  	[sflag:s13] =	ssyncadd.s32 $0xFFFFE000  }
0x73: {  	_ =	swait.ge [sflag:s26], $0x2000  }
0x74: {  	[sflag:s26] =	ssyncset.done $0x0  }
0x75: {  	[sflag:s26] =	ssyncadd.s32 $0xFFFFE000  }
0x76: {  	[spmem:s2] =	stream.indirect.scatter.add.f32 [tilespmem:s21], [sflag:$0x5], $0x20, s30, s19, $0xb8;
	[tilespmem:$0x1BE00] =	vst v63  }
0x77: {  	_ =	swait.ge [sflag:s13], $0x2000  }
0x78: {  	[sflag:s13] =	ssyncset.done $0x0  }
0x79: {  	[sflag:s13] =	ssyncadd.s32 $0xFFFFE000  }
0x7a: {  	_ =	swait.ge [sflag:s28], $0x2000  }
0x7b: {  	[sflag:s28] =	ssyncset.done $0x0  }
0x7c: {  	[sflag:s28] =	ssyncadd.s32 $0xFFFFE000  }
0x7d: {  	[spmem:s2] =	stream.indirect.scatter.add.f32 [tilespmem:s23], [sflag:$0x5], $0x20, s31, s19, $0xb8;
	[tilespmem:$0x1BE00] =	vst v63  }
0x7e: {  	_ =	swait.ge [sflag:s13], $0x2000  }
0x7f: {  	[sflag:s13] =	ssyncset.done $0x0  }
0x80: {  	[sflag:s13] =	ssyncadd.s32 $0xFFFFE000  }
0x81: {  	_ =	swait.ge [sflag:s16], $0x2000  }
0x82: {  	[sflag:s16] =	ssyncset.done $0x0  }
0x83: {  	[sflag:s16] =	ssyncadd.s32 $0xFFFFE000  }
0x84: {  	[spmem:s2] =	stream.indirect.scatter.add.f32 [tilespmem:s25], [sflag:$0x5], $0x20, s0, s19, $0xb8;
	[tilespmem:$0x1BE00] =	vst v63  }
0x85: {  	_ =	swait.ge [sflag:s13], $0x2000  }
0x86: {  	s1 =	sadd.s32 $0x1, s1;
	[sflag:s13] =	ssyncset.done $0x0  }
0x87: {  	p0 =	sne.s32 s1, s11;
	[sflag:s13] =	ssyncadd.s32 $0xFFFFE000  }
.Ltmp1:
0x88: {  	[bflag:$0x0] =	sbarrier.arrive $0xFFFF;
	(pc) =	sbr.rel @p0 .LBB2_1-.Ltmp1, $4  }
0x89: {  	[hbm:s10@s17], [sflag:s6] =	dma.strided [spmem:s12@s16], $0x9E0, s15, $0x4   }
0x8a: {  	_ =	swait.ge [sflag:s13], $0x9E0  }
0x8b: {  	[sflag:s13] =	ssyncset.done $0x0  }
0x8c: {  	[sflag:s13] =	ssyncadd.s32 $0xFFFFF620  }
0x8d: {  	_ =	sfence.sel $0x180000  }
0x8e: {  	[bflag:$0x0] =	sbarrier.arrive $0xFFFF  }
0x8f: {  	_ =	strace $0x9000004D  }
0x90: {  	s0 =	stileid.u32;
	[bflag:$0x2] =	sbarrier.arrive $0xFFFF  }
0x91: {  	p0 =	sne.s32 s0, $0x0;
	s0 =	rddreg [dreg:$0x3]  }
0x92: {  	s0 =	sadd.s32 @!p0 $0x100000, s0  }
0x93: {  	[sflag:s0] =	ssyncadd.tile.s32 @!p0 $0x1;
	_ =	shalt  }
.Lfunc_end2:
_tile_overlayer_lowered:
.L_overlay_start_2:
0x94: {  	(tag) =	ssettag $0x2  }
0x95: {  	s0 =	rddreg [dreg:$0x0];
	s2 =	stileid.u32  }
0x96: {  	s1 =	rddreg [dreg:$0x1];
	p0 =	sne.s32 s2, $0x0  }
0x97: {  	s3 =	rddreg [dreg:$0x2];
	[bflag:$0x3] =	sbarrier.arrive $0xFFFF;
	s2 =	simm.s32 @!p0 $0x1C05  }
0x98: {  	[timem:s3], [sflag:s2] =	dma.local @!p0 [hbm:s0], s1  }
0x99: {  	s0 =	simm.s32 @!p0 $0x5  }
0x9a: {  	_ =	swait.ge @!p0 [sflag:s0], s1  }
0x9b: {  	s1 =	ssub.s32 @!p0 $0x0, s1;
	[sflag:s0] =	ssyncset.done @!p0 $0x0  }
0x9c: {  	[sflag:s0] =	ssyncadd.s32 @!p0 s1  }
0x9d: {  	[bflag:$0x3] =	sbarrier.arrive $0xFFFF  }
0x9e: {  	_ =	shalt  }

// kernel: kernel.22.cloned.1.call-start
scs
__scs_entry_jumppad:
0x0: {  	(pc) =	sbr.rel $0x88, $3  }
0x1: {  	(tag) =	ssettag $0x0;
	lr =	simm.s32 $0x1  }
0x2: {  	[smem:$0x3F7E] =	sst lr;
	_ =	strace $0xD0000000  }
0x3: {  	_ = 	snop  }
0x4: {  	_ = 	snop  }
0x5: {  	_ = 	snop  }
0x6: {  	_ = 	snop  }
0x7: {  	_ = 	snop  }
__scs_overlays_trampoline_lowered:
0x8: {  	[smem:$0x3F8D] =	sst s0  }
0x9: {  	[smem:$0x3F8E] =	sst s1  }
0xa: {  	[smem:$0x3F8F] =	sst s2  }
0xb: {  	[smem:$0x3F90] =	sst s3  }
0xc: {  	[smem:$0x3F91] =	sst s4  }
0xd: {  	[smem:$0x3F92] =	sst s5  }
0xe: {  	[smem:$0x3F93] =	sst s6  }
0xf: {  	[smem:$0x3F94] =	sst s7  }
0x10: {  	[smem:$0x3F95] =	sst s8  }
0x11: {  	[smem:$0x3F96] =	sst s9;
	s0 =	simm.s32 @!p0 $0x0  }
0x12: {  	s1 =	sld [smem:$0x3F7C];
	s0 =	simm.s32 @p0 $0x1  }
0x13: {  	[smem:$0x3F97] =	sst s0;
	s0 =	simm.s32 @!p1 $0x0  }
0x14: {  	s2 =	sld [smem:$0x3F7B];
	s0 =	simm.s32 @p1 $0x1  }
0x15: {  	[smem:$0x3F98] =	sst s0;
	s0 =	simm.s32 @!p2 $0x0  }
0x16: {  	s3 =	sld [smem:$0x3FDB];
	s0 =	simm.s32 @p2 $0x1  }
0x17: {  	s4 =	simm.s32 $0x1BF5;
	[smem:$0x3F9A] =	sst s0  }
0x18: {  	s0 =	sld [smem:$0x3F7D];
	_ =	swait.ge [sflag:s4], $0x0  }
0x19: {  	s7 =	sld [smem:$0x3F7E]  }
0x1a: {  	s8 =	sadd.s32 $0xFFFFE003, lr  }
0x1b: {  	s9 =	sadd.s32 $0xFFFFFEF7, lr;
	s5 =	simm.s32 $0xFFFFFFFF;
	p2 =	slt.u32 s8, $0xFFFFF086  }
0x1c: {  	p1 =	slt.u32 s9, $0xF7A;
	s5 =	simm.s32 @!p2 $0x0  }
0x1d: {  	s5 =	simm.s32 @p1 $0x1;
	p0 =	seq.s32 s7, s2  }
0x1e: {  	s7 =	smul.u32 @!p0 $0xF7A, s2;
	p2 =	seq.s32 @!p0 s5, $0x0  }
0x1f: {  	s9 =	smul.u32 $0xF7A, s1;
	s8 =	simm.s32 @!p0 $0x1BF5;
	p2 =	por !p2, p0  }
0x20: {  	[sflag:s8] =	ssyncset.s32 @!p0 $0xFFFFF086;
	s6 =	sadd.s32 @!p0 s3, s7;
	s7 =	simm.s32 @!p0 $0x108  }
0x21: {  	s3 =	sadd.s32 s3, s9;
	s6 =	sadd.s32 @!p0 $0x88, s6;
	s7 =	simm.s32 @p2 $0x1082  }
0x22: {  	[simem:s7], [sflag:s8] =	dma.local @!p0 [hbm:s6], $0xF7A  }
0x23: {  	s9 =	sor.u32 $0xD0000000, s2;
	s6 =	simm.s32 $0x108;
	_ =	swait.ge @!p0 [sflag:s8], $0x0  }
0x24: {  	s3 =	sadd.s32 $0x88, s3;
	s6 =	simm.s32 @!p1 $0x1082;
	[sflag:s4] =	ssyncset.s32 $0xFFFFF086  }
0x25: {  	[simem:s6], [sflag:s4] =	dma.local [hbm:s3], $0xF7A  }
0x26: {  	[smem:$0x3F7E] =	sst s1;
	(tag) =	ssettag s2;
	_ =	strace s9  }
0x27: {  	s1 =	sld [smem:$0x3F8E]  }
0x28: {  	s2 =	sld [smem:$0x3F8F]  }
0x29: {  	s4 =	sld [smem:$0x3F91]  }
0x2a: {  	p0 =	seq.s32 s5, $0x0;
	s5 =	sld [smem:$0x3F92]  }
0x2b: {  	s6 =	sld [smem:$0x3F93]  }
0x2c: {  	s7 =	sld [smem:$0x3F94]  }
0x2d: {  	s3 =	simm.s32 $0x108;
	s8 =	sld [smem:$0x3F95]  }
0x2e: {  	s3 =	simm.s32 @!p0 $0x1082;
	s9 =	sld [smem:$0x3F96]  }
0x2f: {  	lr =	sadd.s32 s0, s3;
	s0 =	sld [smem:$0x3F8D]  }
0x30: {  	s3 =	sld [smem:$0x3F90]  }
0x31: {  	[smem:$0x3F99] =	sst s10  }
0x32: {  	s10 =	sld [smem:$0x3F97];
	_ =	sdelay $0x3  }
0x33: {  	p0 =	seq.s32 s10, $0x1;
	s10 =	sld [smem:$0x3F99];
	_ =	sdelay $0x3  }
0x34: {  	[smem:$0x3F99] =	sst s10  }
0x35: {  	s10 =	sld [smem:$0x3F98];
	_ =	sdelay $0x3  }
0x36: {  	p1 =	seq.s32 s10, $0x1;
	s10 =	sld [smem:$0x3F99];
	_ =	sdelay $0x3  }
0x37: {  	[smem:$0x3F99] =	sst s10  }
0x38: {  	s10 =	sld [smem:$0x3F9A]  }
0x39: {  	_ = 	snop;
	(pc) =	sbr.ind lr, $3  }
0x3a: {  	_ = 	snop  }
0x3b: {  	_ = 	snop  }
0x3c: {  	p2 =	seq.s32 s10, $0x1;
	s10 =	sld [smem:$0x3F99]  }
0x3d: {  	_ =	shalt  }
0x3e: {  	_ =	shalt  }
0x3f: {  	_ =	shalt  }
0x40: {  	_ =	shalt  }
0x41: {  	_ =	shalt  }
0x42: {  	_ =	shalt  }
0x43: {  	_ =	shalt  }
0x44: {  	_ =	shalt  }
0x45: {  	_ =	shalt  }
0x46: {  	_ =	shalt  }
0x47: {  	_ =	shalt  }
0x48: {  	_ =	shalt  }
0x49: {  	_ =	shalt  }
0x4a: {  	_ =	shalt  }
0x4b: {  	_ =	shalt  }
0x4c: {  	_ =	shalt  }
0x4d: {  	_ =	shalt  }
0x4e: {  	_ =	shalt  }
0x4f: {  	_ =	shalt  }
0x50: {  	_ =	shalt  }
0x51: {  	_ =	shalt  }
0x52: {  	_ =	shalt  }
0x53: {  	_ =	shalt  }
0x54: {  	_ =	shalt  }
0x55: {  	_ =	shalt  }
0x56: {  	_ =	shalt  }
0x57: {  	_ =	shalt  }
0x58: {  	_ =	shalt  }
0x59: {  	_ =	shalt  }
0x5a: {  	_ =	shalt  }
0x5b: {  	_ =	shalt  }
0x5c: {  	_ =	shalt  }
0x5d: {  	_ =	shalt  }
0x5e: {  	_ =	shalt  }
0x5f: {  	_ =	shalt  }
0x60: {  	_ =	shalt  }
0x61: {  	_ =	shalt  }
0x62: {  	_ =	shalt  }
0x63: {  	_ =	shalt  }
0x64: {  	_ =	shalt  }
0x65: {  	_ =	shalt  }
0x66: {  	_ =	shalt  }
0x67: {  	_ =	shalt  }
0x68: {  	_ =	shalt  }
0x69: {  	_ =	shalt  }
0x6a: {  	_ =	shalt  }
0x6b: {  	_ =	shalt  }
0x6c: {  	_ =	shalt  }
0x6d: {  	_ =	shalt  }
0x6e: {  	_ =	shalt  }
0x6f: {  	_ =	shalt  }
0x70: {  	_ =	shalt  }
0x71: {  	_ =	shalt  }
0x72: {  	_ =	shalt  }
0x73: {  	_ =	shalt  }
0x74: {  	_ =	shalt  }
0x75: {  	_ =	shalt  }
0x76: {  	_ =	shalt  }
0x77: {  	_ =	shalt  }
0x78: {  	_ =	shalt  }
0x79: {  	_ =	shalt  }
0x7a: {  	_ =	shalt  }
0x7b: {  	_ =	shalt  }
0x7c: {  	_ =	shalt  }
0x7d: {  	_ =	shalt  }
0x7e: {  	_ =	shalt  }
0x7f: {  	_ =	shalt  }
0x80: {  	_ =	shalt  }
0x81: {  	_ =	shalt  }
0x82: {  	_ =	shalt  }
0x83: {  	_ =	shalt  }
0x84: {  	_ =	shalt  }
0x85: {  	_ =	shalt  }
0x86: {  	_ =	shalt  }
0x87: {  	_ =	shalt  }
.Lfunc_end0:
.L_simem_size_0:
called_computation.3_lowered:
.L_overlay_start_0:
0x88: {  	s2 =	sld [smem:$0x3FD9]  }
0x89: {  	s3 =	sld [smem:$0x3FFE];
	_ =	sdelay $0x1  }
0x8a: {  	s1 =	srdreg.scid  }
0x8b: {  	s0 =	sand.u32 $0x1, s1  }
0x8c: {  	s16 =	sshll.u32 s0, $0xA;
	s2 =	sadd.s32 s3, s2  }
0x8d: {  	s2 =	sadd.s32 s2, s16  }
0x8e: {  	[smem:$0x3FA5] =	sst s2  }
0x8f: {  	_ = 	snop  }
0x90: {  	(tm) =	ssettm $0x1  }
0x91: {  	s17 =	sld [smem:$0x3FFB];
	_ =	sdelay $0x3  }
0x92: {  	_ =	strace s17  }
0x93: {  	s2 =	sld [smem:$0x3FFC];
	_ =	sdelay $0x3  }
0x94: {  	_ =	strace s2  }
0x95: {  	s2 =	sld [smem:$0x3FFD];
	_ =	sdelay $0x3  }
0x96: {  	_ =	strace s2  }
0x97: {  	_ =	strace $0x8FFFFFFF  }
0x98: {  	s18 =	sld [smem:$0x3FDB];
	_ =	sdelay $0x1  }
0x99: {  	s19 =	simm.s32 $_scs_section_size  }
0x9a: {  	s4 =	simm.s32 $_size__tile_overlayer_lowered;
	s5 =	simm.s32 $_tile_overlayer_lowered  }
0x9b: {  	s22 =	simm.s32 $0x1BFF;
	s21 =	sshll.u32 s5, $0x1;
	s2 =	sadd.s32 s19, s18  }
0x9c: {  	s6 =	simm.s32 $0x0;
	s20 =	sshll.u32 s4, $0x1;
	s4 =	sadd.s32 s21, s2  }
0x9d: {  	[timem:s6], [sflag:s22] =	dma.local [hbm:s4], s20  }
0x9e: {  	_ =	swait.ge [sflag:s22], s20  }
0x9f: {  	s3 =	ssub.s32 $0x0, s20;
	[sflag:s22] =	ssyncset.done $0x0  }
0xa0: {  	[sflag:s22] =	ssyncadd.s32 s3;
	_ =	sdelay $0x1  }
0xa1: {  	s23 =	simm.s32 $0x1B8B  }
0xa2: {  	_ =	swait.ge [sflag:s23], $0x1  }
0xa3: {  	[sflag:s23] =	ssyncset.done $0x0  }
0xa4: {  	s25 =	simm.s32 $0x1B8E;
	s24 =	sld [smem:$0x3FFE];
	[sflag:s23] =	ssyncadd.s32 $0xFFFFFFFF  }
0xa5: {  	s26 =	simm.s32 $execute0_lowered;
	[smem:$0x3FD2] =	sst s25  }
0xa6: {  	s4 =	sshll.u32 s26, $0x1;
	_ =	strace $0x8000004F;
	[dreg:$0x1] =	wrdreg $0xFFFFFFFF  }
0xa7: {  	s28 =	simm.s32 $_size_execute0_lowered;
	s2 =	sadd.s32 s2, s4;
	[dreg:$0x0] =	wrdreg $0x0  }
0xa8: {  	s4 =	sshll.u32 s28, $0x1;
	[dreg:$0x2] =	wrdreg s2  }
0xa9: {  	[dreg:$0x3] =	wrdreg s4  }
0xaa: {  	[dreg:$0x4] =	wrdreg $0xC0  }
0xab: {  	_ =	task [dreg:s6], $0x5FFFF  }
0xac: {  	[dreg:$0x1] =	wrdreg $0xFFFFFFFF  }
0xad: {  	[dreg:$0x0] =	wrdreg $0x60  }
0xae: {  	[dreg:$0x2] =	wrdreg s24  }
0xaf: {  	[dreg:$0x3] =	wrdreg $0x120000  }
0xb0: {  	[dreg:$0x4] =	wrdreg $0x16F000  }
0xb1: {  	[dreg:$0x5] =	wrdreg $0x9  }
0xb2: {  	_ =	task.clear_ibuf [dreg:s6], $0x6FFFF;
	_ =	strace $0x9000004F  }
0xb3: {  	s29 =	simm.s32 $0x9;
	_ =	strace $0x80000051  }
0xb4: {  	_ =	swait.ge [sflag:s29], $0x1  }
0xb5: {  	[sflag:s29] =	ssyncadd.s32 $0xFFFFFFFF  }
0xb6: {  	_ =	strace $0x90000051  }
0xb7: {  	_ =	sfence  }
0xb8: {  	s30 =	sld [smem:$0x0];
	_ =	sdelay $0x2  }
0xb9: {  	s31 =	sshll.u32 s1, $0xD;
	s1 =	sshrl.u32 s1, $0x2  }
0xba: {  	s3 =	sand.u32 $0x4000, s31;
	s1 =	sadd.s32 s1, s30  }
0xbb: {  	s0 =	sor.u32 s3, s0;
	s1 =	sshll.u32 s1, $0x11  }
0xbc: {  	s0 =	sor.u32 s1, s0  }
0xbd: {  	s0 =	sadd.s32 $0x8F2B, s0  }
0xbe: {  	[sflag:s0] =	ssyncadd.remote.s32 $0x1  }
0xbf: {  	_ =	sfence.sel $0xFFFF  }
0xc0: {  	[dreg:$0x0] =	wrdreg $0xFFFFFFFF;
	(pc) =	sbr.abs _section_cstart, $3  }
0xc1: {  	[dreg:$0x1] =	wrdreg $0xFFFFFFFF  }
0xc2: {  	_ =	task.clear_ibuf [dreg:s6], $0x2FFFF;
	_ =	strace $0x9FFFFFFF  }
0xc3: {  	(tm) =	ssettm $0x7FFFFFFF  }
tec
execute0_lowered:
.L_overlay_start_1:
0x0: {  	(tag) =	ssettag $0x1  }
0x1: {  	s0 =	rddreg [dreg:$0x0]  }
0x2: {  	s2 =	rddreg [dreg:$0x1]  }
0x3: {  	s3 =	rddreg [dreg:$0x2];
	s10 =	stileid.u32;
	s4 =	simm.s32 $0x0  }
0x4: {  	s5 =	srdreg.scid;
	s13 =	simm.s32 $0x5;
	s15 =	simm.s32 $0x1  }
0x5: {  	s16 =	simm.s32 $0x4;
	s17 =	simm.s32 $0x8;
	s19 =	simm.s32 $0x100  }
0x6: {  	s20 =	simm.s32 $0xA000;
	s21 =	simm.s32 $0xC000;
	s23 =	simm.s32 $0xE000  }
0x7: {  	s28 =	simm.s32 $0x3;
	s29 =	simm.s32 $0x9C00;
	s1 =	smul.u32 $0xA00, s10  }
0x8: {  	s30 =	simm.s32 $0x9D00;
	s31 =	simm.s32 $0x9E00;
	s7 =	smul.u32 $0x4F00, s10  }
0x9: {  	[smem:$0x7FF] =	sst s4;
	s5 =	sand.u32 $0x1, s5;
	s6 =	smul.u32 $0x9E00, s10  }
0xa: {  	s26 =	sshll.u32 s10, $0x6;
	_ =	strace $0x80000050;
	s8 =	sshll.u32 s5, $0x5  }
0xb: {  	s5 =	ssub.s32 $0x2, s5;
	s1 =	sadd.s32 s1, s0;
	s9 =	sshrl.u32 s7, $0x3  }
0xc: {  	s6 =	sor.u32 s8, s6;
	s25 =	sshrl.u32 s5, $0x1;
	s12 =	sadd.s32 s7, s2  }
0xd: {  	s14 =	sadd.s32 s7, s3;
	s24 =	sadd.s32 s9, s0;
	s6 =	sshrl.u32 s6, $0x3  }
0xe: {  	s11 =	ssub.s32 s5, s25;
	s8 =	sadd.s32 $0x23C00, s1;
	s9 =	sadd.s32 $0x19C00, s1  }
0xf: {  	s12 =	sshrl.u32 s12, $0x3;
	s14 =	sshrl.u32 s14, $0x3;
	s25 =	simm.s32 $0x10000  }
0x10: {  	s1 =	simm.s32 $0x0;
	s0 =	sadd.s32 s6, s0;
	s5 =	sadd.s32 $0x2DC00, s24  }
0x11: {  	s6 =	sor.u32 $0x1C05, s26;
	s11 =	smax.u32 s11, $0x1;
	s26 =	simm.s32 $0x2  }
0x12: {  	s7 =	sadd.s32 $0x6000, s0;
	s10 =	sadd.s32 $0x37A00, s0;
	s0 =	simm.s32 $0x9F00  }
.LBB2_1:
0x13: {  	[spmem:s12], [sflag:s6] =	dma.local [hbm:s5], $0x9E0  }
0x14: {  	_ =	swait.ge [sflag:s13], $0x9E0  }
0x15: {  	[sflag:s13] =	ssyncset.done $0x0  }
0x16: {  	[sflag:s13] =	ssyncadd.s32 $0xFFFFF620  }
0x17: {  	[spmem:s14@s16], [sflag:s6] =	dma.strided [hbm:s7@s17], $0x9E0, s15, $0x4   }
0x18: {  	_ =	swait.ge [sflag:s13], $0x9E0  }
0x19: {  	[sflag:s13] =	ssyncset.done $0x0  }
0x1a: {  	[sflag:s13] =	ssyncadd.s32 $0xFFFFF620  }
0x1b: {  	[tilespmem:s4], [sflag:$0x5] =	stream.linear.gather [hbm4b:s8+s4], $0x5000, $0x38;
	[tilespmem:$0x1BE00] =	vst v63  }
0x1c: {  	_ =	swait.ge [sflag:s13], $0x5000  }
0x1d: {  	[sflag:s13] =	ssyncset.done $0x0  }
0x1e: {  	s18 =	simm.s32 $0x5000;
	[sflag:s13] =	ssyncadd.s32 $0xFFFFB000  }
0x1f: {  	[tilespmem:s18], [sflag:$0x5] =	stream.linear.gather [hbm4b:s9+s4], $0x5000, $0x38;
	[tilespmem:$0x1BE00] =	vst v63  }
0x20: {  	_ =	swait.ge [sflag:s13], $0x5000  }
0x21: {  	[sflag:s13] =	ssyncset.done $0x0  }
0x22: {  	[sflag:s13] =	ssyncadd.s32 $0xFFFFB000  }
0x23: {  	[bflag:$0x0] =	sbarrier.arrive $0xFFFF  }
0x24: {  	[tilespmem:s20], [sflag:$0x1] =	stream.indirect.gather [spmem:s3], $0x20, s4, s19, $0xb8;
	[tilespmem:$0x1BE00] =	vst v63  }
0x25: {  	_ = 	snop  }
0x26: {  	[tilespmem:s21], [sflag:$0x2] =	stream.indirect.gather [spmem:s3], $0x20, s19, s19, $0xb8;
	[tilespmem:$0x1BE00] =	vst v63  }
0x27: {  	s24 =	simm.s32 $0x200  }
0x28: {  	[tilespmem:s23], [sflag:$0x3] =	stream.indirect.gather [spmem:s3], $0x20, s24, s19, $0xb8;
	[tilespmem:$0x1BE00] =	vst v63  }
0x29: {  	s22 =	simm.s32 $0x300  }
0x2a: {  	[tilespmem:s25], [sflag:$0x4] =	stream.indirect.gather [spmem:s3], $0x20, s22, s19, $0xb8;
	[tilespmem:$0x1BE00] =	vst v63  }
0x2b: {  	_ =	swait.ge [sflag:s15], $0x2000  }
0x2c: {  	[sflag:s15] =	ssyncset.done $0x0  }
0x2d: {  	s24 =	simm.s32 $0x5000;
	[sflag:s15] =	ssyncadd.s32 $0xFFFFE000  }
0x2e: {  	[spmem:s2] =	stream.indirect.scatter.add.f32 [tilespmem:s20], [sflag:$0x5], $0x20, s24, s19, $0xb8;
	[tilespmem:$0x1BE00] =	vst v63  }
0x2f: {  	_ =	swait.ge [sflag:s13], $0x2000  }
0x30: {  	[sflag:s13] =	ssyncset.done $0x0  }
0x31: {  	s22 =	simm.s32 $0x400;
	[sflag:s13] =	ssyncadd.s32 $0xFFFFE000  }
0x32: {  	[tilespmem:s20], [sflag:$0x1] =	stream.indirect.gather [spmem:s3], $0x20, s22, s19, $0xb8;
	[tilespmem:$0x1BE00] =	vst v63  }
0x33: {  	_ =	swait.ge [sflag:s26], $0x2000  }
0x34: {  	[sflag:s26] =	ssyncset.done $0x0  }
0x35: {  	s24 =	simm.s32 $0x5100;
	[sflag:s26] =	ssyncadd.s32 $0xFFFFE000  }
0x36: {  	[spmem:s2] =	stream.indirect.scatter.add.f32 [tilespmem:s21], [sflag:$0x5], $0x20, s24, s19, $0xb8;
	[tilespmem:$0x1BE00] =	vst v63  }
0x37: {  	_ =	swait.ge [sflag:s13], $0x2000  }
0x38: {  	[sflag:s13] =	ssyncset.done $0x0  }
0x39: {  	s22 =	simm.s32 $0x500;
	[sflag:s13] =	ssyncadd.s32 $0xFFFFE000  }
0x3a: {  	[tilespmem:s21], [sflag:$0x2] =	stream.indirect.gather [spmem:s3], $0x20, s22, s19, $0xb8;
	[tilespmem:$0x1BE00] =	vst v63  }
0x3b: {  	_ =	swait.ge [sflag:s28], $0x2000  }
0x3c: {  	[sflag:s28] =	ssyncset.done $0x0  }
0x3d: {  	s24 =	simm.s32 $0x5200;
	[sflag:s28] =	ssyncadd.s32 $0xFFFFE000  }
0x3e: {  	[spmem:s2] =	stream.indirect.scatter.add.f32 [tilespmem:s23], [sflag:$0x5], $0x20, s24, s19, $0xb8;
	[tilespmem:$0x1BE00] =	vst v63  }
0x3f: {  	_ =	swait.ge [sflag:s13], $0x2000  }
0x40: {  	[sflag:s13] =	ssyncset.done $0x0  }
0x41: {  	s22 =	simm.s32 $0x600;
	[sflag:s13] =	ssyncadd.s32 $0xFFFFE000  }
0x42: {  	[tilespmem:s23], [sflag:$0x3] =	stream.indirect.gather [spmem:s3], $0x20, s22, s19, $0xb8;
	[tilespmem:$0x1BE00] =	vst v63  }
0x43: {  	_ =	swait.ge [sflag:s16], $0x2000  }
0x44: {  	[sflag:s16] =	ssyncset.done $0x0  }
0x45: {  	s24 =	simm.s32 $0x5300;
	[sflag:s16] =	ssyncadd.s32 $0xFFFFE000  }
0x46: {  	[spmem:s2] =	stream.indirect.scatter.add.f32 [tilespmem:s25], [sflag:$0x5], $0x20, s24, s19, $0xb8;
	[tilespmem:$0x1BE00] =	vst v63  }
0x47: {  	_ =	swait.ge [sflag:s13], $0x2000  }
0x48: {  	[sflag:s13] =	ssyncset.done $0x0  }
0x49: {  	s18 =	simm.s32 $0x1000;
	s22 =	simm.s32 $0x700;
	[sflag:s13] =	ssyncadd.s32 $0xFFFFE000  }
.LBB2_2:
0x4a: {  	[tilespmem:s25], [sflag:$0x4] =	stream.indirect.gather [spmem:s3], $0x20, s22, s19, $0xb8;
	[tilespmem:$0x1BE00] =	vst v63  }
0x4b: {  	s22 =	smov.u32 s18  }
0x4c: {  	p0 =	sne.s32 s18, $0x12000;
	s18 =	sadd.s32 $0x1000, s18;
	_ =	swait.ge [sflag:s15], $0x2000  }
0x4d: {  	s22 =	sshra.s32 s22, $0x2;
	[sflag:s15] =	ssyncset.done $0x0  }
0x4e: {  	s24 =	sadd.s32 $0x5000, s22;
	[sflag:s15] =	ssyncadd.s32 $0xFFFFE000  }
0x4f: {  	[spmem:s2] =	stream.indirect.scatter.add.f32 [tilespmem:s20], [sflag:$0x5], $0x20, s24, s19, $0xb8;
	[tilespmem:$0x1BE00] =	vst v63  }
0x50: {  	_ =	swait.ge [sflag:s13], $0x2000  }
0x51: {  	[sflag:s13] =	ssyncset.done $0x0  }
0x52: {  	s24 =	sadd.s32 $0x400, s22;
	[sflag:s13] =	ssyncadd.s32 $0xFFFFE000  }
0x53: {  	[tilespmem:s20], [sflag:$0x1] =	stream.indirect.gather [spmem:s3], $0x20, s24, s19, $0xb8;
	[tilespmem:$0x1BE00] =	vst v63  }
0x54: {  	_ =	swait.ge [sflag:s26], $0x2000  }
0x55: {  	[sflag:s26] =	ssyncset.done $0x0  }
0x56: {  	s24 =	sadd.s32 $0x5100, s22;
	[sflag:s26] =	ssyncadd.s32 $0xFFFFE000  }
0x57: {  	[spmem:s2] =	stream.indirect.scatter.add.f32 [tilespmem:s21], [sflag:$0x5], $0x20, s24, s19, $0xb8;
	[tilespmem:$0x1BE00] =	vst v63  }
0x58: {  	_ =	swait.ge [sflag:s13], $0x2000  }
0x59: {  	[sflag:s13] =	ssyncset.done $0x0  }
0x5a: {  	s24 =	sadd.s32 $0x500, s22;
	[sflag:s13] =	ssyncadd.s32 $0xFFFFE000  }
0x5b: {  	[tilespmem:s21], [sflag:$0x2] =	stream.indirect.gather [spmem:s3], $0x20, s24, s19, $0xb8;
	[tilespmem:$0x1BE00] =	vst v63  }
0x5c: {  	_ =	swait.ge [sflag:s28], $0x2000  }
0x5d: {  	[sflag:s28] =	ssyncset.done $0x0  }
0x5e: {  	s24 =	sadd.s32 $0x5200, s22;
	[sflag:s28] =	ssyncadd.s32 $0xFFFFE000  }
0x5f: {  	[spmem:s2] =	stream.indirect.scatter.add.f32 [tilespmem:s23], [sflag:$0x5], $0x20, s24, s19, $0xb8;
	[tilespmem:$0x1BE00] =	vst v63  }
0x60: {  	_ =	swait.ge [sflag:s13], $0x2000  }
0x61: {  	[sflag:s13] =	ssyncset.done $0x0  }
0x62: {  	s24 =	sadd.s32 $0x600, s22;
	[sflag:s13] =	ssyncadd.s32 $0xFFFFE000  }
0x63: {  	[tilespmem:s23], [sflag:$0x3] =	stream.indirect.gather [spmem:s3], $0x20, s24, s19, $0xb8;
	[tilespmem:$0x1BE00] =	vst v63  }
0x64: {  	_ =	swait.ge [sflag:s16], $0x2000  }
0x65: {  	[sflag:s16] =	ssyncset.done $0x0  }
.Ltmp0:
0x66: {  	s24 =	sadd.s32 $0x5300, s22;
	[sflag:s16] =	ssyncadd.s32 $0xFFFFE000;
	(pc) =	sbr.rel @p0 .LBB2_2-.Ltmp0, $4  }
0x67: {  	[spmem:s2] =	stream.indirect.scatter.add.f32 [tilespmem:s25], [sflag:$0x5], $0x20, s24, s19, $0xb8;
	[tilespmem:$0x1BE00] =	vst v63  }
0x68: {  	_ =	swait.ge [sflag:s13], $0x2000  }
0x69: {  	[sflag:s13] =	ssyncset.done $0x0  }
0x6a: {  	s22 =	sadd.s32 $0x700, s22;
	[sflag:s13] =	ssyncadd.s32 $0xFFFFE000  }
0x6b: {  	[tilespmem:s25], [sflag:$0x4] =	stream.indirect.gather [spmem:s3], $0x20, s22, s19, $0xb8;
	[tilespmem:$0x1BE00] =	vst v63  }
0x6c: {  	_ =	swait.ge [sflag:s15], $0x2000  }
0x6d: {  	[sflag:s15] =	ssyncset.done $0x0  }
0x6e: {  	[sflag:s15] =	ssyncadd.s32 $0xFFFFE000  }
0x6f: {  	[spmem:s2] =	stream.indirect.scatter.add.f32 [tilespmem:s20], [sflag:$0x5], $0x20, s29, s19, $0xb8;
	[tilespmem:$0x1BE00] =	vst v63  }
0x70: {  	_ =	swait.ge [sflag:s13], $0x2000  }
0x71: {  	[sflag:s13] =	ssyncset.done $0x0  }
0x72: {  	[sflag:s13] =	ssyncadd.s32 $0xFFFFE000  }
0x73: {  	_ =	swait.ge [sflag:s26], $0x2000  }
0x74: {  	[sflag:s26] =	ssyncset.done $0x0  }
0x75: {  	[sflag:s26] =	ssyncadd.s32 $0xFFFFE000  }
0x76: {  	[spmem:s2] =	stream.indirect.scatter.add.f32 [tilespmem:s21], [sflag:$0x5], $0x20, s30, s19, $0xb8;
	[tilespmem:$0x1BE00] =	vst v63  }
0x77: {  	_ =	swait.ge [sflag:s13], $0x2000  }
0x78: {  	[sflag:s13] =	ssyncset.done $0x0  }
0x79: {  	[sflag:s13] =	ssyncadd.s32 $0xFFFFE000  }
0x7a: {  	_ =	swait.ge [sflag:s28], $0x2000  }
0x7b: {  	[sflag:s28] =	ssyncset.done $0x0  }
0x7c: {  	[sflag:s28] =	ssyncadd.s32 $0xFFFFE000  }
0x7d: {  	[spmem:s2] =	stream.indirect.scatter.add.f32 [tilespmem:s23], [sflag:$0x5], $0x20, s31, s19, $0xb8;
	[tilespmem:$0x1BE00] =	vst v63  }
0x7e: {  	_ =	swait.ge [sflag:s13], $0x2000  }
0x7f: {  	[sflag:s13] =	ssyncset.done $0x0  }
0x80: {  	[sflag:s13] =	ssyncadd.s32 $0xFFFFE000  }
0x81: {  	_ =	swait.ge [sflag:s16], $0x2000  }
0x82: {  	[sflag:s16] =	ssyncset.done $0x0  }
0x83: {  	[sflag:s16] =	ssyncadd.s32 $0xFFFFE000  }
0x84: {  	[spmem:s2] =	stream.indirect.scatter.add.f32 [tilespmem:s25], [sflag:$0x5], $0x20, s0, s19, $0xb8;
	[tilespmem:$0x1BE00] =	vst v63  }
0x85: {  	_ =	swait.ge [sflag:s13], $0x2000  }
0x86: {  	s1 =	sadd.s32 $0x1, s1;
	[sflag:s13] =	ssyncset.done $0x0  }
0x87: {  	p0 =	sne.s32 s1, s11;
	[sflag:s13] =	ssyncadd.s32 $0xFFFFE000  }
.Ltmp1:
0x88: {  	[bflag:$0x0] =	sbarrier.arrive $0xFFFF;
	(pc) =	sbr.rel @p0 .LBB2_1-.Ltmp1, $4  }
0x89: {  	[hbm:s10@s17], [sflag:s6] =	dma.strided [spmem:s12@s16], $0x9E0, s15, $0x4   }
0x8a: {  	_ =	swait.ge [sflag:s13], $0x9E0  }
0x8b: {  	[sflag:s13] =	ssyncset.done $0x0  }
0x8c: {  	[sflag:s13] =	ssyncadd.s32 $0xFFFFF620  }
0x8d: {  	_ =	sfence.sel $0x180000  }
0x8e: {  	[bflag:$0x0] =	sbarrier.arrive $0xFFFF  }
0x8f: {  	_ =	strace $0x90000050  }
0x90: {  	s0 =	stileid.u32;
	[bflag:$0x2] =	sbarrier.arrive $0xFFFF  }
0x91: {  	p0 =	sne.s32 s0, $0x0;
	s0 =	rddreg [dreg:$0x3]  }
0x92: {  	s0 =	sadd.s32 @!p0 $0x100000, s0  }
0x93: {  	[sflag:s0] =	ssyncadd.tile.s32 @!p0 $0x1;
	_ =	shalt  }
.Lfunc_end2:
_tile_overlayer_lowered:
.L_overlay_start_2:
0x94: {  	(tag) =	ssettag $0x2  }
0x95: {  	s0 =	rddreg [dreg:$0x0];
	s2 =	stileid.u32  }
0x96: {  	s1 =	rddreg [dreg:$0x1];
	p0 =	sne.s32 s2, $0x0  }
0x97: {  	s3 =	rddreg [dreg:$0x2];
	[bflag:$0x3] =	sbarrier.arrive $0xFFFF;
	s2 =	simm.s32 @!p0 $0x1C05  }
0x98: {  	[timem:s3], [sflag:s2] =	dma.local @!p0 [hbm:s0], s1  }
0x99: {  	s0 =	simm.s32 @!p0 $0x5  }
0x9a: {  	_ =	swait.ge @!p0 [sflag:s0], s1  }
0x9b: {  	s1 =	ssub.s32 @!p0 $0x0, s1;
	[sflag:s0] =	ssyncset.done @!p0 $0x0  }
0x9c: {  	[sflag:s0] =	ssyncadd.s32 @!p0 s1  }
0x9d: {  	[bflag:$0x3] =	sbarrier.arrive $0xFFFF  }
0x9e: {  	_ =	shalt  }

// kernel: kernel.25.cloned.1.call-start
scs
__scs_entry_jumppad:
0x0: {  	(pc) =	sbr.rel $0x88, $3  }
0x1: {  	(tag) =	ssettag $0x0;
	lr =	simm.s32 $0x1  }
0x2: {  	[smem:$0x3F7E] =	sst lr;
	_ =	strace $0xD0000000  }
0x3: {  	_ = 	snop  }
0x4: {  	_ = 	snop  }
0x5: {  	_ = 	snop  }
0x6: {  	_ = 	snop  }
0x7: {  	_ = 	snop  }
__scs_overlays_trampoline_lowered:
0x8: {  	[smem:$0x3F8D] =	sst s0  }
0x9: {  	[smem:$0x3F8E] =	sst s1  }
0xa: {  	[smem:$0x3F8F] =	sst s2  }
0xb: {  	[smem:$0x3F90] =	sst s3  }
0xc: {  	[smem:$0x3F91] =	sst s4  }
0xd: {  	[smem:$0x3F92] =	sst s5  }
0xe: {  	[smem:$0x3F93] =	sst s6  }
0xf: {  	[smem:$0x3F94] =	sst s7  }
0x10: {  	[smem:$0x3F95] =	sst s8  }
0x11: {  	[smem:$0x3F96] =	sst s9;
	s0 =	simm.s32 @!p0 $0x0  }
0x12: {  	s1 =	sld [smem:$0x3F7C];
	s0 =	simm.s32 @p0 $0x1  }
0x13: {  	[smem:$0x3F97] =	sst s0;
	s0 =	simm.s32 @!p1 $0x0  }
0x14: {  	s2 =	sld [smem:$0x3F7B];
	s0 =	simm.s32 @p1 $0x1  }
0x15: {  	[smem:$0x3F98] =	sst s0;
	s0 =	simm.s32 @!p2 $0x0  }
0x16: {  	s3 =	sld [smem:$0x3FDB];
	s0 =	simm.s32 @p2 $0x1  }
0x17: {  	s4 =	simm.s32 $0x1BF5;
	[smem:$0x3F9A] =	sst s0  }
0x18: {  	s0 =	sld [smem:$0x3F7D];
	_ =	swait.ge [sflag:s4], $0x0  }
0x19: {  	s7 =	sld [smem:$0x3F7E]  }
0x1a: {  	s8 =	sadd.s32 $0xFFFFE003, lr  }
0x1b: {  	s9 =	sadd.s32 $0xFFFFFEF7, lr;
	s5 =	simm.s32 $0xFFFFFFFF;
	p2 =	slt.u32 s8, $0xFFFFF086  }
0x1c: {  	p1 =	slt.u32 s9, $0xF7A;
	s5 =	simm.s32 @!p2 $0x0  }
0x1d: {  	s5 =	simm.s32 @p1 $0x1;
	p0 =	seq.s32 s7, s2  }
0x1e: {  	s7 =	smul.u32 @!p0 $0xF7A, s2;
	p2 =	seq.s32 @!p0 s5, $0x0  }
0x1f: {  	s9 =	smul.u32 $0xF7A, s1;
	s8 =	simm.s32 @!p0 $0x1BF5;
	p2 =	por !p2, p0  }
0x20: {  	[sflag:s8] =	ssyncset.s32 @!p0 $0xFFFFF086;
	s6 =	sadd.s32 @!p0 s3, s7;
	s7 =	simm.s32 @!p0 $0x108  }
0x21: {  	s3 =	sadd.s32 s3, s9;
	s6 =	sadd.s32 @!p0 $0x88, s6;
	s7 =	simm.s32 @p2 $0x1082  }
0x22: {  	[simem:s7], [sflag:s8] =	dma.local @!p0 [hbm:s6], $0xF7A  }
0x23: {  	s9 =	sor.u32 $0xD0000000, s2;
	s6 =	simm.s32 $0x108;
	_ =	swait.ge @!p0 [sflag:s8], $0x0  }
0x24: {  	s3 =	sadd.s32 $0x88, s3;
	s6 =	simm.s32 @!p1 $0x1082;
	[sflag:s4] =	ssyncset.s32 $0xFFFFF086  }
0x25: {  	[simem:s6], [sflag:s4] =	dma.local [hbm:s3], $0xF7A  }
0x26: {  	[smem:$0x3F7E] =	sst s1;
	(tag) =	ssettag s2;
	_ =	strace s9  }
0x27: {  	s1 =	sld [smem:$0x3F8E]  }
0x28: {  	s2 =	sld [smem:$0x3F8F]  }
0x29: {  	s4 =	sld [smem:$0x3F91]  }
0x2a: {  	p0 =	seq.s32 s5, $0x0;
	s5 =	sld [smem:$0x3F92]  }
0x2b: {  	s6 =	sld [smem:$0x3F93]  }
0x2c: {  	s7 =	sld [smem:$0x3F94]  }
0x2d: {  	s3 =	simm.s32 $0x108;
	s8 =	sld [smem:$0x3F95]  }
0x2e: {  	s3 =	simm.s32 @!p0 $0x1082;
	s9 =	sld [smem:$0x3F96]  }
0x2f: {  	lr =	sadd.s32 s0, s3;
	s0 =	sld [smem:$0x3F8D]  }
0x30: {  	s3 =	sld [smem:$0x3F90]  }
0x31: {  	[smem:$0x3F99] =	sst s10  }
0x32: {  	s10 =	sld [smem:$0x3F97];
	_ =	sdelay $0x3  }
0x33: {  	p0 =	seq.s32 s10, $0x1;
	s10 =	sld [smem:$0x3F99];
	_ =	sdelay $0x3  }
0x34: {  	[smem:$0x3F99] =	sst s10  }
0x35: {  	s10 =	sld [smem:$0x3F98];
	_ =	sdelay $0x3  }
0x36: {  	p1 =	seq.s32 s10, $0x1;
	s10 =	sld [smem:$0x3F99];
	_ =	sdelay $0x3  }
0x37: {  	[smem:$0x3F99] =	sst s10  }
0x38: {  	s10 =	sld [smem:$0x3F9A]  }
0x39: {  	_ = 	snop;
	(pc) =	sbr.ind lr, $3  }
0x3a: {  	_ = 	snop  }
0x3b: {  	_ = 	snop  }
0x3c: {  	p2 =	seq.s32 s10, $0x1;
	s10 =	sld [smem:$0x3F99]  }
0x3d: {  	_ =	shalt  }
0x3e: {  	_ =	shalt  }
0x3f: {  	_ =	shalt  }
0x40: {  	_ =	shalt  }
0x41: {  	_ =	shalt  }
0x42: {  	_ =	shalt  }
0x43: {  	_ =	shalt  }
0x44: {  	_ =	shalt  }
0x45: {  	_ =	shalt  }
0x46: {  	_ =	shalt  }
0x47: {  	_ =	shalt  }
0x48: {  	_ =	shalt  }
0x49: {  	_ =	shalt  }
0x4a: {  	_ =	shalt  }
0x4b: {  	_ =	shalt  }
0x4c: {  	_ =	shalt  }
0x4d: {  	_ =	shalt  }
0x4e: {  	_ =	shalt  }
0x4f: {  	_ =	shalt  }
0x50: {  	_ =	shalt  }
0x51: {  	_ =	shalt  }
0x52: {  	_ =	shalt  }
0x53: {  	_ =	shalt  }
0x54: {  	_ =	shalt  }
0x55: {  	_ =	shalt  }
0x56: {  	_ =	shalt  }
0x57: {  	_ =	shalt  }
0x58: {  	_ =	shalt  }
0x59: {  	_ =	shalt  }
0x5a: {  	_ =	shalt  }
0x5b: {  	_ =	shalt  }
0x5c: {  	_ =	shalt  }
0x5d: {  	_ =	shalt  }
0x5e: {  	_ =	shalt  }
0x5f: {  	_ =	shalt  }
0x60: {  	_ =	shalt  }
0x61: {  	_ =	shalt  }
0x62: {  	_ =	shalt  }
0x63: {  	_ =	shalt  }
0x64: {  	_ =	shalt  }
0x65: {  	_ =	shalt  }
0x66: {  	_ =	shalt  }
0x67: {  	_ =	shalt  }
0x68: {  	_ =	shalt  }
0x69: {  	_ =	shalt  }
0x6a: {  	_ =	shalt  }
0x6b: {  	_ =	shalt  }
0x6c: {  	_ =	shalt  }
0x6d: {  	_ =	shalt  }
0x6e: {  	_ =	shalt  }
0x6f: {  	_ =	shalt  }
0x70: {  	_ =	shalt  }
0x71: {  	_ =	shalt  }
0x72: {  	_ =	shalt  }
0x73: {  	_ =	shalt  }
0x74: {  	_ =	shalt  }
0x75: {  	_ =	shalt  }
0x76: {  	_ =	shalt  }
0x77: {  	_ =	shalt  }
0x78: {  	_ =	shalt  }
0x79: {  	_ =	shalt  }
0x7a: {  	_ =	shalt  }
0x7b: {  	_ =	shalt  }
0x7c: {  	_ =	shalt  }
0x7d: {  	_ =	shalt  }
0x7e: {  	_ =	shalt  }
0x7f: {  	_ =	shalt  }
0x80: {  	_ =	shalt  }
0x81: {  	_ =	shalt  }
0x82: {  	_ =	shalt  }
0x83: {  	_ =	shalt  }
0x84: {  	_ =	shalt  }
0x85: {  	_ =	shalt  }
0x86: {  	_ =	shalt  }
0x87: {  	_ =	shalt  }
.Lfunc_end0:
.L_simem_size_0:
called_computation.4_lowered:
.L_overlay_start_0:
0x88: {  	s2 =	sld [smem:$0x3FD9]  }
0x89: {  	s3 =	sld [smem:$0x3FFE];
	_ =	sdelay $0x1  }
0x8a: {  	s1 =	srdreg.scid  }
0x8b: {  	s0 =	sand.u32 $0x1, s1  }
0x8c: {  	s16 =	sshll.u32 s0, $0xA;
	s2 =	sadd.s32 s3, s2  }
0x8d: {  	s2 =	sadd.s32 s2, s16  }
0x8e: {  	[smem:$0x3FA5] =	sst s2  }
0x8f: {  	_ = 	snop  }
0x90: {  	(tm) =	ssettm $0x1  }
0x91: {  	s17 =	sld [smem:$0x3FFB];
	_ =	sdelay $0x3  }
0x92: {  	_ =	strace s17  }
0x93: {  	s2 =	sld [smem:$0x3FFC];
	_ =	sdelay $0x3  }
0x94: {  	_ =	strace s2  }
0x95: {  	s2 =	sld [smem:$0x3FFD];
	_ =	sdelay $0x3  }
0x96: {  	_ =	strace s2  }
0x97: {  	_ =	strace $0x8FFFFFFF  }
0x98: {  	s18 =	sld [smem:$0x3FDB];
	_ =	sdelay $0x1  }
0x99: {  	s19 =	simm.s32 $_scs_section_size  }
0x9a: {  	s4 =	simm.s32 $_size__tile_overlayer_lowered;
	s5 =	simm.s32 $_tile_overlayer_lowered  }
0x9b: {  	s22 =	simm.s32 $0x1BFF;
	s21 =	sshll.u32 s5, $0x1;
	s2 =	sadd.s32 s19, s18  }
0x9c: {  	s6 =	simm.s32 $0x0;
	s20 =	sshll.u32 s4, $0x1;
	s4 =	sadd.s32 s21, s2  }
0x9d: {  	[timem:s6], [sflag:s22] =	dma.local [hbm:s4], s20  }
0x9e: {  	_ =	swait.ge [sflag:s22], s20  }
0x9f: {  	s3 =	ssub.s32 $0x0, s20;
	[sflag:s22] =	ssyncset.done $0x0  }
0xa0: {  	[sflag:s22] =	ssyncadd.s32 s3;
	_ =	sdelay $0x1  }
0xa1: {  	s23 =	simm.s32 $0x1B8B  }
0xa2: {  	_ =	swait.ge [sflag:s23], $0x1  }
0xa3: {  	[sflag:s23] =	ssyncset.done $0x0  }
0xa4: {  	s25 =	simm.s32 $0x1B8E;
	s24 =	sld [smem:$0x3FFE];
	[sflag:s23] =	ssyncadd.s32 $0xFFFFFFFF  }
0xa5: {  	s26 =	simm.s32 $execute0_lowered;
	[smem:$0x3FD2] =	sst s25  }
0xa6: {  	s4 =	sshll.u32 s26, $0x1;
	_ =	strace $0x80000052;
	[dreg:$0x1] =	wrdreg $0xFFFFFFFF  }
0xa7: {  	s28 =	simm.s32 $_size_execute0_lowered;
	s2 =	sadd.s32 s2, s4;
	[dreg:$0x0] =	wrdreg $0x0  }
0xa8: {  	s4 =	sshll.u32 s28, $0x1;
	[dreg:$0x2] =	wrdreg s2  }
0xa9: {  	[dreg:$0x3] =	wrdreg s4  }
0xaa: {  	[dreg:$0x4] =	wrdreg $0xC0  }
0xab: {  	_ =	task [dreg:s6], $0x5FFFF  }
0xac: {  	[dreg:$0x1] =	wrdreg $0xFFFFFFFF  }
0xad: {  	[dreg:$0x0] =	wrdreg $0x60  }
0xae: {  	[dreg:$0x2] =	wrdreg s24  }
0xaf: {  	[dreg:$0x3] =	wrdreg $0x120000  }
0xb0: {  	[dreg:$0x4] =	wrdreg $0x16F000  }
0xb1: {  	[dreg:$0x5] =	wrdreg $0x9  }
0xb2: {  	_ =	task.clear_ibuf [dreg:s6], $0x6FFFF;
	_ =	strace $0x90000052  }
0xb3: {  	s29 =	simm.s32 $0x9;
	_ =	strace $0x80000054  }
0xb4: {  	_ =	swait.ge [sflag:s29], $0x1  }
0xb5: {  	[sflag:s29] =	ssyncadd.s32 $0xFFFFFFFF  }
0xb6: {  	_ =	strace $0x90000054  }
0xb7: {  	_ =	sfence  }
0xb8: {  	s30 =	sld [smem:$0x0];
	_ =	sdelay $0x2  }
0xb9: {  	s31 =	sshll.u32 s1, $0xD;
	s1 =	sshrl.u32 s1, $0x2  }
0xba: {  	s3 =	sand.u32 $0x4000, s31;
	s1 =	sadd.s32 s1, s30  }
0xbb: {  	s0 =	sor.u32 s3, s0;
	s1 =	sshll.u32 s1, $0x11  }
0xbc: {  	s0 =	sor.u32 s1, s0  }
0xbd: {  	s0 =	sadd.s32 $0x8F2B, s0  }
0xbe: {  	[sflag:s0] =	ssyncadd.remote.s32 $0x1  }
0xbf: {  	_ =	sfence.sel $0xFFFF  }
0xc0: {  	[dreg:$0x0] =	wrdreg $0xFFFFFFFF;
	(pc) =	sbr.abs _section_cstart, $3  }
0xc1: {  	[dreg:$0x1] =	wrdreg $0xFFFFFFFF  }
0xc2: {  	_ =	task.clear_ibuf [dreg:s6], $0x2FFFF;
	_ =	strace $0x9FFFFFFF  }
0xc3: {  	(tm) =	ssettm $0x7FFFFFFF  }
tec
execute0_lowered:
.L_overlay_start_1:
0x0: {  	(tag) =	ssettag $0x1  }
0x1: {  	s0 =	rddreg [dreg:$0x0]  }
0x2: {  	s2 =	rddreg [dreg:$0x1]  }
0x3: {  	s3 =	rddreg [dreg:$0x2];
	s10 =	stileid.u32;
	s4 =	simm.s32 $0x0  }
0x4: {  	s5 =	srdreg.scid;
	s13 =	simm.s32 $0x5;
	s15 =	simm.s32 $0x1  }
0x5: {  	s16 =	simm.s32 $0x4;
	s17 =	simm.s32 $0x8;
	s19 =	simm.s32 $0x100  }
0x6: {  	s20 =	simm.s32 $0xA000;
	s21 =	simm.s32 $0xC000;
	s23 =	simm.s32 $0xE000  }
0x7: {  	s28 =	simm.s32 $0x3;
	s29 =	simm.s32 $0x9C00;
	s1 =	smul.u32 $0xA00, s10  }
0x8: {  	s30 =	simm.s32 $0x9D00;
	s31 =	simm.s32 $0x9E00;
	s7 =	smul.u32 $0x4F00, s10  }
0x9: {  	[smem:$0x7FF] =	sst s4;
	s5 =	sand.u32 $0x1, s5;
	s6 =	smul.u32 $0x9E00, s10  }
0xa: {  	s26 =	sshll.u32 s10, $0x6;
	_ =	strace $0x80000053;
	s8 =	sshll.u32 s5, $0x5  }
0xb: {  	s5 =	ssub.s32 $0x2, s5;
	s1 =	sadd.s32 s1, s0;
	s9 =	sshrl.u32 s7, $0x3  }
0xc: {  	s6 =	sor.u32 s8, s6;
	s25 =	sshrl.u32 s5, $0x1;
	s12 =	sadd.s32 s7, s2  }
0xd: {  	s14 =	sadd.s32 s7, s3;
	s24 =	sadd.s32 s9, s0;
	s6 =	sshrl.u32 s6, $0x3  }
0xe: {  	s11 =	ssub.s32 s5, s25;
	s8 =	sadd.s32 $0x23C00, s1;
	s9 =	sadd.s32 $0x19C00, s1  }
0xf: {  	s12 =	sshrl.u32 s12, $0x3;
	s14 =	sshrl.u32 s14, $0x3;
	s25 =	simm.s32 $0x10000  }
0x10: {  	s1 =	simm.s32 $0x0;
	s0 =	sadd.s32 s6, s0;
	s5 =	sadd.s32 $0x2DC00, s24  }
0x11: {  	s6 =	sor.u32 $0x1C05, s26;
	s11 =	smax.u32 s11, $0x1;
	s26 =	simm.s32 $0x2  }
0x12: {  	s7 =	sadd.s32 $0x6000, s0;
	s10 =	sadd.s32 $0x37A00, s0;
	s0 =	simm.s32 $0x9F00  }
.LBB2_1:
0x13: {  	[spmem:s12], [sflag:s6] =	dma.local [hbm:s5], $0x9E0  }
0x14: {  	_ =	swait.ge [sflag:s13], $0x9E0  }
0x15: {  	[sflag:s13] =	ssyncset.done $0x0  }
0x16: {  	[sflag:s13] =	ssyncadd.s32 $0xFFFFF620  }
0x17: {  	[spmem:s14@s16], [sflag:s6] =	dma.strided [hbm:s7@s17], $0x9E0, s15, $0x4   }
0x18: {  	_ =	swait.ge [sflag:s13], $0x9E0  }
0x19: {  	[sflag:s13] =	ssyncset.done $0x0  }
0x1a: {  	[sflag:s13] =	ssyncadd.s32 $0xFFFFF620  }
0x1b: {  	[tilespmem:s4], [sflag:$0x5] =	stream.linear.gather [hbm4b:s8+s4], $0x5000, $0x38;
	[tilespmem:$0x1BE00] =	vst v63  }
0x1c: {  	_ =	swait.ge [sflag:s13], $0x5000  }
0x1d: {  	[sflag:s13] =	ssyncset.done $0x0  }
0x1e: {  	s18 =	simm.s32 $0x5000;
	[sflag:s13] =	ssyncadd.s32 $0xFFFFB000  }
0x1f: {  	[tilespmem:s18], [sflag:$0x5] =	stream.linear.gather [hbm4b:s9+s4], $0x5000, $0x38;
	[tilespmem:$0x1BE00] =	vst v63  }
0x20: {  	_ =	swait.ge [sflag:s13], $0x5000  }
0x21: {  	[sflag:s13] =	ssyncset.done $0x0  }
0x22: {  	[sflag:s13] =	ssyncadd.s32 $0xFFFFB000  }
0x23: {  	[bflag:$0x0] =	sbarrier.arrive $0xFFFF  }
0x24: {  	[tilespmem:s20], [sflag:$0x1] =	stream.indirect.gather [spmem:s3], $0x20, s4, s19, $0xb8;
	[tilespmem:$0x1BE00] =	vst v63  }
0x25: {  	_ = 	snop  }
0x26: {  	[tilespmem:s21], [sflag:$0x2] =	stream.indirect.gather [spmem:s3], $0x20, s19, s19, $0xb8;
	[tilespmem:$0x1BE00] =	vst v63  }
0x27: {  	s24 =	simm.s32 $0x200  }
0x28: {  	[tilespmem:s23], [sflag:$0x3] =	stream.indirect.gather [spmem:s3], $0x20, s24, s19, $0xb8;
	[tilespmem:$0x1BE00] =	vst v63  }
0x29: {  	s22 =	simm.s32 $0x300  }
0x2a: {  	[tilespmem:s25], [sflag:$0x4] =	stream.indirect.gather [spmem:s3], $0x20, s22, s19, $0xb8;
	[tilespmem:$0x1BE00] =	vst v63  }
0x2b: {  	_ =	swait.ge [sflag:s15], $0x2000  }
0x2c: {  	[sflag:s15] =	ssyncset.done $0x0  }
0x2d: {  	s24 =	simm.s32 $0x5000;
	[sflag:s15] =	ssyncadd.s32 $0xFFFFE000  }
0x2e: {  	[spmem:s2] =	stream.indirect.scatter.add.f32 [tilespmem:s20], [sflag:$0x5], $0x20, s24, s19, $0xb8;
	[tilespmem:$0x1BE00] =	vst v63  }
0x2f: {  	_ =	swait.ge [sflag:s13], $0x2000  }
0x30: {  	[sflag:s13] =	ssyncset.done $0x0  }
0x31: {  	s22 =	simm.s32 $0x400;
	[sflag:s13] =	ssyncadd.s32 $0xFFFFE000  }
0x32: {  	[tilespmem:s20], [sflag:$0x1] =	stream.indirect.gather [spmem:s3], $0x20, s22, s19, $0xb8;
	[tilespmem:$0x1BE00] =	vst v63  }
0x33: {  	_ =	swait.ge [sflag:s26], $0x2000  }
0x34: {  	[sflag:s26] =	ssyncset.done $0x0  }
0x35: {  	s24 =	simm.s32 $0x5100;
	[sflag:s26] =	ssyncadd.s32 $0xFFFFE000  }
0x36: {  	[spmem:s2] =	stream.indirect.scatter.add.f32 [tilespmem:s21], [sflag:$0x5], $0x20, s24, s19, $0xb8;
	[tilespmem:$0x1BE00] =	vst v63  }
0x37: {  	_ =	swait.ge [sflag:s13], $0x2000  }
0x38: {  	[sflag:s13] =	ssyncset.done $0x0  }
0x39: {  	s22 =	simm.s32 $0x500;
	[sflag:s13] =	ssyncadd.s32 $0xFFFFE000  }
0x3a: {  	[tilespmem:s21], [sflag:$0x2] =	stream.indirect.gather [spmem:s3], $0x20, s22, s19, $0xb8;
	[tilespmem:$0x1BE00] =	vst v63  }
0x3b: {  	_ =	swait.ge [sflag:s28], $0x2000  }
0x3c: {  	[sflag:s28] =	ssyncset.done $0x0  }
0x3d: {  	s24 =	simm.s32 $0x5200;
	[sflag:s28] =	ssyncadd.s32 $0xFFFFE000  }
0x3e: {  	[spmem:s2] =	stream.indirect.scatter.add.f32 [tilespmem:s23], [sflag:$0x5], $0x20, s24, s19, $0xb8;
	[tilespmem:$0x1BE00] =	vst v63  }
0x3f: {  	_ =	swait.ge [sflag:s13], $0x2000  }
0x40: {  	[sflag:s13] =	ssyncset.done $0x0  }
0x41: {  	s22 =	simm.s32 $0x600;
	[sflag:s13] =	ssyncadd.s32 $0xFFFFE000  }
0x42: {  	[tilespmem:s23], [sflag:$0x3] =	stream.indirect.gather [spmem:s3], $0x20, s22, s19, $0xb8;
	[tilespmem:$0x1BE00] =	vst v63  }
0x43: {  	_ =	swait.ge [sflag:s16], $0x2000  }
0x44: {  	[sflag:s16] =	ssyncset.done $0x0  }
0x45: {  	s24 =	simm.s32 $0x5300;
	[sflag:s16] =	ssyncadd.s32 $0xFFFFE000  }
0x46: {  	[spmem:s2] =	stream.indirect.scatter.add.f32 [tilespmem:s25], [sflag:$0x5], $0x20, s24, s19, $0xb8;
	[tilespmem:$0x1BE00] =	vst v63  }
0x47: {  	_ =	swait.ge [sflag:s13], $0x2000  }
0x48: {  	[sflag:s13] =	ssyncset.done $0x0  }
0x49: {  	s18 =	simm.s32 $0x1000;
	s22 =	simm.s32 $0x700;
	[sflag:s13] =	ssyncadd.s32 $0xFFFFE000  }
.LBB2_2:
0x4a: {  	[tilespmem:s25], [sflag:$0x4] =	stream.indirect.gather [spmem:s3], $0x20, s22, s19, $0xb8;
	[tilespmem:$0x1BE00] =	vst v63  }
0x4b: {  	s22 =	smov.u32 s18  }
0x4c: {  	p0 =	sne.s32 s18, $0x12000;
	s18 =	sadd.s32 $0x1000, s18;
	_ =	swait.ge [sflag:s15], $0x2000  }
0x4d: {  	s22 =	sshra.s32 s22, $0x2;
	[sflag:s15] =	ssyncset.done $0x0  }
0x4e: {  	s24 =	sadd.s32 $0x5000, s22;
	[sflag:s15] =	ssyncadd.s32 $0xFFFFE000  }
0x4f: {  	[spmem:s2] =	stream.indirect.scatter.add.f32 [tilespmem:s20], [sflag:$0x5], $0x20, s24, s19, $0xb8;
	[tilespmem:$0x1BE00] =	vst v63  }
0x50: {  	_ =	swait.ge [sflag:s13], $0x2000  }
0x51: {  	[sflag:s13] =	ssyncset.done $0x0  }
0x52: {  	s24 =	sadd.s32 $0x400, s22;
	[sflag:s13] =	ssyncadd.s32 $0xFFFFE000  }
0x53: {  	[tilespmem:s20], [sflag:$0x1] =	stream.indirect.gather [spmem:s3], $0x20, s24, s19, $0xb8;
	[tilespmem:$0x1BE00] =	vst v63  }
0x54: {  	_ =	swait.ge [sflag:s26], $0x2000  }
0x55: {  	[sflag:s26] =	ssyncset.done $0x0  }
0x56: {  	s24 =	sadd.s32 $0x5100, s22;
	[sflag:s26] =	ssyncadd.s32 $0xFFFFE000  }
0x57: {  	[spmem:s2] =	stream.indirect.scatter.add.f32 [tilespmem:s21], [sflag:$0x5], $0x20, s24, s19, $0xb8;
	[tilespmem:$0x1BE00] =	vst v63  }
0x58: {  	_ =	swait.ge [sflag:s13], $0x2000  }
0x59: {  	[sflag:s13] =	ssyncset.done $0x0  }
0x5a: {  	s24 =	sadd.s32 $0x500, s22;
	[sflag:s13] =	ssyncadd.s32 $0xFFFFE000  }
0x5b: {  	[tilespmem:s21], [sflag:$0x2] =	stream.indirect.gather [spmem:s3], $0x20, s24, s19, $0xb8;
	[tilespmem:$0x1BE00] =	vst v63  }
0x5c: {  	_ =	swait.ge [sflag:s28], $0x2000  }
0x5d: {  	[sflag:s28] =	ssyncset.done $0x0  }
0x5e: {  	s24 =	sadd.s32 $0x5200, s22;
	[sflag:s28] =	ssyncadd.s32 $0xFFFFE000  }
0x5f: {  	[spmem:s2] =	stream.indirect.scatter.add.f32 [tilespmem:s23], [sflag:$0x5], $0x20, s24, s19, $0xb8;
	[tilespmem:$0x1BE00] =	vst v63  }
0x60: {  	_ =	swait.ge [sflag:s13], $0x2000  }
0x61: {  	[sflag:s13] =	ssyncset.done $0x0  }
0x62: {  	s24 =	sadd.s32 $0x600, s22;
	[sflag:s13] =	ssyncadd.s32 $0xFFFFE000  }
0x63: {  	[tilespmem:s23], [sflag:$0x3] =	stream.indirect.gather [spmem:s3], $0x20, s24, s19, $0xb8;
	[tilespmem:$0x1BE00] =	vst v63  }
0x64: {  	_ =	swait.ge [sflag:s16], $0x2000  }
0x65: {  	[sflag:s16] =	ssyncset.done $0x0  }
.Ltmp0:
0x66: {  	s24 =	sadd.s32 $0x5300, s22;
	[sflag:s16] =	ssyncadd.s32 $0xFFFFE000;
	(pc) =	sbr.rel @p0 .LBB2_2-.Ltmp0, $4  }
0x67: {  	[spmem:s2] =	stream.indirect.scatter.add.f32 [tilespmem:s25], [sflag:$0x5], $0x20, s24, s19, $0xb8;
	[tilespmem:$0x1BE00] =	vst v63  }
0x68: {  	_ =	swait.ge [sflag:s13], $0x2000  }
0x69: {  	[sflag:s13] =	ssyncset.done $0x0  }
0x6a: {  	s22 =	sadd.s32 $0x700, s22;
	[sflag:s13] =	ssyncadd.s32 $0xFFFFE000  }
0x6b: {  	[tilespmem:s25], [sflag:$0x4] =	stream.indirect.gather [spmem:s3], $0x20, s22, s19, $0xb8;
	[tilespmem:$0x1BE00] =	vst v63  }
0x6c: {  	_ =	swait.ge [sflag:s15], $0x2000  }
0x6d: {  	[sflag:s15] =	ssyncset.done $0x0  }
0x6e: {  	[sflag:s15] =	ssyncadd.s32 $0xFFFFE000  }
0x6f: {  	[spmem:s2] =	stream.indirect.scatter.add.f32 [tilespmem:s20], [sflag:$0x5], $0x20, s29, s19, $0xb8;
	[tilespmem:$0x1BE00] =	vst v63  }
0x70: {  	_ =	swait.ge [sflag:s13], $0x2000  }
0x71: {  	[sflag:s13] =	ssyncset.done $0x0  }
0x72: {  	[sflag:s13] =	ssyncadd.s32 $0xFFFFE000  }
0x73: {  	_ =	swait.ge [sflag:s26], $0x2000  }
0x74: {  	[sflag:s26] =	ssyncset.done $0x0  }
0x75: {  	[sflag:s26] =	ssyncadd.s32 $0xFFFFE000  }
0x76: {  	[spmem:s2] =	stream.indirect.scatter.add.f32 [tilespmem:s21], [sflag:$0x5], $0x20, s30, s19, $0xb8;
	[tilespmem:$0x1BE00] =	vst v63  }
0x77: {  	_ =	swait.ge [sflag:s13], $0x2000  }
0x78: {  	[sflag:s13] =	ssyncset.done $0x0  }
0x79: {  	[sflag:s13] =	ssyncadd.s32 $0xFFFFE000  }
0x7a: {  	_ =	swait.ge [sflag:s28], $0x2000  }
0x7b: {  	[sflag:s28] =	ssyncset.done $0x0  }
0x7c: {  	[sflag:s28] =	ssyncadd.s32 $0xFFFFE000  }
0x7d: {  	[spmem:s2] =	stream.indirect.scatter.add.f32 [tilespmem:s23], [sflag:$0x5], $0x20, s31, s19, $0xb8;
	[tilespmem:$0x1BE00] =	vst v63  }
0x7e: {  	_ =	swait.ge [sflag:s13], $0x2000  }
0x7f: {  	[sflag:s13] =	ssyncset.done $0x0  }
0x80: {  	[sflag:s13] =	ssyncadd.s32 $0xFFFFE000  }
0x81: {  	_ =	swait.ge [sflag:s16], $0x2000  }
0x82: {  	[sflag:s16] =	ssyncset.done $0x0  }
0x83: {  	[sflag:s16] =	ssyncadd.s32 $0xFFFFE000  }
0x84: {  	[spmem:s2] =	stream.indirect.scatter.add.f32 [tilespmem:s25], [sflag:$0x5], $0x20, s0, s19, $0xb8;
	[tilespmem:$0x1BE00] =	vst v63  }
0x85: {  	_ =	swait.ge [sflag:s13], $0x2000  }
0x86: {  	s1 =	sadd.s32 $0x1, s1;
	[sflag:s13] =	ssyncset.done $0x0  }
0x87: {  	p0 =	sne.s32 s1, s11;
	[sflag:s13] =	ssyncadd.s32 $0xFFFFE000  }
.Ltmp1:
0x88: {  	[bflag:$0x0] =	sbarrier.arrive $0xFFFF;
	(pc) =	sbr.rel @p0 .LBB2_1-.Ltmp1, $4  }
0x89: {  	[hbm:s10@s17], [sflag:s6] =	dma.strided [spmem:s12@s16], $0x9E0, s15, $0x4   }
0x8a: {  	_ =	swait.ge [sflag:s13], $0x9E0  }
0x8b: {  	[sflag:s13] =	ssyncset.done $0x0  }
0x8c: {  	[sflag:s13] =	ssyncadd.s32 $0xFFFFF620  }
0x8d: {  	_ =	sfence.sel $0x180000  }
0x8e: {  	[bflag:$0x0] =	sbarrier.arrive $0xFFFF  }
0x8f: {  	_ =	strace $0x90000053  }
0x90: {  	s0 =	stileid.u32;
	[bflag:$0x2] =	sbarrier.arrive $0xFFFF  }
0x91: {  	p0 =	sne.s32 s0, $0x0;
	s0 =	rddreg [dreg:$0x3]  }
0x92: {  	s0 =	sadd.s32 @!p0 $0x100000, s0  }
0x93: {  	[sflag:s0] =	ssyncadd.tile.s32 @!p0 $0x1;
	_ =	shalt  }
.Lfunc_end2:
_tile_overlayer_lowered:
.L_overlay_start_2:
0x94: {  	(tag) =	ssettag $0x2  }
0x95: {  	s0 =	rddreg [dreg:$0x0];
	s2 =	stileid.u32  }
0x96: {  	s1 =	rddreg [dreg:$0x1];
	p0 =	sne.s32 s2, $0x0  }
0x97: {  	s3 =	rddreg [dreg:$0x2];
	[bflag:$0x3] =	sbarrier.arrive $0xFFFF;
	s2 =	simm.s32 @!p0 $0x1C05  }
0x98: {  	[timem:s3], [sflag:s2] =	dma.local @!p0 [hbm:s0], s1  }
0x99: {  	s0 =	simm.s32 @!p0 $0x5  }
0x9a: {  	_ =	swait.ge @!p0 [sflag:s0], s1  }
0x9b: {  	s1 =	ssub.s32 @!p0 $0x0, s1;
	[sflag:s0] =	ssyncset.done @!p0 $0x0  }
0x9c: {  	[sflag:s0] =	ssyncadd.s32 @!p0 s1  }
0x9d: {  	[bflag:$0x3] =	sbarrier.arrive $0xFFFF  }
0x9e: {  	_ =	shalt  }

</sc_bundles>
